<compile_context>
chip_gen: v7x
topology: tpu7x:2x2x1
jax: 0.10.2.dev20260603
libtpu: 0.0.44.dev20260713+nightly
codegen_flags: <defaults>
</compile_context>

<pallas_src>
import functools

import jax
import jax.numpy as jnp
from jax import lax
from jax.experimental import pallas as pl
from jax.experimental.pallas import tpu as pltpu
from jax.experimental.pallas import tpu_sc as plsc

_N = 50000
_K = 32
_NB = 16
_HID = 64
_NSPEC = 10
_CUTOFF = 5.0
_GAMMA = (_NB / _CUTOFF) ** 2

_NC = 2
_NS = 16
_L = 16
_NW = _NC * _NS

_NPAD = 50176
_TOT = _K * _NPAD
_PER_W = _TOT // _NW
_CHUNK = 6272


def _sc_gather(tables, idx_flat):
    mesh = plsc.VectorSubcoreMesh(core_axis_name="c", subcore_axis_name="s")

    @functools.partial(
        pl.kernel,
        out_type=[jax.ShapeDtypeStruct((_TOT,), jnp.float32)] * 3,
        mesh=mesh,
        scratch_types=[
            pltpu.VMEM((_N,), jnp.float32),
            pltpu.VMEM((_CHUNK,), jnp.int32),
            pltpu.VMEM((_CHUNK,), jnp.float32),
        ],
        compiler_params=pltpu.CompilerParams(needs_layout_passes=False),
    )
    def gather_kernel(tab_hbm, idx_hbm, out_x, out_y, out_z, tab_v, idx_v, val_v):
        wid = lax.axis_index("s") * _NC + lax.axis_index("c")
        base = wid * _PER_W
        outs = [out_x, out_y, out_z]
        for comp in range(3):
            pltpu.sync_copy(tab_hbm.at[pl.ds(comp * _N, _N)], tab_v)
            for cb in range(_PER_W // _CHUNK):
                off = base + cb * _CHUNK
                pltpu.sync_copy(idx_hbm.at[pl.ds(off, _CHUNK)], idx_v)

                @pl.loop(0, _CHUNK // _L, unroll=8)
                def _(j):
                    sl = pl.ds(j * _L, _L)
                    val_v[sl] = plsc.load_gather(tab_v, [idx_v[sl]])

                pltpu.sync_copy(val_v, outs[comp].at[pl.ds(off, _CHUNK)])

    return gather_kernel(tables, idx_flat)


def _tc_body(rjx, rjy, rjz, idxt, rx, ry, rz, gm_ref):
    i = pl.program_id(0)
    bn = rjx.shape[1]
    f32 = jnp.float32

    dx = rjx[...] - rx[...]
    dy = rjy[...] - ry[...]
    dz = rjz[...] - rz[...]
    d2 = dx * dx + dy * dy + dz * dz + 1e-12
    d = jnp.sqrt(d2)

    atom = i * bn + lax.broadcasted_iota(jnp.int32, (_K, bn), 1)
    idxv = idxt[...]
    valid = (idxv < _N) & (idxv != atom)
    fc = 0.5 * (jnp.cos(jnp.pi / _CUTOFF * d) + 1.0) * (d < _CUTOFF).astype(f32)
    w = fc * valid.astype(f32)

    mu_sub = (lax.broadcasted_iota(jnp.int32, (_NB, bn), 0).astype(f32)
              * (_CUTOFF / (_NB - 1)))
    inv_d = 1.0 / (d + 1e-9)
    ux = dx * inv_d
    uy = dy * inv_d
    uz = dz * inv_d

    m0 = jnp.zeros((_NB, bn), f32)
    m1x = jnp.zeros((_NB, bn), f32)
    m1y = jnp.zeros((_NB, bn), f32)
    m1z = jnp.zeros((_NB, bn), f32)
    neg_gamma_log2e = -_GAMMA * 1.4426950408889634
    for k in range(_K):
        s = jnp.broadcast_to(d[k:k + 1, :], (_NB, bn))
        t = s - mu_sub
        e = jnp.exp2((t * t) * neg_gamma_log2e)
        e = e * jnp.broadcast_to(w[k:k + 1, :], (_NB, bn))
        m0 = m0 + e
        m1x = m1x + e * jnp.broadcast_to(ux[k:k + 1, :], (_NB, bn))
        m1y = m1y + e * jnp.broadcast_to(uy[k:k + 1, :], (_NB, bn))
        m1z = m1z + e * jnp.broadcast_to(uz[k:k + 1, :], (_NB, bn))
    inv1 = m1x * m1x + m1y * m1y + m1z * m1z
    gm_ref[...] = jnp.concatenate([m0, inv1], axis=0)


def _mlp_body(gm, zt, w1t, b1, w2t, b2_s, scale_s, shift_s, out_ref, acc):
    i = pl.program_id(0)
    nsteps = pl.num_programs(0)
    bn = gm.shape[1]
    f32 = jnp.float32

    h = jnp.dot(w1t[...], gm[...], preferred_element_type=f32) + b1[...]
    h = h * (1.0 / (1.0 + jnp.exp(-h)))
    o = jnp.dot(w2t[...], h, preferred_element_type=f32) + b2_s[0]

    zb = zt[...]
    sc = jnp.zeros((1, bn), f32)
    sh = jnp.zeros((1, bn), f32)
    for s in range(_NSPEC):
        sc = jnp.where(zb == s, scale_s[s], sc)
        sh = jnp.where(zb == s, shift_s[s], sh)
    atomic = o * sc + sh
    atomic = jnp.where(zb > 0, atomic, 0.0)

    @pl.when(i == 0)
    def _():
        acc[...] = atomic

    @pl.when(i > 0)
    def _():
        acc[...] += atomic

    @pl.when(i == nsteps - 1)
    def _():
        out_ref[0, 0] = jnp.sum(acc[...])


def _tc_energy(rjx, rjy, rjz, idxt, rx, ry, rz, zt, w1t, b1, w2t,
               b2, scale, shift, bn=512, bn2=3584):
    edge = lambda i: (0, i)
    const = lambda i: (0, 0)
    gm = pl.pallas_call(
        _tc_body,
        grid=(_NPAD // bn,),
        in_specs=[
            pl.BlockSpec((_K, bn), edge),
            pl.BlockSpec((_K, bn), edge),
            pl.BlockSpec((_K, bn), edge),
            pl.BlockSpec((_K, bn), edge),
            pl.BlockSpec((1, bn), edge),
            pl.BlockSpec((1, bn), edge),
            pl.BlockSpec((1, bn), edge),
        ],
        out_specs=pl.BlockSpec((2 * _NB, bn), edge),
        out_shape=jax.ShapeDtypeStruct((2 * _NB, _NPAD), jnp.float32),
        compiler_params=pltpu.CompilerParams(
            dimension_semantics=("arbitrary",)),
    )(rjx, rjy, rjz, idxt, rx, ry, rz)
    return pl.pallas_call(
        _mlp_body,
        grid=(_NPAD // bn2,),
        in_specs=[
            pl.BlockSpec((2 * _NB, bn2), edge),
            pl.BlockSpec((1, bn2), edge),
            pl.BlockSpec((_HID, 2 * _NB), const),
            pl.BlockSpec((_HID, 1), const),
            pl.BlockSpec((1, _HID), const),
            pl.BlockSpec(memory_space=pltpu.SMEM),
            pl.BlockSpec(memory_space=pltpu.SMEM),
            pl.BlockSpec(memory_space=pltpu.SMEM),
        ],
        out_specs=pl.BlockSpec(memory_space=pltpu.SMEM),
        out_shape=jax.ShapeDtypeStruct((1, 1), jnp.float32),
        scratch_shapes=[pltpu.VMEM((1, bn2), jnp.float32)],
        compiler_params=pltpu.CompilerParams(
            dimension_semantics=("arbitrary",)),
    )(gm, zt, w1t, b1, w2t, b2, scale, shift)


def kernel(R, Z, neighbor_idx, box, W1, b1, W2, b2, scale, shift):
    del box
    pad = _NPAD - _N
    tables = R.T.reshape(-1)
    idxt = jnp.pad(neighbor_idx, ((0, pad), (0, 0))).T
    gx, gy, gz = _sc_gather(tables, idxt.reshape(-1))
    rjx = gx.reshape(_K, _NPAD)
    rjy = gy.reshape(_K, _NPAD)
    rjz = gz.reshape(_K, _NPAD)
    rpt = jnp.pad(R, ((0, pad), (0, 0))).T
    zt = jnp.pad(Z, (0, pad)).reshape(1, _NPAD)
    out = _tc_energy(
        rjx, rjy, rjz, idxt,
        rpt[0:1], rpt[1:2], rpt[2:3], zt,
        W1.T, b1.reshape(_HID, 1), W2.T,
        b2, scale, shift)
    return jnp.sum(out, dtype=jnp.float64)

# --- scband reference (transcript-rebuilt; emitter-appended) ---
"""Pipeline reference for scband-energy-model-56831007260971 (READ-ONLY COPY).

The authoritative reference and input builder live on the scoring server;
editing this copy changes nothing except your own understanding.
"""

import jax, jax.numpy as jnp
import numpy as np

N = 50000
K = 32
N_BASIS = 16
N_SPECIES = 10
HIDDEN = 64
CUTOFF = 5.0
BOX_L = 30.0


def setup_inputs(seed: int = 0) -> dict:
    key = jax.random.key(seed)
    ks = jax.random.split(key, 8)
    R = jax.random.uniform(ks[0], (N, 3), dtype=jnp.float32) * BOX_L
    Z = jax.random.randint(ks[1], (N,), 0, N_SPECIES, dtype=jnp.int32)
    neighbor_idx = jax.random.randint(ks[2], (N, K), 0, N, dtype=jnp.int32)
    box = jnp.ones((3,), dtype=jnp.float32) * BOX_L
    W1 = jax.random.normal(ks[3], (2 * N_BASIS, HIDDEN), dtype=jnp.float32) * 0.1
    b1 = jnp.zeros((HIDDEN,), dtype=jnp.float32)
    W2 = jax.random.normal(ks[4], (HIDDEN, 1), dtype=jnp.float32) * 0.1
    b2 = jnp.zeros((1,), dtype=jnp.float32)
    scale = jnp.ones((N_SPECIES,), dtype=jnp.float32)
    shift = jnp.zeros((N_SPECIES,), dtype=jnp.float32)
    return {"R": R, "Z": Z, "neighbor_idx": neighbor_idx, "box": box,
            "W1": W1, "b1": b1, "W2": W2, "b2": b2,
            "scale": scale, "shift": shift}


def _descriptor(R, Z, neighbor_idx):
    n = R.shape[0]
    Rj = R[neighbor_idx]                       # gather: [N, K, 3]
    dR = Rj - R[:, None, :]                    # [N, K, 3]
    d2 = jnp.sum(dR * dR, axis=-1) + 1e-12
    d = jnp.sqrt(d2)                           # [N, K]
    valid = (neighbor_idx < n) & (neighbor_idx != jnp.arange(n, dtype=neighbor_idx.dtype)[:, None])
    fc = 0.5 * (jnp.cos(jnp.pi * d / CUTOFF) + 1.0) * (d < CUTOFF)
    mu = jnp.linspace(0.0, CUTOFF, N_BASIS, dtype=jnp.float32)
    gamma = jnp.float32((N_BASIS / CUTOFF) ** 2)
    basis = jnp.exp(-gamma * (d[..., None] - mu) ** 2)            # [N, K, B]
    basis = basis * fc[..., None] * valid[..., None].astype(basis.dtype)
    moment0 = jnp.sum(basis, axis=1)                              # [N, B]
    unit = dR / (d[..., None] + 1e-9)                             # [N, K, 3]
    moment1 = jnp.sum(basis[..., None] * unit[:, :, None, :], axis=1)  # [N, B, 3]
    inv1 = jnp.sum(moment1 * moment1, axis=-1)                    # [N, B]
    gm = jnp.concatenate([moment0, inv1], axis=-1)                # [N, 2B]
    return gm


def reference(R, Z, neighbor_idx, box, W1, b1, W2, b2, scale, shift):
    # AtomisticModel: descriptor -> vmapped readout -> per-element scale/shift -> atom mask
    gm = _descriptor(R, Z, neighbor_idx)
    h = jax.nn.silu(gm @ W1 + b1) @ W2 + b2                       # [N, 1]
    atomic = h[:, 0] * scale[Z] + shift[Z]                        # per-element scale/shift via gather
    atomic = jnp.where(Z > 0, atomic, 0.0)                        # mask_by_atom (Z==0 is padding)
    # EnergyModel: fp64_sum of atomic energies
    total_energy = jnp.sum(atomic, dtype=jnp.float64)
    return total_energy

if __name__ == "__main__":
    import jax
    _d = setup_inputs()
    print(jax.jit(kernel)(*tuple(_d.values())))

</pallas_src>

<mosaic_0001>
#map = affine_map<(d0, d1) -> (0)>
module attributes {stable_mosaic.version = 14 : i64} {
  func.func @gather_kernel(%arg0: i32, %arg1: i32, %arg2: memref<150000xf32, #tpu.memory_space<hbm>>, %arg3: memref<1605632xi32, #tpu.memory_space<hbm>>, %arg4: memref<1605632xf32, #tpu.memory_space<hbm>>, %arg5: memref<1605632xf32, #tpu.memory_space<hbm>>, %arg6: memref<1605632xf32, #tpu.memory_space<hbm>>, %arg7: memref<50000xf32, #tpu.memory_space<vmem>>, %arg8: memref<6272xi32, #tpu.memory_space<vmem>>, %arg9: memref<6272xf32, #tpu.memory_space<vmem>>) attributes {dimension_semantics = [#tpu.dimension_semantics<core_parallel>, #tpu.dimension_semantics<subcore_parallel>], iteration_bounds = array<i64: 2, 16>, scalar_prefetch = 0 : i64, scratch_operands = 3 : i64, tpu.core_type = #tpu.core_type<sc_vector_subcore>, window_params = [{transform_indices = #map}, {transform_indices = #map}, {transform_indices = #map}, {transform_indices = #map}, {transform_indices = #map}]} {
    %mul3A = arith.constant 2 : i32
    %mul3A_0 = arith.muli %arg1, %mul3A : i32
    %add3A = arith.addi %mul3A_0, %arg0 : i32
    %mul3A_1 = arith.constant 50176 : i32
    %mul3A_2 = arith.muli %add3A, %mul3A_1 : i32
    "tpu.region"() ({
      %run_scoped3A = tpu.sem_alloc : memref<!tpu.dma_semaphore, #tpu.memory_space<semaphore_mem>>
      %dma_start3A = arith.constant 0 : i32
      %dma_start3A_170 = tpu.memref_slice %arg2[%dma_start3A] : memref<150000xf32, #tpu.memory_space<hbm>> -> memref<50000xf32, #tpu.memory_space<hbm>>
      %dma_start3A_171 = arith.constant 0 : i32
      %dma_start3A_172 = tpu.memref_slice %arg2[%dma_start3A_171] : memref<150000xf32, #tpu.memory_space<hbm>> -> memref<50000xf32, #tpu.memory_space<hbm>>
      tpu.enqueue_dma source(%dma_start3A_172 : memref<50000xf32, #tpu.memory_space<hbm>>) target(%arg7 : memref<50000xf32, #tpu.memory_space<vmem>>) target_semaphore(%run_scoped3A : memref<!tpu.dma_semaphore, #tpu.memory_space<semaphore_mem>>)
      %dma_wait3A = arith.constant 0 : i32
      %dma_wait3A_173 = tpu.memref_slice %arg2[%dma_wait3A] : memref<150000xf32, #tpu.memory_space<hbm>> -> memref<50000xf32, #tpu.memory_space<hbm>>
      %dma_wait3A_174 = arith.constant 0 : i32
      %dma_wait3A_175 = tpu.memref_slice %arg2[%dma_wait3A_174] : memref<150000xf32, #tpu.memory_space<hbm>> -> memref<50000xf32, #tpu.memory_space<hbm>>
      tpu.wait_dma2 semaphore(%run_scoped3A : memref<!tpu.dma_semaphore, #tpu.memory_space<semaphore_mem>>) src(%dma_wait3A_175 : memref<50000xf32, #tpu.memory_space<hbm>>) dst(%arg7 : memref<50000xf32, #tpu.memory_space<vmem>>)
      tpu.yield
    }) : () -> ()
    %add3A_3 = arith.constant 0 : i32
    %add3A_4 = arith.addi %mul3A_2, %add3A_3 : i32
    "tpu.region"() ({
      %run_scoped3A = tpu.sem_alloc : memref<!tpu.dma_semaphore, #tpu.memory_space<semaphore_mem>>
      %dma_start3A = tpu.memref_slice %arg3[%add3A_4] : memref<1605632xi32, #tpu.memory_space<hbm>> -> memref<6272xi32, #tpu.memory_space<hbm>>
      %dma_start3A_170 = tpu.memref_slice %arg3[%add3A_4] : memref<1605632xi32, #tpu.memory_space<hbm>> -> memref<6272xi32, #tpu.memory_space<hbm>>
      tpu.enqueue_dma source(%dma_start3A_170 : memref<6272xi32, #tpu.memory_space<hbm>>) target(%arg8 : memref<6272xi32, #tpu.memory_space<vmem>>) target_semaphore(%run_scoped3A : memref<!tpu.dma_semaphore, #tpu.memory_space<semaphore_mem>>)
      %dma_wait3A = tpu.memref_slice %arg3[%add3A_4] : memref<1605632xi32, #tpu.memory_space<hbm>> -> memref<6272xi32, #tpu.memory_space<hbm>>
      %dma_wait3A_171 = tpu.memref_slice %arg3[%add3A_4] : memref<1605632xi32, #tpu.memory_space<hbm>> -> memref<6272xi32, #tpu.memory_space<hbm>>
      tpu.wait_dma2 semaphore(%run_scoped3A : memref<!tpu.dma_semaphore, #tpu.memory_space<semaphore_mem>>) src(%dma_wait3A_171 : memref<6272xi32, #tpu.memory_space<hbm>>) dst(%arg8 : memref<6272xi32, #tpu.memory_space<vmem>>)
      tpu.yield
    }) : () -> ()
    %scan3A = arith.constant 0 : i32
    %scan3A_5 = arith.constant 392 : i32
    %scan3A_6 = arith.addi %scan3A, %scan3A_5 : i32
    %scan3A_7 = arith.constant 8 : i32
    scf.for %scan3A_170 = %scan3A to %scan3A_6 step %scan3A_7  : i32 {
      %mul3A_171 = arith.constant 1 : i32
      %mul3A_172 = arith.muli %scan3A_170, %mul3A_171 : i32
      %add3A_173 = arith.constant 0 : i32
      %add3A_174 = arith.addi %add3A_173, %mul3A_172 : i32
      %mul3A_175 = arith.constant 16 : i32
      %mul3A_176 = arith.muli %add3A_174, %mul3A_175 : i32
      %get3A = arith.index_cast %mul3A_176 : i32 to index
      %get3A_177 = tpu.vector_load %arg8[%get3A] {strides = array<i32>} : memref<6272xi32, #tpu.memory_space<vmem>>, vector<16xi32>,
      %gather3A = tpu.vector_load_idx %arg7[%get3A_177] : memref<50000xf32, #tpu.memory_space<vmem>>[vector<16xi32>], vector<16xf32>,
      %swap3A = arith.index_cast %mul3A_176 : i32 to index
      %swap3A_178 = tpu.vector_load %arg9[%swap3A] {strides = array<i32>} : memref<6272xf32, #tpu.memory_space<vmem>>, vector<16xf32>,
      tpu.vector_store %arg9[%swap3A], %gather3A {strides = array<i32>} : memref<6272xf32, #tpu.memory_space<vmem>>, vector<16xf32>,
      %scan3A_179 = arith.constant 1 : i32
      %scan3A_180 = arith.addi %scan3A_170, %scan3A_179 : i32
      %mul3A_181 = arith.constant 1 : i32
      %mul3A_182 = arith.muli %scan3A_180, %mul3A_181 : i32
      %add3A_183 = arith.constant 0 : i32
      %add3A_184 = arith.addi %add3A_183, %mul3A_182 : i32
      %mul3A_185 = arith.constant 16 : i32
      %mul3A_186 = arith.muli %add3A_184, %mul3A_185 : i32
      %get3A_187 = arith.index_cast %mul3A_186 : i32 to index
      %get3A_188 = tpu.vector_load %arg8[%get3A_187] {strides = array<i32>} : memref<6272xi32, #tpu.memory_space<vmem>>, vector<16xi32>,
      %gather3A_189 = tpu.vector_load_idx %arg7[%get3A_188] : memref<50000xf32, #tpu.memory_space<vmem>>[vector<16xi32>], vector<16xf32>,
      %swap3A_190 = arith.index_cast %mul3A_186 : i32 to index
      %swap3A_191 = tpu.vector_load %arg9[%swap3A_190] {strides = array<i32>} : memref<6272xf32, #tpu.memory_space<vmem>>, vector<16xf32>,
      tpu.vector_store %arg9[%swap3A_190], %gather3A_189 {strides = array<i32>} : memref<6272xf32, #tpu.memory_space<vmem>>, vector<16xf32>,
      %scan3A_192 = arith.constant 2 : i32
      %scan3A_193 = arith.addi %scan3A_170, %scan3A_192 : i32
      %mul3A_194 = arith.constant 1 : i32
      %mul3A_195 = arith.muli %scan3A_193, %mul3A_194 : i32
      %add3A_196 = arith.constant 0 : i32
      %add3A_197 = arith.addi %add3A_196, %mul3A_195 : i32
      %mul3A_198 = arith.constant 16 : i32
      %mul3A_199 = arith.muli %add3A_197, %mul3A_198 : i32
      %get3A_200 = arith.index_cast %mul3A_199 : i32 to index
      %get3A_201 = tpu.vector_load %arg8[%get3A_200] {strides = array<i32>} : memref<6272xi32, #tpu.memory_space<vmem>>, vector<16xi32>,
      %gather3A_202 = tpu.vector_load_idx %arg7[%get3A_201] : memref<50000xf32, #tpu.memory_space<vmem>>[vector<16xi32>], vector<16xf32>,
      %swap3A_203 = arith.index_cast %mul3A_199 : i32 to index
      %swap3A_204 = tpu.vector_load %arg9[%swap3A_203] {strides = array<i32>} : memref<6272xf32, #tpu.memory_space<vmem>>, vector<16xf32>,
      tpu.vector_store %arg9[%swap3A_203], %gather3A_202 {strides = array<i32>} : memref<6272xf32, #tpu.memory_space<vmem>>, vector<16xf32>,
      %scan3A_205 = arith.constant 3 : i32
      %scan3A_206 = arith.addi %scan3A_170, %scan3A_205 : i32
      %mul3A_207 = arith.constant 1 : i32
      %mul3A_208 = arith.muli %scan3A_206, %mul3A_207 : i32
      %add3A_209 = arith.constant 0 : i32
      %add3A_210 = arith.addi %add3A_209, %mul3A_208 : i32
      %mul3A_211 = arith.constant 16 : i32
      %mul3A_212 = arith.muli %add3A_210, %mul3A_211 : i32
      %get3A_213 = arith.index_cast %mul3A_212 : i32 to index
      %get3A_214 = tpu.vector_load %arg8[%get3A_213] {strides = array<i32>} : memref<6272xi32, #tpu.memory_space<vmem>>, vector<16xi32>,
      %gather3A_215 = tpu.vector_load_idx %arg7[%get3A_214] : memref<50000xf32, #tpu.memory_space<vmem>>[vector<16xi32>], vector<16xf32>,
      %swap3A_216 = arith.index_cast %mul3A_212 : i32 to index
      %swap3A_217 = tpu.vector_load %arg9[%swap3A_216] {strides = array<i32>} : memref<6272xf32, #tpu.memory_space<vmem>>, vector<16xf32>,
      tpu.vector_store %arg9[%swap3A_216], %gather3A_215 {strides = array<i32>} : memref<6272xf32, #tpu.memory_space<vmem>>, vector<16xf32>,
      %scan3A_218 = arith.constant 4 : i32
      %scan3A_219 = arith.addi %scan3A_170, %scan3A_218 : i32
      %mul3A_220 = arith.constant 1 : i32
      %mul3A_221 = arith.muli %scan3A_219, %mul3A_220 : i32
      %add3A_222 = arith.constant 0 : i32
      %add3A_223 = arith.addi %add3A_222, %mul3A_221 : i32
      %mul3A_224 = arith.constant 16 : i32
      %mul3A_225 = arith.muli %add3A_223, %mul3A_224 : i32
      %get3A_226 = arith.index_cast %mul3A_225 : i32 to index
      %get3A_227 = tpu.vector_load %arg8[%get3A_226] {strides = array<i32>} : memref<6272xi32, #tpu.memory_space<vmem>>, vector<16xi32>,
      %gather3A_228 = tpu.vector_load_idx %arg7[%get3A_227] : memref<50000xf32, #tpu.memory_space<vmem>>[vector<16xi32>], vector<16xf32>,
      %swap3A_229 = arith.index_cast %mul3A_225 : i32 to index
      %swap3A_230 = tpu.vector_load %arg9[%swap3A_229] {strides = array<i32>} : memref<6272xf32, #tpu.memory_space<vmem>>, vector<16xf32>,
      tpu.vector_store %arg9[%swap3A_229], %gather3A_228 {strides = array<i32>} : memref<6272xf32, #tpu.memory_space<vmem>>, vector<16xf32>,
      %scan3A_231 = arith.constant 5 : i32
      %scan3A_232 = arith.addi %scan3A_170, %scan3A_231 : i32
      %mul3A_233 = arith.constant 1 : i32
      %mul3A_234 = arith.muli %scan3A_232, %mul3A_233 : i32
      %add3A_235 = arith.constant 0 : i32
      %add3A_236 = arith.addi %add3A_235, %mul3A_234 : i32
      %mul3A_237 = arith.constant 16 : i32
      %mul3A_238 = arith.muli %add3A_236, %mul3A_237 : i32
      %get3A_239 = arith.index_cast %mul3A_238 : i32 to index
      %get3A_240 = tpu.vector_load %arg8[%get3A_239] {strides = array<i32>} : memref<6272xi32, #tpu.memory_space<vmem>>, vector<16xi32>,
      %gather3A_241 = tpu.vector_load_idx %arg7[%get3A_240] : memref<50000xf32, #tpu.memory_space<vmem>>[vector<16xi32>], vector<16xf32>,
      %swap3A_242 = arith.index_cast %mul3A_238 : i32 to index
      %swap3A_243 = tpu.vector_load %arg9[%swap3A_242] {strides = array<i32>} : memref<6272xf32, #tpu.memory_space<vmem>>, vector<16xf32>,
      tpu.vector_store %arg9[%swap3A_242], %gather3A_241 {strides = array<i32>} : memref<6272xf32, #tpu.memory_space<vmem>>, vector<16xf32>,
      %scan3A_244 = arith.constant 6 : i32
      %scan3A_245 = arith.addi %scan3A_170, %scan3A_244 : i32
      %mul3A_246 = arith.constant 1 : i32
      %mul3A_247 = arith.muli %scan3A_245, %mul3A_246 : i32
      %add3A_248 = arith.constant 0 : i32
      %add3A_249 = arith.addi %add3A_248, %mul3A_247 : i32
      %mul3A_250 = arith.constant 16 : i32
      %mul3A_251 = arith.muli %add3A_249, %mul3A_250 : i32
      %get3A_252 = arith.index_cast %mul3A_251 : i32 to index
      %get3A_253 = tpu.vector_load %arg8[%get3A_252] {strides = array<i32>} : memref<6272xi32, #tpu.memory_space<vmem>>, vector<16xi32>,
      %gather3A_254 = tpu.vector_load_idx %arg7[%get3A_253] : memref<50000xf32, #tpu.memory_space<vmem>>[vector<16xi32>], vector<16xf32>,
      %swap3A_255 = arith.index_cast %mul3A_251 : i32 to index
      %swap3A_256 = tpu.vector_load %arg9[%swap3A_255] {strides = array<i32>} : memref<6272xf32, #tpu.memory_space<vmem>>, vector<16xf32>,
      tpu.vector_store %arg9[%swap3A_255], %gather3A_254 {strides = array<i32>} : memref<6272xf32, #tpu.memory_space<vmem>>, vector<16xf32>,
      %scan3A_257 = arith.constant 7 : i32
      %scan3A_258 = arith.addi %scan3A_170, %scan3A_257 : i32
      %mul3A_259 = arith.constant 1 : i32
      %mul3A_260 = arith.muli %scan3A_258, %mul3A_259 : i32
      %add3A_261 = arith.constant 0 : i32
      %add3A_262 = arith.addi %add3A_261, %mul3A_260 : i32
      %mul3A_263 = arith.constant 16 : i32
      %mul3A_264 = arith.muli %add3A_262, %mul3A_263 : i32
      %get3A_265 = arith.index_cast %mul3A_264 : i32 to index
      %get3A_266 = tpu.vector_load %arg8[%get3A_265] {strides = array<i32>} : memref<6272xi32, #tpu.memory_space<vmem>>, vector<16xi32>,
      %gather3A_267 = tpu.vector_load_idx %arg7[%get3A_266] : memref<50000xf32, #tpu.memory_space<vmem>>[vector<16xi32>], vector<16xf32>,
      %swap3A_268 = arith.index_cast %mul3A_264 : i32 to index
      %swap3A_269 = tpu.vector_load %arg9[%swap3A_268] {strides = array<i32>} : memref<6272xf32, #tpu.memory_space<vmem>>, vector<16xf32>,
      tpu.vector_store %arg9[%swap3A_268], %gather3A_267 {strides = array<i32>} : memref<6272xf32, #tpu.memory_space<vmem>>, vector<16xf32>,
    }
    %scan3A_8 = arith.constant 392 : i32
    "tpu.region"() ({
      %run_scoped3A = tpu.sem_alloc : memref<!tpu.dma_semaphore, #tpu.memory_space<semaphore_mem>>
      %dma_start3A = tpu.memref_slice %arg4[%add3A_4] : memref<1605632xf32, #tpu.memory_space<hbm>> -> memref<6272xf32, #tpu.memory_space<hbm>>
      %dma_start3A_170 = tpu.memref_slice %arg4[%add3A_4] : memref<1605632xf32, #tpu.memory_space<hbm>> -> memref<6272xf32, #tpu.memory_space<hbm>>
      tpu.enqueue_dma source(%arg9 : memref<6272xf32, #tpu.memory_space<vmem>>) target(%dma_start3A_170 : memref<6272xf32, #tpu.memory_space<hbm>>) target_semaphore(%run_scoped3A : memref<!tpu.dma_semaphore, #tpu.memory_space<semaphore_mem>>)
      %dma_wait3A = tpu.memref_slice %arg4[%add3A_4] : memref<1605632xf32, #tpu.memory_space<hbm>> -> memref<6272xf32, #tpu.memory_space<hbm>>
      %dma_wait3A_171 = tpu.memref_slice %arg4[%add3A_4] : memref<1605632xf32, #tpu.memory_space<hbm>> -> memref<6272xf32, #tpu.memory_space<hbm>>
      tpu.wait_dma2 semaphore(%run_scoped3A : memref<!tpu.dma_semaphore, #tpu.memory_space<semaphore_mem>>) src(%arg9 : memref<6272xf32, #tpu.memory_space<vmem>>) dst(%dma_wait3A_171 : memref<6272xf32, #tpu.memory_space<hbm>>)
      tpu.yield
    }) : () -> ()
    %add3A_9 = arith.constant 6272 : i32
    %add3A_10 = arith.addi %mul3A_2, %add3A_9 : i32
    "tpu.region"() ({
      %run_scoped3A = tpu.sem_alloc : memref<!tpu.dma_semaphore, #tpu.memory_space<semaphore_mem>>
      %dma_start3A = tpu.memref_slice %arg3[%add3A_10] : memref<1605632xi32, #tpu.memory_space<hbm>> -> memref<6272xi32, #tpu.memory_space<hbm>>
      %dma_start3A_170 = tpu.memref_slice %arg3[%add3A_10] : memref<1605632xi32, #tpu.memory_space<hbm>> -> memref<6272xi32, #tpu.memory_space<hbm>>
      tpu.enqueue_dma source(%dma_start3A_170 : memref<6272xi32, #tpu.memory_space<hbm>>) target(%arg8 : memref<6272xi32, #tpu.memory_space<vmem>>) target_semaphore(%run_scoped3A : memref<!tpu.dma_semaphore, #tpu.memory_space<semaphore_mem>>)
      %dma_wait3A = tpu.memref_slice %arg3[%add3A_10] : memref<1605632xi32, #tpu.memory_space<hbm>> -> memref<6272xi32, #tpu.memory_space<hbm>>
      %dma_wait3A_171 = tpu.memref_slice %arg3[%add3A_10] : memref<1605632xi32, #tpu.memory_space<hbm>> -> memref<6272xi32, #tpu.memory_space<hbm>>
      tpu.wait_dma2 semaphore(%run_scoped3A : memref<!tpu.dma_semaphore, #tpu.memory_space<semaphore_mem>>) src(%dma_wait3A_171 : memref<6272xi32, #tpu.memory_space<hbm>>) dst(%arg8 : memref<6272xi32, #tpu.memory_space<vmem>>)
      tpu.yield
    }) : () -> ()
    %scan3A_11 = arith.constant 0 : i32
    %scan3A_12 = arith.constant 392 : i32
    %scan3A_13 = arith.addi %scan3A_11, %scan3A_12 : i32
    %scan3A_14 = arith.constant 8 : i32
    scf.for %scan3A_170 = %scan3A_11 to %scan3A_13 step %scan3A_14  : i32 {
      %mul3A_171 = arith.constant 1 : i32
      %mul3A_172 = arith.muli %scan3A_170, %mul3A_171 : i32
      %add3A_173 = arith.constant 0 : i32
      %add3A_174 = arith.addi %add3A_173, %mul3A_172 : i32
      %mul3A_175 = arith.constant 16 : i32
      %mul3A_176 = arith.muli %add3A_174, %mul3A_175 : i32
      %get3A = arith.index_cast %mul3A_176 : i32 to index
      %get3A_177 = tpu.vector_load %arg8[%get3A] {strides = array<i32>} : memref<6272xi32, #tpu.memory_space<vmem>>, vector<16xi32>,
      %gather3A = tpu.vector_load_idx %arg7[%get3A_177] : memref<50000xf32, #tpu.memory_space<vmem>>[vector<16xi32>], vector<16xf32>,
      %swap3A = arith.index_cast %mul3A_176 : i32 to index
      %swap3A_178 = tpu.vector_load %arg9[%swap3A] {strides = array<i32>} : memref<6272xf32, #tpu.memory_space<vmem>>, vector<16xf32>,
      tpu.vector_store %arg9[%swap3A], %gather3A {strides = array<i32>} : memref<6272xf32, #tpu.memory_space<vmem>>, vector<16xf32>,
      %scan3A_179 = arith.constant 1 : i32
      %scan3A_180 = arith.addi %scan3A_170, %scan3A_179 : i32
      %mul3A_181 = arith.constant 1 : i32
      %mul3A_182 = arith.muli %scan3A_180, %mul3A_181 : i32
      %add3A_183 = arith.constant 0 : i32
      %add3A_184 = arith.addi %add3A_183, %mul3A_182 : i32
      %mul3A_185 = arith.constant 16 : i32
      %mul3A_186 = arith.muli %add3A_184, %mul3A_185 : i32
      %get3A_187 = arith.index_cast %mul3A_186 : i32 to index
      %get3A_188 = tpu.vector_load %arg8[%get3A_187] {strides = array<i32>} : memref<6272xi32, #tpu.memory_space<vmem>>, vector<16xi32>,
      %gather3A_189 = tpu.vector_load_idx %arg7[%get3A_188] : memref<50000xf32, #tpu.memory_space<vmem>>[vector<16xi32>], vector<16xf32>,
      %swap3A_190 = arith.index_cast %mul3A_186 : i32 to index
      %swap3A_191 = tpu.vector_load %arg9[%swap3A_190] {strides = array<i32>} : memref<6272xf32, #tpu.memory_space<vmem>>, vector<16xf32>,
      tpu.vector_store %arg9[%swap3A_190], %gather3A_189 {strides = array<i32>} : memref<6272xf32, #tpu.memory_space<vmem>>, vector<16xf32>,
      %scan3A_192 = arith.constant 2 : i32
      %scan3A_193 = arith.addi %scan3A_170, %scan3A_192 : i32
      %mul3A_194 = arith.constant 1 : i32
      %mul3A_195 = arith.muli %scan3A_193, %mul3A_194 : i32
      %add3A_196 = arith.constant 0 : i32
      %add3A_197 = arith.addi %add3A_196, %mul3A_195 : i32
      %mul3A_198 = arith.constant 16 : i32
      %mul3A_199 = arith.muli %add3A_197, %mul3A_198 : i32
      %get3A_200 = arith.index_cast %mul3A_199 : i32 to index
      %get3A_201 = tpu.vector_load %arg8[%get3A_200] {strides = array<i32>} : memref<6272xi32, #tpu.memory_space<vmem>>, vector<16xi32>,
      %gather3A_202 = tpu.vector_load_idx %arg7[%get3A_201] : memref<50000xf32, #tpu.memory_space<vmem>>[vector<16xi32>], vector<16xf32>,
      %swap3A_203 = arith.index_cast %mul3A_199 : i32 to index
      %swap3A_204 = tpu.vector_load %arg9[%swap3A_203] {strides = array<i32>} : memref<6272xf32, #tpu.memory_space<vmem>>, vector<16xf32>,
      tpu.vector_store %arg9[%swap3A_203], %gather3A_202 {strides = array<i32>} : memref<6272xf32, #tpu.memory_space<vmem>>, vector<16xf32>,
      %scan3A_205 = arith.constant 3 : i32
      %scan3A_206 = arith.addi %scan3A_170, %scan3A_205 : i32
      %mul3A_207 = arith.constant 1 : i32
      %mul3A_208 = arith.muli %scan3A_206, %mul3A_207 : i32
      %add3A_209 = arith.constant 0 : i32
      %add3A_210 = arith.addi %add3A_209, %mul3A_208 : i32
      %mul3A_211 = arith.constant 16 : i32
      %mul3A_212 = arith.muli %add3A_210, %mul3A_211 : i32
      %get3A_213 = arith.index_cast %mul3A_212 : i32 to index
      %get3A_214 = tpu.vector_load %arg8[%get3A_213] {strides = array<i32>} : memref<6272xi32, #tpu.memory_space<vmem>>, vector<16xi32>,
      %gather3A_215 = tpu.vector_load_idx %arg7[%get3A_214] : memref<50000xf32, #tpu.memory_space<vmem>>[vector<16xi32>], vector<16xf32>,
      %swap3A_216 = arith.index_cast %mul3A_212 : i32 to index
      %swap3A_217 = tpu.vector_load %arg9[%swap3A_216] {strides = array<i32>} : memref<6272xf32, #tpu.memory_space<vmem>>, vector<16xf32>,
      tpu.vector_store %arg9[%swap3A_216], %gather3A_215 {strides = array<i32>} : memref<6272xf32, #tpu.memory_space<vmem>>, vector<16xf32>,
      %scan3A_218 = arith.constant 4 : i32
      %scan3A_219 = arith.addi %scan3A_170, %scan3A_218 : i32
      %mul3A_220 = arith.constant 1 : i32
      %mul3A_221 = arith.muli %scan3A_219, %mul3A_220 : i32
      %add3A_222 = arith.constant 0 : i32
      %add3A_223 = arith.addi %add3A_222, %mul3A_221 : i32
      %mul3A_224 = arith.constant 16 : i32
      %mul3A_225 = arith.muli %add3A_223, %mul3A_224 : i32
      %get3A_226 = arith.index_cast %mul3A_225 : i32 to index
      %get3A_227 = tpu.vector_load %arg8[%get3A_226] {strides = array<i32>} : memref<6272xi32, #tpu.memory_space<vmem>>, vector<16xi32>,
      %gather3A_228 = tpu.vector_load_idx %arg7[%get3A_227] : memref<50000xf32, #tpu.memory_space<vmem>>[vector<16xi32>], vector<16xf32>,
      %swap3A_229 = arith.index_cast %mul3A_225 : i32 to index
      %swap3A_230 = tpu.vector_load %arg9[%swap3A_229] {strides = array<i32>} : memref<6272xf32, #tpu.memory_space<vmem>>, vector<16xf32>,
      tpu.vector_store %arg9[%swap3A_229], %gather3A_228 {strides = array<i32>} : memref<6272xf32, #tpu.memory_space<vmem>>, vector<16xf32>,
      %scan3A_231 = arith.constant 5 : i32
      %scan3A_232 = arith.addi %scan3A_170, %scan3A_231 : i32
      %mul3A_233 = arith.constant 1 : i32
      %mul3A_234 = arith.muli %scan3A_232, %mul3A_233 : i32
      %add3A_235 = arith.constant 0 : i32
      %add3A_236 = arith.addi %add3A_235, %mul3A_234 : i32
      %mul3A_237 = arith.constant 16 : i32
      %mul3A_238 = arith.muli %add3A_236, %mul3A_237 : i32
      %get3A_239 = arith.index_cast %mul3A_238 : i32 to index
      %get3A_240 = tpu.vector_load %arg8[%get3A_239] {strides = array<i32>} : memref<6272xi32, #tpu.memory_space<vmem>>, vector<16xi32>,
      %gather3A_241 = tpu.vector_load_idx %arg7[%get3A_240] : memref<50000xf32, #tpu.memory_space<vmem>>[vector<16xi32>], vector<16xf32>,
      %swap3A_242 = arith.index_cast %mul3A_238 : i32 to index
      %swap3A_243 = tpu.vector_load %arg9[%swap3A_242] {strides = array<i32>} : memref<6272xf32, #tpu.memory_space<vmem>>, vector<16xf32>,
      tpu.vector_store %arg9[%swap3A_242], %gather3A_241 {strides = array<i32>} : memref<6272xf32, #tpu.memory_space<vmem>>, vector<16xf32>,
      %scan3A_244 = arith.constant 6 : i32
      %scan3A_245 = arith.addi %scan3A_170, %scan3A_244 : i32
      %mul3A_246 = arith.constant 1 : i32
      %mul3A_247 = arith.muli %scan3A_245, %mul3A_246 : i32
      %add3A_248 = arith.constant 0 : i32
      %add3A_249 = arith.addi %add3A_248, %mul3A_247 : i32
      %mul3A_250 = arith.constant 16 : i32
      %mul3A_251 = arith.muli %add3A_249, %mul3A_250 : i32
      %get3A_252 = arith.index_cast %mul3A_251 : i32 to index
      %get3A_253 = tpu.vector_load %arg8[%get3A_252] {strides = array<i32>} : memref<6272xi32, #tpu.memory_space<vmem>>, vector<16xi32>,
      %gather3A_254 = tpu.vector_load_idx %arg7[%get3A_253] : memref<50000xf32, #tpu.memory_space<vmem>>[vector<16xi32>], vector<16xf32>,
      %swap3A_255 = arith.index_cast %mul3A_251 : i32 to index
      %swap3A_256 = tpu.vector_load %arg9[%swap3A_255] {strides = array<i32>} : memref<6272xf32, #tpu.memory_space<vmem>>, vector<16xf32>,
      tpu.vector_store %arg9[%swap3A_255], %gather3A_254 {strides = array<i32>} : memref<6272xf32, #tpu.memory_space<vmem>>, vector<16xf32>,
      %scan3A_257 = arith.constant 7 : i32
      %scan3A_258 = arith.addi %scan3A_170, %scan3A_257 : i32
      %mul3A_259 = arith.constant 1 : i32
      %mul3A_260 = arith.muli %scan3A_258, %mul3A_259 : i32
      %add3A_261 = arith.constant 0 : i32
      %add3A_262 = arith.addi %add3A_261, %mul3A_260 : i32
      %mul3A_263 = arith.constant 16 : i32
      %mul3A_264 = arith.muli %add3A_262, %mul3A_263 : i32
      %get3A_265 = arith.index_cast %mul3A_264 : i32 to index
      %get3A_266 = tpu.vector_load %arg8[%get3A_265] {strides = array<i32>} : memref<6272xi32, #tpu.memory_space<vmem>>, vector<16xi32>,
      %gather3A_267 = tpu.vector_load_idx %arg7[%get3A_266] : memref<50000xf32, #tpu.memory_space<vmem>>[vector<16xi32>], vector<16xf32>,
      %swap3A_268 = arith.index_cast %mul3A_264 : i32 to index
      %swap3A_269 = tpu.vector_load %arg9[%swap3A_268] {strides = array<i32>} : memref<6272xf32, #tpu.memory_space<vmem>>, vector<16xf32>,
      tpu.vector_store %arg9[%swap3A_268], %gather3A_267 {strides = array<i32>} : memref<6272xf32, #tpu.memory_space<vmem>>, vector<16xf32>,
    }
    %scan3A_15 = arith.constant 392 : i32
    "tpu.region"() ({
      %run_scoped3A = tpu.sem_alloc : memref<!tpu.dma_semaphore, #tpu.memory_space<semaphore_mem>>
      %dma_start3A = tpu.memref_slice %arg4[%add3A_10] : memref<1605632xf32, #tpu.memory_space<hbm>> -> memref<6272xf32, #tpu.memory_space<hbm>>
      %dma_start3A_170 = tpu.memref_slice %arg4[%add3A_10] : memref<1605632xf32, #tpu.memory_space<hbm>> -> memref<6272xf32, #tpu.memory_space<hbm>>
      tpu.enqueue_dma source(%arg9 : memref<6272xf32, #tpu.memory_space<vmem>>) target(%dma_start3A_170 : memref<6272xf32, #tpu.memory_space<hbm>>) target_semaphore(%run_scoped3A : memref<!tpu.dma_semaphore, #tpu.memory_space<semaphore_mem>>)
      %dma_wait3A = tpu.memref_slice %arg4[%add3A_10] : memref<1605632xf32, #tpu.memory_space<hbm>> -> memref<6272xf32, #tpu.memory_space<hbm>>
      %dma_wait3A_171 = tpu.memref_slice %arg4[%add3A_10] : memref<1605632xf32, #tpu.memory_space<hbm>> -> memref<6272xf32, #tpu.memory_space<hbm>>
      tpu.wait_dma2 semaphore(%run_scoped3A : memref<!tpu.dma_semaphore, #tpu.memory_space<semaphore_mem>>) src(%arg9 : memref<6272xf32, #tpu.memory_space<vmem>>) dst(%dma_wait3A_171 : memref<6272xf32, #tpu.memory_space<hbm>>)
      tpu.yield
    }) : () -> ()
    %add3A_16 = arith.constant 12544 : i32
    %add3A_17 = arith.addi %mul3A_2, %add3A_16 : i32
    "tpu.region"() ({
      %run_scoped3A = tpu.sem_alloc : memref<!tpu.dma_semaphore, #tpu.memory_space<semaphore_mem>>
      %dma_start3A = tpu.memref_slice %arg3[%add3A_17] : memref<1605632xi32, #tpu.memory_space<hbm>> -> memref<6272xi32, #tpu.memory_space<hbm>>
      %dma_start3A_170 = tpu.memref_slice %arg3[%add3A_17] : memref<1605632xi32, #tpu.memory_space<hbm>> -> memref<6272xi32, #tpu.memory_space<hbm>>
      tpu.enqueue_dma source(%dma_start3A_170 : memref<6272xi32, #tpu.memory_space<hbm>>) target(%arg8 : memref<6272xi32, #tpu.memory_space<vmem>>) target_semaphore(%run_scoped3A : memref<!tpu.dma_semaphore, #tpu.memory_space<semaphore_mem>>)
      %dma_wait3A = tpu.memref_slice %arg3[%add3A_17] : memref<1605632xi32, #tpu.memory_space<hbm>> -> memref<6272xi32, #tpu.memory_space<hbm>>
      %dma_wait3A_171 = tpu.memref_slice %arg3[%add3A_17] : memref<1605632xi32, #tpu.memory_space<hbm>> -> memref<6272xi32, #tpu.memory_space<hbm>>
      tpu.wait_dma2 semaphore(%run_scoped3A : memref<!tpu.dma_semaphore, #tpu.memory_space<semaphore_mem>>) src(%dma_wait3A_171 : memref<6272xi32, #tpu.memory_space<hbm>>) dst(%arg8 : memref<6272xi32, #tpu.memory_space<vmem>>)
      tpu.yield
    }) : () -> ()
    %scan3A_18 = arith.constant 0 : i32
    %scan3A_19 = arith.constant 392 : i32
    %scan3A_20 = arith.addi %scan3A_18, %scan3A_19 : i32
    %scan3A_21 = arith.constant 8 : i32
    scf.for %scan3A_170 = %scan3A_18 to %scan3A_20 step %scan3A_21  : i32 {
      %mul3A_171 = arith.constant 1 : i32
      %mul3A_172 = arith.muli %scan3A_170, %mul3A_171 : i32
      %add3A_173 = arith.constant 0 : i32
      %add3A_174 = arith.addi %add3A_173, %mul3A_172 : i32
      %mul3A_175 = arith.constant 16 : i32
      %mul3A_176 = arith.muli %add3A_174, %mul3A_175 : i32
      %get3A = arith.index_cast %mul3A_176 : i32 to index
      %get3A_177 = tpu.vector_load %arg8[%get3A] {strides = array<i32>} : memref<6272xi32, #tpu.memory_space<vmem>>, vector<16xi32>,
      %gather3A = tpu.vector_load_idx %arg7[%get3A_177] : memref<50000xf32, #tpu.memory_space<vmem>>[vector<16xi32>], vector<16xf32>,
      %swap3A = arith.index_cast %mul3A_176 : i32 to index
      %swap3A_178 = tpu.vector_load %arg9[%swap3A] {strides = array<i32>} : memref<6272xf32, #tpu.memory_space<vmem>>, vector<16xf32>,
      tpu.vector_store %arg9[%swap3A], %gather3A {strides = array<i32>} : memref<6272xf32, #tpu.memory_space<vmem>>, vector<16xf32>,
      %scan3A_179 = arith.constant 1 : i32
      %scan3A_180 = arith.addi %scan3A_170, %scan3A_179 : i32
      %mul3A_181 = arith.constant 1 : i32
      %mul3A_182 = arith.muli %scan3A_180, %mul3A_181 : i32
      %add3A_183 = arith.constant 0 : i32
      %add3A_184 = arith.addi %add3A_183, %mul3A_182 : i32
      %mul3A_185 = arith.constant 16 : i32
      %mul3A_186 = arith.muli %add3A_184, %mul3A_185 : i32
      %get3A_187 = arith.index_cast %mul3A_186 : i32 to index
      %get3A_188 = tpu.vector_load %arg8[%get3A_187] {strides = array<i32>} : memref<6272xi32, #tpu.memory_space<vmem>>, vector<16xi32>,
      %gather3A_189 = tpu.vector_load_idx %arg7[%get3A_188] : memref<50000xf32, #tpu.memory_space<vmem>>[vector<16xi32>], vector<16xf32>,
      %swap3A_190 = arith.index_cast %mul3A_186 : i32 to index
      %swap3A_191 = tpu.vector_load %arg9[%swap3A_190] {strides = array<i32>} : memref<6272xf32, #tpu.memory_space<vmem>>, vector<16xf32>,
      tpu.vector_store %arg9[%swap3A_190], %gather3A_189 {strides = array<i32>} : memref<6272xf32, #tpu.memory_space<vmem>>, vector<16xf32>,
      %scan3A_192 = arith.constant 2 : i32
      %scan3A_193 = arith.addi %scan3A_170, %scan3A_192 : i32
      %mul3A_194 = arith.constant 1 : i32
      %mul3A_195 = arith.muli %scan3A_193, %mul3A_194 : i32
      %add3A_196 = arith.constant 0 : i32
      %add3A_197 = arith.addi %add3A_196, %mul3A_195 : i32
      %mul3A_198 = arith.constant 16 : i32
      %mul3A_199 = arith.muli %add3A_197, %mul3A_198 : i32
      %get3A_200 = arith.index_cast %mul3A_199 : i32 to index
      %get3A_201 = tpu.vector_load %arg8[%get3A_200] {strides = array<i32>} : memref<6272xi32, #tpu.memory_space<vmem>>, vector<16xi32>,
      %gather3A_202 = tpu.vector_load_idx %arg7[%get3A_201] : memref<50000xf32, #tpu.memory_space<vmem>>[vector<16xi32>], vector<16xf32>,
      %swap3A_203 = arith.index_cast %mul3A_199 : i32 to index
      %swap3A_204 = tpu.vector_load %arg9[%swap3A_203] {strides = array<i32>} : memref<6272xf32, #tpu.memory_space<vmem>>, vector<16xf32>,
      tpu.vector_store %arg9[%swap3A_203], %gather3A_202 {strides = array<i32>} : memref<6272xf32, #tpu.memory_space<vmem>>, vector<16xf32>,
      %scan3A_205 = arith.constant 3 : i32
      %scan3A_206 = arith.addi %scan3A_170, %scan3A_205 : i32
      %mul3A_207 = arith.constant 1 : i32
      %mul3A_208 = arith.muli %scan3A_206, %mul3A_207 : i32
      %add3A_209 = arith.constant 0 : i32
      %add3A_210 = arith.addi %add3A_209, %mul3A_208 : i32
      %mul3A_211 = arith.constant 16 : i32
      %mul3A_212 = arith.muli %add3A_210, %mul3A_211 : i32
      %get3A_213 = arith.index_cast %mul3A_212 : i32 to index
      %get3A_214 = tpu.vector_load %arg8[%get3A_213] {strides = array<i32>} : memref<6272xi32, #tpu.memory_space<vmem>>, vector<16xi32>,
      %gather3A_215 = tpu.vector_load_idx %arg7[%get3A_214] : memref<50000xf32, #tpu.memory_space<vmem>>[vector<16xi32>], vector<16xf32>,
      %swap3A_216 = arith.index_cast %mul3A_212 : i32 to index
      %swap3A_217 = tpu.vector_load %arg9[%swap3A_216] {strides = array<i32>} : memref<6272xf32, #tpu.memory_space<vmem>>, vector<16xf32>,
      tpu.vector_store %arg9[%swap3A_216], %gather3A_215 {strides = array<i32>} : memref<6272xf32, #tpu.memory_space<vmem>>, vector<16xf32>,
      %scan3A_218 = arith.constant 4 : i32
      %scan3A_219 = arith.addi %scan3A_170, %scan3A_218 : i32
      %mul3A_220 = arith.constant 1 : i32
      %mul3A_221 = arith.muli %scan3A_219, %mul3A_220 : i32
      %add3A_222 = arith.constant 0 : i32
      %add3A_223 = arith.addi %add3A_222, %mul3A_221 : i32
      %mul3A_224 = arith.constant 16 : i32
      %mul3A_225 = arith.muli %add3A_223, %mul3A_224 : i32
      %get3A_226 = arith.index_cast %mul3A_225 : i32 to index
      %get3A_227 = tpu.vector_load %arg8[%get3A_226] {strides = array<i32>} : memref<6272xi32, #tpu.memory_space<vmem>>, vector<16xi32>,
      %gather3A_228 = tpu.vector_load_idx %arg7[%get3A_227] : memref<50000xf32, #tpu.memory_space<vmem>>[vector<16xi32>], vector<16xf32>,
      %swap3A_229 = arith.index_cast %mul3A_225 : i32 to index
      %swap3A_230 = tpu.vector_load %arg9[%swap3A_229] {strides = array<i32>} : memref<6272xf32, #tpu.memory_space<vmem>>, vector<16xf32>,
      tpu.vector_store %arg9[%swap3A_229], %gather3A_228 {strides = array<i32>} : memref<6272xf32, #tpu.memory_space<vmem>>, vector<16xf32>,
      %scan3A_231 = arith.constant 5 : i32
      %scan3A_232 = arith.addi %scan3A_170, %scan3A_231 : i32
      %mul3A_233 = arith.constant 1 : i32
      %mul3A_234 = arith.muli %scan3A_232, %mul3A_233 : i32
      %add3A_235 = arith.constant 0 : i32
      %add3A_236 = arith.addi %add3A_235, %mul3A_234 : i32
      %mul3A_237 = arith.constant 16 : i32
      %mul3A_238 = arith.muli %add3A_236, %mul3A_237 : i32
      %get3A_239 = arith.index_cast %mul3A_238 : i32 to index
      %get3A_240 = tpu.vector_load %arg8[%get3A_239] {strides = array<i32>} : memref<6272xi32, #tpu.memory_space<vmem>>, vector<16xi32>,
      %gather3A_241 = tpu.vector_load_idx %arg7[%get3A_240] : memref<50000xf32, #tpu.memory_space<vmem>>[vector<16xi32>], vector<16xf32>,
      %swap3A_242 = arith.index_cast %mul3A_238 : i32 to index
      %swap3A_243 = tpu.vector_load %arg9[%swap3A_242] {strides = array<i32>} : memref<6272xf32, #tpu.memory_space<vmem>>, vector<16xf32>,
      tpu.vector_store %arg9[%swap3A_242], %gather3A_241 {strides = array<i32>} : memref<6272xf32, #tpu.memory_space<vmem>>, vector<16xf32>,
      %scan3A_244 = arith.constant 6 : i32
      %scan3A_245 = arith.addi %scan3A_170, %scan3A_244 : i32
      %mul3A_246 = arith.constant 1 : i32
      %mul3A_247 = arith.muli %scan3A_245, %mul3A_246 : i32
      %add3A_248 = arith.constant 0 : i32
      %add3A_249 = arith.addi %add3A_248, %mul3A_247 : i32
      %mul3A_250 = arith.constant 16 : i32
      %mul3A_251 = arith.muli %add3A_249, %mul3A_250 : i32
      %get3A_252 = arith.index_cast %mul3A_251 : i32 to index
      %get3A_253 = tpu.vector_load %arg8[%get3A_252] {strides = array<i32>} : memref<6272xi32, #tpu.memory_space<vmem>>, vector<16xi32>,
      %gather3A_254 = tpu.vector_load_idx %arg7[%get3A_253] : memref<50000xf32, #tpu.memory_space<vmem>>[vector<16xi32>], vector<16xf32>,
      %swap3A_255 = arith.index_cast %mul3A_251 : i32 to index
      %swap3A_256 = tpu.vector_load %arg9[%swap3A_255] {strides = array<i32>} : memref<6272xf32, #tpu.memory_space<vmem>>, vector<16xf32>,
      tpu.vector_store %arg9[%swap3A_255], %gather3A_254 {strides = array<i32>} : memref<6272xf32, #tpu.memory_space<vmem>>, vector<16xf32>,
      %scan3A_257 = arith.constant 7 : i32
      %scan3A_258 = arith.addi %scan3A_170, %scan3A_257 : i32
      %mul3A_259 = arith.constant 1 : i32
      %mul3A_260 = arith.muli %scan3A_258, %mul3A_259 : i32
      %add3A_261 = arith.constant 0 : i32
      %add3A_262 = arith.addi %add3A_261, %mul3A_260 : i32
      %mul3A_263 = arith.constant 16 : i32
      %mul3A_264 = arith.muli %add3A_262, %mul3A_263 : i32
      %get3A_265 = arith.index_cast %mul3A_264 : i32 to index
      %get3A_266 = tpu.vector_load %arg8[%get3A_265] {strides = array<i32>} : memref<6272xi32, #tpu.memory_space<vmem>>, vector<16xi32>,
      %gather3A_267 = tpu.vector_load_idx %arg7[%get3A_266] : memref<50000xf32, #tpu.memory_space<vmem>>[vector<16xi32>], vector<16xf32>,
      %swap3A_268 = arith.index_cast %mul3A_264 : i32 to index
      %swap3A_269 = tpu.vector_load %arg9[%swap3A_268] {strides = array<i32>} : memref<6272xf32, #tpu.memory_space<vmem>>, vector<16xf32>,
      tpu.vector_store %arg9[%swap3A_268], %gather3A_267 {strides = array<i32>} : memref<6272xf32, #tpu.memory_space<vmem>>, vector<16xf32>,
    }
    %scan3A_22 = arith.constant 392 : i32
    "tpu.region"() ({
      %run_scoped3A = tpu.sem_alloc : memref<!tpu.dma_semaphore, #tpu.memory_space<semaphore_mem>>
      %dma_start3A = tpu.memref_slice %arg4[%add3A_17] : memref<1605632xf32, #tpu.memory_space<hbm>> -> memref<6272xf32, #tpu.memory_space<hbm>>
      %dma_start3A_170 = tpu.memref_slice %arg4[%add3A_17] : memref<1605632xf32, #tpu.memory_space<hbm>> -> memref<6272xf32, #tpu.memory_space<hbm>>
      tpu.enqueue_dma source(%arg9 : memref<6272xf32, #tpu.memory_space<vmem>>) target(%dma_start3A_170 : memref<6272xf32, #tpu.memory_space<hbm>>) target_semaphore(%run_scoped3A : memref<!tpu.dma_semaphore, #tpu.memory_space<semaphore_mem>>)
      %dma_wait3A = tpu.memref_slice %arg4[%add3A_17] : memref<1605632xf32, #tpu.memory_space<hbm>> -> memref<6272xf32, #tpu.memory_space<hbm>>
      %dma_wait3A_171 = tpu.memref_slice %arg4[%add3A_17] : memref<1605632xf32, #tpu.memory_space<hbm>> -> memref<6272xf32, #tpu.memory_space<hbm>>
      tpu.wait_dma2 semaphore(%run_scoped3A : memref<!tpu.dma_semaphore, #tpu.memory_space<semaphore_mem>>) src(%arg9 : memref<6272xf32, #tpu.memory_space<vmem>>) dst(%dma_wait3A_171 : memref<6272xf32, #tpu.memory_space<hbm>>)
      tpu.yield
    }) : () -> ()
    %add3A_23 = arith.constant 18816 : i32
    %add3A_24 = arith.addi %mul3A_2, %add3A_23 : i32
    "tpu.region"() ({
      %run_scoped3A = tpu.sem_alloc : memref<!tpu.dma_semaphore, #tpu.memory_space<semaphore_mem>>
      %dma_start3A = tpu.memref_slice %arg3[%add3A_24] : memref<1605632xi32, #tpu.memory_space<hbm>> -> memref<6272xi32, #tpu.memory_space<hbm>>
      %dma_start3A_170 = tpu.memref_slice %arg3[%add3A_24] : memref<1605632xi32, #tpu.memory_space<hbm>> -> memref<6272xi32, #tpu.memory_space<hbm>>
      tpu.enqueue_dma source(%dma_start3A_170 : memref<6272xi32, #tpu.memory_space<hbm>>) target(%arg8 : memref<6272xi32, #tpu.memory_space<vmem>>) target_semaphore(%run_scoped3A : memref<!tpu.dma_semaphore, #tpu.memory_space<semaphore_mem>>)
      %dma_wait3A = tpu.memref_slice %arg3[%add3A_24] : memref<1605632xi32, #tpu.memory_space<hbm>> -> memref<6272xi32, #tpu.memory_space<hbm>>
      %dma_wait3A_171 = tpu.memref_slice %arg3[%add3A_24] : memref<1605632xi32, #tpu.memory_space<hbm>> -> memref<6272xi32, #tpu.memory_space<hbm>>
      tpu.wait_dma2 semaphore(%run_scoped3A : memref<!tpu.dma_semaphore, #tpu.memory_space<semaphore_mem>>) src(%dma_wait3A_171 : memref<6272xi32, #tpu.memory_space<hbm>>) dst(%arg8 : memref<6272xi32, #tpu.memory_space<vmem>>)
      tpu.yield
    }) : () -> ()
    %scan3A_25 = arith.constant 0 : i32
    %scan3A_26 = arith.constant 392 : i32
    %scan3A_27 = arith.addi %scan3A_25, %scan3A_26 : i32
    %scan3A_28 = arith.constant 8 : i32
    scf.for %scan3A_170 = %scan3A_25 to %scan3A_27 step %scan3A_28  : i32 {
      %mul3A_171 = arith.constant 1 : i32
      %mul3A_172 = arith.muli %scan3A_170, %mul3A_171 : i32
      %add3A_173 = arith.constant 0 : i32
      %add3A_174 = arith.addi %add3A_173, %mul3A_172 : i32
      %mul3A_175 = arith.constant 16 : i32
      %mul3A_176 = arith.muli %add3A_174, %mul3A_175 : i32
      %get3A = arith.index_cast %mul3A_176 : i32 to index
      %get3A_177 = tpu.vector_load %arg8[%get3A] {strides = array<i32>} : memref<6272xi32, #tpu.memory_space<vmem>>, vector<16xi32>,
      %gather3A = tpu.vector_load_idx %arg7[%get3A_177] : memref<50000xf32, #tpu.memory_space<vmem>>[vector<16xi32>], vector<16xf32>,
      %swap3A = arith.index_cast %mul3A_176 : i32 to index
      %swap3A_178 = tpu.vector_load %arg9[%swap3A] {strides = array<i32>} : memref<6272xf32, #tpu.memory_space<vmem>>, vector<16xf32>,
      tpu.vector_store %arg9[%swap3A], %gather3A {strides = array<i32>} : memref<6272xf32, #tpu.memory_space<vmem>>, vector<16xf32>,
      %scan3A_179 = arith.constant 1 : i32
      %scan3A_180 = arith.addi %scan3A_170, %scan3A_179 : i32
      %mul3A_181 = arith.constant 1 : i32
      %mul3A_182 = arith.muli %scan3A_180, %mul3A_181 : i32
      %add3A_183 = arith.constant 0 : i32
      %add3A_184 = arith.addi %add3A_183, %mul3A_182 : i32
      %mul3A_185 = arith.constant 16 : i32
      %mul3A_186 = arith.muli %add3A_184, %mul3A_185 : i32
      %get3A_187 = arith.index_cast %mul3A_186 : i32 to index
      %get3A_188 = tpu.vector_load %arg8[%get3A_187] {strides = array<i32>} : memref<6272xi32, #tpu.memory_space<vmem>>, vector<16xi32>,
      %gather3A_189 = tpu.vector_load_idx %arg7[%get3A_188] : memref<50000xf32, #tpu.memory_space<vmem>>[vector<16xi32>], vector<16xf32>,
      %swap3A_190 = arith.index_cast %mul3A_186 : i32 to index
      %swap3A_191 = tpu.vector_load %arg9[%swap3A_190] {strides = array<i32>} : memref<6272xf32, #tpu.memory_space<vmem>>, vector<16xf32>,
      tpu.vector_store %arg9[%swap3A_190], %gather3A_189 {strides = array<i32>} : memref<6272xf32, #tpu.memory_space<vmem>>, vector<16xf32>,
      %scan3A_192 = arith.constant 2 : i32
      %scan3A_193 = arith.addi %scan3A_170, %scan3A_192 : i32
      %mul3A_194 = arith.constant 1 : i32
      %mul3A_195 = arith.muli %scan3A_193, %mul3A_194 : i32
      %add3A_196 = arith.constant 0 : i32
      %add3A_197 = arith.addi %add3A_196, %mul3A_195 : i32
      %mul3A_198 = arith.constant 16 : i32
      %mul3A_199 = arith.muli %add3A_197, %mul3A_198 : i32
      %get3A_200 = arith.index_cast %mul3A_199 : i32 to index
      %get3A_201 = tpu.vector_load %arg8[%get3A_200] {strides = array<i32>} : memref<6272xi32, #tpu.memory_space<vmem>>, vector<16xi32>,
      %gather3A_202 = tpu.vector_load_idx %arg7[%get3A_201] : memref<50000xf32, #tpu.memory_space<vmem>>[vector<16xi32>], vector<16xf32>,
      %swap3A_203 = arith.index_cast %mul3A_199 : i32 to index
      %swap3A_204 = tpu.vector_load %arg9[%swap3A_203] {strides = array<i32>} : memref<6272xf32, #tpu.memory_space<vmem>>, vector<16xf32>,
      tpu.vector_store %arg9[%swap3A_203], %gather3A_202 {strides = array<i32>} : memref<6272xf32, #tpu.memory_space<vmem>>, vector<16xf32>,
      %scan3A_205 = arith.constant 3 : i32
      %scan3A_206 = arith.addi %scan3A_170, %scan3A_205 : i32
      %mul3A_207 = arith.constant 1 : i32
      %mul3A_208 = arith.muli %scan3A_206, %mul3A_207 : i32
      %add3A_209 = arith.constant 0 : i32
      %add3A_210 = arith.addi %add3A_209, %mul3A_208 : i32
      %mul3A_211 = arith.constant 16 : i32
      %mul3A_212 = arith.muli %add3A_210, %mul3A_211 : i32
      %get3A_213 = arith.index_cast %mul3A_212 : i32 to index
      %get3A_214 = tpu.vector_load %arg8[%get3A_213] {strides = array<i32>} : memref<6272xi32, #tpu.memory_space<vmem>>, vector<16xi32>,
      %gather3A_215 = tpu.vector_load_idx %arg7[%get3A_214] : memref<50000xf32, #tpu.memory_space<vmem>>[vector<16xi32>], vector<16xf32>,
      %swap3A_216 = arith.index_cast %mul3A_212 : i32 to index
      %swap3A_217 = tpu.vector_load %arg9[%swap3A_216] {strides = array<i32>} : memref<6272xf32, #tpu.memory_space<vmem>>, vector<16xf32>,
      tpu.vector_store %arg9[%swap3A_216], %gather3A_215 {strides = array<i32>} : memref<6272xf32, #tpu.memory_space<vmem>>, vector<16xf32>,
      %scan3A_218 = arith.constant 4 : i32
      %scan3A_219 = arith.addi %scan3A_170, %scan3A_218 : i32
      %mul3A_220 = arith.constant 1 : i32
      %mul3A_221 = arith.muli %scan3A_219, %mul3A_220 : i32
      %add3A_222 = arith.constant 0 : i32
      %add3A_223 = arith.addi %add3A_222, %mul3A_221 : i32
      %mul3A_224 = arith.constant 16 : i32
      %mul3A_225 = arith.muli %add3A_223, %mul3A_224 : i32
      %get3A_226 = arith.index_cast %mul3A_225 : i32 to index
      %get3A_227 = tpu.vector_load %arg8[%get3A_226] {strides = array<i32>} : memref<6272xi32, #tpu.memory_space<vmem>>, vector<16xi32>,
      %gather3A_228 = tpu.vector_load_idx %arg7[%get3A_227] : memref<50000xf32, #tpu.memory_space<vmem>>[vector<16xi32>], vector<16xf32>,
      %swap3A_229 = arith.index_cast %mul3A_225 : i32 to index
      %swap3A_230 = tpu.vector_load %arg9[%swap3A_229] {strides = array<i32>} : memref<6272xf32, #tpu.memory_space<vmem>>, vector<16xf32>,
      tpu.vector_store %arg9[%swap3A_229], %gather3A_228 {strides = array<i32>} : memref<6272xf32, #tpu.memory_space<vmem>>, vector<16xf32>,
      %scan3A_231 = arith.constant 5 : i32
      %scan3A_232 = arith.addi %scan3A_170, %scan3A_231 : i32
      %mul3A_233 = arith.constant 1 : i32
      %mul3A_234 = arith.muli %scan3A_232, %mul3A_233 : i32
      %add3A_235 = arith.constant 0 : i32
      %add3A_236 = arith.addi %add3A_235, %mul3A_234 : i32
      %mul3A_237 = arith.constant 16 : i32
      %mul3A_238 = arith.muli %add3A_236, %mul3A_237 : i32
      %get3A_239 = arith.index_cast %mul3A_238 : i32 to index
      %get3A_240 = tpu.vector_load %arg8[%get3A_239] {strides = array<i32>} : memref<6272xi32, #tpu.memory_space<vmem>>, vector<16xi32>,
      %gather3A_241 = tpu.vector_load_idx %arg7[%get3A_240] : memref<50000xf32, #tpu.memory_space<vmem>>[vector<16xi32>], vector<16xf32>,
      %swap3A_242 = arith.index_cast %mul3A_238 : i32 to index
      %swap3A_243 = tpu.vector_load %arg9[%swap3A_242] {strides = array<i32>} : memref<6272xf32, #tpu.memory_space<vmem>>, vector<16xf32>,
      tpu.vector_store %arg9[%swap3A_242], %gather3A_241 {strides = array<i32>} : memref<6272xf32, #tpu.memory_space<vmem>>, vector<16xf32>,
      %scan3A_244 = arith.constant 6 : i32
      %scan3A_245 = arith.addi %scan3A_170, %scan3A_244 : i32
      %mul3A_246 = arith.constant 1 : i32
      %mul3A_247 = arith.muli %scan3A_245, %mul3A_246 : i32
      %add3A_248 = arith.constant 0 : i32
      %add3A_249 = arith.addi %add3A_248, %mul3A_247 : i32
      %mul3A_250 = arith.constant 16 : i32
      %mul3A_251 = arith.muli %add3A_249, %mul3A_250 : i32
      %get3A_252 = arith.index_cast %mul3A_251 : i32 to index
      %get3A_253 = tpu.vector_load %arg8[%get3A_252] {strides = array<i32>} : memref<6272xi32, #tpu.memory_space<vmem>>, vector<16xi32>,
      %gather3A_254 = tpu.vector_load_idx %arg7[%get3A_253] : memref<50000xf32, #tpu.memory_space<vmem>>[vector<16xi32>], vector<16xf32>,
      %swap3A_255 = arith.index_cast %mul3A_251 : i32 to index
      %swap3A_256 = tpu.vector_load %arg9[%swap3A_255] {strides = array<i32>} : memref<6272xf32, #tpu.memory_space<vmem>>, vector<16xf32>,
      tpu.vector_store %arg9[%swap3A_255], %gather3A_254 {strides = array<i32>} : memref<6272xf32, #tpu.memory_space<vmem>>, vector<16xf32>,
      %scan3A_257 = arith.constant 7 : i32
      %scan3A_258 = arith.addi %scan3A_170, %scan3A_257 : i32
      %mul3A_259 = arith.constant 1 : i32
      %mul3A_260 = arith.muli %scan3A_258, %mul3A_259 : i32
      %add3A_261 = arith.constant 0 : i32
      %add3A_262 = arith.addi %add3A_261, %mul3A_260 : i32
      %mul3A_263 = arith.constant 16 : i32
      %mul3A_264 = arith.muli %add3A_262, %mul3A_263 : i32
      %get3A_265 = arith.index_cast %mul3A_264 : i32 to index
      %get3A_266 = tpu.vector_load %arg8[%get3A_265] {strides = array<i32>} : memref<6272xi32, #tpu.memory_space<vmem>>, vector<16xi32>,
      %gather3A_267 = tpu.vector_load_idx %arg7[%get3A_266] : memref<50000xf32, #tpu.memory_space<vmem>>[vector<16xi32>], vector<16xf32>,
      %swap3A_268 = arith.index_cast %mul3A_264 : i32 to index
      %swap3A_269 = tpu.vector_load %arg9[%swap3A_268] {strides = array<i32>} : memref<6272xf32, #tpu.memory_space<vmem>>, vector<16xf32>,
      tpu.vector_store %arg9[%swap3A_268], %gather3A_267 {strides = array<i32>} : memref<6272xf32, #tpu.memory_space<vmem>>, vector<16xf32>,
    }
    %scan3A_29 = arith.constant 392 : i32
    "tpu.region"() ({
      %run_scoped3A = tpu.sem_alloc : memref<!tpu.dma_semaphore, #tpu.memory_space<semaphore_mem>>
      %dma_start3A = tpu.memref_slice %arg4[%add3A_24] : memref<1605632xf32, #tpu.memory_space<hbm>> -> memref<6272xf32, #tpu.memory_space<hbm>>
      %dma_start3A_170 = tpu.memref_slice %arg4[%add3A_24] : memref<1605632xf32, #tpu.memory_space<hbm>> -> memref<6272xf32, #tpu.memory_space<hbm>>
      tpu.enqueue_dma source(%arg9 : memref<6272xf32, #tpu.memory_space<vmem>>) target(%dma_start3A_170 : memref<6272xf32, #tpu.memory_space<hbm>>) target_semaphore(%run_scoped3A : memref<!tpu.dma_semaphore, #tpu.memory_space<semaphore_mem>>)
      %dma_wait3A = tpu.memref_slice %arg4[%add3A_24] : memref<1605632xf32, #tpu.memory_space<hbm>> -> memref<6272xf32, #tpu.memory_space<hbm>>
      %dma_wait3A_171 = tpu.memref_slice %arg4[%add3A_24] : memref<1605632xf32, #tpu.memory_space<hbm>> -> memref<6272xf32, #tpu.memory_space<hbm>>
      tpu.wait_dma2 semaphore(%run_scoped3A : memref<!tpu.dma_semaphore, #tpu.memory_space<semaphore_mem>>) src(%arg9 : memref<6272xf32, #tpu.memory_space<vmem>>) dst(%dma_wait3A_171 : memref<6272xf32, #tpu.memory_space<hbm>>)
      tpu.yield
    }) : () -> ()
    %add3A_30 = arith.constant 25088 : i32
    %add3A_31 = arith.addi %mul3A_2, %add3A_30 : i32
    "tpu.region"() ({
      %run_scoped3A = tpu.sem_alloc : memref<!tpu.dma_semaphore, #tpu.memory_space<semaphore_mem>>
      %dma_start3A = tpu.memref_slice %arg3[%add3A_31] : memref<1605632xi32, #tpu.memory_space<hbm>> -> memref<6272xi32, #tpu.memory_space<hbm>>
      %dma_start3A_170 = tpu.memref_slice %arg3[%add3A_31] : memref<1605632xi32, #tpu.memory_space<hbm>> -> memref<6272xi32, #tpu.memory_space<hbm>>
      tpu.enqueue_dma source(%dma_start3A_170 : memref<6272xi32, #tpu.memory_space<hbm>>) target(%arg8 : memref<6272xi32, #tpu.memory_space<vmem>>) target_semaphore(%run_scoped3A : memref<!tpu.dma_semaphore, #tpu.memory_space<semaphore_mem>>)
      %dma_wait3A = tpu.memref_slice %arg3[%add3A_31] : memref<1605632xi32, #tpu.memory_space<hbm>> -> memref<6272xi32, #tpu.memory_space<hbm>>
      %dma_wait3A_171 = tpu.memref_slice %arg3[%add3A_31] : memref<1605632xi32, #tpu.memory_space<hbm>> -> memref<6272xi32, #tpu.memory_space<hbm>>
      tpu.wait_dma2 semaphore(%run_scoped3A : memref<!tpu.dma_semaphore, #tpu.memory_space<semaphore_mem>>) src(%dma_wait3A_171 : memref<6272xi32, #tpu.memory_space<hbm>>) dst(%arg8 : memref<6272xi32, #tpu.memory_space<vmem>>)
      tpu.yield
    }) : () -> ()
    %scan3A_32 = arith.constant 0 : i32
    %scan3A_33 = arith.constant 392 : i32
    %scan3A_34 = arith.addi %scan3A_32, %scan3A_33 : i32
    %scan3A_35 = arith.constant 8 : i32
    scf.for %scan3A_170 = %scan3A_32 to %scan3A_34 step %scan3A_35  : i32 {
      %mul3A_171 = arith.constant 1 : i32
      %mul3A_172 = arith.muli %scan3A_170, %mul3A_171 : i32
      %add3A_173 = arith.constant 0 : i32
      %add3A_174 = arith.addi %add3A_173, %mul3A_172 : i32
      %mul3A_175 = arith.constant 16 : i32
      %mul3A_176 = arith.muli %add3A_174, %mul3A_175 : i32
      %get3A = arith.index_cast %mul3A_176 : i32 to index
      %get3A_177 = tpu.vector_load %arg8[%get3A] {strides = array<i32>} : memref<6272xi32, #tpu.memory_space<vmem>>, vector<16xi32>,
      %gather3A = tpu.vector_load_idx %arg7[%get3A_177] : memref<50000xf32, #tpu.memory_space<vmem>>[vector<16xi32>], vector<16xf32>,
      %swap3A = arith.index_cast %mul3A_176 : i32 to index
      %swap3A_178 = tpu.vector_load %arg9[%swap3A] {strides = array<i32>} : memref<6272xf32, #tpu.memory_space<vmem>>, vector<16xf32>,
      tpu.vector_store %arg9[%swap3A], %gather3A {strides = array<i32>} : memref<6272xf32, #tpu.memory_space<vmem>>, vector<16xf32>,
      %scan3A_179 = arith.constant 1 : i32
      %scan3A_180 = arith.addi %scan3A_170, %scan3A_179 : i32
      %mul3A_181 = arith.constant 1 : i32
      %mul3A_182 = arith.muli %scan3A_180, %mul3A_181 : i32
      %add3A_183 = arith.constant 0 : i32
      %add3A_184 = arith.addi %add3A_183, %mul3A_182 : i32
      %mul3A_185 = arith.constant 16 : i32
      %mul3A_186 = arith.muli %add3A_184, %mul3A_185 : i32
      %get3A_187 = arith.index_cast %mul3A_186 : i32 to index
      %get3A_188 = tpu.vector_load %arg8[%get3A_187] {strides = array<i32>} : memref<6272xi32, #tpu.memory_space<vmem>>, vector<16xi32>,
      %gather3A_189 = tpu.vector_load_idx %arg7[%get3A_188] : memref<50000xf32, #tpu.memory_space<vmem>>[vector<16xi32>], vector<16xf32>,
      %swap3A_190 = arith.index_cast %mul3A_186 : i32 to index
      %swap3A_191 = tpu.vector_load %arg9[%swap3A_190] {strides = array<i32>} : memref<6272xf32, #tpu.memory_space<vmem>>, vector<16xf32>,
      tpu.vector_store %arg9[%swap3A_190], %gather3A_189 {strides = array<i32>} : memref<6272xf32, #tpu.memory_space<vmem>>, vector<16xf32>,
      %scan3A_192 = arith.constant 2 : i32
      %scan3A_193 = arith.addi %scan3A_170, %scan3A_192 : i32
      %mul3A_194 = arith.constant 1 : i32
      %mul3A_195 = arith.muli %scan3A_193, %mul3A_194 : i32
      %add3A_196 = arith.constant 0 : i32
      %add3A_197 = arith.addi %add3A_196, %mul3A_195 : i32
      %mul3A_198 = arith.constant 16 : i32
      %mul3A_199 = arith.muli %add3A_197, %mul3A_198 : i32
      %get3A_200 = arith.index_cast %mul3A_199 : i32 to index
      %get3A_201 = tpu.vector_load %arg8[%get3A_200] {strides = array<i32>} : memref<6272xi32, #tpu.memory_space<vmem>>, vector<16xi32>,
      %gather3A_202 = tpu.vector_load_idx %arg7[%get3A_201] : memref<50000xf32, #tpu.memory_space<vmem>>[vector<16xi32>], vector<16xf32>,
      %swap3A_203 = arith.index_cast %mul3A_199 : i32 to index
      %swap3A_204 = tpu.vector_load %arg9[%swap3A_203] {strides = array<i32>} : memref<6272xf32, #tpu.memory_space<vmem>>, vector<16xf32>,
      tpu.vector_store %arg9[%swap3A_203], %gather3A_202 {strides = array<i32>} : memref<6272xf32, #tpu.memory_space<vmem>>, vector<16xf32>,
      %scan3A_205 = arith.constant 3 : i32
      %scan3A_206 = arith.addi %scan3A_170, %scan3A_205 : i32
      %mul3A_207 = arith.constant 1 : i32
      %mul3A_208 = arith.muli %scan3A_206, %mul3A_207 : i32
      %add3A_209 = arith.constant 0 : i32
      %add3A_210 = arith.addi %add3A_209, %mul3A_208 : i32
      %mul3A_211 = arith.constant 16 : i32
      %mul3A_212 = arith.muli %add3A_210, %mul3A_211 : i32
      %get3A_213 = arith.index_cast %mul3A_212 : i32 to index
      %get3A_214 = tpu.vector_load %arg8[%get3A_213] {strides = array<i32>} : memref<6272xi32, #tpu.memory_space<vmem>>, vector<16xi32>,
      %gather3A_215 = tpu.vector_load_idx %arg7[%get3A_214] : memref<50000xf32, #tpu.memory_space<vmem>>[vector<16xi32>], vector<16xf32>,
      %swap3A_216 = arith.index_cast %mul3A_212 : i32 to index
      %swap3A_217 = tpu.vector_load %arg9[%swap3A_216] {strides = array<i32>} : memref<6272xf32, #tpu.memory_space<vmem>>, vector<16xf32>,
      tpu.vector_store %arg9[%swap3A_216], %gather3A_215 {strides = array<i32>} : memref<6272xf32, #tpu.memory_space<vmem>>, vector<16xf32>,
      %scan3A_218 = arith.constant 4 : i32
      %scan3A_219 = arith.addi %scan3A_170, %scan3A_218 : i32
      %mul3A_220 = arith.constant 1 : i32
      %mul3A_221 = arith.muli %scan3A_219, %mul3A_220 : i32
      %add3A_222 = arith.constant 0 : i32
      %add3A_223 = arith.addi %add3A_222, %mul3A_221 : i32
      %mul3A_224 = arith.constant 16 : i32
      %mul3A_225 = arith.muli %add3A_223, %mul3A_224 : i32
      %get3A_226 = arith.index_cast %mul3A_225 : i32 to index
      %get3A_227 = tpu.vector_load %arg8[%get3A_226] {strides = array<i32>} : memref<6272xi32, #tpu.memory_space<vmem>>, vector<16xi32>,
      %gather3A_228 = tpu.vector_load_idx %arg7[%get3A_227] : memref<50000xf32, #tpu.memory_space<vmem>>[vector<16xi32>], vector<16xf32>,
      %swap3A_229 = arith.index_cast %mul3A_225 : i32 to index
      %swap3A_230 = tpu.vector_load %arg9[%swap3A_229] {strides = array<i32>} : memref<6272xf32, #tpu.memory_space<vmem>>, vector<16xf32>,
      tpu.vector_store %arg9[%swap3A_229], %gather3A_228 {strides = array<i32>} : memref<6272xf32, #tpu.memory_space<vmem>>, vector<16xf32>,
      %scan3A_231 = arith.constant 5 : i32
      %scan3A_232 = arith.addi %scan3A_170, %scan3A_231 : i32
      %mul3A_233 = arith.constant 1 : i32
      %mul3A_234 = arith.muli %scan3A_232, %mul3A_233 : i32
      %add3A_235 = arith.constant 0 : i32
      %add3A_236 = arith.addi %add3A_235, %mul3A_234 : i32
      %mul3A_237 = arith.constant 16 : i32
      %mul3A_238 = arith.muli %add3A_236, %mul3A_237 : i32
      %get3A_239 = arith.index_cast %mul3A_238 : i32 to index
      %get3A_240 = tpu.vector_load %arg8[%get3A_239] {strides = array<i32>} : memref<6272xi32, #tpu.memory_space<vmem>>, vector<16xi32>,
      %gather3A_241 = tpu.vector_load_idx %arg7[%get3A_240] : memref<50000xf32, #tpu.memory_space<vmem>>[vector<16xi32>], vector<16xf32>,
      %swap3A_242 = arith.index_cast %mul3A_238 : i32 to index
      %swap3A_243 = tpu.vector_load %arg9[%swap3A_242] {strides = array<i32>} : memref<6272xf32, #tpu.memory_space<vmem>>, vector<16xf32>,
      tpu.vector_store %arg9[%swap3A_242], %gather3A_241 {strides = array<i32>} : memref<6272xf32, #tpu.memory_space<vmem>>, vector<16xf32>,
      %scan3A_244 = arith.constant 6 : i32
      %scan3A_245 = arith.addi %scan3A_170, %scan3A_244 : i32
      %mul3A_246 = arith.constant 1 : i32
      %mul3A_247 = arith.muli %scan3A_245, %mul3A_246 : i32
      %add3A_248 = arith.constant 0 : i32
      %add3A_249 = arith.addi %add3A_248, %mul3A_247 : i32
      %mul3A_250 = arith.constant 16 : i32
      %mul3A_251 = arith.muli %add3A_249, %mul3A_250 : i32
      %get3A_252 = arith.index_cast %mul3A_251 : i32 to index
      %get3A_253 = tpu.vector_load %arg8[%get3A_252] {strides = array<i32>} : memref<6272xi32, #tpu.memory_space<vmem>>, vector<16xi32>,
      %gather3A_254 = tpu.vector_load_idx %arg7[%get3A_253] : memref<50000xf32, #tpu.memory_space<vmem>>[vector<16xi32>], vector<16xf32>,
      %swap3A_255 = arith.index_cast %mul3A_251 : i32 to index
      %swap3A_256 = tpu.vector_load %arg9[%swap3A_255] {strides = array<i32>} : memref<6272xf32, #tpu.memory_space<vmem>>, vector<16xf32>,
      tpu.vector_store %arg9[%swap3A_255], %gather3A_254 {strides = array<i32>} : memref<6272xf32, #tpu.memory_space<vmem>>, vector<16xf32>,
      %scan3A_257 = arith.constant 7 : i32
      %scan3A_258 = arith.addi %scan3A_170, %scan3A_257 : i32
      %mul3A_259 = arith.constant 1 : i32
      %mul3A_260 = arith.muli %scan3A_258, %mul3A_259 : i32
      %add3A_261 = arith.constant 0 : i32
      %add3A_262 = arith.addi %add3A_261, %mul3A_260 : i32
      %mul3A_263 = arith.constant 16 : i32
      %mul3A_264 = arith.muli %add3A_262, %mul3A_263 : i32
      %get3A_265 = arith.index_cast %mul3A_264 : i32 to index
      %get3A_266 = tpu.vector_load %arg8[%get3A_265] {strides = array<i32>} : memref<6272xi32, #tpu.memory_space<vmem>>, vector<16xi32>,
      %gather3A_267 = tpu.vector_load_idx %arg7[%get3A_266] : memref<50000xf32, #tpu.memory_space<vmem>>[vector<16xi32>], vector<16xf32>,
      %swap3A_268 = arith.index_cast %mul3A_264 : i32 to index
      %swap3A_269 = tpu.vector_load %arg9[%swap3A_268] {strides = array<i32>} : memref<6272xf32, #tpu.memory_space<vmem>>, vector<16xf32>,
      tpu.vector_store %arg9[%swap3A_268], %gather3A_267 {strides = array<i32>} : memref<6272xf32, #tpu.memory_space<vmem>>, vector<16xf32>,
    }
    %scan3A_36 = arith.constant 392 : i32
    "tpu.region"() ({
      %run_scoped3A = tpu.sem_alloc : memref<!tpu.dma_semaphore, #tpu.memory_space<semaphore_mem>>
      %dma_start3A = tpu.memref_slice %arg4[%add3A_31] : memref<1605632xf32, #tpu.memory_space<hbm>> -> memref<6272xf32, #tpu.memory_space<hbm>>
      %dma_start3A_170 = tpu.memref_slice %arg4[%add3A_31] : memref<1605632xf32, #tpu.memory_space<hbm>> -> memref<6272xf32, #tpu.memory_space<hbm>>
      tpu.enqueue_dma source(%arg9 : memref<6272xf32, #tpu.memory_space<vmem>>) target(%dma_start3A_170 : memref<6272xf32, #tpu.memory_space<hbm>>) target_semaphore(%run_scoped3A : memref<!tpu.dma_semaphore, #tpu.memory_space<semaphore_mem>>)
      %dma_wait3A = tpu.memref_slice %arg4[%add3A_31] : memref<1605632xf32, #tpu.memory_space<hbm>> -> memref<6272xf32, #tpu.memory_space<hbm>>
      %dma_wait3A_171 = tpu.memref_slice %arg4[%add3A_31] : memref<1605632xf32, #tpu.memory_space<hbm>> -> memref<6272xf32, #tpu.memory_space<hbm>>
      tpu.wait_dma2 semaphore(%run_scoped3A : memref<!tpu.dma_semaphore, #tpu.memory_space<semaphore_mem>>) src(%arg9 : memref<6272xf32, #tpu.memory_space<vmem>>) dst(%dma_wait3A_171 : memref<6272xf32, #tpu.memory_space<hbm>>)
      tpu.yield
    }) : () -> ()
    %add3A_37 = arith.constant 31360 : i32
    %add3A_38 = arith.addi %mul3A_2, %add3A_37 : i32
    "tpu.region"() ({
      %run_scoped3A = tpu.sem_alloc : memref<!tpu.dma_semaphore, #tpu.memory_space<semaphore_mem>>
      %dma_start3A = tpu.memref_slice %arg3[%add3A_38] : memref<1605632xi32, #tpu.memory_space<hbm>> -> memref<6272xi32, #tpu.memory_space<hbm>>
      %dma_start3A_170 = tpu.memref_slice %arg3[%add3A_38] : memref<1605632xi32, #tpu.memory_space<hbm>> -> memref<6272xi32, #tpu.memory_space<hbm>>
      tpu.enqueue_dma source(%dma_start3A_170 : memref<6272xi32, #tpu.memory_space<hbm>>) target(%arg8 : memref<6272xi32, #tpu.memory_space<vmem>>) target_semaphore(%run_scoped3A : memref<!tpu.dma_semaphore, #tpu.memory_space<semaphore_mem>>)
      %dma_wait3A = tpu.memref_slice %arg3[%add3A_38] : memref<1605632xi32, #tpu.memory_space<hbm>> -> memref<6272xi32, #tpu.memory_space<hbm>>
      %dma_wait3A_171 = tpu.memref_slice %arg3[%add3A_38] : memref<1605632xi32, #tpu.memory_space<hbm>> -> memref<6272xi32, #tpu.memory_space<hbm>>
      tpu.wait_dma2 semaphore(%run_scoped3A : memref<!tpu.dma_semaphore, #tpu.memory_space<semaphore_mem>>) src(%dma_wait3A_171 : memref<6272xi32, #tpu.memory_space<hbm>>) dst(%arg8 : memref<6272xi32, #tpu.memory_space<vmem>>)
      tpu.yield
    }) : () -> ()
    %scan3A_39 = arith.constant 0 : i32
    %scan3A_40 = arith.constant 392 : i32
    %scan3A_41 = arith.addi %scan3A_39, %scan3A_40 : i32
    %scan3A_42 = arith.constant 8 : i32
    scf.for %scan3A_170 = %scan3A_39 to %scan3A_41 step %scan3A_42  : i32 {
      %mul3A_171 = arith.constant 1 : i32
      %mul3A_172 = arith.muli %scan3A_170, %mul3A_171 : i32
      %add3A_173 = arith.constant 0 : i32
      %add3A_174 = arith.addi %add3A_173, %mul3A_172 : i32
      %mul3A_175 = arith.constant 16 : i32
      %mul3A_176 = arith.muli %add3A_174, %mul3A_175 : i32
      %get3A = arith.index_cast %mul3A_176 : i32 to index
      %get3A_177 = tpu.vector_load %arg8[%get3A] {strides = array<i32>} : memref<6272xi32, #tpu.memory_space<vmem>>, vector<16xi32>,
      %gather3A = tpu.vector_load_idx %arg7[%get3A_177] : memref<50000xf32, #tpu.memory_space<vmem>>[vector<16xi32>], vector<16xf32>,
      %swap3A = arith.index_cast %mul3A_176 : i32 to index
      %swap3A_178 = tpu.vector_load %arg9[%swap3A] {strides = array<i32>} : memref<6272xf32, #tpu.memory_space<vmem>>, vector<16xf32>,
      tpu.vector_store %arg9[%swap3A], %gather3A {strides = array<i32>} : memref<6272xf32, #tpu.memory_space<vmem>>, vector<16xf32>,
      %scan3A_179 = arith.constant 1 : i32
      %scan3A_180 = arith.addi %scan3A_170, %scan3A_179 : i32
      %mul3A_181 = arith.constant 1 : i32
      %mul3A_182 = arith.muli %scan3A_180, %mul3A_181 : i32
      %add3A_183 = arith.constant 0 : i32
      %add3A_184 = arith.addi %add3A_183, %mul3A_182 : i32
      %mul3A_185 = arith.constant 16 : i32
      %mul3A_186 = arith.muli %add3A_184, %mul3A_185 : i32
      %get3A_187 = arith.index_cast %mul3A_186 : i32 to index
      %get3A_188 = tpu.vector_load %arg8[%get3A_187] {strides = array<i32>} : memref<6272xi32, #tpu.memory_space<vmem>>, vector<16xi32>,
      %gather3A_189 = tpu.vector_load_idx %arg7[%get3A_188] : memref<50000xf32, #tpu.memory_space<vmem>>[vector<16xi32>], vector<16xf32>,
      %swap3A_190 = arith.index_cast %mul3A_186 : i32 to index
      %swap3A_191 = tpu.vector_load %arg9[%swap3A_190] {strides = array<i32>} : memref<6272xf32, #tpu.memory_space<vmem>>, vector<16xf32>,
      tpu.vector_store %arg9[%swap3A_190], %gather3A_189 {strides = array<i32>} : memref<6272xf32, #tpu.memory_space<vmem>>, vector<16xf32>,
      %scan3A_192 = arith.constant 2 : i32
      %scan3A_193 = arith.addi %scan3A_170, %scan3A_192 : i32
      %mul3A_194 = arith.constant 1 : i32
      %mul3A_195 = arith.muli %scan3A_193, %mul3A_194 : i32
      %add3A_196 = arith.constant 0 : i32
      %add3A_197 = arith.addi %add3A_196, %mul3A_195 : i32
      %mul3A_198 = arith.constant 16 : i32
      %mul3A_199 = arith.muli %add3A_197, %mul3A_198 : i32
      %get3A_200 = arith.index_cast %mul3A_199 : i32 to index
      %get3A_201 = tpu.vector_load %arg8[%get3A_200] {strides = array<i32>} : memref<6272xi32, #tpu.memory_space<vmem>>, vector<16xi32>,
      %gather3A_202 = tpu.vector_load_idx %arg7[%get3A_201] : memref<50000xf32, #tpu.memory_space<vmem>>[vector<16xi32>], vector<16xf32>,
      %swap3A_203 = arith.index_cast %mul3A_199 : i32 to index
      %swap3A_204 = tpu.vector_load %arg9[%swap3A_203] {strides = array<i32>} : memref<6272xf32, #tpu.memory_space<vmem>>, vector<16xf32>,
      tpu.vector_store %arg9[%swap3A_203], %gather3A_202 {strides = array<i32>} : memref<6272xf32, #tpu.memory_space<vmem>>, vector<16xf32>,
      %scan3A_205 = arith.constant 3 : i32
      %scan3A_206 = arith.addi %scan3A_170, %scan3A_205 : i32
      %mul3A_207 = arith.constant 1 : i32
      %mul3A_208 = arith.muli %scan3A_206, %mul3A_207 : i32
      %add3A_209 = arith.constant 0 : i32
      %add3A_210 = arith.addi %add3A_209, %mul3A_208 : i32
      %mul3A_211 = arith.constant 16 : i32
      %mul3A_212 = arith.muli %add3A_210, %mul3A_211 : i32
      %get3A_213 = arith.index_cast %mul3A_212 : i32 to index
      %get3A_214 = tpu.vector_load %arg8[%get3A_213] {strides = array<i32>} : memref<6272xi32, #tpu.memory_space<vmem>>, vector<16xi32>,
      %gather3A_215 = tpu.vector_load_idx %arg7[%get3A_214] : memref<50000xf32, #tpu.memory_space<vmem>>[vector<16xi32>], vector<16xf32>,
      %swap3A_216 = arith.index_cast %mul3A_212 : i32 to index
      %swap3A_217 = tpu.vector_load %arg9[%swap3A_216] {strides = array<i32>} : memref<6272xf32, #tpu.memory_space<vmem>>, vector<16xf32>,
      tpu.vector_store %arg9[%swap3A_216], %gather3A_215 {strides = array<i32>} : memref<6272xf32, #tpu.memory_space<vmem>>, vector<16xf32>,
      %scan3A_218 = arith.constant 4 : i32
      %scan3A_219 = arith.addi %scan3A_170, %scan3A_218 : i32
      %mul3A_220 = arith.constant 1 : i32
      %mul3A_221 = arith.muli %scan3A_219, %mul3A_220 : i32
      %add3A_222 = arith.constant 0 : i32
      %add3A_223 = arith.addi %add3A_222, %mul3A_221 : i32
      %mul3A_224 = arith.constant 16 : i32
      %mul3A_225 = arith.muli %add3A_223, %mul3A_224 : i32
      %get3A_226 = arith.index_cast %mul3A_225 : i32 to index
      %get3A_227 = tpu.vector_load %arg8[%get3A_226] {strides = array<i32>} : memref<6272xi32, #tpu.memory_space<vmem>>, vector<16xi32>,
      %gather3A_228 = tpu.vector_load_idx %arg7[%get3A_227] : memref<50000xf32, #tpu.memory_space<vmem>>[vector<16xi32>], vector<16xf32>,
      %swap3A_229 = arith.index_cast %mul3A_225 : i32 to index
      %swap3A_230 = tpu.vector_load %arg9[%swap3A_229] {strides = array<i32>} : memref<6272xf32, #tpu.memory_space<vmem>>, vector<16xf32>,
      tpu.vector_store %arg9[%swap3A_229], %gather3A_228 {strides = array<i32>} : memref<6272xf32, #tpu.memory_space<vmem>>, vector<16xf32>,
      %scan3A_231 = arith.constant 5 : i32
      %scan3A_232 = arith.addi %scan3A_170, %scan3A_231 : i32
      %mul3A_233 = arith.constant 1 : i32
      %mul3A_234 = arith.muli %scan3A_232, %mul3A_233 : i32
      %add3A_235 = arith.constant 0 : i32
      %add3A_236 = arith.addi %add3A_235, %mul3A_234 : i32
      %mul3A_237 = arith.constant 16 : i32
      %mul3A_238 = arith.muli %add3A_236, %mul3A_237 : i32
      %get3A_239 = arith.index_cast %mul3A_238 : i32 to index
      %get3A_240 = tpu.vector_load %arg8[%get3A_239] {strides = array<i32>} : memref<6272xi32, #tpu.memory_space<vmem>>, vector<16xi32>,
      %gather3A_241 = tpu.vector_load_idx %arg7[%get3A_240] : memref<50000xf32, #tpu.memory_space<vmem>>[vector<16xi32>], vector<16xf32>,
      %swap3A_242 = arith.index_cast %mul3A_238 : i32 to index
      %swap3A_243 = tpu.vector_load %arg9[%swap3A_242] {strides = array<i32>} : memref<6272xf32, #tpu.memory_space<vmem>>, vector<16xf32>,
      tpu.vector_store %arg9[%swap3A_242], %gather3A_241 {strides = array<i32>} : memref<6272xf32, #tpu.memory_space<vmem>>, vector<16xf32>,
      %scan3A_244 = arith.constant 6 : i32
      %scan3A_245 = arith.addi %scan3A_170, %scan3A_244 : i32
      %mul3A_246 = arith.constant 1 : i32
      %mul3A_247 = arith.muli %scan3A_245, %mul3A_246 : i32
      %add3A_248 = arith.constant 0 : i32
      %add3A_249 = arith.addi %add3A_248, %mul3A_247 : i32
      %mul3A_250 = arith.constant 16 : i32
      %mul3A_251 = arith.muli %add3A_249, %mul3A_250 : i32
      %get3A_252 = arith.index_cast %mul3A_251 : i32 to index
      %get3A_253 = tpu.vector_load %arg8[%get3A_252] {strides = array<i32>} : memref<6272xi32, #tpu.memory_space<vmem>>, vector<16xi32>,
      %gather3A_254 = tpu.vector_load_idx %arg7[%get3A_253] : memref<50000xf32, #tpu.memory_space<vmem>>[vector<16xi32>], vector<16xf32>,
      %swap3A_255 = arith.index_cast %mul3A_251 : i32 to index
      %swap3A_256 = tpu.vector_load %arg9[%swap3A_255] {strides = array<i32>} : memref<6272xf32, #tpu.memory_space<vmem>>, vector<16xf32>,
      tpu.vector_store %arg9[%swap3A_255], %gather3A_254 {strides = array<i32>} : memref<6272xf32, #tpu.memory_space<vmem>>, vector<16xf32>,
      %scan3A_257 = arith.constant 7 : i32
      %scan3A_258 = arith.addi %scan3A_170, %scan3A_257 : i32
      %mul3A_259 = arith.constant 1 : i32
      %mul3A_260 = arith.muli %scan3A_258, %mul3A_259 : i32
      %add3A_261 = arith.constant 0 : i32
      %add3A_262 = arith.addi %add3A_261, %mul3A_260 : i32
      %mul3A_263 = arith.constant 16 : i32
      %mul3A_264 = arith.muli %add3A_262, %mul3A_263 : i32
      %get3A_265 = arith.index_cast %mul3A_264 : i32 to index
      %get3A_266 = tpu.vector_load %arg8[%get3A_265] {strides = array<i32>} : memref<6272xi32, #tpu.memory_space<vmem>>, vector<16xi32>,
      %gather3A_267 = tpu.vector_load_idx %arg7[%get3A_266] : memref<50000xf32, #tpu.memory_space<vmem>>[vector<16xi32>], vector<16xf32>,
      %swap3A_268 = arith.index_cast %mul3A_264 : i32 to index
      %swap3A_269 = tpu.vector_load %arg9[%swap3A_268] {strides = array<i32>} : memref<6272xf32, #tpu.memory_space<vmem>>, vector<16xf32>,
      tpu.vector_store %arg9[%swap3A_268], %gather3A_267 {strides = array<i32>} : memref<6272xf32, #tpu.memory_space<vmem>>, vector<16xf32>,
    }
    %scan3A_43 = arith.constant 392 : i32
    "tpu.region"() ({
      %run_scoped3A = tpu.sem_alloc : memref<!tpu.dma_semaphore, #tpu.memory_space<semaphore_mem>>
      %dma_start3A = tpu.memref_slice %arg4[%add3A_38] : memref<1605632xf32, #tpu.memory_space<hbm>> -> memref<6272xf32, #tpu.memory_space<hbm>>
      %dma_start3A_170 = tpu.memref_slice %arg4[%add3A_38] : memref<1605632xf32, #tpu.memory_space<hbm>> -> memref<6272xf32, #tpu.memory_space<hbm>>
      tpu.enqueue_dma source(%arg9 : memref<6272xf32, #tpu.memory_space<vmem>>) target(%dma_start3A_170 : memref<6272xf32, #tpu.memory_space<hbm>>) target_semaphore(%run_scoped3A : memref<!tpu.dma_semaphore, #tpu.memory_space<semaphore_mem>>)
      %dma_wait3A = tpu.memref_slice %arg4[%add3A_38] : memref<1605632xf32, #tpu.memory_space<hbm>> -> memref<6272xf32, #tpu.memory_space<hbm>>
      %dma_wait3A_171 = tpu.memref_slice %arg4[%add3A_38] : memref<1605632xf32, #tpu.memory_space<hbm>> -> memref<6272xf32, #tpu.memory_space<hbm>>
      tpu.wait_dma2 semaphore(%run_scoped3A : memref<!tpu.dma_semaphore, #tpu.memory_space<semaphore_mem>>) src(%arg9 : memref<6272xf32, #tpu.memory_space<vmem>>) dst(%dma_wait3A_171 : memref<6272xf32, #tpu.memory_space<hbm>>)
      tpu.yield
    }) : () -> ()
    %add3A_44 = arith.constant 37632 : i32
    %add3A_45 = arith.addi %mul3A_2, %add3A_44 : i32
    "tpu.region"() ({
      %run_scoped3A = tpu.sem_alloc : memref<!tpu.dma_semaphore, #tpu.memory_space<semaphore_mem>>
      %dma_start3A = tpu.memref_slice %arg3[%add3A_45] : memref<1605632xi32, #tpu.memory_space<hbm>> -> memref<6272xi32, #tpu.memory_space<hbm>>
      %dma_start3A_170 = tpu.memref_slice %arg3[%add3A_45] : memref<1605632xi32, #tpu.memory_space<hbm>> -> memref<6272xi32, #tpu.memory_space<hbm>>
      tpu.enqueue_dma source(%dma_start3A_170 : memref<6272xi32, #tpu.memory_space<hbm>>) target(%arg8 : memref<6272xi32, #tpu.memory_space<vmem>>) target_semaphore(%run_scoped3A : memref<!tpu.dma_semaphore, #tpu.memory_space<semaphore_mem>>)
      %dma_wait3A = tpu.memref_slice %arg3[%add3A_45] : memref<1605632xi32, #tpu.memory_space<hbm>> -> memref<6272xi32, #tpu.memory_space<hbm>>
      %dma_wait3A_171 = tpu.memref_slice %arg3[%add3A_45] : memref<1605632xi32, #tpu.memory_space<hbm>> -> memref<6272xi32, #tpu.memory_space<hbm>>
      tpu.wait_dma2 semaphore(%run_scoped3A : memref<!tpu.dma_semaphore, #tpu.memory_space<semaphore_mem>>) src(%dma_wait3A_171 : memref<6272xi32, #tpu.memory_space<hbm>>) dst(%arg8 : memref<6272xi32, #tpu.memory_space<vmem>>)
      tpu.yield
    }) : () -> ()
    %scan3A_46 = arith.constant 0 : i32
    %scan3A_47 = arith.constant 392 : i32
    %scan3A_48 = arith.addi %scan3A_46, %scan3A_47 : i32
    %scan3A_49 = arith.constant 8 : i32
    scf.for %scan3A_170 = %scan3A_46 to %scan3A_48 step %scan3A_49  : i32 {
      %mul3A_171 = arith.constant 1 : i32
      %mul3A_172 = arith.muli %scan3A_170, %mul3A_171 : i32
      %add3A_173 = arith.constant 0 : i32
      %add3A_174 = arith.addi %add3A_173, %mul3A_172 : i32
      %mul3A_175 = arith.constant 16 : i32
      %mul3A_176 = arith.muli %add3A_174, %mul3A_175 : i32
      %get3A = arith.index_cast %mul3A_176 : i32 to index
      %get3A_177 = tpu.vector_load %arg8[%get3A] {strides = array<i32>} : memref<6272xi32, #tpu.memory_space<vmem>>, vector<16xi32>,
      %gather3A = tpu.vector_load_idx %arg7[%get3A_177] : memref<50000xf32, #tpu.memory_space<vmem>>[vector<16xi32>], vector<16xf32>,
      %swap3A = arith.index_cast %mul3A_176 : i32 to index
      %swap3A_178 = tpu.vector_load %arg9[%swap3A] {strides = array<i32>} : memref<6272xf32, #tpu.memory_space<vmem>>, vector<16xf32>,
      tpu.vector_store %arg9[%swap3A], %gather3A {strides = array<i32>} : memref<6272xf32, #tpu.memory_space<vmem>>, vector<16xf32>,
      %scan3A_179 = arith.constant 1 : i32
      %scan3A_180 = arith.addi %scan3A_170, %scan3A_179 : i32
      %mul3A_181 = arith.constant 1 : i32
      %mul3A_182 = arith.muli %scan3A_180, %mul3A_181 : i32
      %add3A_183 = arith.constant 0 : i32
      %add3A_184 = arith.addi %add3A_183, %mul3A_182 : i32
      %mul3A_185 = arith.constant 16 : i32
      %mul3A_186 = arith.muli %add3A_184, %mul3A_185 : i32
      %get3A_187 = arith.index_cast %mul3A_186 : i32 to index
      %get3A_188 = tpu.vector_load %arg8[%get3A_187] {strides = array<i32>} : memref<6272xi32, #tpu.memory_space<vmem>>, vector<16xi32>,
      %gather3A_189 = tpu.vector_load_idx %arg7[%get3A_188] : memref<50000xf32, #tpu.memory_space<vmem>>[vector<16xi32>], vector<16xf32>,
      %swap3A_190 = arith.index_cast %mul3A_186 : i32 to index
      %swap3A_191 = tpu.vector_load %arg9[%swap3A_190] {strides = array<i32>} : memref<6272xf32, #tpu.memory_space<vmem>>, vector<16xf32>,
      tpu.vector_store %arg9[%swap3A_190], %gather3A_189 {strides = array<i32>} : memref<6272xf32, #tpu.memory_space<vmem>>, vector<16xf32>,
      %scan3A_192 = arith.constant 2 : i32
      %scan3A_193 = arith.addi %scan3A_170, %scan3A_192 : i32
      %mul3A_194 = arith.constant 1 : i32
      %mul3A_195 = arith.muli %scan3A_193, %mul3A_194 : i32
      %add3A_196 = arith.constant 0 : i32
      %add3A_197 = arith.addi %add3A_196, %mul3A_195 : i32
      %mul3A_198 = arith.constant 16 : i32
      %mul3A_199 = arith.muli %add3A_197, %mul3A_198 : i32
      %get3A_200 = arith.index_cast %mul3A_199 : i32 to index
      %get3A_201 = tpu.vector_load %arg8[%get3A_200] {strides = array<i32>} : memref<6272xi32, #tpu.memory_space<vmem>>, vector<16xi32>,
      %gather3A_202 = tpu.vector_load_idx %arg7[%get3A_201] : memref<50000xf32, #tpu.memory_space<vmem>>[vector<16xi32>], vector<16xf32>,
      %swap3A_203 = arith.index_cast %mul3A_199 : i32 to index
      %swap3A_204 = tpu.vector_load %arg9[%swap3A_203] {strides = array<i32>} : memref<6272xf32, #tpu.memory_space<vmem>>, vector<16xf32>,
      tpu.vector_store %arg9[%swap3A_203], %gather3A_202 {strides = array<i32>} : memref<6272xf32, #tpu.memory_space<vmem>>, vector<16xf32>,
      %scan3A_205 = arith.constant 3 : i32
      %scan3A_206 = arith.addi %scan3A_170, %scan3A_205 : i32
      %mul3A_207 = arith.constant 1 : i32
      %mul3A_208 = arith.muli %scan3A_206, %mul3A_207 : i32
      %add3A_209 = arith.constant 0 : i32
      %add3A_210 = arith.addi %add3A_209, %mul3A_208 : i32
      %mul3A_211 = arith.constant 16 : i32
      %mul3A_212 = arith.muli %add3A_210, %mul3A_211 : i32
      %get3A_213 = arith.index_cast %mul3A_212 : i32 to index
      %get3A_214 = tpu.vector_load %arg8[%get3A_213] {strides = array<i32>} : memref<6272xi32, #tpu.memory_space<vmem>>, vector<16xi32>,
      %gather3A_215 = tpu.vector_load_idx %arg7[%get3A_214] : memref<50000xf32, #tpu.memory_space<vmem>>[vector<16xi32>], vector<16xf32>,
      %swap3A_216 = arith.index_cast %mul3A_212 : i32 to index
      %swap3A_217 = tpu.vector_load %arg9[%swap3A_216] {strides = array<i32>} : memref<6272xf32, #tpu.memory_space<vmem>>, vector<16xf32>,
      tpu.vector_store %arg9[%swap3A_216], %gather3A_215 {strides = array<i32>} : memref<6272xf32, #tpu.memory_space<vmem>>, vector<16xf32>,
      %scan3A_218 = arith.constant 4 : i32
      %scan3A_219 = arith.addi %scan3A_170, %scan3A_218 : i32
      %mul3A_220 = arith.constant 1 : i32
      %mul3A_221 = arith.muli %scan3A_219, %mul3A_220 : i32
      %add3A_222 = arith.constant 0 : i32
      %add3A_223 = arith.addi %add3A_222, %mul3A_221 : i32
      %mul3A_224 = arith.constant 16 : i32
      %mul3A_225 = arith.muli %add3A_223, %mul3A_224 : i32
      %get3A_226 = arith.index_cast %mul3A_225 : i32 to index
      %get3A_227 = tpu.vector_load %arg8[%get3A_226] {strides = array<i32>} : memref<6272xi32, #tpu.memory_space<vmem>>, vector<16xi32>,
      %gather3A_228 = tpu.vector_load_idx %arg7[%get3A_227] : memref<50000xf32, #tpu.memory_space<vmem>>[vector<16xi32>], vector<16xf32>,
      %swap3A_229 = arith.index_cast %mul3A_225 : i32 to index
      %swap3A_230 = tpu.vector_load %arg9[%swap3A_229] {strides = array<i32>} : memref<6272xf32, #tpu.memory_space<vmem>>, vector<16xf32>,
      tpu.vector_store %arg9[%swap3A_229], %gather3A_228 {strides = array<i32>} : memref<6272xf32, #tpu.memory_space<vmem>>, vector<16xf32>,
      %scan3A_231 = arith.constant 5 : i32
      %scan3A_232 = arith.addi %scan3A_170, %scan3A_231 : i32
      %mul3A_233 = arith.constant 1 : i32
      %mul3A_234 = arith.muli %scan3A_232, %mul3A_233 : i32
      %add3A_235 = arith.constant 0 : i32
      %add3A_236 = arith.addi %add3A_235, %mul3A_234 : i32
      %mul3A_237 = arith.constant 16 : i32
      %mul3A_238 = arith.muli %add3A_236, %mul3A_237 : i32
      %get3A_239 = arith.index_cast %mul3A_238 : i32 to index
      %get3A_240 = tpu.vector_load %arg8[%get3A_239] {strides = array<i32>} : memref<6272xi32, #tpu.memory_space<vmem>>, vector<16xi32>,
      %gather3A_241 = tpu.vector_load_idx %arg7[%get3A_240] : memref<50000xf32, #tpu.memory_space<vmem>>[vector<16xi32>], vector<16xf32>,
      %swap3A_242 = arith.index_cast %mul3A_238 : i32 to index
      %swap3A_243 = tpu.vector_load %arg9[%swap3A_242] {strides = array<i32>} : memref<6272xf32, #tpu.memory_space<vmem>>, vector<16xf32>,
      tpu.vector_store %arg9[%swap3A_242], %gather3A_241 {strides = array<i32>} : memref<6272xf32, #tpu.memory_space<vmem>>, vector<16xf32>,
      %scan3A_244 = arith.constant 6 : i32
      %scan3A_245 = arith.addi %scan3A_170, %scan3A_244 : i32
      %mul3A_246 = arith.constant 1 : i32
      %mul3A_247 = arith.muli %scan3A_245, %mul3A_246 : i32
      %add3A_248 = arith.constant 0 : i32
      %add3A_249 = arith.addi %add3A_248, %mul3A_247 : i32
      %mul3A_250 = arith.constant 16 : i32
      %mul3A_251 = arith.muli %add3A_249, %mul3A_250 : i32
      %get3A_252 = arith.index_cast %mul3A_251 : i32 to index
      %get3A_253 = tpu.vector_load %arg8[%get3A_252] {strides = array<i32>} : memref<6272xi32, #tpu.memory_space<vmem>>, vector<16xi32>,
      %gather3A_254 = tpu.vector_load_idx %arg7[%get3A_253] : memref<50000xf32, #tpu.memory_space<vmem>>[vector<16xi32>], vector<16xf32>,
      %swap3A_255 = arith.index_cast %mul3A_251 : i32 to index
      %swap3A_256 = tpu.vector_load %arg9[%swap3A_255] {strides = array<i32>} : memref<6272xf32, #tpu.memory_space<vmem>>, vector<16xf32>,
      tpu.vector_store %arg9[%swap3A_255], %gather3A_254 {strides = array<i32>} : memref<6272xf32, #tpu.memory_space<vmem>>, vector<16xf32>,
      %scan3A_257 = arith.constant 7 : i32
      %scan3A_258 = arith.addi %scan3A_170, %scan3A_257 : i32
      %mul3A_259 = arith.constant 1 : i32
      %mul3A_260 = arith.muli %scan3A_258, %mul3A_259 : i32
      %add3A_261 = arith.constant 0 : i32
      %add3A_262 = arith.addi %add3A_261, %mul3A_260 : i32
      %mul3A_263 = arith.constant 16 : i32
      %mul3A_264 = arith.muli %add3A_262, %mul3A_263 : i32
      %get3A_265 = arith.index_cast %mul3A_264 : i32 to index
      %get3A_266 = tpu.vector_load %arg8[%get3A_265] {strides = array<i32>} : memref<6272xi32, #tpu.memory_space<vmem>>, vector<16xi32>,
      %gather3A_267 = tpu.vector_load_idx %arg7[%get3A_266] : memref<50000xf32, #tpu.memory_space<vmem>>[vector<16xi32>], vector<16xf32>,
      %swap3A_268 = arith.index_cast %mul3A_264 : i32 to index
      %swap3A_269 = tpu.vector_load %arg9[%swap3A_268] {strides = array<i32>} : memref<6272xf32, #tpu.memory_space<vmem>>, vector<16xf32>,
      tpu.vector_store %arg9[%swap3A_268], %gather3A_267 {strides = array<i32>} : memref<6272xf32, #tpu.memory_space<vmem>>, vector<16xf32>,
    }
    %scan3A_50 = arith.constant 392 : i32
    "tpu.region"() ({
      %run_scoped3A = tpu.sem_alloc : memref<!tpu.dma_semaphore, #tpu.memory_space<semaphore_mem>>
      %dma_start3A = tpu.memref_slice %arg4[%add3A_45] : memref<1605632xf32, #tpu.memory_space<hbm>> -> memref<6272xf32, #tpu.memory_space<hbm>>
      %dma_start3A_170 = tpu.memref_slice %arg4[%add3A_45] : memref<1605632xf32, #tpu.memory_space<hbm>> -> memref<6272xf32, #tpu.memory_space<hbm>>
      tpu.enqueue_dma source(%arg9 : memref<6272xf32, #tpu.memory_space<vmem>>) target(%dma_start3A_170 : memref<6272xf32, #tpu.memory_space<hbm>>) target_semaphore(%run_scoped3A : memref<!tpu.dma_semaphore, #tpu.memory_space<semaphore_mem>>)
      %dma_wait3A = tpu.memref_slice %arg4[%add3A_45] : memref<1605632xf32, #tpu.memory_space<hbm>> -> memref<6272xf32, #tpu.memory_space<hbm>>
      %dma_wait3A_171 = tpu.memref_slice %arg4[%add3A_45] : memref<1605632xf32, #tpu.memory_space<hbm>> -> memref<6272xf32, #tpu.memory_space<hbm>>
      tpu.wait_dma2 semaphore(%run_scoped3A : memref<!tpu.dma_semaphore, #tpu.memory_space<semaphore_mem>>) src(%arg9 : memref<6272xf32, #tpu.memory_space<vmem>>) dst(%dma_wait3A_171 : memref<6272xf32, #tpu.memory_space<hbm>>)
      tpu.yield
    }) : () -> ()
    %add3A_51 = arith.constant 43904 : i32
    %add3A_52 = arith.addi %mul3A_2, %add3A_51 : i32
    "tpu.region"() ({
      %run_scoped3A = tpu.sem_alloc : memref<!tpu.dma_semaphore, #tpu.memory_space<semaphore_mem>>
      %dma_start3A = tpu.memref_slice %arg3[%add3A_52] : memref<1605632xi32, #tpu.memory_space<hbm>> -> memref<6272xi32, #tpu.memory_space<hbm>>
      %dma_start3A_170 = tpu.memref_slice %arg3[%add3A_52] : memref<1605632xi32, #tpu.memory_space<hbm>> -> memref<6272xi32, #tpu.memory_space<hbm>>
      tpu.enqueue_dma source(%dma_start3A_170 : memref<6272xi32, #tpu.memory_space<hbm>>) target(%arg8 : memref<6272xi32, #tpu.memory_space<vmem>>) target_semaphore(%run_scoped3A : memref<!tpu.dma_semaphore, #tpu.memory_space<semaphore_mem>>)
      %dma_wait3A = tpu.memref_slice %arg3[%add3A_52] : memref<1605632xi32, #tpu.memory_space<hbm>> -> memref<6272xi32, #tpu.memory_space<hbm>>
      %dma_wait3A_171 = tpu.memref_slice %arg3[%add3A_52] : memref<1605632xi32, #tpu.memory_space<hbm>> -> memref<6272xi32, #tpu.memory_space<hbm>>
      tpu.wait_dma2 semaphore(%run_scoped3A : memref<!tpu.dma_semaphore, #tpu.memory_space<semaphore_mem>>) src(%dma_wait3A_171 : memref<6272xi32, #tpu.memory_space<hbm>>) dst(%arg8 : memref<6272xi32, #tpu.memory_space<vmem>>)
      tpu.yield
    }) : () -> ()
    %scan3A_53 = arith.constant 0 : i32
    %scan3A_54 = arith.constant 392 : i32
    %scan3A_55 = arith.addi %scan3A_53, %scan3A_54 : i32
    %scan3A_56 = arith.constant 8 : i32
    scf.for %scan3A_170 = %scan3A_53 to %scan3A_55 step %scan3A_56  : i32 {
      %mul3A_171 = arith.constant 1 : i32
      %mul3A_172 = arith.muli %scan3A_170, %mul3A_171 : i32
      %add3A_173 = arith.constant 0 : i32
      %add3A_174 = arith.addi %add3A_173, %mul3A_172 : i32
      %mul3A_175 = arith.constant 16 : i32
      %mul3A_176 = arith.muli %add3A_174, %mul3A_175 : i32
      %get3A = arith.index_cast %mul3A_176 : i32 to index
      %get3A_177 = tpu.vector_load %arg8[%get3A] {strides = array<i32>} : memref<6272xi32, #tpu.memory_space<vmem>>, vector<16xi32>,
      %gather3A = tpu.vector_load_idx %arg7[%get3A_177] : memref<50000xf32, #tpu.memory_space<vmem>>[vector<16xi32>], vector<16xf32>,
      %swap3A = arith.index_cast %mul3A_176 : i32 to index
      %swap3A_178 = tpu.vector_load %arg9[%swap3A] {strides = array<i32>} : memref<6272xf32, #tpu.memory_space<vmem>>, vector<16xf32>,
      tpu.vector_store %arg9[%swap3A], %gather3A {strides = array<i32>} : memref<6272xf32, #tpu.memory_space<vmem>>, vector<16xf32>,
      %scan3A_179 = arith.constant 1 : i32
      %scan3A_180 = arith.addi %scan3A_170, %scan3A_179 : i32
      %mul3A_181 = arith.constant 1 : i32
      %mul3A_182 = arith.muli %scan3A_180, %mul3A_181 : i32
      %add3A_183 = arith.constant 0 : i32
      %add3A_184 = arith.addi %add3A_183, %mul3A_182 : i32
      %mul3A_185 = arith.constant 16 : i32
      %mul3A_186 = arith.muli %add3A_184, %mul3A_185 : i32
      %get3A_187 = arith.index_cast %mul3A_186 : i32 to index
      %get3A_188 = tpu.vector_load %arg8[%get3A_187] {strides = array<i32>} : memref<6272xi32, #tpu.memory_space<vmem>>, vector<16xi32>,
      %gather3A_189 = tpu.vector_load_idx %arg7[%get3A_188] : memref<50000xf32, #tpu.memory_space<vmem>>[vector<16xi32>], vector<16xf32>,
      %swap3A_190 = arith.index_cast %mul3A_186 : i32 to index
      %swap3A_191 = tpu.vector_load %arg9[%swap3A_190] {strides = array<i32>} : memref<6272xf32, #tpu.memory_space<vmem>>, vector<16xf32>,
      tpu.vector_store %arg9[%swap3A_190], %gather3A_189 {strides = array<i32>} : memref<6272xf32, #tpu.memory_space<vmem>>, vector<16xf32>,
      %scan3A_192 = arith.constant 2 : i32
      %scan3A_193 = arith.addi %scan3A_170, %scan3A_192 : i32
      %mul3A_194 = arith.constant 1 : i32
      %mul3A_195 = arith.muli %scan3A_193, %mul3A_194 : i32
      %add3A_196 = arith.constant 0 : i32
      %add3A_197 = arith.addi %add3A_196, %mul3A_195 : i32
      %mul3A_198 = arith.constant 16 : i32
      %mul3A_199 = arith.muli %add3A_197, %mul3A_198 : i32
      %get3A_200 = arith.index_cast %mul3A_199 : i32 to index
      %get3A_201 = tpu.vector_load %arg8[%get3A_200] {strides = array<i32>} : memref<6272xi32, #tpu.memory_space<vmem>>, vector<16xi32>,
      %gather3A_202 = tpu.vector_load_idx %arg7[%get3A_201] : memref<50000xf32, #tpu.memory_space<vmem>>[vector<16xi32>], vector<16xf32>,
      %swap3A_203 = arith.index_cast %mul3A_199 : i32 to index
      %swap3A_204 = tpu.vector_load %arg9[%swap3A_203] {strides = array<i32>} : memref<6272xf32, #tpu.memory_space<vmem>>, vector<16xf32>,
      tpu.vector_store %arg9[%swap3A_203], %gather3A_202 {strides = array<i32>} : memref<6272xf32, #tpu.memory_space<vmem>>, vector<16xf32>,
      %scan3A_205 = arith.constant 3 : i32
      %scan3A_206 = arith.addi %scan3A_170, %scan3A_205 : i32
      %mul3A_207 = arith.constant 1 : i32
      %mul3A_208 = arith.muli %scan3A_206, %mul3A_207 : i32
      %add3A_209 = arith.constant 0 : i32
      %add3A_210 = arith.addi %add3A_209, %mul3A_208 : i32
      %mul3A_211 = arith.constant 16 : i32
      %mul3A_212 = arith.muli %add3A_210, %mul3A_211 : i32
      %get3A_213 = arith.index_cast %mul3A_212 : i32 to index
      %get3A_214 = tpu.vector_load %arg8[%get3A_213] {strides = array<i32>} : memref<6272xi32, #tpu.memory_space<vmem>>, vector<16xi32>,
      %gather3A_215 = tpu.vector_load_idx %arg7[%get3A_214] : memref<50000xf32, #tpu.memory_space<vmem>>[vector<16xi32>], vector<16xf32>,
      %swap3A_216 = arith.index_cast %mul3A_212 : i32 to index
      %swap3A_217 = tpu.vector_load %arg9[%swap3A_216] {strides = array<i32>} : memref<6272xf32, #tpu.memory_space<vmem>>, vector<16xf32>,
      tpu.vector_store %arg9[%swap3A_216], %gather3A_215 {strides = array<i32>} : memref<6272xf32, #tpu.memory_space<vmem>>, vector<16xf32>,
      %scan3A_218 = arith.constant 4 : i32
      %scan3A_219 = arith.addi %scan3A_170, %scan3A_218 : i32
      %mul3A_220 = arith.constant 1 : i32
      %mul3A_221 = arith.muli %scan3A_219, %mul3A_220 : i32
      %add3A_222 = arith.constant 0 : i32
      %add3A_223 = arith.addi %add3A_222, %mul3A_221 : i32
      %mul3A_224 = arith.constant 16 : i32
      %mul3A_225 = arith.muli %add3A_223, %mul3A_224 : i32
      %get3A_226 = arith.index_cast %mul3A_225 : i32 to index
      %get3A_227 = tpu.vector_load %arg8[%get3A_226] {strides = array<i32>} : memref<6272xi32, #tpu.memory_space<vmem>>, vector<16xi32>,
      %gather3A_228 = tpu.vector_load_idx %arg7[%get3A_227] : memref<50000xf32, #tpu.memory_space<vmem>>[vector<16xi32>], vector<16xf32>,
      %swap3A_229 = arith.index_cast %mul3A_225 : i32 to index
      %swap3A_230 = tpu.vector_load %arg9[%swap3A_229] {strides = array<i32>} : memref<6272xf32, #tpu.memory_space<vmem>>, vector<16xf32>,
      tpu.vector_store %arg9[%swap3A_229], %gather3A_228 {strides = array<i32>} : memref<6272xf32, #tpu.memory_space<vmem>>, vector<16xf32>,
      %scan3A_231 = arith.constant 5 : i32
      %scan3A_232 = arith.addi %scan3A_170, %scan3A_231 : i32
      %mul3A_233 = arith.constant 1 : i32
      %mul3A_234 = arith.muli %scan3A_232, %mul3A_233 : i32
      %add3A_235 = arith.constant 0 : i32
      %add3A_236 = arith.addi %add3A_235, %mul3A_234 : i32
      %mul3A_237 = arith.constant 16 : i32
      %mul3A_238 = arith.muli %add3A_236, %mul3A_237 : i32
      %get3A_239 = arith.index_cast %mul3A_238 : i32 to index
      %get3A_240 = tpu.vector_load %arg8[%get3A_239] {strides = array<i32>} : memref<6272xi32, #tpu.memory_space<vmem>>, vector<16xi32>,
      %gather3A_241 = tpu.vector_load_idx %arg7[%get3A_240] : memref<50000xf32, #tpu.memory_space<vmem>>[vector<16xi32>], vector<16xf32>,
      %swap3A_242 = arith.index_cast %mul3A_238 : i32 to index
      %swap3A_243 = tpu.vector_load %arg9[%swap3A_242] {strides = array<i32>} : memref<6272xf32, #tpu.memory_space<vmem>>, vector<16xf32>,
      tpu.vector_store %arg9[%swap3A_242], %gather3A_241 {strides = array<i32>} : memref<6272xf32, #tpu.memory_space<vmem>>, vector<16xf32>,
      %scan3A_244 = arith.constant 6 : i32
      %scan3A_245 = arith.addi %scan3A_170, %scan3A_244 : i32
      %mul3A_246 = arith.constant 1 : i32
      %mul3A_247 = arith.muli %scan3A_245, %mul3A_246 : i32
      %add3A_248 = arith.constant 0 : i32
      %add3A_249 = arith.addi %add3A_248, %mul3A_247 : i32
      %mul3A_250 = arith.constant 16 : i32
      %mul3A_251 = arith.muli %add3A_249, %mul3A_250 : i32
      %get3A_252 = arith.index_cast %mul3A_251 : i32 to index
      %get3A_253 = tpu.vector_load %arg8[%get3A_252] {strides = array<i32>} : memref<6272xi32, #tpu.memory_space<vmem>>, vector<16xi32>,
      %gather3A_254 = tpu.vector_load_idx %arg7[%get3A_253] : memref<50000xf32, #tpu.memory_space<vmem>>[vector<16xi32>], vector<16xf32>,
      %swap3A_255 = arith.index_cast %mul3A_251 : i32 to index
      %swap3A_256 = tpu.vector_load %arg9[%swap3A_255] {strides = array<i32>} : memref<6272xf32, #tpu.memory_space<vmem>>, vector<16xf32>,
      tpu.vector_store %arg9[%swap3A_255], %gather3A_254 {strides = array<i32>} : memref<6272xf32, #tpu.memory_space<vmem>>, vector<16xf32>,
      %scan3A_257 = arith.constant 7 : i32
      %scan3A_258 = arith.addi %scan3A_170, %scan3A_257 : i32
      %mul3A_259 = arith.constant 1 : i32
      %mul3A_260 = arith.muli %scan3A_258, %mul3A_259 : i32
      %add3A_261 = arith.constant 0 : i32
      %add3A_262 = arith.addi %add3A_261, %mul3A_260 : i32
      %mul3A_263 = arith.constant 16 : i32
      %mul3A_264 = arith.muli %add3A_262, %mul3A_263 : i32
      %get3A_265 = arith.index_cast %mul3A_264 : i32 to index
      %get3A_266 = tpu.vector_load %arg8[%get3A_265] {strides = array<i32>} : memref<6272xi32, #tpu.memory_space<vmem>>, vector<16xi32>,
      %gather3A_267 = tpu.vector_load_idx %arg7[%get3A_266] : memref<50000xf32, #tpu.memory_space<vmem>>[vector<16xi32>], vector<16xf32>,
      %swap3A_268 = arith.index_cast %mul3A_264 : i32 to index
      %swap3A_269 = tpu.vector_load %arg9[%swap3A_268] {strides = array<i32>} : memref<6272xf32, #tpu.memory_space<vmem>>, vector<16xf32>,
      tpu.vector_store %arg9[%swap3A_268], %gather3A_267 {strides = array<i32>} : memref<6272xf32, #tpu.memory_space<vmem>>, vector<16xf32>,
    }
    %scan3A_57 = arith.constant 392 : i32
    "tpu.region"() ({
      %run_scoped3A = tpu.sem_alloc : memref<!tpu.dma_semaphore, #tpu.memory_space<semaphore_mem>>
      %dma_start3A = tpu.memref_slice %arg4[%add3A_52] : memref<1605632xf32, #tpu.memory_space<hbm>> -> memref<6272xf32, #tpu.memory_space<hbm>>
      %dma_start3A_170 = tpu.memref_slice %arg4[%add3A_52] : memref<1605632xf32, #tpu.memory_space<hbm>> -> memref<6272xf32, #tpu.memory_space<hbm>>
      tpu.enqueue_dma source(%arg9 : memref<6272xf32, #tpu.memory_space<vmem>>) target(%dma_start3A_170 : memref<6272xf32, #tpu.memory_space<hbm>>) target_semaphore(%run_scoped3A : memref<!tpu.dma_semaphore, #tpu.memory_space<semaphore_mem>>)
      %dma_wait3A = tpu.memref_slice %arg4[%add3A_52] : memref<1605632xf32, #tpu.memory_space<hbm>> -> memref<6272xf32, #tpu.memory_space<hbm>>
      %dma_wait3A_171 = tpu.memref_slice %arg4[%add3A_52] : memref<1605632xf32, #tpu.memory_space<hbm>> -> memref<6272xf32, #tpu.memory_space<hbm>>
      tpu.wait_dma2 semaphore(%run_scoped3A : memref<!tpu.dma_semaphore, #tpu.memory_space<semaphore_mem>>) src(%arg9 : memref<6272xf32, #tpu.memory_space<vmem>>) dst(%dma_wait3A_171 : memref<6272xf32, #tpu.memory_space<hbm>>)
      tpu.yield
    }) : () -> ()
    "tpu.region"() ({
      %run_scoped3A = tpu.sem_alloc : memref<!tpu.dma_semaphore, #tpu.memory_space<semaphore_mem>>
      %dma_start3A = arith.constant 50000 : i32
      %dma_start3A_170 = tpu.memref_slice %arg2[%dma_start3A] : memref<150000xf32, #tpu.memory_space<hbm>> -> memref<50000xf32, #tpu.memory_space<hbm>>
      %dma_start3A_171 = arith.constant 50000 : i32
      %dma_start3A_172 = tpu.memref_slice %arg2[%dma_start3A_171] : memref<150000xf32, #tpu.memory_space<hbm>> -> memref<50000xf32, #tpu.memory_space<hbm>>
      tpu.enqueue_dma source(%dma_start3A_172 : memref<50000xf32, #tpu.memory_space<hbm>>) target(%arg7 : memref<50000xf32, #tpu.memory_space<vmem>>) target_semaphore(%run_scoped3A : memref<!tpu.dma_semaphore, #tpu.memory_space<semaphore_mem>>)
      %dma_wait3A = arith.constant 50000 : i32
      %dma_wait3A_173 = tpu.memref_slice %arg2[%dma_wait3A] : memref<150000xf32, #tpu.memory_space<hbm>> -> memref<50000xf32, #tpu.memory_space<hbm>>
      %dma_wait3A_174 = arith.constant 50000 : i32
      %dma_wait3A_175 = tpu.memref_slice %arg2[%dma_wait3A_174] : memref<150000xf32, #tpu.memory_space<hbm>> -> memref<50000xf32, #tpu.memory_space<hbm>>
      tpu.wait_dma2 semaphore(%run_scoped3A : memref<!tpu.dma_semaphore, #tpu.memory_space<semaphore_mem>>) src(%dma_wait3A_175 : memref<50000xf32, #tpu.memory_space<hbm>>) dst(%arg7 : memref<50000xf32, #tpu.memory_space<vmem>>)
      tpu.yield
    }) : () -> ()
    %add3A_58 = arith.constant 0 : i32
    %add3A_59 = arith.addi %mul3A_2, %add3A_58 : i32
    "tpu.region"() ({
      %run_scoped3A = tpu.sem_alloc : memref<!tpu.dma_semaphore, #tpu.memory_space<semaphore_mem>>
      %dma_start3A = tpu.memref_slice %arg3[%add3A_59] : memref<1605632xi32, #tpu.memory_space<hbm>> -> memref<6272xi32, #tpu.memory_space<hbm>>
      %dma_start3A_170 = tpu.memref_slice %arg3[%add3A_59] : memref<1605632xi32, #tpu.memory_space<hbm>> -> memref<6272xi32, #tpu.memory_space<hbm>>
      tpu.enqueue_dma source(%dma_start3A_170 : memref<6272xi32, #tpu.memory_space<hbm>>) target(%arg8 : memref<6272xi32, #tpu.memory_space<vmem>>) target_semaphore(%run_scoped3A : memref<!tpu.dma_semaphore, #tpu.memory_space<semaphore_mem>>)
      %dma_wait3A = tpu.memref_slice %arg3[%add3A_59] : memref<1605632xi32, #tpu.memory_space<hbm>> -> memref<6272xi32, #tpu.memory_space<hbm>>
      %dma_wait3A_171 = tpu.memref_slice %arg3[%add3A_59] : memref<1605632xi32, #tpu.memory_space<hbm>> -> memref<6272xi32, #tpu.memory_space<hbm>>
      tpu.wait_dma2 semaphore(%run_scoped3A : memref<!tpu.dma_semaphore, #tpu.memory_space<semaphore_mem>>) src(%dma_wait3A_171 : memref<6272xi32, #tpu.memory_space<hbm>>) dst(%arg8 : memref<6272xi32, #tpu.memory_space<vmem>>)
      tpu.yield
    }) : () -> ()
    %scan3A_60 = arith.constant 0 : i32
    %scan3A_61 = arith.constant 392 : i32
    %scan3A_62 = arith.addi %scan3A_60, %scan3A_61 : i32
    %scan3A_63 = arith.constant 8 : i32
    scf.for %scan3A_170 = %scan3A_60 to %scan3A_62 step %scan3A_63  : i32 {
      %mul3A_171 = arith.constant 1 : i32
      %mul3A_172 = arith.muli %scan3A_170, %mul3A_171 : i32
      %add3A_173 = arith.constant 0 : i32
      %add3A_174 = arith.addi %add3A_173, %mul3A_172 : i32
      %mul3A_175 = arith.constant 16 : i32
      %mul3A_176 = arith.muli %add3A_174, %mul3A_175 : i32
      %get3A = arith.index_cast %mul3A_176 : i32 to index
      %get3A_177 = tpu.vector_load %arg8[%get3A] {strides = array<i32>} : memref<6272xi32, #tpu.memory_space<vmem>>, vector<16xi32>,
      %gather3A = tpu.vector_load_idx %arg7[%get3A_177] : memref<50000xf32, #tpu.memory_space<vmem>>[vector<16xi32>], vector<16xf32>,
      %swap3A = arith.index_cast %mul3A_176 : i32 to index
      %swap3A_178 = tpu.vector_load %arg9[%swap3A] {strides = array<i32>} : memref<6272xf32, #tpu.memory_space<vmem>>, vector<16xf32>,
      tpu.vector_store %arg9[%swap3A], %gather3A {strides = array<i32>} : memref<6272xf32, #tpu.memory_space<vmem>>, vector<16xf32>,
      %scan3A_179 = arith.constant 1 : i32
      %scan3A_180 = arith.addi %scan3A_170, %scan3A_179 : i32
      %mul3A_181 = arith.constant 1 : i32
      %mul3A_182 = arith.muli %scan3A_180, %mul3A_181 : i32
      %add3A_183 = arith.constant 0 : i32
      %add3A_184 = arith.addi %add3A_183, %mul3A_182 : i32
      %mul3A_185 = arith.constant 16 : i32
      %mul3A_186 = arith.muli %add3A_184, %mul3A_185 : i32
      %get3A_187 = arith.index_cast %mul3A_186 : i32 to index
      %get3A_188 = tpu.vector_load %arg8[%get3A_187] {strides = array<i32>} : memref<6272xi32, #tpu.memory_space<vmem>>, vector<16xi32>,
      %gather3A_189 = tpu.vector_load_idx %arg7[%get3A_188] : memref<50000xf32, #tpu.memory_space<vmem>>[vector<16xi32>], vector<16xf32>,
      %swap3A_190 = arith.index_cast %mul3A_186 : i32 to index
      %swap3A_191 = tpu.vector_load %arg9[%swap3A_190] {strides = array<i32>} : memref<6272xf32, #tpu.memory_space<vmem>>, vector<16xf32>,
      tpu.vector_store %arg9[%swap3A_190], %gather3A_189 {strides = array<i32>} : memref<6272xf32, #tpu.memory_space<vmem>>, vector<16xf32>,
      %scan3A_192 = arith.constant 2 : i32
      %scan3A_193 = arith.addi %scan3A_170, %scan3A_192 : i32
      %mul3A_194 = arith.constant 1 : i32
      %mul3A_195 = arith.muli %scan3A_193, %mul3A_194 : i32
      %add3A_196 = arith.constant 0 : i32
      %add3A_197 = arith.addi %add3A_196, %mul3A_195 : i32
      %mul3A_198 = arith.constant 16 : i32
      %mul3A_199 = arith.muli %add3A_197, %mul3A_198 : i32
      %get3A_200 = arith.index_cast %mul3A_199 : i32 to index
      %get3A_201 = tpu.vector_load %arg8[%get3A_200] {strides = array<i32>} : memref<6272xi32, #tpu.memory_space<vmem>>, vector<16xi32>,
      %gather3A_202 = tpu.vector_load_idx %arg7[%get3A_201] : memref<50000xf32, #tpu.memory_space<vmem>>[vector<16xi32>], vector<16xf32>,
      %swap3A_203 = arith.index_cast %mul3A_199 : i32 to index
      %swap3A_204 = tpu.vector_load %arg9[%swap3A_203] {strides = array<i32>} : memref<6272xf32, #tpu.memory_space<vmem>>, vector<16xf32>,
      tpu.vector_store %arg9[%swap3A_203], %gather3A_202 {strides = array<i32>} : memref<6272xf32, #tpu.memory_space<vmem>>, vector<16xf32>,
      %scan3A_205 = arith.constant 3 : i32
      %scan3A_206 = arith.addi %scan3A_170, %scan3A_205 : i32
      %mul3A_207 = arith.constant 1 : i32
      %mul3A_208 = arith.muli %scan3A_206, %mul3A_207 : i32
      %add3A_209 = arith.constant 0 : i32
      %add3A_210 = arith.addi %add3A_209, %mul3A_208 : i32
      %mul3A_211 = arith.constant 16 : i32
      %mul3A_212 = arith.muli %add3A_210, %mul3A_211 : i32
      %get3A_213 = arith.index_cast %mul3A_212 : i32 to index
      %get3A_214 = tpu.vector_load %arg8[%get3A_213] {strides = array<i32>} : memref<6272xi32, #tpu.memory_space<vmem>>, vector<16xi32>,
      %gather3A_215 = tpu.vector_load_idx %arg7[%get3A_214] : memref<50000xf32, #tpu.memory_space<vmem>>[vector<16xi32>], vector<16xf32>,
      %swap3A_216 = arith.index_cast %mul3A_212 : i32 to index
      %swap3A_217 = tpu.vector_load %arg9[%swap3A_216] {strides = array<i32>} : memref<6272xf32, #tpu.memory_space<vmem>>, vector<16xf32>,
      tpu.vector_store %arg9[%swap3A_216], %gather3A_215 {strides = array<i32>} : memref<6272xf32, #tpu.memory_space<vmem>>, vector<16xf32>,
      %scan3A_218 = arith.constant 4 : i32
      %scan3A_219 = arith.addi %scan3A_170, %scan3A_218 : i32
      %mul3A_220 = arith.constant 1 : i32
      %mul3A_221 = arith.muli %scan3A_219, %mul3A_220 : i32
      %add3A_222 = arith.constant 0 : i32
      %add3A_223 = arith.addi %add3A_222, %mul3A_221 : i32
      %mul3A_224 = arith.constant 16 : i32
      %mul3A_225 = arith.muli %add3A_223, %mul3A_224 : i32
      %get3A_226 = arith.index_cast %mul3A_225 : i32 to index
      %get3A_227 = tpu.vector_load %arg8[%get3A_226] {strides = array<i32>} : memref<6272xi32, #tpu.memory_space<vmem>>, vector<16xi32>,
      %gather3A_228 = tpu.vector_load_idx %arg7[%get3A_227] : memref<50000xf32, #tpu.memory_space<vmem>>[vector<16xi32>], vector<16xf32>,
      %swap3A_229 = arith.index_cast %mul3A_225 : i32 to index
      %swap3A_230 = tpu.vector_load %arg9[%swap3A_229] {strides = array<i32>} : memref<6272xf32, #tpu.memory_space<vmem>>, vector<16xf32>,
      tpu.vector_store %arg9[%swap3A_229], %gather3A_228 {strides = array<i32>} : memref<6272xf32, #tpu.memory_space<vmem>>, vector<16xf32>,
      %scan3A_231 = arith.constant 5 : i32
      %scan3A_232 = arith.addi %scan3A_170, %scan3A_231 : i32
      %mul3A_233 = arith.constant 1 : i32
      %mul3A_234 = arith.muli %scan3A_232, %mul3A_233 : i32
      %add3A_235 = arith.constant 0 : i32
      %add3A_236 = arith.addi %add3A_235, %mul3A_234 : i32
      %mul3A_237 = arith.constant 16 : i32
      %mul3A_238 = arith.muli %add3A_236, %mul3A_237 : i32
      %get3A_239 = arith.index_cast %mul3A_238 : i32 to index
      %get3A_240 = tpu.vector_load %arg8[%get3A_239] {strides = array<i32>} : memref<6272xi32, #tpu.memory_space<vmem>>, vector<16xi32>,
      %gather3A_241 = tpu.vector_load_idx %arg7[%get3A_240] : memref<50000xf32, #tpu.memory_space<vmem>>[vector<16xi32>], vector<16xf32>,
      %swap3A_242 = arith.index_cast %mul3A_238 : i32 to index
      %swap3A_243 = tpu.vector_load %arg9[%swap3A_242] {strides = array<i32>} : memref<6272xf32, #tpu.memory_space<vmem>>, vector<16xf32>,
      tpu.vector_store %arg9[%swap3A_242], %gather3A_241 {strides = array<i32>} : memref<6272xf32, #tpu.memory_space<vmem>>, vector<16xf32>,
      %scan3A_244 = arith.constant 6 : i32
      %scan3A_245 = arith.addi %scan3A_170, %scan3A_244 : i32
      %mul3A_246 = arith.constant 1 : i32
      %mul3A_247 = arith.muli %scan3A_245, %mul3A_246 : i32
      %add3A_248 = arith.constant 0 : i32
      %add3A_249 = arith.addi %add3A_248, %mul3A_247 : i32
      %mul3A_250 = arith.constant 16 : i32
      %mul3A_251 = arith.muli %add3A_249, %mul3A_250 : i32
      %get3A_252 = arith.index_cast %mul3A_251 : i32 to index
      %get3A_253 = tpu.vector_load %arg8[%get3A_252] {strides = array<i32>} : memref<6272xi32, #tpu.memory_space<vmem>>, vector<16xi32>,
      %gather3A_254 = tpu.vector_load_idx %arg7[%get3A_253] : memref<50000xf32, #tpu.memory_space<vmem>>[vector<16xi32>], vector<16xf32>,
      %swap3A_255 = arith.index_cast %mul3A_251 : i32 to index
      %swap3A_256 = tpu.vector_load %arg9[%swap3A_255] {strides = array<i32>} : memref<6272xf32, #tpu.memory_space<vmem>>, vector<16xf32>,
      tpu.vector_store %arg9[%swap3A_255], %gather3A_254 {strides = array<i32>} : memref<6272xf32, #tpu.memory_space<vmem>>, vector<16xf32>,
      %scan3A_257 = arith.constant 7 : i32
      %scan3A_258 = arith.addi %scan3A_170, %scan3A_257 : i32
      %mul3A_259 = arith.constant 1 : i32
      %mul3A_260 = arith.muli %scan3A_258, %mul3A_259 : i32
      %add3A_261 = arith.constant 0 : i32
      %add3A_262 = arith.addi %add3A_261, %mul3A_260 : i32
      %mul3A_263 = arith.constant 16 : i32
      %mul3A_264 = arith.muli %add3A_262, %mul3A_263 : i32
      %get3A_265 = arith.index_cast %mul3A_264 : i32 to index
      %get3A_266 = tpu.vector_load %arg8[%get3A_265] {strides = array<i32>} : memref<6272xi32, #tpu.memory_space<vmem>>, vector<16xi32>,
      %gather3A_267 = tpu.vector_load_idx %arg7[%get3A_266] : memref<50000xf32, #tpu.memory_space<vmem>>[vector<16xi32>], vector<16xf32>,
      %swap3A_268 = arith.index_cast %mul3A_264 : i32 to index
      %swap3A_269 = tpu.vector_load %arg9[%swap3A_268] {strides = array<i32>} : memref<6272xf32, #tpu.memory_space<vmem>>, vector<16xf32>,
      tpu.vector_store %arg9[%swap3A_268], %gather3A_267 {strides = array<i32>} : memref<6272xf32, #tpu.memory_space<vmem>>, vector<16xf32>,
    }
    %scan3A_64 = arith.constant 392 : i32
    "tpu.region"() ({
      %run_scoped3A = tpu.sem_alloc : memref<!tpu.dma_semaphore, #tpu.memory_space<semaphore_mem>>
      %dma_start3A = tpu.memref_slice %arg5[%add3A_59] : memref<1605632xf32, #tpu.memory_space<hbm>> -> memref<6272xf32, #tpu.memory_space<hbm>>
      %dma_start3A_170 = tpu.memref_slice %arg5[%add3A_59] : memref<1605632xf32, #tpu.memory_space<hbm>> -> memref<6272xf32, #tpu.memory_space<hbm>>
      tpu.enqueue_dma source(%arg9 : memref<6272xf32, #tpu.memory_space<vmem>>) target(%dma_start3A_170 : memref<6272xf32, #tpu.memory_space<hbm>>) target_semaphore(%run_scoped3A : memref<!tpu.dma_semaphore, #tpu.memory_space<semaphore_mem>>)
      %dma_wait3A = tpu.memref_slice %arg5[%add3A_59] : memref<1605632xf32, #tpu.memory_space<hbm>> -> memref<6272xf32, #tpu.memory_space<hbm>>
      %dma_wait3A_171 = tpu.memref_slice %arg5[%add3A_59] : memref<1605632xf32, #tpu.memory_space<hbm>> -> memref<6272xf32, #tpu.memory_space<hbm>>
      tpu.wait_dma2 semaphore(%run_scoped3A : memref<!tpu.dma_semaphore, #tpu.memory_space<semaphore_mem>>) src(%arg9 : memref<6272xf32, #tpu.memory_space<vmem>>) dst(%dma_wait3A_171 : memref<6272xf32, #tpu.memory_space<hbm>>)
      tpu.yield
    }) : () -> ()
    %add3A_65 = arith.constant 6272 : i32
    %add3A_66 = arith.addi %mul3A_2, %add3A_65 : i32
    "tpu.region"() ({
      %run_scoped3A = tpu.sem_alloc : memref<!tpu.dma_semaphore, #tpu.memory_space<semaphore_mem>>
      %dma_start3A = tpu.memref_slice %arg3[%add3A_66] : memref<1605632xi32, #tpu.memory_space<hbm>> -> memref<6272xi32, #tpu.memory_space<hbm>>
      %dma_start3A_170 = tpu.memref_slice %arg3[%add3A_66] : memref<1605632xi32, #tpu.memory_space<hbm>> -> memref<6272xi32, #tpu.memory_space<hbm>>
      tpu.enqueue_dma source(%dma_start3A_170 : memref<6272xi32, #tpu.memory_space<hbm>>) target(%arg8 : memref<6272xi32, #tpu.memory_space<vmem>>) target_semaphore(%run_scoped3A : memref<!tpu.dma_semaphore, #tpu.memory_space<semaphore_mem>>)
      %dma_wait3A = tpu.memref_slice %arg3[%add3A_66] : memref<1605632xi32, #tpu.memory_space<hbm>> -> memref<6272xi32, #tpu.memory_space<hbm>>
      %dma_wait3A_171 = tpu.memref_slice %arg3[%add3A_66] : memref<1605632xi32, #tpu.memory_space<hbm>> -> memref<6272xi32, #tpu.memory_space<hbm>>
      tpu.wait_dma2 semaphore(%run_scoped3A : memref<!tpu.dma_semaphore, #tpu.memory_space<semaphore_mem>>) src(%dma_wait3A_171 : memref<6272xi32, #tpu.memory_space<hbm>>) dst(%arg8 : memref<6272xi32, #tpu.memory_space<vmem>>)
      tpu.yield
    }) : () -> ()
    %scan3A_67 = arith.constant 0 : i32
    %scan3A_68 = arith.constant 392 : i32
    %scan3A_69 = arith.addi %scan3A_67, %scan3A_68 : i32
    %scan3A_70 = arith.constant 8 : i32
    scf.for %scan3A_170 = %scan3A_67 to %scan3A_69 step %scan3A_70  : i32 {
      %mul3A_171 = arith.constant 1 : i32
      %mul3A_172 = arith.muli %scan3A_170, %mul3A_171 : i32
      %add3A_173 = arith.constant 0 : i32
      %add3A_174 = arith.addi %add3A_173, %mul3A_172 : i32
      %mul3A_175 = arith.constant 16 : i32
      %mul3A_176 = arith.muli %add3A_174, %mul3A_175 : i32
      %get3A = arith.index_cast %mul3A_176 : i32 to index
      %get3A_177 = tpu.vector_load %arg8[%get3A] {strides = array<i32>} : memref<6272xi32, #tpu.memory_space<vmem>>, vector<16xi32>,
      %gather3A = tpu.vector_load_idx %arg7[%get3A_177] : memref<50000xf32, #tpu.memory_space<vmem>>[vector<16xi32>], vector<16xf32>,
      %swap3A = arith.index_cast %mul3A_176 : i32 to index
      %swap3A_178 = tpu.vector_load %arg9[%swap3A] {strides = array<i32>} : memref<6272xf32, #tpu.memory_space<vmem>>, vector<16xf32>,
      tpu.vector_store %arg9[%swap3A], %gather3A {strides = array<i32>} : memref<6272xf32, #tpu.memory_space<vmem>>, vector<16xf32>,
      %scan3A_179 = arith.constant 1 : i32
      %scan3A_180 = arith.addi %scan3A_170, %scan3A_179 : i32
      %mul3A_181 = arith.constant 1 : i32
      %mul3A_182 = arith.muli %scan3A_180, %mul3A_181 : i32
      %add3A_183 = arith.constant 0 : i32
      %add3A_184 = arith.addi %add3A_183, %mul3A_182 : i32
      %mul3A_185 = arith.constant 16 : i32
      %mul3A_186 = arith.muli %add3A_184, %mul3A_185 : i32
      %get3A_187 = arith.index_cast %mul3A_186 : i32 to index
      %get3A_188 = tpu.vector_load %arg8[%get3A_187] {strides = array<i32>} : memref<6272xi32, #tpu.memory_space<vmem>>, vector<16xi32>,
      %gather3A_189 = tpu.vector_load_idx %arg7[%get3A_188] : memref<50000xf32, #tpu.memory_space<vmem>>[vector<16xi32>], vector<16xf32>,
      %swap3A_190 = arith.index_cast %mul3A_186 : i32 to index
      %swap3A_191 = tpu.vector_load %arg9[%swap3A_190] {strides = array<i32>} : memref<6272xf32, #tpu.memory_space<vmem>>, vector<16xf32>,
      tpu.vector_store %arg9[%swap3A_190], %gather3A_189 {strides = array<i32>} : memref<6272xf32, #tpu.memory_space<vmem>>, vector<16xf32>,
      %scan3A_192 = arith.constant 2 : i32
      %scan3A_193 = arith.addi %scan3A_170, %scan3A_192 : i32
      %mul3A_194 = arith.constant 1 : i32
      %mul3A_195 = arith.muli %scan3A_193, %mul3A_194 : i32
      %add3A_196 = arith.constant 0 : i32
      %add3A_197 = arith.addi %add3A_196, %mul3A_195 : i32
      %mul3A_198 = arith.constant 16 : i32
      %mul3A_199 = arith.muli %add3A_197, %mul3A_198 : i32
      %get3A_200 = arith.index_cast %mul3A_199 : i32 to index
      %get3A_201 = tpu.vector_load %arg8[%get3A_200] {strides = array<i32>} : memref<6272xi32, #tpu.memory_space<vmem>>, vector<16xi32>,
      %gather3A_202 = tpu.vector_load_idx %arg7[%get3A_201] : memref<50000xf32, #tpu.memory_space<vmem>>[vector<16xi32>], vector<16xf32>,
      %swap3A_203 = arith.index_cast %mul3A_199 : i32 to index
      %swap3A_204 = tpu.vector_load %arg9[%swap3A_203] {strides = array<i32>} : memref<6272xf32, #tpu.memory_space<vmem>>, vector<16xf32>,
      tpu.vector_store %arg9[%swap3A_203], %gather3A_202 {strides = array<i32>} : memref<6272xf32, #tpu.memory_space<vmem>>, vector<16xf32>,
      %scan3A_205 = arith.constant 3 : i32
      %scan3A_206 = arith.addi %scan3A_170, %scan3A_205 : i32
      %mul3A_207 = arith.constant 1 : i32
      %mul3A_208 = arith.muli %scan3A_206, %mul3A_207 : i32
      %add3A_209 = arith.constant 0 : i32
      %add3A_210 = arith.addi %add3A_209, %mul3A_208 : i32
      %mul3A_211 = arith.constant 16 : i32
      %mul3A_212 = arith.muli %add3A_210, %mul3A_211 : i32
      %get3A_213 = arith.index_cast %mul3A_212 : i32 to index
      %get3A_214 = tpu.vector_load %arg8[%get3A_213] {strides = array<i32>} : memref<6272xi32, #tpu.memory_space<vmem>>, vector<16xi32>,
      %gather3A_215 = tpu.vector_load_idx %arg7[%get3A_214] : memref<50000xf32, #tpu.memory_space<vmem>>[vector<16xi32>], vector<16xf32>,
      %swap3A_216 = arith.index_cast %mul3A_212 : i32 to index
      %swap3A_217 = tpu.vector_load %arg9[%swap3A_216] {strides = array<i32>} : memref<6272xf32, #tpu.memory_space<vmem>>, vector<16xf32>,
      tpu.vector_store %arg9[%swap3A_216], %gather3A_215 {strides = array<i32>} : memref<6272xf32, #tpu.memory_space<vmem>>, vector<16xf32>,
      %scan3A_218 = arith.constant 4 : i32
      %scan3A_219 = arith.addi %scan3A_170, %scan3A_218 : i32
      %mul3A_220 = arith.constant 1 : i32
      %mul3A_221 = arith.muli %scan3A_219, %mul3A_220 : i32
      %add3A_222 = arith.constant 0 : i32
      %add3A_223 = arith.addi %add3A_222, %mul3A_221 : i32
      %mul3A_224 = arith.constant 16 : i32
      %mul3A_225 = arith.muli %add3A_223, %mul3A_224 : i32
      %get3A_226 = arith.index_cast %mul3A_225 : i32 to index
      %get3A_227 = tpu.vector_load %arg8[%get3A_226] {strides = array<i32>} : memref<6272xi32, #tpu.memory_space<vmem>>, vector<16xi32>,
      %gather3A_228 = tpu.vector_load_idx %arg7[%get3A_227] : memref<50000xf32, #tpu.memory_space<vmem>>[vector<16xi32>], vector<16xf32>,
      %swap3A_229 = arith.index_cast %mul3A_225 : i32 to index
      %swap3A_230 = tpu.vector_load %arg9[%swap3A_229] {strides = array<i32>} : memref<6272xf32, #tpu.memory_space<vmem>>, vector<16xf32>,
      tpu.vector_store %arg9[%swap3A_229], %gather3A_228 {strides = array<i32>} : memref<6272xf32, #tpu.memory_space<vmem>>, vector<16xf32>,
      %scan3A_231 = arith.constant 5 : i32
      %scan3A_232 = arith.addi %scan3A_170, %scan3A_231 : i32
      %mul3A_233 = arith.constant 1 : i32
      %mul3A_234 = arith.muli %scan3A_232, %mul3A_233 : i32
      %add3A_235 = arith.constant 0 : i32
      %add3A_236 = arith.addi %add3A_235, %mul3A_234 : i32
      %mul3A_237 = arith.constant 16 : i32
      %mul3A_238 = arith.muli %add3A_236, %mul3A_237 : i32
      %get3A_239 = arith.index_cast %mul3A_238 : i32 to index
      %get3A_240 = tpu.vector_load %arg8[%get3A_239] {strides = array<i32>} : memref<6272xi32, #tpu.memory_space<vmem>>, vector<16xi32>,
      %gather3A_241 = tpu.vector_load_idx %arg7[%get3A_240] : memref<50000xf32, #tpu.memory_space<vmem>>[vector<16xi32>], vector<16xf32>,
      %swap3A_242 = arith.index_cast %mul3A_238 : i32 to index
      %swap3A_243 = tpu.vector_load %arg9[%swap3A_242] {strides = array<i32>} : memref<6272xf32, #tpu.memory_space<vmem>>, vector<16xf32>,
      tpu.vector_store %arg9[%swap3A_242], %gather3A_241 {strides = array<i32>} : memref<6272xf32, #tpu.memory_space<vmem>>, vector<16xf32>,
      %scan3A_244 = arith.constant 6 : i32
      %scan3A_245 = arith.addi %scan3A_170, %scan3A_244 : i32
      %mul3A_246 = arith.constant 1 : i32
      %mul3A_247 = arith.muli %scan3A_245, %mul3A_246 : i32
      %add3A_248 = arith.constant 0 : i32
      %add3A_249 = arith.addi %add3A_248, %mul3A_247 : i32
      %mul3A_250 = arith.constant 16 : i32
      %mul3A_251 = arith.muli %add3A_249, %mul3A_250 : i32
      %get3A_252 = arith.index_cast %mul3A_251 : i32 to index
      %get3A_253 = tpu.vector_load %arg8[%get3A_252] {strides = array<i32>} : memref<6272xi32, #tpu.memory_space<vmem>>, vector<16xi32>,
      %gather3A_254 = tpu.vector_load_idx %arg7[%get3A_253] : memref<50000xf32, #tpu.memory_space<vmem>>[vector<16xi32>], vector<16xf32>,
      %swap3A_255 = arith.index_cast %mul3A_251 : i32 to index
      %swap3A_256 = tpu.vector_load %arg9[%swap3A_255] {strides = array<i32>} : memref<6272xf32, #tpu.memory_space<vmem>>, vector<16xf32>,
      tpu.vector_store %arg9[%swap3A_255], %gather3A_254 {strides = array<i32>} : memref<6272xf32, #tpu.memory_space<vmem>>, vector<16xf32>,
      %scan3A_257 = arith.constant 7 : i32
      %scan3A_258 = arith.addi %scan3A_170, %scan3A_257 : i32
      %mul3A_259 = arith.constant 1 : i32
      %mul3A_260 = arith.muli %scan3A_258, %mul3A_259 : i32
      %add3A_261 = arith.constant 0 : i32
      %add3A_262 = arith.addi %add3A_261, %mul3A_260 : i32
      %mul3A_263 = arith.constant 16 : i32
      %mul3A_264 = arith.muli %add3A_262, %mul3A_263 : i32
      %get3A_265 = arith.index_cast %mul3A_264 : i32 to index
      %get3A_266 = tpu.vector_load %arg8[%get3A_265] {strides = array<i32>} : memref<6272xi32, #tpu.memory_space<vmem>>, vector<16xi32>,
      %gather3A_267 = tpu.vector_load_idx %arg7[%get3A_266] : memref<50000xf32, #tpu.memory_space<vmem>>[vector<16xi32>], vector<16xf32>,
      %swap3A_268 = arith.index_cast %mul3A_264 : i32 to index
      %swap3A_269 = tpu.vector_load %arg9[%swap3A_268] {strides = array<i32>} : memref<6272xf32, #tpu.memory_space<vmem>>, vector<16xf32>,
      tpu.vector_store %arg9[%swap3A_268], %gather3A_267 {strides = array<i32>} : memref<6272xf32, #tpu.memory_space<vmem>>, vector<16xf32>,
    }
    %scan3A_71 = arith.constant 392 : i32
    "tpu.region"() ({
      %run_scoped3A = tpu.sem_alloc : memref<!tpu.dma_semaphore, #tpu.memory_space<semaphore_mem>>
      %dma_start3A = tpu.memref_slice %arg5[%add3A_66] : memref<1605632xf32, #tpu.memory_space<hbm>> -> memref<6272xf32, #tpu.memory_space<hbm>>
      %dma_start3A_170 = tpu.memref_slice %arg5[%add3A_66] : memref<1605632xf32, #tpu.memory_space<hbm>> -> memref<6272xf32, #tpu.memory_space<hbm>>
      tpu.enqueue_dma source(%arg9 : memref<6272xf32, #tpu.memory_space<vmem>>) target(%dma_start3A_170 : memref<6272xf32, #tpu.memory_space<hbm>>) target_semaphore(%run_scoped3A : memref<!tpu.dma_semaphore, #tpu.memory_space<semaphore_mem>>)
      %dma_wait3A = tpu.memref_slice %arg5[%add3A_66] : memref<1605632xf32, #tpu.memory_space<hbm>> -> memref<6272xf32, #tpu.memory_space<hbm>>
      %dma_wait3A_171 = tpu.memref_slice %arg5[%add3A_66] : memref<1605632xf32, #tpu.memory_space<hbm>> -> memref<6272xf32, #tpu.memory_space<hbm>>
      tpu.wait_dma2 semaphore(%run_scoped3A : memref<!tpu.dma_semaphore, #tpu.memory_space<semaphore_mem>>) src(%arg9 : memref<6272xf32, #tpu.memory_space<vmem>>) dst(%dma_wait3A_171 : memref<6272xf32, #tpu.memory_space<hbm>>)
      tpu.yield
    }) : () -> ()
    %add3A_72 = arith.constant 12544 : i32
    %add3A_73 = arith.addi %mul3A_2, %add3A_72 : i32
    "tpu.region"() ({
      %run_scoped3A = tpu.sem_alloc : memref<!tpu.dma_semaphore, #tpu.memory_space<semaphore_mem>>
      %dma_start3A = tpu.memref_slice %arg3[%add3A_73] : memref<1605632xi32, #tpu.memory_space<hbm>> -> memref<6272xi32, #tpu.memory_space<hbm>>
      %dma_start3A_170 = tpu.memref_slice %arg3[%add3A_73] : memref<1605632xi32, #tpu.memory_space<hbm>> -> memref<6272xi32, #tpu.memory_space<hbm>>
      tpu.enqueue_dma source(%dma_start3A_170 : memref<6272xi32, #tpu.memory_space<hbm>>) target(%arg8 : memref<6272xi32, #tpu.memory_space<vmem>>) target_semaphore(%run_scoped3A : memref<!tpu.dma_semaphore, #tpu.memory_space<semaphore_mem>>)
      %dma_wait3A = tpu.memref_slice %arg3[%add3A_73] : memref<1605632xi32, #tpu.memory_space<hbm>> -> memref<6272xi32, #tpu.memory_space<hbm>>
      %dma_wait3A_171 = tpu.memref_slice %arg3[%add3A_73] : memref<1605632xi32, #tpu.memory_space<hbm>> -> memref<6272xi32, #tpu.memory_space<hbm>>
      tpu.wait_dma2 semaphore(%run_scoped3A : memref<!tpu.dma_semaphore, #tpu.memory_space<semaphore_mem>>) src(%dma_wait3A_171 : memref<6272xi32, #tpu.memory_space<hbm>>) dst(%arg8 : memref<6272xi32, #tpu.memory_space<vmem>>)
      tpu.yield
    }) : () -> ()
    %scan3A_74 = arith.constant 0 : i32
    %scan3A_75 = arith.constant 392 : i32
    %scan3A_76 = arith.addi %scan3A_74, %scan3A_75 : i32
    %scan3A_77 = arith.constant 8 : i32
    scf.for %scan3A_170 = %scan3A_74 to %scan3A_76 step %scan3A_77  : i32 {
      %mul3A_171 = arith.constant 1 : i32
      %mul3A_172 = arith.muli %scan3A_170, %mul3A_171 : i32
      %add3A_173 = arith.constant 0 : i32
      %add3A_174 = arith.addi %add3A_173, %mul3A_172 : i32
      %mul3A_175 = arith.constant 16 : i32
      %mul3A_176 = arith.muli %add3A_174, %mul3A_175 : i32
      %get3A = arith.index_cast %mul3A_176 : i32 to index
      %get3A_177 = tpu.vector_load %arg8[%get3A] {strides = array<i32>} : memref<6272xi32, #tpu.memory_space<vmem>>, vector<16xi32>,
      %gather3A = tpu.vector_load_idx %arg7[%get3A_177] : memref<50000xf32, #tpu.memory_space<vmem>>[vector<16xi32>], vector<16xf32>,
      %swap3A = arith.index_cast %mul3A_176 : i32 to index
      %swap3A_178 = tpu.vector_load %arg9[%swap3A] {strides = array<i32>} : memref<6272xf32, #tpu.memory_space<vmem>>, vector<16xf32>,
      tpu.vector_store %arg9[%swap3A], %gather3A {strides = array<i32>} : memref<6272xf32, #tpu.memory_space<vmem>>, vector<16xf32>,
      %scan3A_179 = arith.constant 1 : i32
      %scan3A_180 = arith.addi %scan3A_170, %scan3A_179 : i32
      %mul3A_181 = arith.constant 1 : i32
      %mul3A_182 = arith.muli %scan3A_180, %mul3A_181 : i32
      %add3A_183 = arith.constant 0 : i32
      %add3A_184 = arith.addi %add3A_183, %mul3A_182 : i32
      %mul3A_185 = arith.constant 16 : i32
      %mul3A_186 = arith.muli %add3A_184, %mul3A_185 : i32
      %get3A_187 = arith.index_cast %mul3A_186 : i32 to index
      %get3A_188 = tpu.vector_load %arg8[%get3A_187] {strides = array<i32>} : memref<6272xi32, #tpu.memory_space<vmem>>, vector<16xi32>,
      %gather3A_189 = tpu.vector_load_idx %arg7[%get3A_188] : memref<50000xf32, #tpu.memory_space<vmem>>[vector<16xi32>], vector<16xf32>,
      %swap3A_190 = arith.index_cast %mul3A_186 : i32 to index
      %swap3A_191 = tpu.vector_load %arg9[%swap3A_190] {strides = array<i32>} : memref<6272xf32, #tpu.memory_space<vmem>>, vector<16xf32>,
      tpu.vector_store %arg9[%swap3A_190], %gather3A_189 {strides = array<i32>} : memref<6272xf32, #tpu.memory_space<vmem>>, vector<16xf32>,
      %scan3A_192 = arith.constant 2 : i32
      %scan3A_193 = arith.addi %scan3A_170, %scan3A_192 : i32
      %mul3A_194 = arith.constant 1 : i32
      %mul3A_195 = arith.muli %scan3A_193, %mul3A_194 : i32
      %add3A_196 = arith.constant 0 : i32
      %add3A_197 = arith.addi %add3A_196, %mul3A_195 : i32
      %mul3A_198 = arith.constant 16 : i32
      %mul3A_199 = arith.muli %add3A_197, %mul3A_198 : i32
      %get3A_200 = arith.index_cast %mul3A_199 : i32 to index
      %get3A_201 = tpu.vector_load %arg8[%get3A_200] {strides = array<i32>} : memref<6272xi32, #tpu.memory_space<vmem>>, vector<16xi32>,
      %gather3A_202 = tpu.vector_load_idx %arg7[%get3A_201] : memref<50000xf32, #tpu.memory_space<vmem>>[vector<16xi32>], vector<16xf32>,
      %swap3A_203 = arith.index_cast %mul3A_199 : i32 to index
      %swap3A_204 = tpu.vector_load %arg9[%swap3A_203] {strides = array<i32>} : memref<6272xf32, #tpu.memory_space<vmem>>, vector<16xf32>,
      tpu.vector_store %arg9[%swap3A_203], %gather3A_202 {strides = array<i32>} : memref<6272xf32, #tpu.memory_space<vmem>>, vector<16xf32>,
      %scan3A_205 = arith.constant 3 : i32
      %scan3A_206 = arith.addi %scan3A_170, %scan3A_205 : i32
      %mul3A_207 = arith.constant 1 : i32
      %mul3A_208 = arith.muli %scan3A_206, %mul3A_207 : i32
      %add3A_209 = arith.constant 0 : i32
      %add3A_210 = arith.addi %add3A_209, %mul3A_208 : i32
      %mul3A_211 = arith.constant 16 : i32
      %mul3A_212 = arith.muli %add3A_210, %mul3A_211 : i32
      %get3A_213 = arith.index_cast %mul3A_212 : i32 to index
      %get3A_214 = tpu.vector_load %arg8[%get3A_213] {strides = array<i32>} : memref<6272xi32, #tpu.memory_space<vmem>>, vector<16xi32>,
      %gather3A_215 = tpu.vector_load_idx %arg7[%get3A_214] : memref<50000xf32, #tpu.memory_space<vmem>>[vector<16xi32>], vector<16xf32>,
      %swap3A_216 = arith.index_cast %mul3A_212 : i32 to index
      %swap3A_217 = tpu.vector_load %arg9[%swap3A_216] {strides = array<i32>} : memref<6272xf32, #tpu.memory_space<vmem>>, vector<16xf32>,
      tpu.vector_store %arg9[%swap3A_216], %gather3A_215 {strides = array<i32>} : memref<6272xf32, #tpu.memory_space<vmem>>, vector<16xf32>,
      %scan3A_218 = arith.constant 4 : i32
      %scan3A_219 = arith.addi %scan3A_170, %scan3A_218 : i32
      %mul3A_220 = arith.constant 1 : i32
      %mul3A_221 = arith.muli %scan3A_219, %mul3A_220 : i32
      %add3A_222 = arith.constant 0 : i32
      %add3A_223 = arith.addi %add3A_222, %mul3A_221 : i32
      %mul3A_224 = arith.constant 16 : i32
      %mul3A_225 = arith.muli %add3A_223, %mul3A_224 : i32
      %get3A_226 = arith.index_cast %mul3A_225 : i32 to index
      %get3A_227 = tpu.vector_load %arg8[%get3A_226] {strides = array<i32>} : memref<6272xi32, #tpu.memory_space<vmem>>, vector<16xi32>,
      %gather3A_228 = tpu.vector_load_idx %arg7[%get3A_227] : memref<50000xf32, #tpu.memory_space<vmem>>[vector<16xi32>], vector<16xf32>,
      %swap3A_229 = arith.index_cast %mul3A_225 : i32 to index
      %swap3A_230 = tpu.vector_load %arg9[%swap3A_229] {strides = array<i32>} : memref<6272xf32, #tpu.memory_space<vmem>>, vector<16xf32>,
      tpu.vector_store %arg9[%swap3A_229], %gather3A_228 {strides = array<i32>} : memref<6272xf32, #tpu.memory_space<vmem>>, vector<16xf32>,
      %scan3A_231 = arith.constant 5 : i32
      %scan3A_232 = arith.addi %scan3A_170, %scan3A_231 : i32
      %mul3A_233 = arith.constant 1 : i32
      %mul3A_234 = arith.muli %scan3A_232, %mul3A_233 : i32
      %add3A_235 = arith.constant 0 : i32
      %add3A_236 = arith.addi %add3A_235, %mul3A_234 : i32
      %mul3A_237 = arith.constant 16 : i32
      %mul3A_238 = arith.muli %add3A_236, %mul3A_237 : i32
      %get3A_239 = arith.index_cast %mul3A_238 : i32 to index
      %get3A_240 = tpu.vector_load %arg8[%get3A_239] {strides = array<i32>} : memref<6272xi32, #tpu.memory_space<vmem>>, vector<16xi32>,
      %gather3A_241 = tpu.vector_load_idx %arg7[%get3A_240] : memref<50000xf32, #tpu.memory_space<vmem>>[vector<16xi32>], vector<16xf32>,
      %swap3A_242 = arith.index_cast %mul3A_238 : i32 to index
      %swap3A_243 = tpu.vector_load %arg9[%swap3A_242] {strides = array<i32>} : memref<6272xf32, #tpu.memory_space<vmem>>, vector<16xf32>,
      tpu.vector_store %arg9[%swap3A_242], %gather3A_241 {strides = array<i32>} : memref<6272xf32, #tpu.memory_space<vmem>>, vector<16xf32>,
      %scan3A_244 = arith.constant 6 : i32
      %scan3A_245 = arith.addi %scan3A_170, %scan3A_244 : i32
      %mul3A_246 = arith.constant 1 : i32
      %mul3A_247 = arith.muli %scan3A_245, %mul3A_246 : i32
      %add3A_248 = arith.constant 0 : i32
      %add3A_249 = arith.addi %add3A_248, %mul3A_247 : i32
      %mul3A_250 = arith.constant 16 : i32
      %mul3A_251 = arith.muli %add3A_249, %mul3A_250 : i32
      %get3A_252 = arith.index_cast %mul3A_251 : i32 to index
      %get3A_253 = tpu.vector_load %arg8[%get3A_252] {strides = array<i32>} : memref<6272xi32, #tpu.memory_space<vmem>>, vector<16xi32>,
      %gather3A_254 = tpu.vector_load_idx %arg7[%get3A_253] : memref<50000xf32, #tpu.memory_space<vmem>>[vector<16xi32>], vector<16xf32>,
      %swap3A_255 = arith.index_cast %mul3A_251 : i32 to index
      %swap3A_256 = tpu.vector_load %arg9[%swap3A_255] {strides = array<i32>} : memref<6272xf32, #tpu.memory_space<vmem>>, vector<16xf32>,
      tpu.vector_store %arg9[%swap3A_255], %gather3A_254 {strides = array<i32>} : memref<6272xf32, #tpu.memory_space<vmem>>, vector<16xf32>,
      %scan3A_257 = arith.constant 7 : i32
      %scan3A_258 = arith.addi %scan3A_170, %scan3A_257 : i32
      %mul3A_259 = arith.constant 1 : i32
      %mul3A_260 = arith.muli %scan3A_258, %mul3A_259 : i32
      %add3A_261 = arith.constant 0 : i32
      %add3A_262 = arith.addi %add3A_261, %mul3A_260 : i32
      %mul3A_263 = arith.constant 16 : i32
      %mul3A_264 = arith.muli %add3A_262, %mul3A_263 : i32
      %get3A_265 = arith.index_cast %mul3A_264 : i32 to index
      %get3A_266 = tpu.vector_load %arg8[%get3A_265] {strides = array<i32>} : memref<6272xi32, #tpu.memory_space<vmem>>, vector<16xi32>,
      %gather3A_267 = tpu.vector_load_idx %arg7[%get3A_266] : memref<50000xf32, #tpu.memory_space<vmem>>[vector<16xi32>], vector<16xf32>,
      %swap3A_268 = arith.index_cast %mul3A_264 : i32 to index
      %swap3A_269 = tpu.vector_load %arg9[%swap3A_268] {strides = array<i32>} : memref<6272xf32, #tpu.memory_space<vmem>>, vector<16xf32>,
      tpu.vector_store %arg9[%swap3A_268], %gather3A_267 {strides = array<i32>} : memref<6272xf32, #tpu.memory_space<vmem>>, vector<16xf32>,
    }
    %scan3A_78 = arith.constant 392 : i32
    "tpu.region"() ({
      %run_scoped3A = tpu.sem_alloc : memref<!tpu.dma_semaphore, #tpu.memory_space<semaphore_mem>>
      %dma_start3A = tpu.memref_slice %arg5[%add3A_73] : memref<1605632xf32, #tpu.memory_space<hbm>> -> memref<6272xf32, #tpu.memory_space<hbm>>
      %dma_start3A_170 = tpu.memref_slice %arg5[%add3A_73] : memref<1605632xf32, #tpu.memory_space<hbm>> -> memref<6272xf32, #tpu.memory_space<hbm>>
      tpu.enqueue_dma source(%arg9 : memref<6272xf32, #tpu.memory_space<vmem>>) target(%dma_start3A_170 : memref<6272xf32, #tpu.memory_space<hbm>>) target_semaphore(%run_scoped3A : memref<!tpu.dma_semaphore, #tpu.memory_space<semaphore_mem>>)
      %dma_wait3A = tpu.memref_slice %arg5[%add3A_73] : memref<1605632xf32, #tpu.memory_space<hbm>> -> memref<6272xf32, #tpu.memory_space<hbm>>
      %dma_wait3A_171 = tpu.memref_slice %arg5[%add3A_73] : memref<1605632xf32, #tpu.memory_space<hbm>> -> memref<6272xf32, #tpu.memory_space<hbm>>
      tpu.wait_dma2 semaphore(%run_scoped3A : memref<!tpu.dma_semaphore, #tpu.memory_space<semaphore_mem>>) src(%arg9 : memref<6272xf32, #tpu.memory_space<vmem>>) dst(%dma_wait3A_171 : memref<6272xf32, #tpu.memory_space<hbm>>)
      tpu.yield
    }) : () -> ()
    %add3A_79 = arith.constant 18816 : i32
    %add3A_80 = arith.addi %mul3A_2, %add3A_79 : i32
    "tpu.region"() ({
      %run_scoped3A = tpu.sem_alloc : memref<!tpu.dma_semaphore, #tpu.memory_space<semaphore_mem>>
      %dma_start3A = tpu.memref_slice %arg3[%add3A_80] : memref<1605632xi32, #tpu.memory_space<hbm>> -> memref<6272xi32, #tpu.memory_space<hbm>>
      %dma_start3A_170 = tpu.memref_slice %arg3[%add3A_80] : memref<1605632xi32, #tpu.memory_space<hbm>> -> memref<6272xi32, #tpu.memory_space<hbm>>
      tpu.enqueue_dma source(%dma_start3A_170 : memref<6272xi32, #tpu.memory_space<hbm>>) target(%arg8 : memref<6272xi32, #tpu.memory_space<vmem>>) target_semaphore(%run_scoped3A : memref<!tpu.dma_semaphore, #tpu.memory_space<semaphore_mem>>)
      %dma_wait3A = tpu.memref_slice %arg3[%add3A_80] : memref<1605632xi32, #tpu.memory_space<hbm>> -> memref<6272xi32, #tpu.memory_space<hbm>>
      %dma_wait3A_171 = tpu.memref_slice %arg3[%add3A_80] : memref<1605632xi32, #tpu.memory_space<hbm>> -> memref<6272xi32, #tpu.memory_space<hbm>>
      tpu.wait_dma2 semaphore(%run_scoped3A : memref<!tpu.dma_semaphore, #tpu.memory_space<semaphore_mem>>) src(%dma_wait3A_171 : memref<6272xi32, #tpu.memory_space<hbm>>) dst(%arg8 : memref<6272xi32, #tpu.memory_space<vmem>>)
      tpu.yield
    }) : () -> ()
    %scan3A_81 = arith.constant 0 : i32
    %scan3A_82 = arith.constant 392 : i32
    %scan3A_83 = arith.addi %scan3A_81, %scan3A_82 : i32
    %scan3A_84 = arith.constant 8 : i32
    scf.for %scan3A_170 = %scan3A_81 to %scan3A_83 step %scan3A_84  : i32 {
      %mul3A_171 = arith.constant 1 : i32
      %mul3A_172 = arith.muli %scan3A_170, %mul3A_171 : i32
      %add3A_173 = arith.constant 0 : i32
      %add3A_174 = arith.addi %add3A_173, %mul3A_172 : i32
      %mul3A_175 = arith.constant 16 : i32
      %mul3A_176 = arith.muli %add3A_174, %mul3A_175 : i32
      %get3A = arith.index_cast %mul3A_176 : i32 to index
      %get3A_177 = tpu.vector_load %arg8[%get3A] {strides = array<i32>} : memref<6272xi32, #tpu.memory_space<vmem>>, vector<16xi32>,
      %gather3A = tpu.vector_load_idx %arg7[%get3A_177] : memref<50000xf32, #tpu.memory_space<vmem>>[vector<16xi32>], vector<16xf32>,
      %swap3A = arith.index_cast %mul3A_176 : i32 to index
      %swap3A_178 = tpu.vector_load %arg9[%swap3A] {strides = array<i32>} : memref<6272xf32, #tpu.memory_space<vmem>>, vector<16xf32>,
      tpu.vector_store %arg9[%swap3A], %gather3A {strides = array<i32>} : memref<6272xf32, #tpu.memory_space<vmem>>, vector<16xf32>,
      %scan3A_179 = arith.constant 1 : i32
      %scan3A_180 = arith.addi %scan3A_170, %scan3A_179 : i32
      %mul3A_181 = arith.constant 1 : i32
      %mul3A_182 = arith.muli %scan3A_180, %mul3A_181 : i32
      %add3A_183 = arith.constant 0 : i32
      %add3A_184 = arith.addi %add3A_183, %mul3A_182 : i32
      %mul3A_185 = arith.constant 16 : i32
      %mul3A_186 = arith.muli %add3A_184, %mul3A_185 : i32
      %get3A_187 = arith.index_cast %mul3A_186 : i32 to index
      %get3A_188 = tpu.vector_load %arg8[%get3A_187] {strides = array<i32>} : memref<6272xi32, #tpu.memory_space<vmem>>, vector<16xi32>,
      %gather3A_189 = tpu.vector_load_idx %arg7[%get3A_188] : memref<50000xf32, #tpu.memory_space<vmem>>[vector<16xi32>], vector<16xf32>,
      %swap3A_190 = arith.index_cast %mul3A_186 : i32 to index
      %swap3A_191 = tpu.vector_load %arg9[%swap3A_190] {strides = array<i32>} : memref<6272xf32, #tpu.memory_space<vmem>>, vector<16xf32>,
      tpu.vector_store %arg9[%swap3A_190], %gather3A_189 {strides = array<i32>} : memref<6272xf32, #tpu.memory_space<vmem>>, vector<16xf32>,
      %scan3A_192 = arith.constant 2 : i32
      %scan3A_193 = arith.addi %scan3A_170, %scan3A_192 : i32
      %mul3A_194 = arith.constant 1 : i32
      %mul3A_195 = arith.muli %scan3A_193, %mul3A_194 : i32
      %add3A_196 = arith.constant 0 : i32
      %add3A_197 = arith.addi %add3A_196, %mul3A_195 : i32
      %mul3A_198 = arith.constant 16 : i32
      %mul3A_199 = arith.muli %add3A_197, %mul3A_198 : i32
      %get3A_200 = arith.index_cast %mul3A_199 : i32 to index
      %get3A_201 = tpu.vector_load %arg8[%get3A_200] {strides = array<i32>} : memref<6272xi32, #tpu.memory_space<vmem>>, vector<16xi32>,
      %gather3A_202 = tpu.vector_load_idx %arg7[%get3A_201] : memref<50000xf32, #tpu.memory_space<vmem>>[vector<16xi32>], vector<16xf32>,
      %swap3A_203 = arith.index_cast %mul3A_199 : i32 to index
      %swap3A_204 = tpu.vector_load %arg9[%swap3A_203] {strides = array<i32>} : memref<6272xf32, #tpu.memory_space<vmem>>, vector<16xf32>,
      tpu.vector_store %arg9[%swap3A_203], %gather3A_202 {strides = array<i32>} : memref<6272xf32, #tpu.memory_space<vmem>>, vector<16xf32>,
      %scan3A_205 = arith.constant 3 : i32
      %scan3A_206 = arith.addi %scan3A_170, %scan3A_205 : i32
      %mul3A_207 = arith.constant 1 : i32
      %mul3A_208 = arith.muli %scan3A_206, %mul3A_207 : i32
      %add3A_209 = arith.constant 0 : i32
      %add3A_210 = arith.addi %add3A_209, %mul3A_208 : i32
      %mul3A_211 = arith.constant 16 : i32
      %mul3A_212 = arith.muli %add3A_210, %mul3A_211 : i32
      %get3A_213 = arith.index_cast %mul3A_212 : i32 to index
      %get3A_214 = tpu.vector_load %arg8[%get3A_213] {strides = array<i32>} : memref<6272xi32, #tpu.memory_space<vmem>>, vector<16xi32>,
      %gather3A_215 = tpu.vector_load_idx %arg7[%get3A_214] : memref<50000xf32, #tpu.memory_space<vmem>>[vector<16xi32>], vector<16xf32>,
      %swap3A_216 = arith.index_cast %mul3A_212 : i32 to index
      %swap3A_217 = tpu.vector_load %arg9[%swap3A_216] {strides = array<i32>} : memref<6272xf32, #tpu.memory_space<vmem>>, vector<16xf32>,
      tpu.vector_store %arg9[%swap3A_216], %gather3A_215 {strides = array<i32>} : memref<6272xf32, #tpu.memory_space<vmem>>, vector<16xf32>,
      %scan3A_218 = arith.constant 4 : i32
      %scan3A_219 = arith.addi %scan3A_170, %scan3A_218 : i32
      %mul3A_220 = arith.constant 1 : i32
      %mul3A_221 = arith.muli %scan3A_219, %mul3A_220 : i32
      %add3A_222 = arith.constant 0 : i32
      %add3A_223 = arith.addi %add3A_222, %mul3A_221 : i32
      %mul3A_224 = arith.constant 16 : i32
      %mul3A_225 = arith.muli %add3A_223, %mul3A_224 : i32
      %get3A_226 = arith.index_cast %mul3A_225 : i32 to index
      %get3A_227 = tpu.vector_load %arg8[%get3A_226] {strides = array<i32>} : memref<6272xi32, #tpu.memory_space<vmem>>, vector<16xi32>,
      %gather3A_228 = tpu.vector_load_idx %arg7[%get3A_227] : memref<50000xf32, #tpu.memory_space<vmem>>[vector<16xi32>], vector<16xf32>,
      %swap3A_229 = arith.index_cast %mul3A_225 : i32 to index
      %swap3A_230 = tpu.vector_load %arg9[%swap3A_229] {strides = array<i32>} : memref<6272xf32, #tpu.memory_space<vmem>>, vector<16xf32>,
      tpu.vector_store %arg9[%swap3A_229], %gather3A_228 {strides = array<i32>} : memref<6272xf32, #tpu.memory_space<vmem>>, vector<16xf32>,
      %scan3A_231 = arith.constant 5 : i32
      %scan3A_232 = arith.addi %scan3A_170, %scan3A_231 : i32
      %mul3A_233 = arith.constant 1 : i32
      %mul3A_234 = arith.muli %scan3A_232, %mul3A_233 : i32
      %add3A_235 = arith.constant 0 : i32
      %add3A_236 = arith.addi %add3A_235, %mul3A_234 : i32
      %mul3A_237 = arith.constant 16 : i32
      %mul3A_238 = arith.muli %add3A_236, %mul3A_237 : i32
      %get3A_239 = arith.index_cast %mul3A_238 : i32 to index
      %get3A_240 = tpu.vector_load %arg8[%get3A_239] {strides = array<i32>} : memref<6272xi32, #tpu.memory_space<vmem>>, vector<16xi32>,
      %gather3A_241 = tpu.vector_load_idx %arg7[%get3A_240] : memref<50000xf32, #tpu.memory_space<vmem>>[vector<16xi32>], vector<16xf32>,
      %swap3A_242 = arith.index_cast %mul3A_238 : i32 to index
      %swap3A_243 = tpu.vector_load %arg9[%swap3A_242] {strides = array<i32>} : memref<6272xf32, #tpu.memory_space<vmem>>, vector<16xf32>,
      tpu.vector_store %arg9[%swap3A_242], %gather3A_241 {strides = array<i32>} : memref<6272xf32, #tpu.memory_space<vmem>>, vector<16xf32>,
      %scan3A_244 = arith.constant 6 : i32
      %scan3A_245 = arith.addi %scan3A_170, %scan3A_244 : i32
      %mul3A_246 = arith.constant 1 : i32
      %mul3A_247 = arith.muli %scan3A_245, %mul3A_246 : i32
      %add3A_248 = arith.constant 0 : i32
      %add3A_249 = arith.addi %add3A_248, %mul3A_247 : i32
      %mul3A_250 = arith.constant 16 : i32
      %mul3A_251 = arith.muli %add3A_249, %mul3A_250 : i32
      %get3A_252 = arith.index_cast %mul3A_251 : i32 to index
      %get3A_253 = tpu.vector_load %arg8[%get3A_252] {strides = array<i32>} : memref<6272xi32, #tpu.memory_space<vmem>>, vector<16xi32>,
      %gather3A_254 = tpu.vector_load_idx %arg7[%get3A_253] : memref<50000xf32, #tpu.memory_space<vmem>>[vector<16xi32>], vector<16xf32>,
      %swap3A_255 = arith.index_cast %mul3A_251 : i32 to index
      %swap3A_256 = tpu.vector_load %arg9[%swap3A_255] {strides = array<i32>} : memref<6272xf32, #tpu.memory_space<vmem>>, vector<16xf32>,
      tpu.vector_store %arg9[%swap3A_255], %gather3A_254 {strides = array<i32>} : memref<6272xf32, #tpu.memory_space<vmem>>, vector<16xf32>,
      %scan3A_257 = arith.constant 7 : i32
      %scan3A_258 = arith.addi %scan3A_170, %scan3A_257 : i32
      %mul3A_259 = arith.constant 1 : i32
      %mul3A_260 = arith.muli %scan3A_258, %mul3A_259 : i32
      %add3A_261 = arith.constant 0 : i32
      %add3A_262 = arith.addi %add3A_261, %mul3A_260 : i32
      %mul3A_263 = arith.constant 16 : i32
      %mul3A_264 = arith.muli %add3A_262, %mul3A_263 : i32
      %get3A_265 = arith.index_cast %mul3A_264 : i32 to index
      %get3A_266 = tpu.vector_load %arg8[%get3A_265] {strides = array<i32>} : memref<6272xi32, #tpu.memory_space<vmem>>, vector<16xi32>,
      %gather3A_267 = tpu.vector_load_idx %arg7[%get3A_266] : memref<50000xf32, #tpu.memory_space<vmem>>[vector<16xi32>], vector<16xf32>,
      %swap3A_268 = arith.index_cast %mul3A_264 : i32 to index
      %swap3A_269 = tpu.vector_load %arg9[%swap3A_268] {strides = array<i32>} : memref<6272xf32, #tpu.memory_space<vmem>>, vector<16xf32>,
      tpu.vector_store %arg9[%swap3A_268], %gather3A_267 {strides = array<i32>} : memref<6272xf32, #tpu.memory_space<vmem>>, vector<16xf32>,
    }
    %scan3A_85 = arith.constant 392 : i32
    "tpu.region"() ({
      %run_scoped3A = tpu.sem_alloc : memref<!tpu.dma_semaphore, #tpu.memory_space<semaphore_mem>>
      %dma_start3A = tpu.memref_slice %arg5[%add3A_80] : memref<1605632xf32, #tpu.memory_space<hbm>> -> memref<6272xf32, #tpu.memory_space<hbm>>
      %dma_start3A_170 = tpu.memref_slice %arg5[%add3A_80] : memref<1605632xf32, #tpu.memory_space<hbm>> -> memref<6272xf32, #tpu.memory_space<hbm>>
      tpu.enqueue_dma source(%arg9 : memref<6272xf32, #tpu.memory_space<vmem>>) target(%dma_start3A_170 : memref<6272xf32, #tpu.memory_space<hbm>>) target_semaphore(%run_scoped3A : memref<!tpu.dma_semaphore, #tpu.memory_space<semaphore_mem>>)
      %dma_wait3A = tpu.memref_slice %arg5[%add3A_80] : memref<1605632xf32, #tpu.memory_space<hbm>> -> memref<6272xf32, #tpu.memory_space<hbm>>
      %dma_wait3A_171 = tpu.memref_slice %arg5[%add3A_80] : memref<1605632xf32, #tpu.memory_space<hbm>> -> memref<6272xf32, #tpu.memory_space<hbm>>
      tpu.wait_dma2 semaphore(%run_scoped3A : memref<!tpu.dma_semaphore, #tpu.memory_space<semaphore_mem>>) src(%arg9 : memref<6272xf32, #tpu.memory_space<vmem>>) dst(%dma_wait3A_171 : memref<6272xf32, #tpu.memory_space<hbm>>)
      tpu.yield
    }) : () -> ()
    %add3A_86 = arith.constant 25088 : i32
    %add3A_87 = arith.addi %mul3A_2, %add3A_86 : i32
    "tpu.region"() ({
      %run_scoped3A = tpu.sem_alloc : memref<!tpu.dma_semaphore, #tpu.memory_space<semaphore_mem>>
      %dma_start3A = tpu.memref_slice %arg3[%add3A_87] : memref<1605632xi32, #tpu.memory_space<hbm>> -> memref<6272xi32, #tpu.memory_space<hbm>>
      %dma_start3A_170 = tpu.memref_slice %arg3[%add3A_87] : memref<1605632xi32, #tpu.memory_space<hbm>> -> memref<6272xi32, #tpu.memory_space<hbm>>
      tpu.enqueue_dma source(%dma_start3A_170 : memref<6272xi32, #tpu.memory_space<hbm>>) target(%arg8 : memref<6272xi32, #tpu.memory_space<vmem>>) target_semaphore(%run_scoped3A : memref<!tpu.dma_semaphore, #tpu.memory_space<semaphore_mem>>)
      %dma_wait3A = tpu.memref_slice %arg3[%add3A_87] : memref<1605632xi32, #tpu.memory_space<hbm>> -> memref<6272xi32, #tpu.memory_space<hbm>>
      %dma_wait3A_171 = tpu.memref_slice %arg3[%add3A_87] : memref<1605632xi32, #tpu.memory_space<hbm>> -> memref<6272xi32, #tpu.memory_space<hbm>>
      tpu.wait_dma2 semaphore(%run_scoped3A : memref<!tpu.dma_semaphore, #tpu.memory_space<semaphore_mem>>) src(%dma_wait3A_171 : memref<6272xi32, #tpu.memory_space<hbm>>) dst(%arg8 : memref<6272xi32, #tpu.memory_space<vmem>>)
      tpu.yield
    }) : () -> ()
    %scan3A_88 = arith.constant 0 : i32
    %scan3A_89 = arith.constant 392 : i32
    %scan3A_90 = arith.addi %scan3A_88, %scan3A_89 : i32
    %scan3A_91 = arith.constant 8 : i32
    scf.for %scan3A_170 = %scan3A_88 to %scan3A_90 step %scan3A_91  : i32 {
      %mul3A_171 = arith.constant 1 : i32
      %mul3A_172 = arith.muli %scan3A_170, %mul3A_171 : i32
      %add3A_173 = arith.constant 0 : i32
      %add3A_174 = arith.addi %add3A_173, %mul3A_172 : i32
      %mul3A_175 = arith.constant 16 : i32
      %mul3A_176 = arith.muli %add3A_174, %mul3A_175 : i32
      %get3A = arith.index_cast %mul3A_176 : i32 to index
      %get3A_177 = tpu.vector_load %arg8[%get3A] {strides = array<i32>} : memref<6272xi32, #tpu.memory_space<vmem>>, vector<16xi32>,
      %gather3A = tpu.vector_load_idx %arg7[%get3A_177] : memref<50000xf32, #tpu.memory_space<vmem>>[vector<16xi32>], vector<16xf32>,
      %swap3A = arith.index_cast %mul3A_176 : i32 to index
      %swap3A_178 = tpu.vector_load %arg9[%swap3A] {strides = array<i32>} : memref<6272xf32, #tpu.memory_space<vmem>>, vector<16xf32>,
      tpu.vector_store %arg9[%swap3A], %gather3A {strides = array<i32>} : memref<6272xf32, #tpu.memory_space<vmem>>, vector<16xf32>,
      %scan3A_179 = arith.constant 1 : i32
      %scan3A_180 = arith.addi %scan3A_170, %scan3A_179 : i32
      %mul3A_181 = arith.constant 1 : i32
      %mul3A_182 = arith.muli %scan3A_180, %mul3A_181 : i32
      %add3A_183 = arith.constant 0 : i32
      %add3A_184 = arith.addi %add3A_183, %mul3A_182 : i32
      %mul3A_185 = arith.constant 16 : i32
      %mul3A_186 = arith.muli %add3A_184, %mul3A_185 : i32
      %get3A_187 = arith.index_cast %mul3A_186 : i32 to index
      %get3A_188 = tpu.vector_load %arg8[%get3A_187] {strides = array<i32>} : memref<6272xi32, #tpu.memory_space<vmem>>, vector<16xi32>,
      %gather3A_189 = tpu.vector_load_idx %arg7[%get3A_188] : memref<50000xf32, #tpu.memory_space<vmem>>[vector<16xi32>], vector<16xf32>,
      %swap3A_190 = arith.index_cast %mul3A_186 : i32 to index
      %swap3A_191 = tpu.vector_load %arg9[%swap3A_190] {strides = array<i32>} : memref<6272xf32, #tpu.memory_space<vmem>>, vector<16xf32>,
      tpu.vector_store %arg9[%swap3A_190], %gather3A_189 {strides = array<i32>} : memref<6272xf32, #tpu.memory_space<vmem>>, vector<16xf32>,
      %scan3A_192 = arith.constant 2 : i32
      %scan3A_193 = arith.addi %scan3A_170, %scan3A_192 : i32
      %mul3A_194 = arith.constant 1 : i32
      %mul3A_195 = arith.muli %scan3A_193, %mul3A_194 : i32
      %add3A_196 = arith.constant 0 : i32
      %add3A_197 = arith.addi %add3A_196, %mul3A_195 : i32
      %mul3A_198 = arith.constant 16 : i32
      %mul3A_199 = arith.muli %add3A_197, %mul3A_198 : i32
      %get3A_200 = arith.index_cast %mul3A_199 : i32 to index
      %get3A_201 = tpu.vector_load %arg8[%get3A_200] {strides = array<i32>} : memref<6272xi32, #tpu.memory_space<vmem>>, vector<16xi32>,
      %gather3A_202 = tpu.vector_load_idx %arg7[%get3A_201] : memref<50000xf32, #tpu.memory_space<vmem>>[vector<16xi32>], vector<16xf32>,
      %swap3A_203 = arith.index_cast %mul3A_199 : i32 to index
      %swap3A_204 = tpu.vector_load %arg9[%swap3A_203] {strides = array<i32>} : memref<6272xf32, #tpu.memory_space<vmem>>, vector<16xf32>,
      tpu.vector_store %arg9[%swap3A_203], %gather3A_202 {strides = array<i32>} : memref<6272xf32, #tpu.memory_space<vmem>>, vector<16xf32>,
      %scan3A_205 = arith.constant 3 : i32
      %scan3A_206 = arith.addi %scan3A_170, %scan3A_205 : i32
      %mul3A_207 = arith.constant 1 : i32
      %mul3A_208 = arith.muli %scan3A_206, %mul3A_207 : i32
      %add3A_209 = arith.constant 0 : i32
      %add3A_210 = arith.addi %add3A_209, %mul3A_208 : i32
      %mul3A_211 = arith.constant 16 : i32
      %mul3A_212 = arith.muli %add3A_210, %mul3A_211 : i32
      %get3A_213 = arith.index_cast %mul3A_212 : i32 to index
      %get3A_214 = tpu.vector_load %arg8[%get3A_213] {strides = array<i32>} : memref<6272xi32, #tpu.memory_space<vmem>>, vector<16xi32>,
      %gather3A_215 = tpu.vector_load_idx %arg7[%get3A_214] : memref<50000xf32, #tpu.memory_space<vmem>>[vector<16xi32>], vector<16xf32>,
      %swap3A_216 = arith.index_cast %mul3A_212 : i32 to index
      %swap3A_217 = tpu.vector_load %arg9[%swap3A_216] {strides = array<i32>} : memref<6272xf32, #tpu.memory_space<vmem>>, vector<16xf32>,
      tpu.vector_store %arg9[%swap3A_216], %gather3A_215 {strides = array<i32>} : memref<6272xf32, #tpu.memory_space<vmem>>, vector<16xf32>,
      %scan3A_218 = arith.constant 4 : i32
      %scan3A_219 = arith.addi %scan3A_170, %scan3A_218 : i32
      %mul3A_220 = arith.constant 1 : i32
      %mul3A_221 = arith.muli %scan3A_219, %mul3A_220 : i32
      %add3A_222 = arith.constant 0 : i32
      %add3A_223 = arith.addi %add3A_222, %mul3A_221 : i32
      %mul3A_224 = arith.constant 16 : i32
      %mul3A_225 = arith.muli %add3A_223, %mul3A_224 : i32
      %get3A_226 = arith.index_cast %mul3A_225 : i32 to index
      %get3A_227 = tpu.vector_load %arg8[%get3A_226] {strides = array<i32>} : memref<6272xi32, #tpu.memory_space<vmem>>, vector<16xi32>,
      %gather3A_228 = tpu.vector_load_idx %arg7[%get3A_227] : memref<50000xf32, #tpu.memory_space<vmem>>[vector<16xi32>], vector<16xf32>,
      %swap3A_229 = arith.index_cast %mul3A_225 : i32 to index
      %swap3A_230 = tpu.vector_load %arg9[%swap3A_229] {strides = array<i32>} : memref<6272xf32, #tpu.memory_space<vmem>>, vector<16xf32>,
      tpu.vector_store %arg9[%swap3A_229], %gather3A_228 {strides = array<i32>} : memref<6272xf32, #tpu.memory_space<vmem>>, vector<16xf32>,
      %scan3A_231 = arith.constant 5 : i32
      %scan3A_232 = arith.addi %scan3A_170, %scan3A_231 : i32
      %mul3A_233 = arith.constant 1 : i32
      %mul3A_234 = arith.muli %scan3A_232, %mul3A_233 : i32
      %add3A_235 = arith.constant 0 : i32
      %add3A_236 = arith.addi %add3A_235, %mul3A_234 : i32
      %mul3A_237 = arith.constant 16 : i32
      %mul3A_238 = arith.muli %add3A_236, %mul3A_237 : i32
      %get3A_239 = arith.index_cast %mul3A_238 : i32 to index
      %get3A_240 = tpu.vector_load %arg8[%get3A_239] {strides = array<i32>} : memref<6272xi32, #tpu.memory_space<vmem>>, vector<16xi32>,
      %gather3A_241 = tpu.vector_load_idx %arg7[%get3A_240] : memref<50000xf32, #tpu.memory_space<vmem>>[vector<16xi32>], vector<16xf32>,
      %swap3A_242 = arith.index_cast %mul3A_238 : i32 to index
      %swap3A_243 = tpu.vector_load %arg9[%swap3A_242] {strides = array<i32>} : memref<6272xf32, #tpu.memory_space<vmem>>, vector<16xf32>,
      tpu.vector_store %arg9[%swap3A_242], %gather3A_241 {strides = array<i32>} : memref<6272xf32, #tpu.memory_space<vmem>>, vector<16xf32>,
      %scan3A_244 = arith.constant 6 : i32
      %scan3A_245 = arith.addi %scan3A_170, %scan3A_244 : i32
      %mul3A_246 = arith.constant 1 : i32
      %mul3A_247 = arith.muli %scan3A_245, %mul3A_246 : i32
      %add3A_248 = arith.constant 0 : i32
      %add3A_249 = arith.addi %add3A_248, %mul3A_247 : i32
      %mul3A_250 = arith.constant 16 : i32
      %mul3A_251 = arith.muli %add3A_249, %mul3A_250 : i32
      %get3A_252 = arith.index_cast %mul3A_251 : i32 to index
      %get3A_253 = tpu.vector_load %arg8[%get3A_252] {strides = array<i32>} : memref<6272xi32, #tpu.memory_space<vmem>>, vector<16xi32>,
      %gather3A_254 = tpu.vector_load_idx %arg7[%get3A_253] : memref<50000xf32, #tpu.memory_space<vmem>>[vector<16xi32>], vector<16xf32>,
      %swap3A_255 = arith.index_cast %mul3A_251 : i32 to index
      %swap3A_256 = tpu.vector_load %arg9[%swap3A_255] {strides = array<i32>} : memref<6272xf32, #tpu.memory_space<vmem>>, vector<16xf32>,
      tpu.vector_store %arg9[%swap3A_255], %gather3A_254 {strides = array<i32>} : memref<6272xf32, #tpu.memory_space<vmem>>, vector<16xf32>,
      %scan3A_257 = arith.constant 7 : i32
      %scan3A_258 = arith.addi %scan3A_170, %scan3A_257 : i32
      %mul3A_259 = arith.constant 1 : i32
      %mul3A_260 = arith.muli %scan3A_258, %mul3A_259 : i32
      %add3A_261 = arith.constant 0 : i32
      %add3A_262 = arith.addi %add3A_261, %mul3A_260 : i32
      %mul3A_263 = arith.constant 16 : i32
      %mul3A_264 = arith.muli %add3A_262, %mul3A_263 : i32
      %get3A_265 = arith.index_cast %mul3A_264 : i32 to index
      %get3A_266 = tpu.vector_load %arg8[%get3A_265] {strides = array<i32>} : memref<6272xi32, #tpu.memory_space<vmem>>, vector<16xi32>,
      %gather3A_267 = tpu.vector_load_idx %arg7[%get3A_266] : memref<50000xf32, #tpu.memory_space<vmem>>[vector<16xi32>], vector<16xf32>,
      %swap3A_268 = arith.index_cast %mul3A_264 : i32 to index
      %swap3A_269 = tpu.vector_load %arg9[%swap3A_268] {strides = array<i32>} : memref<6272xf32, #tpu.memory_space<vmem>>, vector<16xf32>,
      tpu.vector_store %arg9[%swap3A_268], %gather3A_267 {strides = array<i32>} : memref<6272xf32, #tpu.memory_space<vmem>>, vector<16xf32>,
    }
    %scan3A_92 = arith.constant 392 : i32
    "tpu.region"() ({
      %run_scoped3A = tpu.sem_alloc : memref<!tpu.dma_semaphore, #tpu.memory_space<semaphore_mem>>
      %dma_start3A = tpu.memref_slice %arg5[%add3A_87] : memref<1605632xf32, #tpu.memory_space<hbm>> -> memref<6272xf32, #tpu.memory_space<hbm>>
      %dma_start3A_170 = tpu.memref_slice %arg5[%add3A_87] : memref<1605632xf32, #tpu.memory_space<hbm>> -> memref<6272xf32, #tpu.memory_space<hbm>>
      tpu.enqueue_dma source(%arg9 : memref<6272xf32, #tpu.memory_space<vmem>>) target(%dma_start3A_170 : memref<6272xf32, #tpu.memory_space<hbm>>) target_semaphore(%run_scoped3A : memref<!tpu.dma_semaphore, #tpu.memory_space<semaphore_mem>>)
      %dma_wait3A = tpu.memref_slice %arg5[%add3A_87] : memref<1605632xf32, #tpu.memory_space<hbm>> -> memref<6272xf32, #tpu.memory_space<hbm>>
      %dma_wait3A_171 = tpu.memref_slice %arg5[%add3A_87] : memref<1605632xf32, #tpu.memory_space<hbm>> -> memref<6272xf32, #tpu.memory_space<hbm>>
      tpu.wait_dma2 semaphore(%run_scoped3A : memref<!tpu.dma_semaphore, #tpu.memory_space<semaphore_mem>>) src(%arg9 : memref<6272xf32, #tpu.memory_space<vmem>>) dst(%dma_wait3A_171 : memref<6272xf32, #tpu.memory_space<hbm>>)
      tpu.yield
    }) : () -> ()
    %add3A_93 = arith.constant 31360 : i32
    %add3A_94 = arith.addi %mul3A_2, %add3A_93 : i32
    "tpu.region"() ({
      %run_scoped3A = tpu.sem_alloc : memref<!tpu.dma_semaphore, #tpu.memory_space<semaphore_mem>>
      %dma_start3A = tpu.memref_slice %arg3[%add3A_94] : memref<1605632xi32, #tpu.memory_space<hbm>> -> memref<6272xi32, #tpu.memory_space<hbm>>
      %dma_start3A_170 = tpu.memref_slice %arg3[%add3A_94] : memref<1605632xi32, #tpu.memory_space<hbm>> -> memref<6272xi32, #tpu.memory_space<hbm>>
      tpu.enqueue_dma source(%dma_start3A_170 : memref<6272xi32, #tpu.memory_space<hbm>>) target(%arg8 : memref<6272xi32, #tpu.memory_space<vmem>>) target_semaphore(%run_scoped3A : memref<!tpu.dma_semaphore, #tpu.memory_space<semaphore_mem>>)
      %dma_wait3A = tpu.memref_slice %arg3[%add3A_94] : memref<1605632xi32, #tpu.memory_space<hbm>> -> memref<6272xi32, #tpu.memory_space<hbm>>
      %dma_wait3A_171 = tpu.memref_slice %arg3[%add3A_94] : memref<1605632xi32, #tpu.memory_space<hbm>> -> memref<6272xi32, #tpu.memory_space<hbm>>
      tpu.wait_dma2 semaphore(%run_scoped3A : memref<!tpu.dma_semaphore, #tpu.memory_space<semaphore_mem>>) src(%dma_wait3A_171 : memref<6272xi32, #tpu.memory_space<hbm>>) dst(%arg8 : memref<6272xi32, #tpu.memory_space<vmem>>)
      tpu.yield
    }) : () -> ()
    %scan3A_95 = arith.constant 0 : i32
    %scan3A_96 = arith.constant 392 : i32
    %scan3A_97 = arith.addi %scan3A_95, %scan3A_96 : i32
    %scan3A_98 = arith.constant 8 : i32
    scf.for %scan3A_170 = %scan3A_95 to %scan3A_97 step %scan3A_98  : i32 {
      %mul3A_171 = arith.constant 1 : i32
      %mul3A_172 = arith.muli %scan3A_170, %mul3A_171 : i32
      %add3A_173 = arith.constant 0 : i32
      %add3A_174 = arith.addi %add3A_173, %mul3A_172 : i32
      %mul3A_175 = arith.constant 16 : i32
      %mul3A_176 = arith.muli %add3A_174, %mul3A_175 : i32
      %get3A = arith.index_cast %mul3A_176 : i32 to index
      %get3A_177 = tpu.vector_load %arg8[%get3A] {strides = array<i32>} : memref<6272xi32, #tpu.memory_space<vmem>>, vector<16xi32>,
      %gather3A = tpu.vector_load_idx %arg7[%get3A_177] : memref<50000xf32, #tpu.memory_space<vmem>>[vector<16xi32>], vector<16xf32>,
      %swap3A = arith.index_cast %mul3A_176 : i32 to index
      %swap3A_178 = tpu.vector_load %arg9[%swap3A] {strides = array<i32>} : memref<6272xf32, #tpu.memory_space<vmem>>, vector<16xf32>,
      tpu.vector_store %arg9[%swap3A], %gather3A {strides = array<i32>} : memref<6272xf32, #tpu.memory_space<vmem>>, vector<16xf32>,
      %scan3A_179 = arith.constant 1 : i32
      %scan3A_180 = arith.addi %scan3A_170, %scan3A_179 : i32
      %mul3A_181 = arith.constant 1 : i32
      %mul3A_182 = arith.muli %scan3A_180, %mul3A_181 : i32
      %add3A_183 = arith.constant 0 : i32
      %add3A_184 = arith.addi %add3A_183, %mul3A_182 : i32
      %mul3A_185 = arith.constant 16 : i32
      %mul3A_186 = arith.muli %add3A_184, %mul3A_185 : i32
      %get3A_187 = arith.index_cast %mul3A_186 : i32 to index
      %get3A_188 = tpu.vector_load %arg8[%get3A_187] {strides = array<i32>} : memref<6272xi32, #tpu.memory_space<vmem>>, vector<16xi32>,
      %gather3A_189 = tpu.vector_load_idx %arg7[%get3A_188] : memref<50000xf32, #tpu.memory_space<vmem>>[vector<16xi32>], vector<16xf32>,
      %swap3A_190 = arith.index_cast %mul3A_186 : i32 to index
      %swap3A_191 = tpu.vector_load %arg9[%swap3A_190] {strides = array<i32>} : memref<6272xf32, #tpu.memory_space<vmem>>, vector<16xf32>,
      tpu.vector_store %arg9[%swap3A_190], %gather3A_189 {strides = array<i32>} : memref<6272xf32, #tpu.memory_space<vmem>>, vector<16xf32>,
      %scan3A_192 = arith.constant 2 : i32
      %scan3A_193 = arith.addi %scan3A_170, %scan3A_192 : i32
      %mul3A_194 = arith.constant 1 : i32
      %mul3A_195 = arith.muli %scan3A_193, %mul3A_194 : i32
      %add3A_196 = arith.constant 0 : i32
      %add3A_197 = arith.addi %add3A_196, %mul3A_195 : i32
      %mul3A_198 = arith.constant 16 : i32
      %mul3A_199 = arith.muli %add3A_197, %mul3A_198 : i32
      %get3A_200 = arith.index_cast %mul3A_199 : i32 to index
      %get3A_201 = tpu.vector_load %arg8[%get3A_200] {strides = array<i32>} : memref<6272xi32, #tpu.memory_space<vmem>>, vector<16xi32>,
      %gather3A_202 = tpu.vector_load_idx %arg7[%get3A_201] : memref<50000xf32, #tpu.memory_space<vmem>>[vector<16xi32>], vector<16xf32>,
      %swap3A_203 = arith.index_cast %mul3A_199 : i32 to index
      %swap3A_204 = tpu.vector_load %arg9[%swap3A_203] {strides = array<i32>} : memref<6272xf32, #tpu.memory_space<vmem>>, vector<16xf32>,
      tpu.vector_store %arg9[%swap3A_203], %gather3A_202 {strides = array<i32>} : memref<6272xf32, #tpu.memory_space<vmem>>, vector<16xf32>,
      %scan3A_205 = arith.constant 3 : i32
      %scan3A_206 = arith.addi %scan3A_170, %scan3A_205 : i32
      %mul3A_207 = arith.constant 1 : i32
      %mul3A_208 = arith.muli %scan3A_206, %mul3A_207 : i32
      %add3A_209 = arith.constant 0 : i32
      %add3A_210 = arith.addi %add3A_209, %mul3A_208 : i32
      %mul3A_211 = arith.constant 16 : i32
      %mul3A_212 = arith.muli %add3A_210, %mul3A_211 : i32
      %get3A_213 = arith.index_cast %mul3A_212 : i32 to index
      %get3A_214 = tpu.vector_load %arg8[%get3A_213] {strides = array<i32>} : memref<6272xi32, #tpu.memory_space<vmem>>, vector<16xi32>,
      %gather3A_215 = tpu.vector_load_idx %arg7[%get3A_214] : memref<50000xf32, #tpu.memory_space<vmem>>[vector<16xi32>], vector<16xf32>,
      %swap3A_216 = arith.index_cast %mul3A_212 : i32 to index
      %swap3A_217 = tpu.vector_load %arg9[%swap3A_216] {strides = array<i32>} : memref<6272xf32, #tpu.memory_space<vmem>>, vector<16xf32>,
      tpu.vector_store %arg9[%swap3A_216], %gather3A_215 {strides = array<i32>} : memref<6272xf32, #tpu.memory_space<vmem>>, vector<16xf32>,
      %scan3A_218 = arith.constant 4 : i32
      %scan3A_219 = arith.addi %scan3A_170, %scan3A_218 : i32
      %mul3A_220 = arith.constant 1 : i32
      %mul3A_221 = arith.muli %scan3A_219, %mul3A_220 : i32
      %add3A_222 = arith.constant 0 : i32
      %add3A_223 = arith.addi %add3A_222, %mul3A_221 : i32
      %mul3A_224 = arith.constant 16 : i32
      %mul3A_225 = arith.muli %add3A_223, %mul3A_224 : i32
      %get3A_226 = arith.index_cast %mul3A_225 : i32 to index
      %get3A_227 = tpu.vector_load %arg8[%get3A_226] {strides = array<i32>} : memref<6272xi32, #tpu.memory_space<vmem>>, vector<16xi32>,
      %gather3A_228 = tpu.vector_load_idx %arg7[%get3A_227] : memref<50000xf32, #tpu.memory_space<vmem>>[vector<16xi32>], vector<16xf32>,
      %swap3A_229 = arith.index_cast %mul3A_225 : i32 to index
      %swap3A_230 = tpu.vector_load %arg9[%swap3A_229] {strides = array<i32>} : memref<6272xf32, #tpu.memory_space<vmem>>, vector<16xf32>,
      tpu.vector_store %arg9[%swap3A_229], %gather3A_228 {strides = array<i32>} : memref<6272xf32, #tpu.memory_space<vmem>>, vector<16xf32>,
      %scan3A_231 = arith.constant 5 : i32
      %scan3A_232 = arith.addi %scan3A_170, %scan3A_231 : i32
      %mul3A_233 = arith.constant 1 : i32
      %mul3A_234 = arith.muli %scan3A_232, %mul3A_233 : i32
      %add3A_235 = arith.constant 0 : i32
      %add3A_236 = arith.addi %add3A_235, %mul3A_234 : i32
      %mul3A_237 = arith.constant 16 : i32
      %mul3A_238 = arith.muli %add3A_236, %mul3A_237 : i32
      %get3A_239 = arith.index_cast %mul3A_238 : i32 to index
      %get3A_240 = tpu.vector_load %arg8[%get3A_239] {strides = array<i32>} : memref<6272xi32, #tpu.memory_space<vmem>>, vector<16xi32>,
      %gather3A_241 = tpu.vector_load_idx %arg7[%get3A_240] : memref<50000xf32, #tpu.memory_space<vmem>>[vector<16xi32>], vector<16xf32>,
      %swap3A_242 = arith.index_cast %mul3A_238 : i32 to index
      %swap3A_243 = tpu.vector_load %arg9[%swap3A_242] {strides = array<i32>} : memref<6272xf32, #tpu.memory_space<vmem>>, vector<16xf32>,
      tpu.vector_store %arg9[%swap3A_242], %gather3A_241 {strides = array<i32>} : memref<6272xf32, #tpu.memory_space<vmem>>, vector<16xf32>,
      %scan3A_244 = arith.constant 6 : i32
      %scan3A_245 = arith.addi %scan3A_170, %scan3A_244 : i32
      %mul3A_246 = arith.constant 1 : i32
      %mul3A_247 = arith.muli %scan3A_245, %mul3A_246 : i32
      %add3A_248 = arith.constant 0 : i32
      %add3A_249 = arith.addi %add3A_248, %mul3A_247 : i32
      %mul3A_250 = arith.constant 16 : i32
      %mul3A_251 = arith.muli %add3A_249, %mul3A_250 : i32
      %get3A_252 = arith.index_cast %mul3A_251 : i32 to index
      %get3A_253 = tpu.vector_load %arg8[%get3A_252] {strides = array<i32>} : memref<6272xi32, #tpu.memory_space<vmem>>, vector<16xi32>,
      %gather3A_254 = tpu.vector_load_idx %arg7[%get3A_253] : memref<50000xf32, #tpu.memory_space<vmem>>[vector<16xi32>], vector<16xf32>,
      %swap3A_255 = arith.index_cast %mul3A_251 : i32 to index
      %swap3A_256 = tpu.vector_load %arg9[%swap3A_255] {strides = array<i32>} : memref<6272xf32, #tpu.memory_space<vmem>>, vector<16xf32>,
      tpu.vector_store %arg9[%swap3A_255], %gather3A_254 {strides = array<i32>} : memref<6272xf32, #tpu.memory_space<vmem>>, vector<16xf32>,
      %scan3A_257 = arith.constant 7 : i32
      %scan3A_258 = arith.addi %scan3A_170, %scan3A_257 : i32
      %mul3A_259 = arith.constant 1 : i32
      %mul3A_260 = arith.muli %scan3A_258, %mul3A_259 : i32
      %add3A_261 = arith.constant 0 : i32
      %add3A_262 = arith.addi %add3A_261, %mul3A_260 : i32
      %mul3A_263 = arith.constant 16 : i32
      %mul3A_264 = arith.muli %add3A_262, %mul3A_263 : i32
      %get3A_265 = arith.index_cast %mul3A_264 : i32 to index
      %get3A_266 = tpu.vector_load %arg8[%get3A_265] {strides = array<i32>} : memref<6272xi32, #tpu.memory_space<vmem>>, vector<16xi32>,
      %gather3A_267 = tpu.vector_load_idx %arg7[%get3A_266] : memref<50000xf32, #tpu.memory_space<vmem>>[vector<16xi32>], vector<16xf32>,
      %swap3A_268 = arith.index_cast %mul3A_264 : i32 to index
      %swap3A_269 = tpu.vector_load %arg9[%swap3A_268] {strides = array<i32>} : memref<6272xf32, #tpu.memory_space<vmem>>, vector<16xf32>,
      tpu.vector_store %arg9[%swap3A_268], %gather3A_267 {strides = array<i32>} : memref<6272xf32, #tpu.memory_space<vmem>>, vector<16xf32>,
    }
    %scan3A_99 = arith.constant 392 : i32
    "tpu.region"() ({
      %run_scoped3A = tpu.sem_alloc : memref<!tpu.dma_semaphore, #tpu.memory_space<semaphore_mem>>
      %dma_start3A = tpu.memref_slice %arg5[%add3A_94] : memref<1605632xf32, #tpu.memory_space<hbm>> -> memref<6272xf32, #tpu.memory_space<hbm>>
      %dma_start3A_170 = tpu.memref_slice %arg5[%add3A_94] : memref<1605632xf32, #tpu.memory_space<hbm>> -> memref<6272xf32, #tpu.memory_space<hbm>>
      tpu.enqueue_dma source(%arg9 : memref<6272xf32, #tpu.memory_space<vmem>>) target(%dma_start3A_170 : memref<6272xf32, #tpu.memory_space<hbm>>) target_semaphore(%run_scoped3A : memref<!tpu.dma_semaphore, #tpu.memory_space<semaphore_mem>>)
      %dma_wait3A = tpu.memref_slice %arg5[%add3A_94] : memref<1605632xf32, #tpu.memory_space<hbm>> -> memref<6272xf32, #tpu.memory_space<hbm>>
      %dma_wait3A_171 = tpu.memref_slice %arg5[%add3A_94] : memref<1605632xf32, #tpu.memory_space<hbm>> -> memref<6272xf32, #tpu.memory_space<hbm>>
      tpu.wait_dma2 semaphore(%run_scoped3A : memref<!tpu.dma_semaphore, #tpu.memory_space<semaphore_mem>>) src(%arg9 : memref<6272xf32, #tpu.memory_space<vmem>>) dst(%dma_wait3A_171 : memref<6272xf32, #tpu.memory_space<hbm>>)
      tpu.yield
    }) : () -> ()
    %add3A_100 = arith.constant 37632 : i32
    %add3A_101 = arith.addi %mul3A_2, %add3A_100 : i32
    "tpu.region"() ({
      %run_scoped3A = tpu.sem_alloc : memref<!tpu.dma_semaphore, #tpu.memory_space<semaphore_mem>>
      %dma_start3A = tpu.memref_slice %arg3[%add3A_101] : memref<1605632xi32, #tpu.memory_space<hbm>> -> memref<6272xi32, #tpu.memory_space<hbm>>
      %dma_start3A_170 = tpu.memref_slice %arg3[%add3A_101] : memref<1605632xi32, #tpu.memory_space<hbm>> -> memref<6272xi32, #tpu.memory_space<hbm>>
      tpu.enqueue_dma source(%dma_start3A_170 : memref<6272xi32, #tpu.memory_space<hbm>>) target(%arg8 : memref<6272xi32, #tpu.memory_space<vmem>>) target_semaphore(%run_scoped3A : memref<!tpu.dma_semaphore, #tpu.memory_space<semaphore_mem>>)
      %dma_wait3A = tpu.memref_slice %arg3[%add3A_101] : memref<1605632xi32, #tpu.memory_space<hbm>> -> memref<6272xi32, #tpu.memory_space<hbm>>
      %dma_wait3A_171 = tpu.memref_slice %arg3[%add3A_101] : memref<1605632xi32, #tpu.memory_space<hbm>> -> memref<6272xi32, #tpu.memory_space<hbm>>
      tpu.wait_dma2 semaphore(%run_scoped3A : memref<!tpu.dma_semaphore, #tpu.memory_space<semaphore_mem>>) src(%dma_wait3A_171 : memref<6272xi32, #tpu.memory_space<hbm>>) dst(%arg8 : memref<6272xi32, #tpu.memory_space<vmem>>)
      tpu.yield
    }) : () -> ()
    %scan3A_102 = arith.constant 0 : i32
    %scan3A_103 = arith.constant 392 : i32
    %scan3A_104 = arith.addi %scan3A_102, %scan3A_103 : i32
    %scan3A_105 = arith.constant 8 : i32
    scf.for %scan3A_170 = %scan3A_102 to %scan3A_104 step %scan3A_105  : i32 {
      %mul3A_171 = arith.constant 1 : i32
      %mul3A_172 = arith.muli %scan3A_170, %mul3A_171 : i32
      %add3A_173 = arith.constant 0 : i32
      %add3A_174 = arith.addi %add3A_173, %mul3A_172 : i32
      %mul3A_175 = arith.constant 16 : i32
      %mul3A_176 = arith.muli %add3A_174, %mul3A_175 : i32
      %get3A = arith.index_cast %mul3A_176 : i32 to index
      %get3A_177 = tpu.vector_load %arg8[%get3A] {strides = array<i32>} : memref<6272xi32, #tpu.memory_space<vmem>>, vector<16xi32>,
      %gather3A = tpu.vector_load_idx %arg7[%get3A_177] : memref<50000xf32, #tpu.memory_space<vmem>>[vector<16xi32>], vector<16xf32>,
      %swap3A = arith.index_cast %mul3A_176 : i32 to index
      %swap3A_178 = tpu.vector_load %arg9[%swap3A] {strides = array<i32>} : memref<6272xf32, #tpu.memory_space<vmem>>, vector<16xf32>,
      tpu.vector_store %arg9[%swap3A], %gather3A {strides = array<i32>} : memref<6272xf32, #tpu.memory_space<vmem>>, vector<16xf32>,
      %scan3A_179 = arith.constant 1 : i32
      %scan3A_180 = arith.addi %scan3A_170, %scan3A_179 : i32
      %mul3A_181 = arith.constant 1 : i32
      %mul3A_182 = arith.muli %scan3A_180, %mul3A_181 : i32
      %add3A_183 = arith.constant 0 : i32
      %add3A_184 = arith.addi %add3A_183, %mul3A_182 : i32
      %mul3A_185 = arith.constant 16 : i32
      %mul3A_186 = arith.muli %add3A_184, %mul3A_185 : i32
      %get3A_187 = arith.index_cast %mul3A_186 : i32 to index
      %get3A_188 = tpu.vector_load %arg8[%get3A_187] {strides = array<i32>} : memref<6272xi32, #tpu.memory_space<vmem>>, vector<16xi32>,
      %gather3A_189 = tpu.vector_load_idx %arg7[%get3A_188] : memref<50000xf32, #tpu.memory_space<vmem>>[vector<16xi32>], vector<16xf32>,
      %swap3A_190 = arith.index_cast %mul3A_186 : i32 to index
      %swap3A_191 = tpu.vector_load %arg9[%swap3A_190] {strides = array<i32>} : memref<6272xf32, #tpu.memory_space<vmem>>, vector<16xf32>,
      tpu.vector_store %arg9[%swap3A_190], %gather3A_189 {strides = array<i32>} : memref<6272xf32, #tpu.memory_space<vmem>>, vector<16xf32>,
      %scan3A_192 = arith.constant 2 : i32
      %scan3A_193 = arith.addi %scan3A_170, %scan3A_192 : i32
      %mul3A_194 = arith.constant 1 : i32
      %mul3A_195 = arith.muli %scan3A_193, %mul3A_194 : i32
      %add3A_196 = arith.constant 0 : i32
      %add3A_197 = arith.addi %add3A_196, %mul3A_195 : i32
      %mul3A_198 = arith.constant 16 : i32
      %mul3A_199 = arith.muli %add3A_197, %mul3A_198 : i32
      %get3A_200 = arith.index_cast %mul3A_199 : i32 to index
      %get3A_201 = tpu.vector_load %arg8[%get3A_200] {strides = array<i32>} : memref<6272xi32, #tpu.memory_space<vmem>>, vector<16xi32>,
      %gather3A_202 = tpu.vector_load_idx %arg7[%get3A_201] : memref<50000xf32, #tpu.memory_space<vmem>>[vector<16xi32>], vector<16xf32>,
      %swap3A_203 = arith.index_cast %mul3A_199 : i32 to index
      %swap3A_204 = tpu.vector_load %arg9[%swap3A_203] {strides = array<i32>} : memref<6272xf32, #tpu.memory_space<vmem>>, vector<16xf32>,
      tpu.vector_store %arg9[%swap3A_203], %gather3A_202 {strides = array<i32>} : memref<6272xf32, #tpu.memory_space<vmem>>, vector<16xf32>,
      %scan3A_205 = arith.constant 3 : i32
      %scan3A_206 = arith.addi %scan3A_170, %scan3A_205 : i32
      %mul3A_207 = arith.constant 1 : i32
      %mul3A_208 = arith.muli %scan3A_206, %mul3A_207 : i32
      %add3A_209 = arith.constant 0 : i32
      %add3A_210 = arith.addi %add3A_209, %mul3A_208 : i32
      %mul3A_211 = arith.constant 16 : i32
      %mul3A_212 = arith.muli %add3A_210, %mul3A_211 : i32
      %get3A_213 = arith.index_cast %mul3A_212 : i32 to index
      %get3A_214 = tpu.vector_load %arg8[%get3A_213] {strides = array<i32>} : memref<6272xi32, #tpu.memory_space<vmem>>, vector<16xi32>,
      %gather3A_215 = tpu.vector_load_idx %arg7[%get3A_214] : memref<50000xf32, #tpu.memory_space<vmem>>[vector<16xi32>], vector<16xf32>,
      %swap3A_216 = arith.index_cast %mul3A_212 : i32 to index
      %swap3A_217 = tpu.vector_load %arg9[%swap3A_216] {strides = array<i32>} : memref<6272xf32, #tpu.memory_space<vmem>>, vector<16xf32>,
      tpu.vector_store %arg9[%swap3A_216], %gather3A_215 {strides = array<i32>} : memref<6272xf32, #tpu.memory_space<vmem>>, vector<16xf32>,
      %scan3A_218 = arith.constant 4 : i32
      %scan3A_219 = arith.addi %scan3A_170, %scan3A_218 : i32
      %mul3A_220 = arith.constant 1 : i32
      %mul3A_221 = arith.muli %scan3A_219, %mul3A_220 : i32
      %add3A_222 = arith.constant 0 : i32
      %add3A_223 = arith.addi %add3A_222, %mul3A_221 : i32
      %mul3A_224 = arith.constant 16 : i32
      %mul3A_225 = arith.muli %add3A_223, %mul3A_224 : i32
      %get3A_226 = arith.index_cast %mul3A_225 : i32 to index
      %get3A_227 = tpu.vector_load %arg8[%get3A_226] {strides = array<i32>} : memref<6272xi32, #tpu.memory_space<vmem>>, vector<16xi32>,
      %gather3A_228 = tpu.vector_load_idx %arg7[%get3A_227] : memref<50000xf32, #tpu.memory_space<vmem>>[vector<16xi32>], vector<16xf32>,
      %swap3A_229 = arith.index_cast %mul3A_225 : i32 to index
      %swap3A_230 = tpu.vector_load %arg9[%swap3A_229] {strides = array<i32>} : memref<6272xf32, #tpu.memory_space<vmem>>, vector<16xf32>,
      tpu.vector_store %arg9[%swap3A_229], %gather3A_228 {strides = array<i32>} : memref<6272xf32, #tpu.memory_space<vmem>>, vector<16xf32>,
      %scan3A_231 = arith.constant 5 : i32
      %scan3A_232 = arith.addi %scan3A_170, %scan3A_231 : i32
      %mul3A_233 = arith.constant 1 : i32
      %mul3A_234 = arith.muli %scan3A_232, %mul3A_233 : i32
      %add3A_235 = arith.constant 0 : i32
      %add3A_236 = arith.addi %add3A_235, %mul3A_234 : i32
      %mul3A_237 = arith.constant 16 : i32
      %mul3A_238 = arith.muli %add3A_236, %mul3A_237 : i32
      %get3A_239 = arith.index_cast %mul3A_238 : i32 to index
      %get3A_240 = tpu.vector_load %arg8[%get3A_239] {strides = array<i32>} : memref<6272xi32, #tpu.memory_space<vmem>>, vector<16xi32>,
      %gather3A_241 = tpu.vector_load_idx %arg7[%get3A_240] : memref<50000xf32, #tpu.memory_space<vmem>>[vector<16xi32>], vector<16xf32>,
      %swap3A_242 = arith.index_cast %mul3A_238 : i32 to index
      %swap3A_243 = tpu.vector_load %arg9[%swap3A_242] {strides = array<i32>} : memref<6272xf32, #tpu.memory_space<vmem>>, vector<16xf32>,
      tpu.vector_store %arg9[%swap3A_242], %gather3A_241 {strides = array<i32>} : memref<6272xf32, #tpu.memory_space<vmem>>, vector<16xf32>,
      %scan3A_244 = arith.constant 6 : i32
      %scan3A_245 = arith.addi %scan3A_170, %scan3A_244 : i32
      %mul3A_246 = arith.constant 1 : i32
      %mul3A_247 = arith.muli %scan3A_245, %mul3A_246 : i32
      %add3A_248 = arith.constant 0 : i32
      %add3A_249 = arith.addi %add3A_248, %mul3A_247 : i32
      %mul3A_250 = arith.constant 16 : i32
      %mul3A_251 = arith.muli %add3A_249, %mul3A_250 : i32
      %get3A_252 = arith.index_cast %mul3A_251 : i32 to index
      %get3A_253 = tpu.vector_load %arg8[%get3A_252] {strides = array<i32>} : memref<6272xi32, #tpu.memory_space<vmem>>, vector<16xi32>,
      %gather3A_254 = tpu.vector_load_idx %arg7[%get3A_253] : memref<50000xf32, #tpu.memory_space<vmem>>[vector<16xi32>], vector<16xf32>,
      %swap3A_255 = arith.index_cast %mul3A_251 : i32 to index
      %swap3A_256 = tpu.vector_load %arg9[%swap3A_255] {strides = array<i32>} : memref<6272xf32, #tpu.memory_space<vmem>>, vector<16xf32>,
      tpu.vector_store %arg9[%swap3A_255], %gather3A_254 {strides = array<i32>} : memref<6272xf32, #tpu.memory_space<vmem>>, vector<16xf32>,
      %scan3A_257 = arith.constant 7 : i32
      %scan3A_258 = arith.addi %scan3A_170, %scan3A_257 : i32
      %mul3A_259 = arith.constant 1 : i32
      %mul3A_260 = arith.muli %scan3A_258, %mul3A_259 : i32
      %add3A_261 = arith.constant 0 : i32
      %add3A_262 = arith.addi %add3A_261, %mul3A_260 : i32
      %mul3A_263 = arith.constant 16 : i32
      %mul3A_264 = arith.muli %add3A_262, %mul3A_263 : i32
      %get3A_265 = arith.index_cast %mul3A_264 : i32 to index
      %get3A_266 = tpu.vector_load %arg8[%get3A_265] {strides = array<i32>} : memref<6272xi32, #tpu.memory_space<vmem>>, vector<16xi32>,
      %gather3A_267 = tpu.vector_load_idx %arg7[%get3A_266] : memref<50000xf32, #tpu.memory_space<vmem>>[vector<16xi32>], vector<16xf32>,
      %swap3A_268 = arith.index_cast %mul3A_264 : i32 to index
      %swap3A_269 = tpu.vector_load %arg9[%swap3A_268] {strides = array<i32>} : memref<6272xf32, #tpu.memory_space<vmem>>, vector<16xf32>,
      tpu.vector_store %arg9[%swap3A_268], %gather3A_267 {strides = array<i32>} : memref<6272xf32, #tpu.memory_space<vmem>>, vector<16xf32>,
    }
    %scan3A_106 = arith.constant 392 : i32
    "tpu.region"() ({
      %run_scoped3A = tpu.sem_alloc : memref<!tpu.dma_semaphore, #tpu.memory_space<semaphore_mem>>
      %dma_start3A = tpu.memref_slice %arg5[%add3A_101] : memref<1605632xf32, #tpu.memory_space<hbm>> -> memref<6272xf32, #tpu.memory_space<hbm>>
      %dma_start3A_170 = tpu.memref_slice %arg5[%add3A_101] : memref<1605632xf32, #tpu.memory_space<hbm>> -> memref<6272xf32, #tpu.memory_space<hbm>>
      tpu.enqueue_dma source(%arg9 : memref<6272xf32, #tpu.memory_space<vmem>>) target(%dma_start3A_170 : memref<6272xf32, #tpu.memory_space<hbm>>) target_semaphore(%run_scoped3A : memref<!tpu.dma_semaphore, #tpu.memory_space<semaphore_mem>>)
      %dma_wait3A = tpu.memref_slice %arg5[%add3A_101] : memref<1605632xf32, #tpu.memory_space<hbm>> -> memref<6272xf32, #tpu.memory_space<hbm>>
      %dma_wait3A_171 = tpu.memref_slice %arg5[%add3A_101] : memref<1605632xf32, #tpu.memory_space<hbm>> -> memref<6272xf32, #tpu.memory_space<hbm>>
      tpu.wait_dma2 semaphore(%run_scoped3A : memref<!tpu.dma_semaphore, #tpu.memory_space<semaphore_mem>>) src(%arg9 : memref<6272xf32, #tpu.memory_space<vmem>>) dst(%dma_wait3A_171 : memref<6272xf32, #tpu.memory_space<hbm>>)
      tpu.yield
    }) : () -> ()
    %add3A_107 = arith.constant 43904 : i32
    %add3A_108 = arith.addi %mul3A_2, %add3A_107 : i32
    "tpu.region"() ({
      %run_scoped3A = tpu.sem_alloc : memref<!tpu.dma_semaphore, #tpu.memory_space<semaphore_mem>>
      %dma_start3A = tpu.memref_slice %arg3[%add3A_108] : memref<1605632xi32, #tpu.memory_space<hbm>> -> memref<6272xi32, #tpu.memory_space<hbm>>
      %dma_start3A_170 = tpu.memref_slice %arg3[%add3A_108] : memref<1605632xi32, #tpu.memory_space<hbm>> -> memref<6272xi32, #tpu.memory_space<hbm>>
      tpu.enqueue_dma source(%dma_start3A_170 : memref<6272xi32, #tpu.memory_space<hbm>>) target(%arg8 : memref<6272xi32, #tpu.memory_space<vmem>>) target_semaphore(%run_scoped3A : memref<!tpu.dma_semaphore, #tpu.memory_space<semaphore_mem>>)
      %dma_wait3A = tpu.memref_slice %arg3[%add3A_108] : memref<1605632xi32, #tpu.memory_space<hbm>> -> memref<6272xi32, #tpu.memory_space<hbm>>
      %dma_wait3A_171 = tpu.memref_slice %arg3[%add3A_108] : memref<1605632xi32, #tpu.memory_space<hbm>> -> memref<6272xi32, #tpu.memory_space<hbm>>
      tpu.wait_dma2 semaphore(%run_scoped3A : memref<!tpu.dma_semaphore, #tpu.memory_space<semaphore_mem>>) src(%dma_wait3A_171 : memref<6272xi32, #tpu.memory_space<hbm>>) dst(%arg8 : memref<6272xi32, #tpu.memory_space<vmem>>)
      tpu.yield
    }) : () -> ()
    %scan3A_109 = arith.constant 0 : i32
    %scan3A_110 = arith.constant 392 : i32
    %scan3A_111 = arith.addi %scan3A_109, %scan3A_110 : i32
    %scan3A_112 = arith.constant 8 : i32
    scf.for %scan3A_170 = %scan3A_109 to %scan3A_111 step %scan3A_112  : i32 {
      %mul3A_171 = arith.constant 1 : i32
      %mul3A_172 = arith.muli %scan3A_170, %mul3A_171 : i32
      %add3A_173 = arith.constant 0 : i32
      %add3A_174 = arith.addi %add3A_173, %mul3A_172 : i32
      %mul3A_175 = arith.constant 16 : i32
      %mul3A_176 = arith.muli %add3A_174, %mul3A_175 : i32
      %get3A = arith.index_cast %mul3A_176 : i32 to index
      %get3A_177 = tpu.vector_load %arg8[%get3A] {strides = array<i32>} : memref<6272xi32, #tpu.memory_space<vmem>>, vector<16xi32>,
      %gather3A = tpu.vector_load_idx %arg7[%get3A_177] : memref<50000xf32, #tpu.memory_space<vmem>>[vector<16xi32>], vector<16xf32>,
      %swap3A = arith.index_cast %mul3A_176 : i32 to index
      %swap3A_178 = tpu.vector_load %arg9[%swap3A] {strides = array<i32>} : memref<6272xf32, #tpu.memory_space<vmem>>, vector<16xf32>,
      tpu.vector_store %arg9[%swap3A], %gather3A {strides = array<i32>} : memref<6272xf32, #tpu.memory_space<vmem>>, vector<16xf32>,
      %scan3A_179 = arith.constant 1 : i32
      %scan3A_180 = arith.addi %scan3A_170, %scan3A_179 : i32
      %mul3A_181 = arith.constant 1 : i32
      %mul3A_182 = arith.muli %scan3A_180, %mul3A_181 : i32
      %add3A_183 = arith.constant 0 : i32
      %add3A_184 = arith.addi %add3A_183, %mul3A_182 : i32
      %mul3A_185 = arith.constant 16 : i32
      %mul3A_186 = arith.muli %add3A_184, %mul3A_185 : i32
      %get3A_187 = arith.index_cast %mul3A_186 : i32 to index
      %get3A_188 = tpu.vector_load %arg8[%get3A_187] {strides = array<i32>} : memref<6272xi32, #tpu.memory_space<vmem>>, vector<16xi32>,
      %gather3A_189 = tpu.vector_load_idx %arg7[%get3A_188] : memref<50000xf32, #tpu.memory_space<vmem>>[vector<16xi32>], vector<16xf32>,
      %swap3A_190 = arith.index_cast %mul3A_186 : i32 to index
      %swap3A_191 = tpu.vector_load %arg9[%swap3A_190] {strides = array<i32>} : memref<6272xf32, #tpu.memory_space<vmem>>, vector<16xf32>,
      tpu.vector_store %arg9[%swap3A_190], %gather3A_189 {strides = array<i32>} : memref<6272xf32, #tpu.memory_space<vmem>>, vector<16xf32>,
      %scan3A_192 = arith.constant 2 : i32
      %scan3A_193 = arith.addi %scan3A_170, %scan3A_192 : i32
      %mul3A_194 = arith.constant 1 : i32
      %mul3A_195 = arith.muli %scan3A_193, %mul3A_194 : i32
      %add3A_196 = arith.constant 0 : i32
      %add3A_197 = arith.addi %add3A_196, %mul3A_195 : i32
      %mul3A_198 = arith.constant 16 : i32
      %mul3A_199 = arith.muli %add3A_197, %mul3A_198 : i32
      %get3A_200 = arith.index_cast %mul3A_199 : i32 to index
      %get3A_201 = tpu.vector_load %arg8[%get3A_200] {strides = array<i32>} : memref<6272xi32, #tpu.memory_space<vmem>>, vector<16xi32>,
      %gather3A_202 = tpu.vector_load_idx %arg7[%get3A_201] : memref<50000xf32, #tpu.memory_space<vmem>>[vector<16xi32>], vector<16xf32>,
      %swap3A_203 = arith.index_cast %mul3A_199 : i32 to index
      %swap3A_204 = tpu.vector_load %arg9[%swap3A_203] {strides = array<i32>} : memref<6272xf32, #tpu.memory_space<vmem>>, vector<16xf32>,
      tpu.vector_store %arg9[%swap3A_203], %gather3A_202 {strides = array<i32>} : memref<6272xf32, #tpu.memory_space<vmem>>, vector<16xf32>,
      %scan3A_205 = arith.constant 3 : i32
      %scan3A_206 = arith.addi %scan3A_170, %scan3A_205 : i32
      %mul3A_207 = arith.constant 1 : i32
      %mul3A_208 = arith.muli %scan3A_206, %mul3A_207 : i32
      %add3A_209 = arith.constant 0 : i32
      %add3A_210 = arith.addi %add3A_209, %mul3A_208 : i32
      %mul3A_211 = arith.constant 16 : i32
      %mul3A_212 = arith.muli %add3A_210, %mul3A_211 : i32
      %get3A_213 = arith.index_cast %mul3A_212 : i32 to index
      %get3A_214 = tpu.vector_load %arg8[%get3A_213] {strides = array<i32>} : memref<6272xi32, #tpu.memory_space<vmem>>, vector<16xi32>,
      %gather3A_215 = tpu.vector_load_idx %arg7[%get3A_214] : memref<50000xf32, #tpu.memory_space<vmem>>[vector<16xi32>], vector<16xf32>,
      %swap3A_216 = arith.index_cast %mul3A_212 : i32 to index
      %swap3A_217 = tpu.vector_load %arg9[%swap3A_216] {strides = array<i32>} : memref<6272xf32, #tpu.memory_space<vmem>>, vector<16xf32>,
      tpu.vector_store %arg9[%swap3A_216], %gather3A_215 {strides = array<i32>} : memref<6272xf32, #tpu.memory_space<vmem>>, vector<16xf32>,
      %scan3A_218 = arith.constant 4 : i32
      %scan3A_219 = arith.addi %scan3A_170, %scan3A_218 : i32
      %mul3A_220 = arith.constant 1 : i32
      %mul3A_221 = arith.muli %scan3A_219, %mul3A_220 : i32
      %add3A_222 = arith.constant 0 : i32
      %add3A_223 = arith.addi %add3A_222, %mul3A_221 : i32
      %mul3A_224 = arith.constant 16 : i32
      %mul3A_225 = arith.muli %add3A_223, %mul3A_224 : i32
      %get3A_226 = arith.index_cast %mul3A_225 : i32 to index
      %get3A_227 = tpu.vector_load %arg8[%get3A_226] {strides = array<i32>} : memref<6272xi32, #tpu.memory_space<vmem>>, vector<16xi32>,
      %gather3A_228 = tpu.vector_load_idx %arg7[%get3A_227] : memref<50000xf32, #tpu.memory_space<vmem>>[vector<16xi32>], vector<16xf32>,
      %swap3A_229 = arith.index_cast %mul3A_225 : i32 to index
      %swap3A_230 = tpu.vector_load %arg9[%swap3A_229] {strides = array<i32>} : memref<6272xf32, #tpu.memory_space<vmem>>, vector<16xf32>,
      tpu.vector_store %arg9[%swap3A_229], %gather3A_228 {strides = array<i32>} : memref<6272xf32, #tpu.memory_space<vmem>>, vector<16xf32>,
      %scan3A_231 = arith.constant 5 : i32
      %scan3A_232 = arith.addi %scan3A_170, %scan3A_231 : i32
      %mul3A_233 = arith.constant 1 : i32
      %mul3A_234 = arith.muli %scan3A_232, %mul3A_233 : i32
      %add3A_235 = arith.constant 0 : i32
      %add3A_236 = arith.addi %add3A_235, %mul3A_234 : i32
      %mul3A_237 = arith.constant 16 : i32
      %mul3A_238 = arith.muli %add3A_236, %mul3A_237 : i32
      %get3A_239 = arith.index_cast %mul3A_238 : i32 to index
      %get3A_240 = tpu.vector_load %arg8[%get3A_239] {strides = array<i32>} : memref<6272xi32, #tpu.memory_space<vmem>>, vector<16xi32>,
      %gather3A_241 = tpu.vector_load_idx %arg7[%get3A_240] : memref<50000xf32, #tpu.memory_space<vmem>>[vector<16xi32>], vector<16xf32>,
      %swap3A_242 = arith.index_cast %mul3A_238 : i32 to index
      %swap3A_243 = tpu.vector_load %arg9[%swap3A_242] {strides = array<i32>} : memref<6272xf32, #tpu.memory_space<vmem>>, vector<16xf32>,
      tpu.vector_store %arg9[%swap3A_242], %gather3A_241 {strides = array<i32>} : memref<6272xf32, #tpu.memory_space<vmem>>, vector<16xf32>,
      %scan3A_244 = arith.constant 6 : i32
      %scan3A_245 = arith.addi %scan3A_170, %scan3A_244 : i32
      %mul3A_246 = arith.constant 1 : i32
      %mul3A_247 = arith.muli %scan3A_245, %mul3A_246 : i32
      %add3A_248 = arith.constant 0 : i32
      %add3A_249 = arith.addi %add3A_248, %mul3A_247 : i32
      %mul3A_250 = arith.constant 16 : i32
      %mul3A_251 = arith.muli %add3A_249, %mul3A_250 : i32
      %get3A_252 = arith.index_cast %mul3A_251 : i32 to index
      %get3A_253 = tpu.vector_load %arg8[%get3A_252] {strides = array<i32>} : memref<6272xi32, #tpu.memory_space<vmem>>, vector<16xi32>,
      %gather3A_254 = tpu.vector_load_idx %arg7[%get3A_253] : memref<50000xf32, #tpu.memory_space<vmem>>[vector<16xi32>], vector<16xf32>,
      %swap3A_255 = arith.index_cast %mul3A_251 : i32 to index
      %swap3A_256 = tpu.vector_load %arg9[%swap3A_255] {strides = array<i32>} : memref<6272xf32, #tpu.memory_space<vmem>>, vector<16xf32>,
      tpu.vector_store %arg9[%swap3A_255], %gather3A_254 {strides = array<i32>} : memref<6272xf32, #tpu.memory_space<vmem>>, vector<16xf32>,
      %scan3A_257 = arith.constant 7 : i32
      %scan3A_258 = arith.addi %scan3A_170, %scan3A_257 : i32
      %mul3A_259 = arith.constant 1 : i32
      %mul3A_260 = arith.muli %scan3A_258, %mul3A_259 : i32
      %add3A_261 = arith.constant 0 : i32
      %add3A_262 = arith.addi %add3A_261, %mul3A_260 : i32
      %mul3A_263 = arith.constant 16 : i32
      %mul3A_264 = arith.muli %add3A_262, %mul3A_263 : i32
      %get3A_265 = arith.index_cast %mul3A_264 : i32 to index
      %get3A_266 = tpu.vector_load %arg8[%get3A_265] {strides = array<i32>} : memref<6272xi32, #tpu.memory_space<vmem>>, vector<16xi32>,
      %gather3A_267 = tpu.vector_load_idx %arg7[%get3A_266] : memref<50000xf32, #tpu.memory_space<vmem>>[vector<16xi32>], vector<16xf32>,
      %swap3A_268 = arith.index_cast %mul3A_264 : i32 to index
      %swap3A_269 = tpu.vector_load %arg9[%swap3A_268] {strides = array<i32>} : memref<6272xf32, #tpu.memory_space<vmem>>, vector<16xf32>,
      tpu.vector_store %arg9[%swap3A_268], %gather3A_267 {strides = array<i32>} : memref<6272xf32, #tpu.memory_space<vmem>>, vector<16xf32>,
    }
    %scan3A_113 = arith.constant 392 : i32
    "tpu.region"() ({
      %run_scoped3A = tpu.sem_alloc : memref<!tpu.dma_semaphore, #tpu.memory_space<semaphore_mem>>
      %dma_start3A = tpu.memref_slice %arg5[%add3A_108] : memref<1605632xf32, #tpu.memory_space<hbm>> -> memref<6272xf32, #tpu.memory_space<hbm>>
      %dma_start3A_170 = tpu.memref_slice %arg5[%add3A_108] : memref<1605632xf32, #tpu.memory_space<hbm>> -> memref<6272xf32, #tpu.memory_space<hbm>>
      tpu.enqueue_dma source(%arg9 : memref<6272xf32, #tpu.memory_space<vmem>>) target(%dma_start3A_170 : memref<6272xf32, #tpu.memory_space<hbm>>) target_semaphore(%run_scoped3A : memref<!tpu.dma_semaphore, #tpu.memory_space<semaphore_mem>>)
      %dma_wait3A = tpu.memref_slice %arg5[%add3A_108] : memref<1605632xf32, #tpu.memory_space<hbm>> -> memref<6272xf32, #tpu.memory_space<hbm>>
      %dma_wait3A_171 = tpu.memref_slice %arg5[%add3A_108] : memref<1605632xf32, #tpu.memory_space<hbm>> -> memref<6272xf32, #tpu.memory_space<hbm>>
      tpu.wait_dma2 semaphore(%run_scoped3A : memref<!tpu.dma_semaphore, #tpu.memory_space<semaphore_mem>>) src(%arg9 : memref<6272xf32, #tpu.memory_space<vmem>>) dst(%dma_wait3A_171 : memref<6272xf32, #tpu.memory_space<hbm>>)
      tpu.yield
    }) : () -> ()
    "tpu.region"() ({
      %run_scoped3A = tpu.sem_alloc : memref<!tpu.dma_semaphore, #tpu.memory_space<semaphore_mem>>
      %dma_start3A = arith.constant 100000 : i32
      %dma_start3A_170 = tpu.memref_slice %arg2[%dma_start3A] : memref<150000xf32, #tpu.memory_space<hbm>> -> memref<50000xf32, #tpu.memory_space<hbm>>
      %dma_start3A_171 = arith.constant 100000 : i32
      %dma_start3A_172 = tpu.memref_slice %arg2[%dma_start3A_171] : memref<150000xf32, #tpu.memory_space<hbm>> -> memref<50000xf32, #tpu.memory_space<hbm>>
      tpu.enqueue_dma source(%dma_start3A_172 : memref<50000xf32, #tpu.memory_space<hbm>>) target(%arg7 : memref<50000xf32, #tpu.memory_space<vmem>>) target_semaphore(%run_scoped3A : memref<!tpu.dma_semaphore, #tpu.memory_space<semaphore_mem>>)
      %dma_wait3A = arith.constant 100000 : i32
      %dma_wait3A_173 = tpu.memref_slice %arg2[%dma_wait3A] : memref<150000xf32, #tpu.memory_space<hbm>> -> memref<50000xf32, #tpu.memory_space<hbm>>
      %dma_wait3A_174 = arith.constant 100000 : i32
      %dma_wait3A_175 = tpu.memref_slice %arg2[%dma_wait3A_174] : memref<150000xf32, #tpu.memory_space<hbm>> -> memref<50000xf32, #tpu.memory_space<hbm>>
      tpu.wait_dma2 semaphore(%run_scoped3A : memref<!tpu.dma_semaphore, #tpu.memory_space<semaphore_mem>>) src(%dma_wait3A_175 : memref<50000xf32, #tpu.memory_space<hbm>>) dst(%arg7 : memref<50000xf32, #tpu.memory_space<vmem>>)
      tpu.yield
    }) : () -> ()
    %add3A_114 = arith.constant 0 : i32
    %add3A_115 = arith.addi %mul3A_2, %add3A_114 : i32
    "tpu.region"() ({
      %run_scoped3A = tpu.sem_alloc : memref<!tpu.dma_semaphore, #tpu.memory_space<semaphore_mem>>
      %dma_start3A = tpu.memref_slice %arg3[%add3A_115] : memref<1605632xi32, #tpu.memory_space<hbm>> -> memref<6272xi32, #tpu.memory_space<hbm>>
      %dma_start3A_170 = tpu.memref_slice %arg3[%add3A_115] : memref<1605632xi32, #tpu.memory_space<hbm>> -> memref<6272xi32, #tpu.memory_space<hbm>>
      tpu.enqueue_dma source(%dma_start3A_170 : memref<6272xi32, #tpu.memory_space<hbm>>) target(%arg8 : memref<6272xi32, #tpu.memory_space<vmem>>) target_semaphore(%run_scoped3A : memref<!tpu.dma_semaphore, #tpu.memory_space<semaphore_mem>>)
      %dma_wait3A = tpu.memref_slice %arg3[%add3A_115] : memref<1605632xi32, #tpu.memory_space<hbm>> -> memref<6272xi32, #tpu.memory_space<hbm>>
      %dma_wait3A_171 = tpu.memref_slice %arg3[%add3A_115] : memref<1605632xi32, #tpu.memory_space<hbm>> -> memref<6272xi32, #tpu.memory_space<hbm>>
      tpu.wait_dma2 semaphore(%run_scoped3A : memref<!tpu.dma_semaphore, #tpu.memory_space<semaphore_mem>>) src(%dma_wait3A_171 : memref<6272xi32, #tpu.memory_space<hbm>>) dst(%arg8 : memref<6272xi32, #tpu.memory_space<vmem>>)
      tpu.yield
    }) : () -> ()
    %scan3A_116 = arith.constant 0 : i32
    %scan3A_117 = arith.constant 392 : i32
    %scan3A_118 = arith.addi %scan3A_116, %scan3A_117 : i32
    %scan3A_119 = arith.constant 8 : i32
    scf.for %scan3A_170 = %scan3A_116 to %scan3A_118 step %scan3A_119  : i32 {
      %mul3A_171 = arith.constant 1 : i32
      %mul3A_172 = arith.muli %scan3A_170, %mul3A_171 : i32
      %add3A_173 = arith.constant 0 : i32
      %add3A_174 = arith.addi %add3A_173, %mul3A_172 : i32
      %mul3A_175 = arith.constant 16 : i32
      %mul3A_176 = arith.muli %add3A_174, %mul3A_175 : i32
      %get3A = arith.index_cast %mul3A_176 : i32 to index
      %get3A_177 = tpu.vector_load %arg8[%get3A] {strides = array<i32>} : memref<6272xi32, #tpu.memory_space<vmem>>, vector<16xi32>,
      %gather3A = tpu.vector_load_idx %arg7[%get3A_177] : memref<50000xf32, #tpu.memory_space<vmem>>[vector<16xi32>], vector<16xf32>,
      %swap3A = arith.index_cast %mul3A_176 : i32 to index
      %swap3A_178 = tpu.vector_load %arg9[%swap3A] {strides = array<i32>} : memref<6272xf32, #tpu.memory_space<vmem>>, vector<16xf32>,
      tpu.vector_store %arg9[%swap3A], %gather3A {strides = array<i32>} : memref<6272xf32, #tpu.memory_space<vmem>>, vector<16xf32>,
      %scan3A_179 = arith.constant 1 : i32
      %scan3A_180 = arith.addi %scan3A_170, %scan3A_179 : i32
      %mul3A_181 = arith.constant 1 : i32
      %mul3A_182 = arith.muli %scan3A_180, %mul3A_181 : i32
      %add3A_183 = arith.constant 0 : i32
      %add3A_184 = arith.addi %add3A_183, %mul3A_182 : i32
      %mul3A_185 = arith.constant 16 : i32
      %mul3A_186 = arith.muli %add3A_184, %mul3A_185 : i32
      %get3A_187 = arith.index_cast %mul3A_186 : i32 to index
      %get3A_188 = tpu.vector_load %arg8[%get3A_187] {strides = array<i32>} : memref<6272xi32, #tpu.memory_space<vmem>>, vector<16xi32>,
      %gather3A_189 = tpu.vector_load_idx %arg7[%get3A_188] : memref<50000xf32, #tpu.memory_space<vmem>>[vector<16xi32>], vector<16xf32>,
      %swap3A_190 = arith.index_cast %mul3A_186 : i32 to index
      %swap3A_191 = tpu.vector_load %arg9[%swap3A_190] {strides = array<i32>} : memref<6272xf32, #tpu.memory_space<vmem>>, vector<16xf32>,
      tpu.vector_store %arg9[%swap3A_190], %gather3A_189 {strides = array<i32>} : memref<6272xf32, #tpu.memory_space<vmem>>, vector<16xf32>,
      %scan3A_192 = arith.constant 2 : i32
      %scan3A_193 = arith.addi %scan3A_170, %scan3A_192 : i32
      %mul3A_194 = arith.constant 1 : i32
      %mul3A_195 = arith.muli %scan3A_193, %mul3A_194 : i32
      %add3A_196 = arith.constant 0 : i32
      %add3A_197 = arith.addi %add3A_196, %mul3A_195 : i32
      %mul3A_198 = arith.constant 16 : i32
      %mul3A_199 = arith.muli %add3A_197, %mul3A_198 : i32
      %get3A_200 = arith.index_cast %mul3A_199 : i32 to index
      %get3A_201 = tpu.vector_load %arg8[%get3A_200] {strides = array<i32>} : memref<6272xi32, #tpu.memory_space<vmem>>, vector<16xi32>,
      %gather3A_202 = tpu.vector_load_idx %arg7[%get3A_201] : memref<50000xf32, #tpu.memory_space<vmem>>[vector<16xi32>], vector<16xf32>,
      %swap3A_203 = arith.index_cast %mul3A_199 : i32 to index
      %swap3A_204 = tpu.vector_load %arg9[%swap3A_203] {strides = array<i32>} : memref<6272xf32, #tpu.memory_space<vmem>>, vector<16xf32>,
      tpu.vector_store %arg9[%swap3A_203], %gather3A_202 {strides = array<i32>} : memref<6272xf32, #tpu.memory_space<vmem>>, vector<16xf32>,
      %scan3A_205 = arith.constant 3 : i32
      %scan3A_206 = arith.addi %scan3A_170, %scan3A_205 : i32
      %mul3A_207 = arith.constant 1 : i32
      %mul3A_208 = arith.muli %scan3A_206, %mul3A_207 : i32
      %add3A_209 = arith.constant 0 : i32
      %add3A_210 = arith.addi %add3A_209, %mul3A_208 : i32
      %mul3A_211 = arith.constant 16 : i32
      %mul3A_212 = arith.muli %add3A_210, %mul3A_211 : i32
      %get3A_213 = arith.index_cast %mul3A_212 : i32 to index
      %get3A_214 = tpu.vector_load %arg8[%get3A_213] {strides = array<i32>} : memref<6272xi32, #tpu.memory_space<vmem>>, vector<16xi32>,
      %gather3A_215 = tpu.vector_load_idx %arg7[%get3A_214] : memref<50000xf32, #tpu.memory_space<vmem>>[vector<16xi32>], vector<16xf32>,
      %swap3A_216 = arith.index_cast %mul3A_212 : i32 to index
      %swap3A_217 = tpu.vector_load %arg9[%swap3A_216] {strides = array<i32>} : memref<6272xf32, #tpu.memory_space<vmem>>, vector<16xf32>,
      tpu.vector_store %arg9[%swap3A_216], %gather3A_215 {strides = array<i32>} : memref<6272xf32, #tpu.memory_space<vmem>>, vector<16xf32>,
      %scan3A_218 = arith.constant 4 : i32
      %scan3A_219 = arith.addi %scan3A_170, %scan3A_218 : i32
      %mul3A_220 = arith.constant 1 : i32
      %mul3A_221 = arith.muli %scan3A_219, %mul3A_220 : i32
      %add3A_222 = arith.constant 0 : i32
      %add3A_223 = arith.addi %add3A_222, %mul3A_221 : i32
      %mul3A_224 = arith.constant 16 : i32
      %mul3A_225 = arith.muli %add3A_223, %mul3A_224 : i32
      %get3A_226 = arith.index_cast %mul3A_225 : i32 to index
      %get3A_227 = tpu.vector_load %arg8[%get3A_226] {strides = array<i32>} : memref<6272xi32, #tpu.memory_space<vmem>>, vector<16xi32>,
      %gather3A_228 = tpu.vector_load_idx %arg7[%get3A_227] : memref<50000xf32, #tpu.memory_space<vmem>>[vector<16xi32>], vector<16xf32>,
      %swap3A_229 = arith.index_cast %mul3A_225 : i32 to index
      %swap3A_230 = tpu.vector_load %arg9[%swap3A_229] {strides = array<i32>} : memref<6272xf32, #tpu.memory_space<vmem>>, vector<16xf32>,
      tpu.vector_store %arg9[%swap3A_229], %gather3A_228 {strides = array<i32>} : memref<6272xf32, #tpu.memory_space<vmem>>, vector<16xf32>,
      %scan3A_231 = arith.constant 5 : i32
      %scan3A_232 = arith.addi %scan3A_170, %scan3A_231 : i32
      %mul3A_233 = arith.constant 1 : i32
      %mul3A_234 = arith.muli %scan3A_232, %mul3A_233 : i32
      %add3A_235 = arith.constant 0 : i32
      %add3A_236 = arith.addi %add3A_235, %mul3A_234 : i32
      %mul3A_237 = arith.constant 16 : i32
      %mul3A_238 = arith.muli %add3A_236, %mul3A_237 : i32
      %get3A_239 = arith.index_cast %mul3A_238 : i32 to index
      %get3A_240 = tpu.vector_load %arg8[%get3A_239] {strides = array<i32>} : memref<6272xi32, #tpu.memory_space<vmem>>, vector<16xi32>,
      %gather3A_241 = tpu.vector_load_idx %arg7[%get3A_240] : memref<50000xf32, #tpu.memory_space<vmem>>[vector<16xi32>], vector<16xf32>,
      %swap3A_242 = arith.index_cast %mul3A_238 : i32 to index
      %swap3A_243 = tpu.vector_load %arg9[%swap3A_242] {strides = array<i32>} : memref<6272xf32, #tpu.memory_space<vmem>>, vector<16xf32>,
      tpu.vector_store %arg9[%swap3A_242], %gather3A_241 {strides = array<i32>} : memref<6272xf32, #tpu.memory_space<vmem>>, vector<16xf32>,
      %scan3A_244 = arith.constant 6 : i32
      %scan3A_245 = arith.addi %scan3A_170, %scan3A_244 : i32
      %mul3A_246 = arith.constant 1 : i32
      %mul3A_247 = arith.muli %scan3A_245, %mul3A_246 : i32
      %add3A_248 = arith.constant 0 : i32
      %add3A_249 = arith.addi %add3A_248, %mul3A_247 : i32
      %mul3A_250 = arith.constant 16 : i32
      %mul3A_251 = arith.muli %add3A_249, %mul3A_250 : i32
      %get3A_252 = arith.index_cast %mul3A_251 : i32 to index
      %get3A_253 = tpu.vector_load %arg8[%get3A_252] {strides = array<i32>} : memref<6272xi32, #tpu.memory_space<vmem>>, vector<16xi32>,
      %gather3A_254 = tpu.vector_load_idx %arg7[%get3A_253] : memref<50000xf32, #tpu.memory_space<vmem>>[vector<16xi32>], vector<16xf32>,
      %swap3A_255 = arith.index_cast %mul3A_251 : i32 to index
      %swap3A_256 = tpu.vector_load %arg9[%swap3A_255] {strides = array<i32>} : memref<6272xf32, #tpu.memory_space<vmem>>, vector<16xf32>,
      tpu.vector_store %arg9[%swap3A_255], %gather3A_254 {strides = array<i32>} : memref<6272xf32, #tpu.memory_space<vmem>>, vector<16xf32>,
      %scan3A_257 = arith.constant 7 : i32
      %scan3A_258 = arith.addi %scan3A_170, %scan3A_257 : i32
      %mul3A_259 = arith.constant 1 : i32
      %mul3A_260 = arith.muli %scan3A_258, %mul3A_259 : i32
      %add3A_261 = arith.constant 0 : i32
      %add3A_262 = arith.addi %add3A_261, %mul3A_260 : i32
      %mul3A_263 = arith.constant 16 : i32
      %mul3A_264 = arith.muli %add3A_262, %mul3A_263 : i32
      %get3A_265 = arith.index_cast %mul3A_264 : i32 to index
      %get3A_266 = tpu.vector_load %arg8[%get3A_265] {strides = array<i32>} : memref<6272xi32, #tpu.memory_space<vmem>>, vector<16xi32>,
      %gather3A_267 = tpu.vector_load_idx %arg7[%get3A_266] : memref<50000xf32, #tpu.memory_space<vmem>>[vector<16xi32>], vector<16xf32>,
      %swap3A_268 = arith.index_cast %mul3A_264 : i32 to index
      %swap3A_269 = tpu.vector_load %arg9[%swap3A_268] {strides = array<i32>} : memref<6272xf32, #tpu.memory_space<vmem>>, vector<16xf32>,
      tpu.vector_store %arg9[%swap3A_268], %gather3A_267 {strides = array<i32>} : memref<6272xf32, #tpu.memory_space<vmem>>, vector<16xf32>,
    }
    %scan3A_120 = arith.constant 392 : i32
    "tpu.region"() ({
      %run_scoped3A = tpu.sem_alloc : memref<!tpu.dma_semaphore, #tpu.memory_space<semaphore_mem>>
      %dma_start3A = tpu.memref_slice %arg6[%add3A_115] : memref<1605632xf32, #tpu.memory_space<hbm>> -> memref<6272xf32, #tpu.memory_space<hbm>>
      %dma_start3A_170 = tpu.memref_slice %arg6[%add3A_115] : memref<1605632xf32, #tpu.memory_space<hbm>> -> memref<6272xf32, #tpu.memory_space<hbm>>
      tpu.enqueue_dma source(%arg9 : memref<6272xf32, #tpu.memory_space<vmem>>) target(%dma_start3A_170 : memref<6272xf32, #tpu.memory_space<hbm>>) target_semaphore(%run_scoped3A : memref<!tpu.dma_semaphore, #tpu.memory_space<semaphore_mem>>)
      %dma_wait3A = tpu.memref_slice %arg6[%add3A_115] : memref<1605632xf32, #tpu.memory_space<hbm>> -> memref<6272xf32, #tpu.memory_space<hbm>>
      %dma_wait3A_171 = tpu.memref_slice %arg6[%add3A_115] : memref<1605632xf32, #tpu.memory_space<hbm>> -> memref<6272xf32, #tpu.memory_space<hbm>>
      tpu.wait_dma2 semaphore(%run_scoped3A : memref<!tpu.dma_semaphore, #tpu.memory_space<semaphore_mem>>) src(%arg9 : memref<6272xf32, #tpu.memory_space<vmem>>) dst(%dma_wait3A_171 : memref<6272xf32, #tpu.memory_space<hbm>>)
      tpu.yield
    }) : () -> ()
    %add3A_121 = arith.constant 6272 : i32
    %add3A_122 = arith.addi %mul3A_2, %add3A_121 : i32
    "tpu.region"() ({
      %run_scoped3A = tpu.sem_alloc : memref<!tpu.dma_semaphore, #tpu.memory_space<semaphore_mem>>
      %dma_start3A = tpu.memref_slice %arg3[%add3A_122] : memref<1605632xi32, #tpu.memory_space<hbm>> -> memref<6272xi32, #tpu.memory_space<hbm>>
      %dma_start3A_170 = tpu.memref_slice %arg3[%add3A_122] : memref<1605632xi32, #tpu.memory_space<hbm>> -> memref<6272xi32, #tpu.memory_space<hbm>>
      tpu.enqueue_dma source(%dma_start3A_170 : memref<6272xi32, #tpu.memory_space<hbm>>) target(%arg8 : memref<6272xi32, #tpu.memory_space<vmem>>) target_semaphore(%run_scoped3A : memref<!tpu.dma_semaphore, #tpu.memory_space<semaphore_mem>>)
      %dma_wait3A = tpu.memref_slice %arg3[%add3A_122] : memref<1605632xi32, #tpu.memory_space<hbm>> -> memref<6272xi32, #tpu.memory_space<hbm>>
      %dma_wait3A_171 = tpu.memref_slice %arg3[%add3A_122] : memref<1605632xi32, #tpu.memory_space<hbm>> -> memref<6272xi32, #tpu.memory_space<hbm>>
      tpu.wait_dma2 semaphore(%run_scoped3A : memref<!tpu.dma_semaphore, #tpu.memory_space<semaphore_mem>>) src(%dma_wait3A_171 : memref<6272xi32, #tpu.memory_space<hbm>>) dst(%arg8 : memref<6272xi32, #tpu.memory_space<vmem>>)
      tpu.yield
    }) : () -> ()
    %scan3A_123 = arith.constant 0 : i32
    %scan3A_124 = arith.constant 392 : i32
    %scan3A_125 = arith.addi %scan3A_123, %scan3A_124 : i32
    %scan3A_126 = arith.constant 8 : i32
    scf.for %scan3A_170 = %scan3A_123 to %scan3A_125 step %scan3A_126  : i32 {
      %mul3A_171 = arith.constant 1 : i32
      %mul3A_172 = arith.muli %scan3A_170, %mul3A_171 : i32
      %add3A_173 = arith.constant 0 : i32
      %add3A_174 = arith.addi %add3A_173, %mul3A_172 : i32
      %mul3A_175 = arith.constant 16 : i32
      %mul3A_176 = arith.muli %add3A_174, %mul3A_175 : i32
      %get3A = arith.index_cast %mul3A_176 : i32 to index
      %get3A_177 = tpu.vector_load %arg8[%get3A] {strides = array<i32>} : memref<6272xi32, #tpu.memory_space<vmem>>, vector<16xi32>,
      %gather3A = tpu.vector_load_idx %arg7[%get3A_177] : memref<50000xf32, #tpu.memory_space<vmem>>[vector<16xi32>], vector<16xf32>,
      %swap3A = arith.index_cast %mul3A_176 : i32 to index
      %swap3A_178 = tpu.vector_load %arg9[%swap3A] {strides = array<i32>} : memref<6272xf32, #tpu.memory_space<vmem>>, vector<16xf32>,
      tpu.vector_store %arg9[%swap3A], %gather3A {strides = array<i32>} : memref<6272xf32, #tpu.memory_space<vmem>>, vector<16xf32>,
      %scan3A_179 = arith.constant 1 : i32
      %scan3A_180 = arith.addi %scan3A_170, %scan3A_179 : i32
      %mul3A_181 = arith.constant 1 : i32
      %mul3A_182 = arith.muli %scan3A_180, %mul3A_181 : i32
      %add3A_183 = arith.constant 0 : i32
      %add3A_184 = arith.addi %add3A_183, %mul3A_182 : i32
      %mul3A_185 = arith.constant 16 : i32
      %mul3A_186 = arith.muli %add3A_184, %mul3A_185 : i32
      %get3A_187 = arith.index_cast %mul3A_186 : i32 to index
      %get3A_188 = tpu.vector_load %arg8[%get3A_187] {strides = array<i32>} : memref<6272xi32, #tpu.memory_space<vmem>>, vector<16xi32>,
      %gather3A_189 = tpu.vector_load_idx %arg7[%get3A_188] : memref<50000xf32, #tpu.memory_space<vmem>>[vector<16xi32>], vector<16xf32>,
      %swap3A_190 = arith.index_cast %mul3A_186 : i32 to index
      %swap3A_191 = tpu.vector_load %arg9[%swap3A_190] {strides = array<i32>} : memref<6272xf32, #tpu.memory_space<vmem>>, vector<16xf32>,
      tpu.vector_store %arg9[%swap3A_190], %gather3A_189 {strides = array<i32>} : memref<6272xf32, #tpu.memory_space<vmem>>, vector<16xf32>,
      %scan3A_192 = arith.constant 2 : i32
      %scan3A_193 = arith.addi %scan3A_170, %scan3A_192 : i32
      %mul3A_194 = arith.constant 1 : i32
      %mul3A_195 = arith.muli %scan3A_193, %mul3A_194 : i32
      %add3A_196 = arith.constant 0 : i32
      %add3A_197 = arith.addi %add3A_196, %mul3A_195 : i32
      %mul3A_198 = arith.constant 16 : i32
      %mul3A_199 = arith.muli %add3A_197, %mul3A_198 : i32
      %get3A_200 = arith.index_cast %mul3A_199 : i32 to index
      %get3A_201 = tpu.vector_load %arg8[%get3A_200] {strides = array<i32>} : memref<6272xi32, #tpu.memory_space<vmem>>, vector<16xi32>,
      %gather3A_202 = tpu.vector_load_idx %arg7[%get3A_201] : memref<50000xf32, #tpu.memory_space<vmem>>[vector<16xi32>], vector<16xf32>,
      %swap3A_203 = arith.index_cast %mul3A_199 : i32 to index
      %swap3A_204 = tpu.vector_load %arg9[%swap3A_203] {strides = array<i32>} : memref<6272xf32, #tpu.memory_space<vmem>>, vector<16xf32>,
      tpu.vector_store %arg9[%swap3A_203], %gather3A_202 {strides = array<i32>} : memref<6272xf32, #tpu.memory_space<vmem>>, vector<16xf32>,
      %scan3A_205 = arith.constant 3 : i32
      %scan3A_206 = arith.addi %scan3A_170, %scan3A_205 : i32
      %mul3A_207 = arith.constant 1 : i32
      %mul3A_208 = arith.muli %scan3A_206, %mul3A_207 : i32
      %add3A_209 = arith.constant 0 : i32
      %add3A_210 = arith.addi %add3A_209, %mul3A_208 : i32
      %mul3A_211 = arith.constant 16 : i32
      %mul3A_212 = arith.muli %add3A_210, %mul3A_211 : i32
      %get3A_213 = arith.index_cast %mul3A_212 : i32 to index
      %get3A_214 = tpu.vector_load %arg8[%get3A_213] {strides = array<i32>} : memref<6272xi32, #tpu.memory_space<vmem>>, vector<16xi32>,
      %gather3A_215 = tpu.vector_load_idx %arg7[%get3A_214] : memref<50000xf32, #tpu.memory_space<vmem>>[vector<16xi32>], vector<16xf32>,
      %swap3A_216 = arith.index_cast %mul3A_212 : i32 to index
      %swap3A_217 = tpu.vector_load %arg9[%swap3A_216] {strides = array<i32>} : memref<6272xf32, #tpu.memory_space<vmem>>, vector<16xf32>,
      tpu.vector_store %arg9[%swap3A_216], %gather3A_215 {strides = array<i32>} : memref<6272xf32, #tpu.memory_space<vmem>>, vector<16xf32>,
      %scan3A_218 = arith.constant 4 : i32
      %scan3A_219 = arith.addi %scan3A_170, %scan3A_218 : i32
      %mul3A_220 = arith.constant 1 : i32
      %mul3A_221 = arith.muli %scan3A_219, %mul3A_220 : i32
      %add3A_222 = arith.constant 0 : i32
      %add3A_223 = arith.addi %add3A_222, %mul3A_221 : i32
      %mul3A_224 = arith.constant 16 : i32
      %mul3A_225 = arith.muli %add3A_223, %mul3A_224 : i32
      %get3A_226 = arith.index_cast %mul3A_225 : i32 to index
      %get3A_227 = tpu.vector_load %arg8[%get3A_226] {strides = array<i32>} : memref<6272xi32, #tpu.memory_space<vmem>>, vector<16xi32>,
      %gather3A_228 = tpu.vector_load_idx %arg7[%get3A_227] : memref<50000xf32, #tpu.memory_space<vmem>>[vector<16xi32>], vector<16xf32>,
      %swap3A_229 = arith.index_cast %mul3A_225 : i32 to index
      %swap3A_230 = tpu.vector_load %arg9[%swap3A_229] {strides = array<i32>} : memref<6272xf32, #tpu.memory_space<vmem>>, vector<16xf32>,
      tpu.vector_store %arg9[%swap3A_229], %gather3A_228 {strides = array<i32>} : memref<6272xf32, #tpu.memory_space<vmem>>, vector<16xf32>,
      %scan3A_231 = arith.constant 5 : i32
      %scan3A_232 = arith.addi %scan3A_170, %scan3A_231 : i32
      %mul3A_233 = arith.constant 1 : i32
      %mul3A_234 = arith.muli %scan3A_232, %mul3A_233 : i32
      %add3A_235 = arith.constant 0 : i32
      %add3A_236 = arith.addi %add3A_235, %mul3A_234 : i32
      %mul3A_237 = arith.constant 16 : i32
      %mul3A_238 = arith.muli %add3A_236, %mul3A_237 : i32
      %get3A_239 = arith.index_cast %mul3A_238 : i32 to index
      %get3A_240 = tpu.vector_load %arg8[%get3A_239] {strides = array<i32>} : memref<6272xi32, #tpu.memory_space<vmem>>, vector<16xi32>,
      %gather3A_241 = tpu.vector_load_idx %arg7[%get3A_240] : memref<50000xf32, #tpu.memory_space<vmem>>[vector<16xi32>], vector<16xf32>,
      %swap3A_242 = arith.index_cast %mul3A_238 : i32 to index
      %swap3A_243 = tpu.vector_load %arg9[%swap3A_242] {strides = array<i32>} : memref<6272xf32, #tpu.memory_space<vmem>>, vector<16xf32>,
      tpu.vector_store %arg9[%swap3A_242], %gather3A_241 {strides = array<i32>} : memref<6272xf32, #tpu.memory_space<vmem>>, vector<16xf32>,
      %scan3A_244 = arith.constant 6 : i32
      %scan3A_245 = arith.addi %scan3A_170, %scan3A_244 : i32
      %mul3A_246 = arith.constant 1 : i32
      %mul3A_247 = arith.muli %scan3A_245, %mul3A_246 : i32
      %add3A_248 = arith.constant 0 : i32
      %add3A_249 = arith.addi %add3A_248, %mul3A_247 : i32
      %mul3A_250 = arith.constant 16 : i32
      %mul3A_251 = arith.muli %add3A_249, %mul3A_250 : i32
      %get3A_252 = arith.index_cast %mul3A_251 : i32 to index
      %get3A_253 = tpu.vector_load %arg8[%get3A_252] {strides = array<i32>} : memref<6272xi32, #tpu.memory_space<vmem>>, vector<16xi32>,
      %gather3A_254 = tpu.vector_load_idx %arg7[%get3A_253] : memref<50000xf32, #tpu.memory_space<vmem>>[vector<16xi32>], vector<16xf32>,
      %swap3A_255 = arith.index_cast %mul3A_251 : i32 to index
      %swap3A_256 = tpu.vector_load %arg9[%swap3A_255] {strides = array<i32>} : memref<6272xf32, #tpu.memory_space<vmem>>, vector<16xf32>,
      tpu.vector_store %arg9[%swap3A_255], %gather3A_254 {strides = array<i32>} : memref<6272xf32, #tpu.memory_space<vmem>>, vector<16xf32>,
      %scan3A_257 = arith.constant 7 : i32
      %scan3A_258 = arith.addi %scan3A_170, %scan3A_257 : i32
      %mul3A_259 = arith.constant 1 : i32
      %mul3A_260 = arith.muli %scan3A_258, %mul3A_259 : i32
      %add3A_261 = arith.constant 0 : i32
      %add3A_262 = arith.addi %add3A_261, %mul3A_260 : i32
      %mul3A_263 = arith.constant 16 : i32
      %mul3A_264 = arith.muli %add3A_262, %mul3A_263 : i32
      %get3A_265 = arith.index_cast %mul3A_264 : i32 to index
      %get3A_266 = tpu.vector_load %arg8[%get3A_265] {strides = array<i32>} : memref<6272xi32, #tpu.memory_space<vmem>>, vector<16xi32>,
      %gather3A_267 = tpu.vector_load_idx %arg7[%get3A_266] : memref<50000xf32, #tpu.memory_space<vmem>>[vector<16xi32>], vector<16xf32>,
      %swap3A_268 = arith.index_cast %mul3A_264 : i32 to index
      %swap3A_269 = tpu.vector_load %arg9[%swap3A_268] {strides = array<i32>} : memref<6272xf32, #tpu.memory_space<vmem>>, vector<16xf32>,
      tpu.vector_store %arg9[%swap3A_268], %gather3A_267 {strides = array<i32>} : memref<6272xf32, #tpu.memory_space<vmem>>, vector<16xf32>,
    }
    %scan3A_127 = arith.constant 392 : i32
    "tpu.region"() ({
      %run_scoped3A = tpu.sem_alloc : memref<!tpu.dma_semaphore, #tpu.memory_space<semaphore_mem>>
      %dma_start3A = tpu.memref_slice %arg6[%add3A_122] : memref<1605632xf32, #tpu.memory_space<hbm>> -> memref<6272xf32, #tpu.memory_space<hbm>>
      %dma_start3A_170 = tpu.memref_slice %arg6[%add3A_122] : memref<1605632xf32, #tpu.memory_space<hbm>> -> memref<6272xf32, #tpu.memory_space<hbm>>
      tpu.enqueue_dma source(%arg9 : memref<6272xf32, #tpu.memory_space<vmem>>) target(%dma_start3A_170 : memref<6272xf32, #tpu.memory_space<hbm>>) target_semaphore(%run_scoped3A : memref<!tpu.dma_semaphore, #tpu.memory_space<semaphore_mem>>)
      %dma_wait3A = tpu.memref_slice %arg6[%add3A_122] : memref<1605632xf32, #tpu.memory_space<hbm>> -> memref<6272xf32, #tpu.memory_space<hbm>>
      %dma_wait3A_171 = tpu.memref_slice %arg6[%add3A_122] : memref<1605632xf32, #tpu.memory_space<hbm>> -> memref<6272xf32, #tpu.memory_space<hbm>>
      tpu.wait_dma2 semaphore(%run_scoped3A : memref<!tpu.dma_semaphore, #tpu.memory_space<semaphore_mem>>) src(%arg9 : memref<6272xf32, #tpu.memory_space<vmem>>) dst(%dma_wait3A_171 : memref<6272xf32, #tpu.memory_space<hbm>>)
      tpu.yield
    }) : () -> ()
    %add3A_128 = arith.constant 12544 : i32
    %add3A_129 = arith.addi %mul3A_2, %add3A_128 : i32
    "tpu.region"() ({
      %run_scoped3A = tpu.sem_alloc : memref<!tpu.dma_semaphore, #tpu.memory_space<semaphore_mem>>
      %dma_start3A = tpu.memref_slice %arg3[%add3A_129] : memref<1605632xi32, #tpu.memory_space<hbm>> -> memref<6272xi32, #tpu.memory_space<hbm>>
      %dma_start3A_170 = tpu.memref_slice %arg3[%add3A_129] : memref<1605632xi32, #tpu.memory_space<hbm>> -> memref<6272xi32, #tpu.memory_space<hbm>>
      tpu.enqueue_dma source(%dma_start3A_170 : memref<6272xi32, #tpu.memory_space<hbm>>) target(%arg8 : memref<6272xi32, #tpu.memory_space<vmem>>) target_semaphore(%run_scoped3A : memref<!tpu.dma_semaphore, #tpu.memory_space<semaphore_mem>>)
      %dma_wait3A = tpu.memref_slice %arg3[%add3A_129] : memref<1605632xi32, #tpu.memory_space<hbm>> -> memref<6272xi32, #tpu.memory_space<hbm>>
      %dma_wait3A_171 = tpu.memref_slice %arg3[%add3A_129] : memref<1605632xi32, #tpu.memory_space<hbm>> -> memref<6272xi32, #tpu.memory_space<hbm>>
      tpu.wait_dma2 semaphore(%run_scoped3A : memref<!tpu.dma_semaphore, #tpu.memory_space<semaphore_mem>>) src(%dma_wait3A_171 : memref<6272xi32, #tpu.memory_space<hbm>>) dst(%arg8 : memref<6272xi32, #tpu.memory_space<vmem>>)
      tpu.yield
    }) : () -> ()
    %scan3A_130 = arith.constant 0 : i32
    %scan3A_131 = arith.constant 392 : i32
    %scan3A_132 = arith.addi %scan3A_130, %scan3A_131 : i32
    %scan3A_133 = arith.constant 8 : i32
    scf.for %scan3A_170 = %scan3A_130 to %scan3A_132 step %scan3A_133  : i32 {
      %mul3A_171 = arith.constant 1 : i32
      %mul3A_172 = arith.muli %scan3A_170, %mul3A_171 : i32
      %add3A_173 = arith.constant 0 : i32
      %add3A_174 = arith.addi %add3A_173, %mul3A_172 : i32
      %mul3A_175 = arith.constant 16 : i32
      %mul3A_176 = arith.muli %add3A_174, %mul3A_175 : i32
      %get3A = arith.index_cast %mul3A_176 : i32 to index
      %get3A_177 = tpu.vector_load %arg8[%get3A] {strides = array<i32>} : memref<6272xi32, #tpu.memory_space<vmem>>, vector<16xi32>,
      %gather3A = tpu.vector_load_idx %arg7[%get3A_177] : memref<50000xf32, #tpu.memory_space<vmem>>[vector<16xi32>], vector<16xf32>,
      %swap3A = arith.index_cast %mul3A_176 : i32 to index
      %swap3A_178 = tpu.vector_load %arg9[%swap3A] {strides = array<i32>} : memref<6272xf32, #tpu.memory_space<vmem>>, vector<16xf32>,
      tpu.vector_store %arg9[%swap3A], %gather3A {strides = array<i32>} : memref<6272xf32, #tpu.memory_space<vmem>>, vector<16xf32>,
      %scan3A_179 = arith.constant 1 : i32
      %scan3A_180 = arith.addi %scan3A_170, %scan3A_179 : i32
      %mul3A_181 = arith.constant 1 : i32
      %mul3A_182 = arith.muli %scan3A_180, %mul3A_181 : i32
      %add3A_183 = arith.constant 0 : i32
      %add3A_184 = arith.addi %add3A_183, %mul3A_182 : i32
      %mul3A_185 = arith.constant 16 : i32
      %mul3A_186 = arith.muli %add3A_184, %mul3A_185 : i32
      %get3A_187 = arith.index_cast %mul3A_186 : i32 to index
      %get3A_188 = tpu.vector_load %arg8[%get3A_187] {strides = array<i32>} : memref<6272xi32, #tpu.memory_space<vmem>>, vector<16xi32>,
      %gather3A_189 = tpu.vector_load_idx %arg7[%get3A_188] : memref<50000xf32, #tpu.memory_space<vmem>>[vector<16xi32>], vector<16xf32>,
      %swap3A_190 = arith.index_cast %mul3A_186 : i32 to index
      %swap3A_191 = tpu.vector_load %arg9[%swap3A_190] {strides = array<i32>} : memref<6272xf32, #tpu.memory_space<vmem>>, vector<16xf32>,
      tpu.vector_store %arg9[%swap3A_190], %gather3A_189 {strides = array<i32>} : memref<6272xf32, #tpu.memory_space<vmem>>, vector<16xf32>,
      %scan3A_192 = arith.constant 2 : i32
      %scan3A_193 = arith.addi %scan3A_170, %scan3A_192 : i32
      %mul3A_194 = arith.constant 1 : i32
      %mul3A_195 = arith.muli %scan3A_193, %mul3A_194 : i32
      %add3A_196 = arith.constant 0 : i32
      %add3A_197 = arith.addi %add3A_196, %mul3A_195 : i32
      %mul3A_198 = arith.constant 16 : i32
      %mul3A_199 = arith.muli %add3A_197, %mul3A_198 : i32
      %get3A_200 = arith.index_cast %mul3A_199 : i32 to index
      %get3A_201 = tpu.vector_load %arg8[%get3A_200] {strides = array<i32>} : memref<6272xi32, #tpu.memory_space<vmem>>, vector<16xi32>,
      %gather3A_202 = tpu.vector_load_idx %arg7[%get3A_201] : memref<50000xf32, #tpu.memory_space<vmem>>[vector<16xi32>], vector<16xf32>,
      %swap3A_203 = arith.index_cast %mul3A_199 : i32 to index
      %swap3A_204 = tpu.vector_load %arg9[%swap3A_203] {strides = array<i32>} : memref<6272xf32, #tpu.memory_space<vmem>>, vector<16xf32>,
      tpu.vector_store %arg9[%swap3A_203], %gather3A_202 {strides = array<i32>} : memref<6272xf32, #tpu.memory_space<vmem>>, vector<16xf32>,
      %scan3A_205 = arith.constant 3 : i32
      %scan3A_206 = arith.addi %scan3A_170, %scan3A_205 : i32
      %mul3A_207 = arith.constant 1 : i32
      %mul3A_208 = arith.muli %scan3A_206, %mul3A_207 : i32
      %add3A_209 = arith.constant 0 : i32
      %add3A_210 = arith.addi %add3A_209, %mul3A_208 : i32
      %mul3A_211 = arith.constant 16 : i32
      %mul3A_212 = arith.muli %add3A_210, %mul3A_211 : i32
      %get3A_213 = arith.index_cast %mul3A_212 : i32 to index
      %get3A_214 = tpu.vector_load %arg8[%get3A_213] {strides = array<i32>} : memref<6272xi32, #tpu.memory_space<vmem>>, vector<16xi32>,
      %gather3A_215 = tpu.vector_load_idx %arg7[%get3A_214] : memref<50000xf32, #tpu.memory_space<vmem>>[vector<16xi32>], vector<16xf32>,
      %swap3A_216 = arith.index_cast %mul3A_212 : i32 to index
      %swap3A_217 = tpu.vector_load %arg9[%swap3A_216] {strides = array<i32>} : memref<6272xf32, #tpu.memory_space<vmem>>, vector<16xf32>,
      tpu.vector_store %arg9[%swap3A_216], %gather3A_215 {strides = array<i32>} : memref<6272xf32, #tpu.memory_space<vmem>>, vector<16xf32>,
      %scan3A_218 = arith.constant 4 : i32
      %scan3A_219 = arith.addi %scan3A_170, %scan3A_218 : i32
      %mul3A_220 = arith.constant 1 : i32
      %mul3A_221 = arith.muli %scan3A_219, %mul3A_220 : i32
      %add3A_222 = arith.constant 0 : i32
      %add3A_223 = arith.addi %add3A_222, %mul3A_221 : i32
      %mul3A_224 = arith.constant 16 : i32
      %mul3A_225 = arith.muli %add3A_223, %mul3A_224 : i32
      %get3A_226 = arith.index_cast %mul3A_225 : i32 to index
      %get3A_227 = tpu.vector_load %arg8[%get3A_226] {strides = array<i32>} : memref<6272xi32, #tpu.memory_space<vmem>>, vector<16xi32>,
      %gather3A_228 = tpu.vector_load_idx %arg7[%get3A_227] : memref<50000xf32, #tpu.memory_space<vmem>>[vector<16xi32>], vector<16xf32>,
      %swap3A_229 = arith.index_cast %mul3A_225 : i32 to index
      %swap3A_230 = tpu.vector_load %arg9[%swap3A_229] {strides = array<i32>} : memref<6272xf32, #tpu.memory_space<vmem>>, vector<16xf32>,
      tpu.vector_store %arg9[%swap3A_229], %gather3A_228 {strides = array<i32>} : memref<6272xf32, #tpu.memory_space<vmem>>, vector<16xf32>,
      %scan3A_231 = arith.constant 5 : i32
      %scan3A_232 = arith.addi %scan3A_170, %scan3A_231 : i32
      %mul3A_233 = arith.constant 1 : i32
      %mul3A_234 = arith.muli %scan3A_232, %mul3A_233 : i32
      %add3A_235 = arith.constant 0 : i32
      %add3A_236 = arith.addi %add3A_235, %mul3A_234 : i32
      %mul3A_237 = arith.constant 16 : i32
      %mul3A_238 = arith.muli %add3A_236, %mul3A_237 : i32
      %get3A_239 = arith.index_cast %mul3A_238 : i32 to index
      %get3A_240 = tpu.vector_load %arg8[%get3A_239] {strides = array<i32>} : memref<6272xi32, #tpu.memory_space<vmem>>, vector<16xi32>,
      %gather3A_241 = tpu.vector_load_idx %arg7[%get3A_240] : memref<50000xf32, #tpu.memory_space<vmem>>[vector<16xi32>], vector<16xf32>,
      %swap3A_242 = arith.index_cast %mul3A_238 : i32 to index
      %swap3A_243 = tpu.vector_load %arg9[%swap3A_242] {strides = array<i32>} : memref<6272xf32, #tpu.memory_space<vmem>>, vector<16xf32>,
      tpu.vector_store %arg9[%swap3A_242], %gather3A_241 {strides = array<i32>} : memref<6272xf32, #tpu.memory_space<vmem>>, vector<16xf32>,
      %scan3A_244 = arith.constant 6 : i32
      %scan3A_245 = arith.addi %scan3A_170, %scan3A_244 : i32
      %mul3A_246 = arith.constant 1 : i32
      %mul3A_247 = arith.muli %scan3A_245, %mul3A_246 : i32
      %add3A_248 = arith.constant 0 : i32
      %add3A_249 = arith.addi %add3A_248, %mul3A_247 : i32
      %mul3A_250 = arith.constant 16 : i32
      %mul3A_251 = arith.muli %add3A_249, %mul3A_250 : i32
      %get3A_252 = arith.index_cast %mul3A_251 : i32 to index
      %get3A_253 = tpu.vector_load %arg8[%get3A_252] {strides = array<i32>} : memref<6272xi32, #tpu.memory_space<vmem>>, vector<16xi32>,
      %gather3A_254 = tpu.vector_load_idx %arg7[%get3A_253] : memref<50000xf32, #tpu.memory_space<vmem>>[vector<16xi32>], vector<16xf32>,
      %swap3A_255 = arith.index_cast %mul3A_251 : i32 to index
      %swap3A_256 = tpu.vector_load %arg9[%swap3A_255] {strides = array<i32>} : memref<6272xf32, #tpu.memory_space<vmem>>, vector<16xf32>,
      tpu.vector_store %arg9[%swap3A_255], %gather3A_254 {strides = array<i32>} : memref<6272xf32, #tpu.memory_space<vmem>>, vector<16xf32>,
      %scan3A_257 = arith.constant 7 : i32
      %scan3A_258 = arith.addi %scan3A_170, %scan3A_257 : i32
      %mul3A_259 = arith.constant 1 : i32
      %mul3A_260 = arith.muli %scan3A_258, %mul3A_259 : i32
      %add3A_261 = arith.constant 0 : i32
      %add3A_262 = arith.addi %add3A_261, %mul3A_260 : i32
      %mul3A_263 = arith.constant 16 : i32
      %mul3A_264 = arith.muli %add3A_262, %mul3A_263 : i32
      %get3A_265 = arith.index_cast %mul3A_264 : i32 to index
      %get3A_266 = tpu.vector_load %arg8[%get3A_265] {strides = array<i32>} : memref<6272xi32, #tpu.memory_space<vmem>>, vector<16xi32>,
      %gather3A_267 = tpu.vector_load_idx %arg7[%get3A_266] : memref<50000xf32, #tpu.memory_space<vmem>>[vector<16xi32>], vector<16xf32>,
      %swap3A_268 = arith.index_cast %mul3A_264 : i32 to index
      %swap3A_269 = tpu.vector_load %arg9[%swap3A_268] {strides = array<i32>} : memref<6272xf32, #tpu.memory_space<vmem>>, vector<16xf32>,
      tpu.vector_store %arg9[%swap3A_268], %gather3A_267 {strides = array<i32>} : memref<6272xf32, #tpu.memory_space<vmem>>, vector<16xf32>,
    }
    %scan3A_134 = arith.constant 392 : i32
    "tpu.region"() ({
      %run_scoped3A = tpu.sem_alloc : memref<!tpu.dma_semaphore, #tpu.memory_space<semaphore_mem>>
      %dma_start3A = tpu.memref_slice %arg6[%add3A_129] : memref<1605632xf32, #tpu.memory_space<hbm>> -> memref<6272xf32, #tpu.memory_space<hbm>>
      %dma_start3A_170 = tpu.memref_slice %arg6[%add3A_129] : memref<1605632xf32, #tpu.memory_space<hbm>> -> memref<6272xf32, #tpu.memory_space<hbm>>
      tpu.enqueue_dma source(%arg9 : memref<6272xf32, #tpu.memory_space<vmem>>) target(%dma_start3A_170 : memref<6272xf32, #tpu.memory_space<hbm>>) target_semaphore(%run_scoped3A : memref<!tpu.dma_semaphore, #tpu.memory_space<semaphore_mem>>)
      %dma_wait3A = tpu.memref_slice %arg6[%add3A_129] : memref<1605632xf32, #tpu.memory_space<hbm>> -> memref<6272xf32, #tpu.memory_space<hbm>>
      %dma_wait3A_171 = tpu.memref_slice %arg6[%add3A_129] : memref<1605632xf32, #tpu.memory_space<hbm>> -> memref<6272xf32, #tpu.memory_space<hbm>>
      tpu.wait_dma2 semaphore(%run_scoped3A : memref<!tpu.dma_semaphore, #tpu.memory_space<semaphore_mem>>) src(%arg9 : memref<6272xf32, #tpu.memory_space<vmem>>) dst(%dma_wait3A_171 : memref<6272xf32, #tpu.memory_space<hbm>>)
      tpu.yield
    }) : () -> ()
    %add3A_135 = arith.constant 18816 : i32
    %add3A_136 = arith.addi %mul3A_2, %add3A_135 : i32
    "tpu.region"() ({
      %run_scoped3A = tpu.sem_alloc : memref<!tpu.dma_semaphore, #tpu.memory_space<semaphore_mem>>
      %dma_start3A = tpu.memref_slice %arg3[%add3A_136] : memref<1605632xi32, #tpu.memory_space<hbm>> -> memref<6272xi32, #tpu.memory_space<hbm>>
      %dma_start3A_170 = tpu.memref_slice %arg3[%add3A_136] : memref<1605632xi32, #tpu.memory_space<hbm>> -> memref<6272xi32, #tpu.memory_space<hbm>>
      tpu.enqueue_dma source(%dma_start3A_170 : memref<6272xi32, #tpu.memory_space<hbm>>) target(%arg8 : memref<6272xi32, #tpu.memory_space<vmem>>) target_semaphore(%run_scoped3A : memref<!tpu.dma_semaphore, #tpu.memory_space<semaphore_mem>>)
      %dma_wait3A = tpu.memref_slice %arg3[%add3A_136] : memref<1605632xi32, #tpu.memory_space<hbm>> -> memref<6272xi32, #tpu.memory_space<hbm>>
      %dma_wait3A_171 = tpu.memref_slice %arg3[%add3A_136] : memref<1605632xi32, #tpu.memory_space<hbm>> -> memref<6272xi32, #tpu.memory_space<hbm>>
      tpu.wait_dma2 semaphore(%run_scoped3A : memref<!tpu.dma_semaphore, #tpu.memory_space<semaphore_mem>>) src(%dma_wait3A_171 : memref<6272xi32, #tpu.memory_space<hbm>>) dst(%arg8 : memref<6272xi32, #tpu.memory_space<vmem>>)
      tpu.yield
    }) : () -> ()
    %scan3A_137 = arith.constant 0 : i32
    %scan3A_138 = arith.constant 392 : i32
    %scan3A_139 = arith.addi %scan3A_137, %scan3A_138 : i32
    %scan3A_140 = arith.constant 8 : i32
    scf.for %scan3A_170 = %scan3A_137 to %scan3A_139 step %scan3A_140  : i32 {
      %mul3A_171 = arith.constant 1 : i32
      %mul3A_172 = arith.muli %scan3A_170, %mul3A_171 : i32
      %add3A_173 = arith.constant 0 : i32
      %add3A_174 = arith.addi %add3A_173, %mul3A_172 : i32
      %mul3A_175 = arith.constant 16 : i32
      %mul3A_176 = arith.muli %add3A_174, %mul3A_175 : i32
      %get3A = arith.index_cast %mul3A_176 : i32 to index
      %get3A_177 = tpu.vector_load %arg8[%get3A] {strides = array<i32>} : memref<6272xi32, #tpu.memory_space<vmem>>, vector<16xi32>,
      %gather3A = tpu.vector_load_idx %arg7[%get3A_177] : memref<50000xf32, #tpu.memory_space<vmem>>[vector<16xi32>], vector<16xf32>,
      %swap3A = arith.index_cast %mul3A_176 : i32 to index
      %swap3A_178 = tpu.vector_load %arg9[%swap3A] {strides = array<i32>} : memref<6272xf32, #tpu.memory_space<vmem>>, vector<16xf32>,
      tpu.vector_store %arg9[%swap3A], %gather3A {strides = array<i32>} : memref<6272xf32, #tpu.memory_space<vmem>>, vector<16xf32>,
      %scan3A_179 = arith.constant 1 : i32
      %scan3A_180 = arith.addi %scan3A_170, %scan3A_179 : i32
      %mul3A_181 = arith.constant 1 : i32
      %mul3A_182 = arith.muli %scan3A_180, %mul3A_181 : i32
      %add3A_183 = arith.constant 0 : i32
      %add3A_184 = arith.addi %add3A_183, %mul3A_182 : i32
      %mul3A_185 = arith.constant 16 : i32
      %mul3A_186 = arith.muli %add3A_184, %mul3A_185 : i32
      %get3A_187 = arith.index_cast %mul3A_186 : i32 to index
      %get3A_188 = tpu.vector_load %arg8[%get3A_187] {strides = array<i32>} : memref<6272xi32, #tpu.memory_space<vmem>>, vector<16xi32>,
      %gather3A_189 = tpu.vector_load_idx %arg7[%get3A_188] : memref<50000xf32, #tpu.memory_space<vmem>>[vector<16xi32>], vector<16xf32>,
      %swap3A_190 = arith.index_cast %mul3A_186 : i32 to index
      %swap3A_191 = tpu.vector_load %arg9[%swap3A_190] {strides = array<i32>} : memref<6272xf32, #tpu.memory_space<vmem>>, vector<16xf32>,
      tpu.vector_store %arg9[%swap3A_190], %gather3A_189 {strides = array<i32>} : memref<6272xf32, #tpu.memory_space<vmem>>, vector<16xf32>,
      %scan3A_192 = arith.constant 2 : i32
      %scan3A_193 = arith.addi %scan3A_170, %scan3A_192 : i32
      %mul3A_194 = arith.constant 1 : i32
      %mul3A_195 = arith.muli %scan3A_193, %mul3A_194 : i32
      %add3A_196 = arith.constant 0 : i32
      %add3A_197 = arith.addi %add3A_196, %mul3A_195 : i32
      %mul3A_198 = arith.constant 16 : i32
      %mul3A_199 = arith.muli %add3A_197, %mul3A_198 : i32
      %get3A_200 = arith.index_cast %mul3A_199 : i32 to index
      %get3A_201 = tpu.vector_load %arg8[%get3A_200] {strides = array<i32>} : memref<6272xi32, #tpu.memory_space<vmem>>, vector<16xi32>,
      %gather3A_202 = tpu.vector_load_idx %arg7[%get3A_201] : memref<50000xf32, #tpu.memory_space<vmem>>[vector<16xi32>], vector<16xf32>,
      %swap3A_203 = arith.index_cast %mul3A_199 : i32 to index
      %swap3A_204 = tpu.vector_load %arg9[%swap3A_203] {strides = array<i32>} : memref<6272xf32, #tpu.memory_space<vmem>>, vector<16xf32>,
      tpu.vector_store %arg9[%swap3A_203], %gather3A_202 {strides = array<i32>} : memref<6272xf32, #tpu.memory_space<vmem>>, vector<16xf32>,
      %scan3A_205 = arith.constant 3 : i32
      %scan3A_206 = arith.addi %scan3A_170, %scan3A_205 : i32
      %mul3A_207 = arith.constant 1 : i32
      %mul3A_208 = arith.muli %scan3A_206, %mul3A_207 : i32
      %add3A_209 = arith.constant 0 : i32
      %add3A_210 = arith.addi %add3A_209, %mul3A_208 : i32
      %mul3A_211 = arith.constant 16 : i32
      %mul3A_212 = arith.muli %add3A_210, %mul3A_211 : i32
      %get3A_213 = arith.index_cast %mul3A_212 : i32 to index
      %get3A_214 = tpu.vector_load %arg8[%get3A_213] {strides = array<i32>} : memref<6272xi32, #tpu.memory_space<vmem>>, vector<16xi32>,
      %gather3A_215 = tpu.vector_load_idx %arg7[%get3A_214] : memref<50000xf32, #tpu.memory_space<vmem>>[vector<16xi32>], vector<16xf32>,
      %swap3A_216 = arith.index_cast %mul3A_212 : i32 to index
      %swap3A_217 = tpu.vector_load %arg9[%swap3A_216] {strides = array<i32>} : memref<6272xf32, #tpu.memory_space<vmem>>, vector<16xf32>,
      tpu.vector_store %arg9[%swap3A_216], %gather3A_215 {strides = array<i32>} : memref<6272xf32, #tpu.memory_space<vmem>>, vector<16xf32>,
      %scan3A_218 = arith.constant 4 : i32
      %scan3A_219 = arith.addi %scan3A_170, %scan3A_218 : i32
      %mul3A_220 = arith.constant 1 : i32
      %mul3A_221 = arith.muli %scan3A_219, %mul3A_220 : i32
      %add3A_222 = arith.constant 0 : i32
      %add3A_223 = arith.addi %add3A_222, %mul3A_221 : i32
      %mul3A_224 = arith.constant 16 : i32
      %mul3A_225 = arith.muli %add3A_223, %mul3A_224 : i32
      %get3A_226 = arith.index_cast %mul3A_225 : i32 to index
      %get3A_227 = tpu.vector_load %arg8[%get3A_226] {strides = array<i32>} : memref<6272xi32, #tpu.memory_space<vmem>>, vector<16xi32>,
      %gather3A_228 = tpu.vector_load_idx %arg7[%get3A_227] : memref<50000xf32, #tpu.memory_space<vmem>>[vector<16xi32>], vector<16xf32>,
      %swap3A_229 = arith.index_cast %mul3A_225 : i32 to index
      %swap3A_230 = tpu.vector_load %arg9[%swap3A_229] {strides = array<i32>} : memref<6272xf32, #tpu.memory_space<vmem>>, vector<16xf32>,
      tpu.vector_store %arg9[%swap3A_229], %gather3A_228 {strides = array<i32>} : memref<6272xf32, #tpu.memory_space<vmem>>, vector<16xf32>,
      %scan3A_231 = arith.constant 5 : i32
      %scan3A_232 = arith.addi %scan3A_170, %scan3A_231 : i32
      %mul3A_233 = arith.constant 1 : i32
      %mul3A_234 = arith.muli %scan3A_232, %mul3A_233 : i32
      %add3A_235 = arith.constant 0 : i32
      %add3A_236 = arith.addi %add3A_235, %mul3A_234 : i32
      %mul3A_237 = arith.constant 16 : i32
      %mul3A_238 = arith.muli %add3A_236, %mul3A_237 : i32
      %get3A_239 = arith.index_cast %mul3A_238 : i32 to index
      %get3A_240 = tpu.vector_load %arg8[%get3A_239] {strides = array<i32>} : memref<6272xi32, #tpu.memory_space<vmem>>, vector<16xi32>,
      %gather3A_241 = tpu.vector_load_idx %arg7[%get3A_240] : memref<50000xf32, #tpu.memory_space<vmem>>[vector<16xi32>], vector<16xf32>,
      %swap3A_242 = arith.index_cast %mul3A_238 : i32 to index
      %swap3A_243 = tpu.vector_load %arg9[%swap3A_242] {strides = array<i32>} : memref<6272xf32, #tpu.memory_space<vmem>>, vector<16xf32>,
      tpu.vector_store %arg9[%swap3A_242], %gather3A_241 {strides = array<i32>} : memref<6272xf32, #tpu.memory_space<vmem>>, vector<16xf32>,
      %scan3A_244 = arith.constant 6 : i32
      %scan3A_245 = arith.addi %scan3A_170, %scan3A_244 : i32
      %mul3A_246 = arith.constant 1 : i32
      %mul3A_247 = arith.muli %scan3A_245, %mul3A_246 : i32
      %add3A_248 = arith.constant 0 : i32
      %add3A_249 = arith.addi %add3A_248, %mul3A_247 : i32
      %mul3A_250 = arith.constant 16 : i32
      %mul3A_251 = arith.muli %add3A_249, %mul3A_250 : i32
      %get3A_252 = arith.index_cast %mul3A_251 : i32 to index
      %get3A_253 = tpu.vector_load %arg8[%get3A_252] {strides = array<i32>} : memref<6272xi32, #tpu.memory_space<vmem>>, vector<16xi32>,
      %gather3A_254 = tpu.vector_load_idx %arg7[%get3A_253] : memref<50000xf32, #tpu.memory_space<vmem>>[vector<16xi32>], vector<16xf32>,
      %swap3A_255 = arith.index_cast %mul3A_251 : i32 to index
      %swap3A_256 = tpu.vector_load %arg9[%swap3A_255] {strides = array<i32>} : memref<6272xf32, #tpu.memory_space<vmem>>, vector<16xf32>,
      tpu.vector_store %arg9[%swap3A_255], %gather3A_254 {strides = array<i32>} : memref<6272xf32, #tpu.memory_space<vmem>>, vector<16xf32>,
      %scan3A_257 = arith.constant 7 : i32
      %scan3A_258 = arith.addi %scan3A_170, %scan3A_257 : i32
      %mul3A_259 = arith.constant 1 : i32
      %mul3A_260 = arith.muli %scan3A_258, %mul3A_259 : i32
      %add3A_261 = arith.constant 0 : i32
      %add3A_262 = arith.addi %add3A_261, %mul3A_260 : i32
      %mul3A_263 = arith.constant 16 : i32
      %mul3A_264 = arith.muli %add3A_262, %mul3A_263 : i32
      %get3A_265 = arith.index_cast %mul3A_264 : i32 to index
      %get3A_266 = tpu.vector_load %arg8[%get3A_265] {strides = array<i32>} : memref<6272xi32, #tpu.memory_space<vmem>>, vector<16xi32>,
      %gather3A_267 = tpu.vector_load_idx %arg7[%get3A_266] : memref<50000xf32, #tpu.memory_space<vmem>>[vector<16xi32>], vector<16xf32>,
      %swap3A_268 = arith.index_cast %mul3A_264 : i32 to index
      %swap3A_269 = tpu.vector_load %arg9[%swap3A_268] {strides = array<i32>} : memref<6272xf32, #tpu.memory_space<vmem>>, vector<16xf32>,
      tpu.vector_store %arg9[%swap3A_268], %gather3A_267 {strides = array<i32>} : memref<6272xf32, #tpu.memory_space<vmem>>, vector<16xf32>,
    }
    %scan3A_141 = arith.constant 392 : i32
    "tpu.region"() ({
      %run_scoped3A = tpu.sem_alloc : memref<!tpu.dma_semaphore, #tpu.memory_space<semaphore_mem>>
      %dma_start3A = tpu.memref_slice %arg6[%add3A_136] : memref<1605632xf32, #tpu.memory_space<hbm>> -> memref<6272xf32, #tpu.memory_space<hbm>>
      %dma_start3A_170 = tpu.memref_slice %arg6[%add3A_136] : memref<1605632xf32, #tpu.memory_space<hbm>> -> memref<6272xf32, #tpu.memory_space<hbm>>
      tpu.enqueue_dma source(%arg9 : memref<6272xf32, #tpu.memory_space<vmem>>) target(%dma_start3A_170 : memref<6272xf32, #tpu.memory_space<hbm>>) target_semaphore(%run_scoped3A : memref<!tpu.dma_semaphore, #tpu.memory_space<semaphore_mem>>)
      %dma_wait3A = tpu.memref_slice %arg6[%add3A_136] : memref<1605632xf32, #tpu.memory_space<hbm>> -> memref<6272xf32, #tpu.memory_space<hbm>>
      %dma_wait3A_171 = tpu.memref_slice %arg6[%add3A_136] : memref<1605632xf32, #tpu.memory_space<hbm>> -> memref<6272xf32, #tpu.memory_space<hbm>>
      tpu.wait_dma2 semaphore(%run_scoped3A : memref<!tpu.dma_semaphore, #tpu.memory_space<semaphore_mem>>) src(%arg9 : memref<6272xf32, #tpu.memory_space<vmem>>) dst(%dma_wait3A_171 : memref<6272xf32, #tpu.memory_space<hbm>>)
      tpu.yield
    }) : () -> ()
    %add3A_142 = arith.constant 25088 : i32
    %add3A_143 = arith.addi %mul3A_2, %add3A_142 : i32
    "tpu.region"() ({
      %run_scoped3A = tpu.sem_alloc : memref<!tpu.dma_semaphore, #tpu.memory_space<semaphore_mem>>
      %dma_start3A = tpu.memref_slice %arg3[%add3A_143] : memref<1605632xi32, #tpu.memory_space<hbm>> -> memref<6272xi32, #tpu.memory_space<hbm>>
      %dma_start3A_170 = tpu.memref_slice %arg3[%add3A_143] : memref<1605632xi32, #tpu.memory_space<hbm>> -> memref<6272xi32, #tpu.memory_space<hbm>>
      tpu.enqueue_dma source(%dma_start3A_170 : memref<6272xi32, #tpu.memory_space<hbm>>) target(%arg8 : memref<6272xi32, #tpu.memory_space<vmem>>) target_semaphore(%run_scoped3A : memref<!tpu.dma_semaphore, #tpu.memory_space<semaphore_mem>>)
      %dma_wait3A = tpu.memref_slice %arg3[%add3A_143] : memref<1605632xi32, #tpu.memory_space<hbm>> -> memref<6272xi32, #tpu.memory_space<hbm>>
      %dma_wait3A_171 = tpu.memref_slice %arg3[%add3A_143] : memref<1605632xi32, #tpu.memory_space<hbm>> -> memref<6272xi32, #tpu.memory_space<hbm>>
      tpu.wait_dma2 semaphore(%run_scoped3A : memref<!tpu.dma_semaphore, #tpu.memory_space<semaphore_mem>>) src(%dma_wait3A_171 : memref<6272xi32, #tpu.memory_space<hbm>>) dst(%arg8 : memref<6272xi32, #tpu.memory_space<vmem>>)
      tpu.yield
    }) : () -> ()
    %scan3A_144 = arith.constant 0 : i32
    %scan3A_145 = arith.constant 392 : i32
    %scan3A_146 = arith.addi %scan3A_144, %scan3A_145 : i32
    %scan3A_147 = arith.constant 8 : i32
    scf.for %scan3A_170 = %scan3A_144 to %scan3A_146 step %scan3A_147  : i32 {
      %mul3A_171 = arith.constant 1 : i32
      %mul3A_172 = arith.muli %scan3A_170, %mul3A_171 : i32
      %add3A_173 = arith.constant 0 : i32
      %add3A_174 = arith.addi %add3A_173, %mul3A_172 : i32
      %mul3A_175 = arith.constant 16 : i32
      %mul3A_176 = arith.muli %add3A_174, %mul3A_175 : i32
      %get3A = arith.index_cast %mul3A_176 : i32 to index
      %get3A_177 = tpu.vector_load %arg8[%get3A] {strides = array<i32>} : memref<6272xi32, #tpu.memory_space<vmem>>, vector<16xi32>,
      %gather3A = tpu.vector_load_idx %arg7[%get3A_177] : memref<50000xf32, #tpu.memory_space<vmem>>[vector<16xi32>], vector<16xf32>,
      %swap3A = arith.index_cast %mul3A_176 : i32 to index
      %swap3A_178 = tpu.vector_load %arg9[%swap3A] {strides = array<i32>} : memref<6272xf32, #tpu.memory_space<vmem>>, vector<16xf32>,
      tpu.vector_store %arg9[%swap3A], %gather3A {strides = array<i32>} : memref<6272xf32, #tpu.memory_space<vmem>>, vector<16xf32>,
      %scan3A_179 = arith.constant 1 : i32
      %scan3A_180 = arith.addi %scan3A_170, %scan3A_179 : i32
      %mul3A_181 = arith.constant 1 : i32
      %mul3A_182 = arith.muli %scan3A_180, %mul3A_181 : i32
      %add3A_183 = arith.constant 0 : i32
      %add3A_184 = arith.addi %add3A_183, %mul3A_182 : i32
      %mul3A_185 = arith.constant 16 : i32
      %mul3A_186 = arith.muli %add3A_184, %mul3A_185 : i32
      %get3A_187 = arith.index_cast %mul3A_186 : i32 to index
      %get3A_188 = tpu.vector_load %arg8[%get3A_187] {strides = array<i32>} : memref<6272xi32, #tpu.memory_space<vmem>>, vector<16xi32>,
      %gather3A_189 = tpu.vector_load_idx %arg7[%get3A_188] : memref<50000xf32, #tpu.memory_space<vmem>>[vector<16xi32>], vector<16xf32>,
      %swap3A_190 = arith.index_cast %mul3A_186 : i32 to index
      %swap3A_191 = tpu.vector_load %arg9[%swap3A_190] {strides = array<i32>} : memref<6272xf32, #tpu.memory_space<vmem>>, vector<16xf32>,
      tpu.vector_store %arg9[%swap3A_190], %gather3A_189 {strides = array<i32>} : memref<6272xf32, #tpu.memory_space<vmem>>, vector<16xf32>,
      %scan3A_192 = arith.constant 2 : i32
      %scan3A_193 = arith.addi %scan3A_170, %scan3A_192 : i32
      %mul3A_194 = arith.constant 1 : i32
      %mul3A_195 = arith.muli %scan3A_193, %mul3A_194 : i32
      %add3A_196 = arith.constant 0 : i32
      %add3A_197 = arith.addi %add3A_196, %mul3A_195 : i32
      %mul3A_198 = arith.constant 16 : i32
      %mul3A_199 = arith.muli %add3A_197, %mul3A_198 : i32
      %get3A_200 = arith.index_cast %mul3A_199 : i32 to index
      %get3A_201 = tpu.vector_load %arg8[%get3A_200] {strides = array<i32>} : memref<6272xi32, #tpu.memory_space<vmem>>, vector<16xi32>,
      %gather3A_202 = tpu.vector_load_idx %arg7[%get3A_201] : memref<50000xf32, #tpu.memory_space<vmem>>[vector<16xi32>], vector<16xf32>,
      %swap3A_203 = arith.index_cast %mul3A_199 : i32 to index
      %swap3A_204 = tpu.vector_load %arg9[%swap3A_203] {strides = array<i32>} : memref<6272xf32, #tpu.memory_space<vmem>>, vector<16xf32>,
      tpu.vector_store %arg9[%swap3A_203], %gather3A_202 {strides = array<i32>} : memref<6272xf32, #tpu.memory_space<vmem>>, vector<16xf32>,
      %scan3A_205 = arith.constant 3 : i32
      %scan3A_206 = arith.addi %scan3A_170, %scan3A_205 : i32
      %mul3A_207 = arith.constant 1 : i32
      %mul3A_208 = arith.muli %scan3A_206, %mul3A_207 : i32
      %add3A_209 = arith.constant 0 : i32
      %add3A_210 = arith.addi %add3A_209, %mul3A_208 : i32
      %mul3A_211 = arith.constant 16 : i32
      %mul3A_212 = arith.muli %add3A_210, %mul3A_211 : i32
      %get3A_213 = arith.index_cast %mul3A_212 : i32 to index
      %get3A_214 = tpu.vector_load %arg8[%get3A_213] {strides = array<i32>} : memref<6272xi32, #tpu.memory_space<vmem>>, vector<16xi32>,
      %gather3A_215 = tpu.vector_load_idx %arg7[%get3A_214] : memref<50000xf32, #tpu.memory_space<vmem>>[vector<16xi32>], vector<16xf32>,
      %swap3A_216 = arith.index_cast %mul3A_212 : i32 to index
      %swap3A_217 = tpu.vector_load %arg9[%swap3A_216] {strides = array<i32>} : memref<6272xf32, #tpu.memory_space<vmem>>, vector<16xf32>,
      tpu.vector_store %arg9[%swap3A_216], %gather3A_215 {strides = array<i32>} : memref<6272xf32, #tpu.memory_space<vmem>>, vector<16xf32>,
      %scan3A_218 = arith.constant 4 : i32
      %scan3A_219 = arith.addi %scan3A_170, %scan3A_218 : i32
      %mul3A_220 = arith.constant 1 : i32
      %mul3A_221 = arith.muli %scan3A_219, %mul3A_220 : i32
      %add3A_222 = arith.constant 0 : i32
      %add3A_223 = arith.addi %add3A_222, %mul3A_221 : i32
      %mul3A_224 = arith.constant 16 : i32
      %mul3A_225 = arith.muli %add3A_223, %mul3A_224 : i32
      %get3A_226 = arith.index_cast %mul3A_225 : i32 to index
      %get3A_227 = tpu.vector_load %arg8[%get3A_226] {strides = array<i32>} : memref<6272xi32, #tpu.memory_space<vmem>>, vector<16xi32>,
      %gather3A_228 = tpu.vector_load_idx %arg7[%get3A_227] : memref<50000xf32, #tpu.memory_space<vmem>>[vector<16xi32>], vector<16xf32>,
      %swap3A_229 = arith.index_cast %mul3A_225 : i32 to index
      %swap3A_230 = tpu.vector_load %arg9[%swap3A_229] {strides = array<i32>} : memref<6272xf32, #tpu.memory_space<vmem>>, vector<16xf32>,
      tpu.vector_store %arg9[%swap3A_229], %gather3A_228 {strides = array<i32>} : memref<6272xf32, #tpu.memory_space<vmem>>, vector<16xf32>,
      %scan3A_231 = arith.constant 5 : i32
      %scan3A_232 = arith.addi %scan3A_170, %scan3A_231 : i32
      %mul3A_233 = arith.constant 1 : i32
      %mul3A_234 = arith.muli %scan3A_232, %mul3A_233 : i32
      %add3A_235 = arith.constant 0 : i32
      %add3A_236 = arith.addi %add3A_235, %mul3A_234 : i32
      %mul3A_237 = arith.constant 16 : i32
      %mul3A_238 = arith.muli %add3A_236, %mul3A_237 : i32
      %get3A_239 = arith.index_cast %mul3A_238 : i32 to index
      %get3A_240 = tpu.vector_load %arg8[%get3A_239] {strides = array<i32>} : memref<6272xi32, #tpu.memory_space<vmem>>, vector<16xi32>,
      %gather3A_241 = tpu.vector_load_idx %arg7[%get3A_240] : memref<50000xf32, #tpu.memory_space<vmem>>[vector<16xi32>], vector<16xf32>,
      %swap3A_242 = arith.index_cast %mul3A_238 : i32 to index
      %swap3A_243 = tpu.vector_load %arg9[%swap3A_242] {strides = array<i32>} : memref<6272xf32, #tpu.memory_space<vmem>>, vector<16xf32>,
      tpu.vector_store %arg9[%swap3A_242], %gather3A_241 {strides = array<i32>} : memref<6272xf32, #tpu.memory_space<vmem>>, vector<16xf32>,
      %scan3A_244 = arith.constant 6 : i32
      %scan3A_245 = arith.addi %scan3A_170, %scan3A_244 : i32
      %mul3A_246 = arith.constant 1 : i32
      %mul3A_247 = arith.muli %scan3A_245, %mul3A_246 : i32
      %add3A_248 = arith.constant 0 : i32
      %add3A_249 = arith.addi %add3A_248, %mul3A_247 : i32
      %mul3A_250 = arith.constant 16 : i32
      %mul3A_251 = arith.muli %add3A_249, %mul3A_250 : i32
      %get3A_252 = arith.index_cast %mul3A_251 : i32 to index
      %get3A_253 = tpu.vector_load %arg8[%get3A_252] {strides = array<i32>} : memref<6272xi32, #tpu.memory_space<vmem>>, vector<16xi32>,
      %gather3A_254 = tpu.vector_load_idx %arg7[%get3A_253] : memref<50000xf32, #tpu.memory_space<vmem>>[vector<16xi32>], vector<16xf32>,
      %swap3A_255 = arith.index_cast %mul3A_251 : i32 to index
      %swap3A_256 = tpu.vector_load %arg9[%swap3A_255] {strides = array<i32>} : memref<6272xf32, #tpu.memory_space<vmem>>, vector<16xf32>,
      tpu.vector_store %arg9[%swap3A_255], %gather3A_254 {strides = array<i32>} : memref<6272xf32, #tpu.memory_space<vmem>>, vector<16xf32>,
      %scan3A_257 = arith.constant 7 : i32
      %scan3A_258 = arith.addi %scan3A_170, %scan3A_257 : i32
      %mul3A_259 = arith.constant 1 : i32
      %mul3A_260 = arith.muli %scan3A_258, %mul3A_259 : i32
      %add3A_261 = arith.constant 0 : i32
      %add3A_262 = arith.addi %add3A_261, %mul3A_260 : i32
      %mul3A_263 = arith.constant 16 : i32
      %mul3A_264 = arith.muli %add3A_262, %mul3A_263 : i32
      %get3A_265 = arith.index_cast %mul3A_264 : i32 to index
      %get3A_266 = tpu.vector_load %arg8[%get3A_265] {strides = array<i32>} : memref<6272xi32, #tpu.memory_space<vmem>>, vector<16xi32>,
      %gather3A_267 = tpu.vector_load_idx %arg7[%get3A_266] : memref<50000xf32, #tpu.memory_space<vmem>>[vector<16xi32>], vector<16xf32>,
      %swap3A_268 = arith.index_cast %mul3A_264 : i32 to index
      %swap3A_269 = tpu.vector_load %arg9[%swap3A_268] {strides = array<i32>} : memref<6272xf32, #tpu.memory_space<vmem>>, vector<16xf32>,
      tpu.vector_store %arg9[%swap3A_268], %gather3A_267 {strides = array<i32>} : memref<6272xf32, #tpu.memory_space<vmem>>, vector<16xf32>,
    }
    %scan3A_148 = arith.constant 392 : i32
    "tpu.region"() ({
      %run_scoped3A = tpu.sem_alloc : memref<!tpu.dma_semaphore, #tpu.memory_space<semaphore_mem>>
      %dma_start3A = tpu.memref_slice %arg6[%add3A_143] : memref<1605632xf32, #tpu.memory_space<hbm>> -> memref<6272xf32, #tpu.memory_space<hbm>>
      %dma_start3A_170 = tpu.memref_slice %arg6[%add3A_143] : memref<1605632xf32, #tpu.memory_space<hbm>> -> memref<6272xf32, #tpu.memory_space<hbm>>
      tpu.enqueue_dma source(%arg9 : memref<6272xf32, #tpu.memory_space<vmem>>) target(%dma_start3A_170 : memref<6272xf32, #tpu.memory_space<hbm>>) target_semaphore(%run_scoped3A : memref<!tpu.dma_semaphore, #tpu.memory_space<semaphore_mem>>)
      %dma_wait3A = tpu.memref_slice %arg6[%add3A_143] : memref<1605632xf32, #tpu.memory_space<hbm>> -> memref<6272xf32, #tpu.memory_space<hbm>>
      %dma_wait3A_171 = tpu.memref_slice %arg6[%add3A_143] : memref<1605632xf32, #tpu.memory_space<hbm>> -> memref<6272xf32, #tpu.memory_space<hbm>>
      tpu.wait_dma2 semaphore(%run_scoped3A : memref<!tpu.dma_semaphore, #tpu.memory_space<semaphore_mem>>) src(%arg9 : memref<6272xf32, #tpu.memory_space<vmem>>) dst(%dma_wait3A_171 : memref<6272xf32, #tpu.memory_space<hbm>>)
      tpu.yield
    }) : () -> ()
    %add3A_149 = arith.constant 31360 : i32
    %add3A_150 = arith.addi %mul3A_2, %add3A_149 : i32
    "tpu.region"() ({
      %run_scoped3A = tpu.sem_alloc : memref<!tpu.dma_semaphore, #tpu.memory_space<semaphore_mem>>
      %dma_start3A = tpu.memref_slice %arg3[%add3A_150] : memref<1605632xi32, #tpu.memory_space<hbm>> -> memref<6272xi32, #tpu.memory_space<hbm>>
      %dma_start3A_170 = tpu.memref_slice %arg3[%add3A_150] : memref<1605632xi32, #tpu.memory_space<hbm>> -> memref<6272xi32, #tpu.memory_space<hbm>>
      tpu.enqueue_dma source(%dma_start3A_170 : memref<6272xi32, #tpu.memory_space<hbm>>) target(%arg8 : memref<6272xi32, #tpu.memory_space<vmem>>) target_semaphore(%run_scoped3A : memref<!tpu.dma_semaphore, #tpu.memory_space<semaphore_mem>>)
      %dma_wait3A = tpu.memref_slice %arg3[%add3A_150] : memref<1605632xi32, #tpu.memory_space<hbm>> -> memref<6272xi32, #tpu.memory_space<hbm>>
      %dma_wait3A_171 = tpu.memref_slice %arg3[%add3A_150] : memref<1605632xi32, #tpu.memory_space<hbm>> -> memref<6272xi32, #tpu.memory_space<hbm>>
      tpu.wait_dma2 semaphore(%run_scoped3A : memref<!tpu.dma_semaphore, #tpu.memory_space<semaphore_mem>>) src(%dma_wait3A_171 : memref<6272xi32, #tpu.memory_space<hbm>>) dst(%arg8 : memref<6272xi32, #tpu.memory_space<vmem>>)
      tpu.yield
    }) : () -> ()
    %scan3A_151 = arith.constant 0 : i32
    %scan3A_152 = arith.constant 392 : i32
    %scan3A_153 = arith.addi %scan3A_151, %scan3A_152 : i32
    %scan3A_154 = arith.constant 8 : i32
    scf.for %scan3A_170 = %scan3A_151 to %scan3A_153 step %scan3A_154  : i32 {
      %mul3A_171 = arith.constant 1 : i32
      %mul3A_172 = arith.muli %scan3A_170, %mul3A_171 : i32
      %add3A_173 = arith.constant 0 : i32
      %add3A_174 = arith.addi %add3A_173, %mul3A_172 : i32
      %mul3A_175 = arith.constant 16 : i32
      %mul3A_176 = arith.muli %add3A_174, %mul3A_175 : i32
      %get3A = arith.index_cast %mul3A_176 : i32 to index
      %get3A_177 = tpu.vector_load %arg8[%get3A] {strides = array<i32>} : memref<6272xi32, #tpu.memory_space<vmem>>, vector<16xi32>,
      %gather3A = tpu.vector_load_idx %arg7[%get3A_177] : memref<50000xf32, #tpu.memory_space<vmem>>[vector<16xi32>], vector<16xf32>,
      %swap3A = arith.index_cast %mul3A_176 : i32 to index
      %swap3A_178 = tpu.vector_load %arg9[%swap3A] {strides = array<i32>} : memref<6272xf32, #tpu.memory_space<vmem>>, vector<16xf32>,
      tpu.vector_store %arg9[%swap3A], %gather3A {strides = array<i32>} : memref<6272xf32, #tpu.memory_space<vmem>>, vector<16xf32>,
      %scan3A_179 = arith.constant 1 : i32
      %scan3A_180 = arith.addi %scan3A_170, %scan3A_179 : i32
      %mul3A_181 = arith.constant 1 : i32
      %mul3A_182 = arith.muli %scan3A_180, %mul3A_181 : i32
      %add3A_183 = arith.constant 0 : i32
      %add3A_184 = arith.addi %add3A_183, %mul3A_182 : i32
      %mul3A_185 = arith.constant 16 : i32
      %mul3A_186 = arith.muli %add3A_184, %mul3A_185 : i32
      %get3A_187 = arith.index_cast %mul3A_186 : i32 to index
      %get3A_188 = tpu.vector_load %arg8[%get3A_187] {strides = array<i32>} : memref<6272xi32, #tpu.memory_space<vmem>>, vector<16xi32>,
      %gather3A_189 = tpu.vector_load_idx %arg7[%get3A_188] : memref<50000xf32, #tpu.memory_space<vmem>>[vector<16xi32>], vector<16xf32>,
      %swap3A_190 = arith.index_cast %mul3A_186 : i32 to index
      %swap3A_191 = tpu.vector_load %arg9[%swap3A_190] {strides = array<i32>} : memref<6272xf32, #tpu.memory_space<vmem>>, vector<16xf32>,
      tpu.vector_store %arg9[%swap3A_190], %gather3A_189 {strides = array<i32>} : memref<6272xf32, #tpu.memory_space<vmem>>, vector<16xf32>,
      %scan3A_192 = arith.constant 2 : i32
      %scan3A_193 = arith.addi %scan3A_170, %scan3A_192 : i32
      %mul3A_194 = arith.constant 1 : i32
      %mul3A_195 = arith.muli %scan3A_193, %mul3A_194 : i32
      %add3A_196 = arith.constant 0 : i32
      %add3A_197 = arith.addi %add3A_196, %mul3A_195 : i32
      %mul3A_198 = arith.constant 16 : i32
      %mul3A_199 = arith.muli %add3A_197, %mul3A_198 : i32
      %get3A_200 = arith.index_cast %mul3A_199 : i32 to index
      %get3A_201 = tpu.vector_load %arg8[%get3A_200] {strides = array<i32>} : memref<6272xi32, #tpu.memory_space<vmem>>, vector<16xi32>,
      %gather3A_202 = tpu.vector_load_idx %arg7[%get3A_201] : memref<50000xf32, #tpu.memory_space<vmem>>[vector<16xi32>], vector<16xf32>,
      %swap3A_203 = arith.index_cast %mul3A_199 : i32 to index
      %swap3A_204 = tpu.vector_load %arg9[%swap3A_203] {strides = array<i32>} : memref<6272xf32, #tpu.memory_space<vmem>>, vector<16xf32>,
      tpu.vector_store %arg9[%swap3A_203], %gather3A_202 {strides = array<i32>} : memref<6272xf32, #tpu.memory_space<vmem>>, vector<16xf32>,
      %scan3A_205 = arith.constant 3 : i32
      %scan3A_206 = arith.addi %scan3A_170, %scan3A_205 : i32
      %mul3A_207 = arith.constant 1 : i32
      %mul3A_208 = arith.muli %scan3A_206, %mul3A_207 : i32
      %add3A_209 = arith.constant 0 : i32
      %add3A_210 = arith.addi %add3A_209, %mul3A_208 : i32
      %mul3A_211 = arith.constant 16 : i32
      %mul3A_212 = arith.muli %add3A_210, %mul3A_211 : i32
      %get3A_213 = arith.index_cast %mul3A_212 : i32 to index
      %get3A_214 = tpu.vector_load %arg8[%get3A_213] {strides = array<i32>} : memref<6272xi32, #tpu.memory_space<vmem>>, vector<16xi32>,
      %gather3A_215 = tpu.vector_load_idx %arg7[%get3A_214] : memref<50000xf32, #tpu.memory_space<vmem>>[vector<16xi32>], vector<16xf32>,
      %swap3A_216 = arith.index_cast %mul3A_212 : i32 to index
      %swap3A_217 = tpu.vector_load %arg9[%swap3A_216] {strides = array<i32>} : memref<6272xf32, #tpu.memory_space<vmem>>, vector<16xf32>,
      tpu.vector_store %arg9[%swap3A_216], %gather3A_215 {strides = array<i32>} : memref<6272xf32, #tpu.memory_space<vmem>>, vector<16xf32>,
      %scan3A_218 = arith.constant 4 : i32
      %scan3A_219 = arith.addi %scan3A_170, %scan3A_218 : i32
      %mul3A_220 = arith.constant 1 : i32
      %mul3A_221 = arith.muli %scan3A_219, %mul3A_220 : i32
      %add3A_222 = arith.constant 0 : i32
      %add3A_223 = arith.addi %add3A_222, %mul3A_221 : i32
      %mul3A_224 = arith.constant 16 : i32
      %mul3A_225 = arith.muli %add3A_223, %mul3A_224 : i32
      %get3A_226 = arith.index_cast %mul3A_225 : i32 to index
      %get3A_227 = tpu.vector_load %arg8[%get3A_226] {strides = array<i32>} : memref<6272xi32, #tpu.memory_space<vmem>>, vector<16xi32>,
      %gather3A_228 = tpu.vector_load_idx %arg7[%get3A_227] : memref<50000xf32, #tpu.memory_space<vmem>>[vector<16xi32>], vector<16xf32>,
      %swap3A_229 = arith.index_cast %mul3A_225 : i32 to index
      %swap3A_230 = tpu.vector_load %arg9[%swap3A_229] {strides = array<i32>} : memref<6272xf32, #tpu.memory_space<vmem>>, vector<16xf32>,
      tpu.vector_store %arg9[%swap3A_229], %gather3A_228 {strides = array<i32>} : memref<6272xf32, #tpu.memory_space<vmem>>, vector<16xf32>,
      %scan3A_231 = arith.constant 5 : i32
      %scan3A_232 = arith.addi %scan3A_170, %scan3A_231 : i32
      %mul3A_233 = arith.constant 1 : i32
      %mul3A_234 = arith.muli %scan3A_232, %mul3A_233 : i32
      %add3A_235 = arith.constant 0 : i32
      %add3A_236 = arith.addi %add3A_235, %mul3A_234 : i32
      %mul3A_237 = arith.constant 16 : i32
      %mul3A_238 = arith.muli %add3A_236, %mul3A_237 : i32
      %get3A_239 = arith.index_cast %mul3A_238 : i32 to index
      %get3A_240 = tpu.vector_load %arg8[%get3A_239] {strides = array<i32>} : memref<6272xi32, #tpu.memory_space<vmem>>, vector<16xi32>,
      %gather3A_241 = tpu.vector_load_idx %arg7[%get3A_240] : memref<50000xf32, #tpu.memory_space<vmem>>[vector<16xi32>], vector<16xf32>,
      %swap3A_242 = arith.index_cast %mul3A_238 : i32 to index
      %swap3A_243 = tpu.vector_load %arg9[%swap3A_242] {strides = array<i32>} : memref<6272xf32, #tpu.memory_space<vmem>>, vector<16xf32>,
      tpu.vector_store %arg9[%swap3A_242], %gather3A_241 {strides = array<i32>} : memref<6272xf32, #tpu.memory_space<vmem>>, vector<16xf32>,
      %scan3A_244 = arith.constant 6 : i32
      %scan3A_245 = arith.addi %scan3A_170, %scan3A_244 : i32
      %mul3A_246 = arith.constant 1 : i32
      %mul3A_247 = arith.muli %scan3A_245, %mul3A_246 : i32
      %add3A_248 = arith.constant 0 : i32
      %add3A_249 = arith.addi %add3A_248, %mul3A_247 : i32
      %mul3A_250 = arith.constant 16 : i32
      %mul3A_251 = arith.muli %add3A_249, %mul3A_250 : i32
      %get3A_252 = arith.index_cast %mul3A_251 : i32 to index
      %get3A_253 = tpu.vector_load %arg8[%get3A_252] {strides = array<i32>} : memref<6272xi32, #tpu.memory_space<vmem>>, vector<16xi32>,
      %gather3A_254 = tpu.vector_load_idx %arg7[%get3A_253] : memref<50000xf32, #tpu.memory_space<vmem>>[vector<16xi32>], vector<16xf32>,
      %swap3A_255 = arith.index_cast %mul3A_251 : i32 to index
      %swap3A_256 = tpu.vector_load %arg9[%swap3A_255] {strides = array<i32>} : memref<6272xf32, #tpu.memory_space<vmem>>, vector<16xf32>,
      tpu.vector_store %arg9[%swap3A_255], %gather3A_254 {strides = array<i32>} : memref<6272xf32, #tpu.memory_space<vmem>>, vector<16xf32>,
      %scan3A_257 = arith.constant 7 : i32
      %scan3A_258 = arith.addi %scan3A_170, %scan3A_257 : i32
      %mul3A_259 = arith.constant 1 : i32
      %mul3A_260 = arith.muli %scan3A_258, %mul3A_259 : i32
      %add3A_261 = arith.constant 0 : i32
      %add3A_262 = arith.addi %add3A_261, %mul3A_260 : i32
      %mul3A_263 = arith.constant 16 : i32
      %mul3A_264 = arith.muli %add3A_262, %mul3A_263 : i32
      %get3A_265 = arith.index_cast %mul3A_264 : i32 to index
      %get3A_266 = tpu.vector_load %arg8[%get3A_265] {strides = array<i32>} : memref<6272xi32, #tpu.memory_space<vmem>>, vector<16xi32>,
      %gather3A_267 = tpu.vector_load_idx %arg7[%get3A_266] : memref<50000xf32, #tpu.memory_space<vmem>>[vector<16xi32>], vector<16xf32>,
      %swap3A_268 = arith.index_cast %mul3A_264 : i32 to index
      %swap3A_269 = tpu.vector_load %arg9[%swap3A_268] {strides = array<i32>} : memref<6272xf32, #tpu.memory_space<vmem>>, vector<16xf32>,
      tpu.vector_store %arg9[%swap3A_268], %gather3A_267 {strides = array<i32>} : memref<6272xf32, #tpu.memory_space<vmem>>, vector<16xf32>,
    }
    %scan3A_155 = arith.constant 392 : i32
    "tpu.region"() ({
      %run_scoped3A = tpu.sem_alloc : memref<!tpu.dma_semaphore, #tpu.memory_space<semaphore_mem>>
      %dma_start3A = tpu.memref_slice %arg6[%add3A_150] : memref<1605632xf32, #tpu.memory_space<hbm>> -> memref<6272xf32, #tpu.memory_space<hbm>>
      %dma_start3A_170 = tpu.memref_slice %arg6[%add3A_150] : memref<1605632xf32, #tpu.memory_space<hbm>> -> memref<6272xf32, #tpu.memory_space<hbm>>
      tpu.enqueue_dma source(%arg9 : memref<6272xf32, #tpu.memory_space<vmem>>) target(%dma_start3A_170 : memref<6272xf32, #tpu.memory_space<hbm>>) target_semaphore(%run_scoped3A : memref<!tpu.dma_semaphore, #tpu.memory_space<semaphore_mem>>)
      %dma_wait3A = tpu.memref_slice %arg6[%add3A_150] : memref<1605632xf32, #tpu.memory_space<hbm>> -> memref<6272xf32, #tpu.memory_space<hbm>>
      %dma_wait3A_171 = tpu.memref_slice %arg6[%add3A_150] : memref<1605632xf32, #tpu.memory_space<hbm>> -> memref<6272xf32, #tpu.memory_space<hbm>>
      tpu.wait_dma2 semaphore(%run_scoped3A : memref<!tpu.dma_semaphore, #tpu.memory_space<semaphore_mem>>) src(%arg9 : memref<6272xf32, #tpu.memory_space<vmem>>) dst(%dma_wait3A_171 : memref<6272xf32, #tpu.memory_space<hbm>>)
      tpu.yield
    }) : () -> ()
    %add3A_156 = arith.constant 37632 : i32
    %add3A_157 = arith.addi %mul3A_2, %add3A_156 : i32
    "tpu.region"() ({
      %run_scoped3A = tpu.sem_alloc : memref<!tpu.dma_semaphore, #tpu.memory_space<semaphore_mem>>
      %dma_start3A = tpu.memref_slice %arg3[%add3A_157] : memref<1605632xi32, #tpu.memory_space<hbm>> -> memref<6272xi32, #tpu.memory_space<hbm>>
      %dma_start3A_170 = tpu.memref_slice %arg3[%add3A_157] : memref<1605632xi32, #tpu.memory_space<hbm>> -> memref<6272xi32, #tpu.memory_space<hbm>>
      tpu.enqueue_dma source(%dma_start3A_170 : memref<6272xi32, #tpu.memory_space<hbm>>) target(%arg8 : memref<6272xi32, #tpu.memory_space<vmem>>) target_semaphore(%run_scoped3A : memref<!tpu.dma_semaphore, #tpu.memory_space<semaphore_mem>>)
      %dma_wait3A = tpu.memref_slice %arg3[%add3A_157] : memref<1605632xi32, #tpu.memory_space<hbm>> -> memref<6272xi32, #tpu.memory_space<hbm>>
      %dma_wait3A_171 = tpu.memref_slice %arg3[%add3A_157] : memref<1605632xi32, #tpu.memory_space<hbm>> -> memref<6272xi32, #tpu.memory_space<hbm>>
      tpu.wait_dma2 semaphore(%run_scoped3A : memref<!tpu.dma_semaphore, #tpu.memory_space<semaphore_mem>>) src(%dma_wait3A_171 : memref<6272xi32, #tpu.memory_space<hbm>>) dst(%arg8 : memref<6272xi32, #tpu.memory_space<vmem>>)
      tpu.yield
    }) : () -> ()
    %scan3A_158 = arith.constant 0 : i32
    %scan3A_159 = arith.constant 392 : i32
    %scan3A_160 = arith.addi %scan3A_158, %scan3A_159 : i32
    %scan3A_161 = arith.constant 8 : i32
    scf.for %scan3A_170 = %scan3A_158 to %scan3A_160 step %scan3A_161  : i32 {
      %mul3A_171 = arith.constant 1 : i32
      %mul3A_172 = arith.muli %scan3A_170, %mul3A_171 : i32
      %add3A_173 = arith.constant 0 : i32
      %add3A_174 = arith.addi %add3A_173, %mul3A_172 : i32
      %mul3A_175 = arith.constant 16 : i32
      %mul3A_176 = arith.muli %add3A_174, %mul3A_175 : i32
      %get3A = arith.index_cast %mul3A_176 : i32 to index
      %get3A_177 = tpu.vector_load %arg8[%get3A] {strides = array<i32>} : memref<6272xi32, #tpu.memory_space<vmem>>, vector<16xi32>,
      %gather3A = tpu.vector_load_idx %arg7[%get3A_177] : memref<50000xf32, #tpu.memory_space<vmem>>[vector<16xi32>], vector<16xf32>,
      %swap3A = arith.index_cast %mul3A_176 : i32 to index
      %swap3A_178 = tpu.vector_load %arg9[%swap3A] {strides = array<i32>} : memref<6272xf32, #tpu.memory_space<vmem>>, vector<16xf32>,
      tpu.vector_store %arg9[%swap3A], %gather3A {strides = array<i32>} : memref<6272xf32, #tpu.memory_space<vmem>>, vector<16xf32>,
      %scan3A_179 = arith.constant 1 : i32
      %scan3A_180 = arith.addi %scan3A_170, %scan3A_179 : i32
      %mul3A_181 = arith.constant 1 : i32
      %mul3A_182 = arith.muli %scan3A_180, %mul3A_181 : i32
      %add3A_183 = arith.constant 0 : i32
      %add3A_184 = arith.addi %add3A_183, %mul3A_182 : i32
      %mul3A_185 = arith.constant 16 : i32
      %mul3A_186 = arith.muli %add3A_184, %mul3A_185 : i32
      %get3A_187 = arith.index_cast %mul3A_186 : i32 to index
      %get3A_188 = tpu.vector_load %arg8[%get3A_187] {strides = array<i32>} : memref<6272xi32, #tpu.memory_space<vmem>>, vector<16xi32>,
      %gather3A_189 = tpu.vector_load_idx %arg7[%get3A_188] : memref<50000xf32, #tpu.memory_space<vmem>>[vector<16xi32>], vector<16xf32>,
      %swap3A_190 = arith.index_cast %mul3A_186 : i32 to index
      %swap3A_191 = tpu.vector_load %arg9[%swap3A_190] {strides = array<i32>} : memref<6272xf32, #tpu.memory_space<vmem>>, vector<16xf32>,
      tpu.vector_store %arg9[%swap3A_190], %gather3A_189 {strides = array<i32>} : memref<6272xf32, #tpu.memory_space<vmem>>, vector<16xf32>,
      %scan3A_192 = arith.constant 2 : i32
      %scan3A_193 = arith.addi %scan3A_170, %scan3A_192 : i32
      %mul3A_194 = arith.constant 1 : i32
      %mul3A_195 = arith.muli %scan3A_193, %mul3A_194 : i32
      %add3A_196 = arith.constant 0 : i32
      %add3A_197 = arith.addi %add3A_196, %mul3A_195 : i32
      %mul3A_198 = arith.constant 16 : i32
      %mul3A_199 = arith.muli %add3A_197, %mul3A_198 : i32
      %get3A_200 = arith.index_cast %mul3A_199 : i32 to index
      %get3A_201 = tpu.vector_load %arg8[%get3A_200] {strides = array<i32>} : memref<6272xi32, #tpu.memory_space<vmem>>, vector<16xi32>,
      %gather3A_202 = tpu.vector_load_idx %arg7[%get3A_201] : memref<50000xf32, #tpu.memory_space<vmem>>[vector<16xi32>], vector<16xf32>,
      %swap3A_203 = arith.index_cast %mul3A_199 : i32 to index
      %swap3A_204 = tpu.vector_load %arg9[%swap3A_203] {strides = array<i32>} : memref<6272xf32, #tpu.memory_space<vmem>>, vector<16xf32>,
      tpu.vector_store %arg9[%swap3A_203], %gather3A_202 {strides = array<i32>} : memref<6272xf32, #tpu.memory_space<vmem>>, vector<16xf32>,
      %scan3A_205 = arith.constant 3 : i32
      %scan3A_206 = arith.addi %scan3A_170, %scan3A_205 : i32
      %mul3A_207 = arith.constant 1 : i32
      %mul3A_208 = arith.muli %scan3A_206, %mul3A_207 : i32
      %add3A_209 = arith.constant 0 : i32
      %add3A_210 = arith.addi %add3A_209, %mul3A_208 : i32
      %mul3A_211 = arith.constant 16 : i32
      %mul3A_212 = arith.muli %add3A_210, %mul3A_211 : i32
      %get3A_213 = arith.index_cast %mul3A_212 : i32 to index
      %get3A_214 = tpu.vector_load %arg8[%get3A_213] {strides = array<i32>} : memref<6272xi32, #tpu.memory_space<vmem>>, vector<16xi32>,
      %gather3A_215 = tpu.vector_load_idx %arg7[%get3A_214] : memref<50000xf32, #tpu.memory_space<vmem>>[vector<16xi32>], vector<16xf32>,
      %swap3A_216 = arith.index_cast %mul3A_212 : i32 to index
      %swap3A_217 = tpu.vector_load %arg9[%swap3A_216] {strides = array<i32>} : memref<6272xf32, #tpu.memory_space<vmem>>, vector<16xf32>,
      tpu.vector_store %arg9[%swap3A_216], %gather3A_215 {strides = array<i32>} : memref<6272xf32, #tpu.memory_space<vmem>>, vector<16xf32>,
      %scan3A_218 = arith.constant 4 : i32
      %scan3A_219 = arith.addi %scan3A_170, %scan3A_218 : i32
      %mul3A_220 = arith.constant 1 : i32
      %mul3A_221 = arith.muli %scan3A_219, %mul3A_220 : i32
      %add3A_222 = arith.constant 0 : i32
      %add3A_223 = arith.addi %add3A_222, %mul3A_221 : i32
      %mul3A_224 = arith.constant 16 : i32
      %mul3A_225 = arith.muli %add3A_223, %mul3A_224 : i32
      %get3A_226 = arith.index_cast %mul3A_225 : i32 to index
      %get3A_227 = tpu.vector_load %arg8[%get3A_226] {strides = array<i32>} : memref<6272xi32, #tpu.memory_space<vmem>>, vector<16xi32>,
      %gather3A_228 = tpu.vector_load_idx %arg7[%get3A_227] : memref<50000xf32, #tpu.memory_space<vmem>>[vector<16xi32>], vector<16xf32>,
      %swap3A_229 = arith.index_cast %mul3A_225 : i32 to index
      %swap3A_230 = tpu.vector_load %arg9[%swap3A_229] {strides = array<i32>} : memref<6272xf32, #tpu.memory_space<vmem>>, vector<16xf32>,
      tpu.vector_store %arg9[%swap3A_229], %gather3A_228 {strides = array<i32>} : memref<6272xf32, #tpu.memory_space<vmem>>, vector<16xf32>,
      %scan3A_231 = arith.constant 5 : i32
      %scan3A_232 = arith.addi %scan3A_170, %scan3A_231 : i32
      %mul3A_233 = arith.constant 1 : i32
      %mul3A_234 = arith.muli %scan3A_232, %mul3A_233 : i32
      %add3A_235 = arith.constant 0 : i32
      %add3A_236 = arith.addi %add3A_235, %mul3A_234 : i32
      %mul3A_237 = arith.constant 16 : i32
      %mul3A_238 = arith.muli %add3A_236, %mul3A_237 : i32
      %get3A_239 = arith.index_cast %mul3A_238 : i32 to index
      %get3A_240 = tpu.vector_load %arg8[%get3A_239] {strides = array<i32>} : memref<6272xi32, #tpu.memory_space<vmem>>, vector<16xi32>,
      %gather3A_241 = tpu.vector_load_idx %arg7[%get3A_240] : memref<50000xf32, #tpu.memory_space<vmem>>[vector<16xi32>], vector<16xf32>,
      %swap3A_242 = arith.index_cast %mul3A_238 : i32 to index
      %swap3A_243 = tpu.vector_load %arg9[%swap3A_242] {strides = array<i32>} : memref<6272xf32, #tpu.memory_space<vmem>>, vector<16xf32>,
      tpu.vector_store %arg9[%swap3A_242], %gather3A_241 {strides = array<i32>} : memref<6272xf32, #tpu.memory_space<vmem>>, vector<16xf32>,
      %scan3A_244 = arith.constant 6 : i32
      %scan3A_245 = arith.addi %scan3A_170, %scan3A_244 : i32
      %mul3A_246 = arith.constant 1 : i32
      %mul3A_247 = arith.muli %scan3A_245, %mul3A_246 : i32
      %add3A_248 = arith.constant 0 : i32
      %add3A_249 = arith.addi %add3A_248, %mul3A_247 : i32
      %mul3A_250 = arith.constant 16 : i32
      %mul3A_251 = arith.muli %add3A_249, %mul3A_250 : i32
      %get3A_252 = arith.index_cast %mul3A_251 : i32 to index
      %get3A_253 = tpu.vector_load %arg8[%get3A_252] {strides = array<i32>} : memref<6272xi32, #tpu.memory_space<vmem>>, vector<16xi32>,
      %gather3A_254 = tpu.vector_load_idx %arg7[%get3A_253] : memref<50000xf32, #tpu.memory_space<vmem>>[vector<16xi32>], vector<16xf32>,
      %swap3A_255 = arith.index_cast %mul3A_251 : i32 to index
      %swap3A_256 = tpu.vector_load %arg9[%swap3A_255] {strides = array<i32>} : memref<6272xf32, #tpu.memory_space<vmem>>, vector<16xf32>,
      tpu.vector_store %arg9[%swap3A_255], %gather3A_254 {strides = array<i32>} : memref<6272xf32, #tpu.memory_space<vmem>>, vector<16xf32>,
      %scan3A_257 = arith.constant 7 : i32
      %scan3A_258 = arith.addi %scan3A_170, %scan3A_257 : i32
      %mul3A_259 = arith.constant 1 : i32
      %mul3A_260 = arith.muli %scan3A_258, %mul3A_259 : i32
      %add3A_261 = arith.constant 0 : i32
      %add3A_262 = arith.addi %add3A_261, %mul3A_260 : i32
      %mul3A_263 = arith.constant 16 : i32
      %mul3A_264 = arith.muli %add3A_262, %mul3A_263 : i32
      %get3A_265 = arith.index_cast %mul3A_264 : i32 to index
      %get3A_266 = tpu.vector_load %arg8[%get3A_265] {strides = array<i32>} : memref<6272xi32, #tpu.memory_space<vmem>>, vector<16xi32>,
      %gather3A_267 = tpu.vector_load_idx %arg7[%get3A_266] : memref<50000xf32, #tpu.memory_space<vmem>>[vector<16xi32>], vector<16xf32>,
      %swap3A_268 = arith.index_cast %mul3A_264 : i32 to index
      %swap3A_269 = tpu.vector_load %arg9[%swap3A_268] {strides = array<i32>} : memref<6272xf32, #tpu.memory_space<vmem>>, vector<16xf32>,
      tpu.vector_store %arg9[%swap3A_268], %gather3A_267 {strides = array<i32>} : memref<6272xf32, #tpu.memory_space<vmem>>, vector<16xf32>,
    }
    %scan3A_162 = arith.constant 392 : i32
    "tpu.region"() ({
      %run_scoped3A = tpu.sem_alloc : memref<!tpu.dma_semaphore, #tpu.memory_space<semaphore_mem>>
      %dma_start3A = tpu.memref_slice %arg6[%add3A_157] : memref<1605632xf32, #tpu.memory_space<hbm>> -> memref<6272xf32, #tpu.memory_space<hbm>>
      %dma_start3A_170 = tpu.memref_slice %arg6[%add3A_157] : memref<1605632xf32, #tpu.memory_space<hbm>> -> memref<6272xf32, #tpu.memory_space<hbm>>
      tpu.enqueue_dma source(%arg9 : memref<6272xf32, #tpu.memory_space<vmem>>) target(%dma_start3A_170 : memref<6272xf32, #tpu.memory_space<hbm>>) target_semaphore(%run_scoped3A : memref<!tpu.dma_semaphore, #tpu.memory_space<semaphore_mem>>)
      %dma_wait3A = tpu.memref_slice %arg6[%add3A_157] : memref<1605632xf32, #tpu.memory_space<hbm>> -> memref<6272xf32, #tpu.memory_space<hbm>>
      %dma_wait3A_171 = tpu.memref_slice %arg6[%add3A_157] : memref<1605632xf32, #tpu.memory_space<hbm>> -> memref<6272xf32, #tpu.memory_space<hbm>>
      tpu.wait_dma2 semaphore(%run_scoped3A : memref<!tpu.dma_semaphore, #tpu.memory_space<semaphore_mem>>) src(%arg9 : memref<6272xf32, #tpu.memory_space<vmem>>) dst(%dma_wait3A_171 : memref<6272xf32, #tpu.memory_space<hbm>>)
      tpu.yield
    }) : () -> ()
    %add3A_163 = arith.constant 43904 : i32
    %add3A_164 = arith.addi %mul3A_2, %add3A_163 : i32
    "tpu.region"() ({
      %run_scoped3A = tpu.sem_alloc : memref<!tpu.dma_semaphore, #tpu.memory_space<semaphore_mem>>
      %dma_start3A = tpu.memref_slice %arg3[%add3A_164] : memref<1605632xi32, #tpu.memory_space<hbm>> -> memref<6272xi32, #tpu.memory_space<hbm>>
      %dma_start3A_170 = tpu.memref_slice %arg3[%add3A_164] : memref<1605632xi32, #tpu.memory_space<hbm>> -> memref<6272xi32, #tpu.memory_space<hbm>>
      tpu.enqueue_dma source(%dma_start3A_170 : memref<6272xi32, #tpu.memory_space<hbm>>) target(%arg8 : memref<6272xi32, #tpu.memory_space<vmem>>) target_semaphore(%run_scoped3A : memref<!tpu.dma_semaphore, #tpu.memory_space<semaphore_mem>>)
      %dma_wait3A = tpu.memref_slice %arg3[%add3A_164] : memref<1605632xi32, #tpu.memory_space<hbm>> -> memref<6272xi32, #tpu.memory_space<hbm>>
      %dma_wait3A_171 = tpu.memref_slice %arg3[%add3A_164] : memref<1605632xi32, #tpu.memory_space<hbm>> -> memref<6272xi32, #tpu.memory_space<hbm>>
      tpu.wait_dma2 semaphore(%run_scoped3A : memref<!tpu.dma_semaphore, #tpu.memory_space<semaphore_mem>>) src(%dma_wait3A_171 : memref<6272xi32, #tpu.memory_space<hbm>>) dst(%arg8 : memref<6272xi32, #tpu.memory_space<vmem>>)
      tpu.yield
    }) : () -> ()
    %scan3A_165 = arith.constant 0 : i32
    %scan3A_166 = arith.constant 392 : i32
    %scan3A_167 = arith.addi %scan3A_165, %scan3A_166 : i32
    %scan3A_168 = arith.constant 8 : i32
    scf.for %scan3A_170 = %scan3A_165 to %scan3A_167 step %scan3A_168  : i32 {
      %mul3A_171 = arith.constant 1 : i32
      %mul3A_172 = arith.muli %scan3A_170, %mul3A_171 : i32
      %add3A_173 = arith.constant 0 : i32
      %add3A_174 = arith.addi %add3A_173, %mul3A_172 : i32
      %mul3A_175 = arith.constant 16 : i32
      %mul3A_176 = arith.muli %add3A_174, %mul3A_175 : i32
      %get3A = arith.index_cast %mul3A_176 : i32 to index
      %get3A_177 = tpu.vector_load %arg8[%get3A] {strides = array<i32>} : memref<6272xi32, #tpu.memory_space<vmem>>, vector<16xi32>,
      %gather3A = tpu.vector_load_idx %arg7[%get3A_177] : memref<50000xf32, #tpu.memory_space<vmem>>[vector<16xi32>], vector<16xf32>,
      %swap3A = arith.index_cast %mul3A_176 : i32 to index
      %swap3A_178 = tpu.vector_load %arg9[%swap3A] {strides = array<i32>} : memref<6272xf32, #tpu.memory_space<vmem>>, vector<16xf32>,
      tpu.vector_store %arg9[%swap3A], %gather3A {strides = array<i32>} : memref<6272xf32, #tpu.memory_space<vmem>>, vector<16xf32>,
      %scan3A_179 = arith.constant 1 : i32
      %scan3A_180 = arith.addi %scan3A_170, %scan3A_179 : i32
      %mul3A_181 = arith.constant 1 : i32
      %mul3A_182 = arith.muli %scan3A_180, %mul3A_181 : i32
      %add3A_183 = arith.constant 0 : i32
      %add3A_184 = arith.addi %add3A_183, %mul3A_182 : i32
      %mul3A_185 = arith.constant 16 : i32
      %mul3A_186 = arith.muli %add3A_184, %mul3A_185 : i32
      %get3A_187 = arith.index_cast %mul3A_186 : i32 to index
      %get3A_188 = tpu.vector_load %arg8[%get3A_187] {strides = array<i32>} : memref<6272xi32, #tpu.memory_space<vmem>>, vector<16xi32>,
      %gather3A_189 = tpu.vector_load_idx %arg7[%get3A_188] : memref<50000xf32, #tpu.memory_space<vmem>>[vector<16xi32>], vector<16xf32>,
      %swap3A_190 = arith.index_cast %mul3A_186 : i32 to index
      %swap3A_191 = tpu.vector_load %arg9[%swap3A_190] {strides = array<i32>} : memref<6272xf32, #tpu.memory_space<vmem>>, vector<16xf32>,
      tpu.vector_store %arg9[%swap3A_190], %gather3A_189 {strides = array<i32>} : memref<6272xf32, #tpu.memory_space<vmem>>, vector<16xf32>,
      %scan3A_192 = arith.constant 2 : i32
      %scan3A_193 = arith.addi %scan3A_170, %scan3A_192 : i32
      %mul3A_194 = arith.constant 1 : i32
      %mul3A_195 = arith.muli %scan3A_193, %mul3A_194 : i32
      %add3A_196 = arith.constant 0 : i32
      %add3A_197 = arith.addi %add3A_196, %mul3A_195 : i32
      %mul3A_198 = arith.constant 16 : i32
      %mul3A_199 = arith.muli %add3A_197, %mul3A_198 : i32
      %get3A_200 = arith.index_cast %mul3A_199 : i32 to index
      %get3A_201 = tpu.vector_load %arg8[%get3A_200] {strides = array<i32>} : memref<6272xi32, #tpu.memory_space<vmem>>, vector<16xi32>,
      %gather3A_202 = tpu.vector_load_idx %arg7[%get3A_201] : memref<50000xf32, #tpu.memory_space<vmem>>[vector<16xi32>], vector<16xf32>,
      %swap3A_203 = arith.index_cast %mul3A_199 : i32 to index
      %swap3A_204 = tpu.vector_load %arg9[%swap3A_203] {strides = array<i32>} : memref<6272xf32, #tpu.memory_space<vmem>>, vector<16xf32>,
      tpu.vector_store %arg9[%swap3A_203], %gather3A_202 {strides = array<i32>} : memref<6272xf32, #tpu.memory_space<vmem>>, vector<16xf32>,
      %scan3A_205 = arith.constant 3 : i32
      %scan3A_206 = arith.addi %scan3A_170, %scan3A_205 : i32
      %mul3A_207 = arith.constant 1 : i32
      %mul3A_208 = arith.muli %scan3A_206, %mul3A_207 : i32
      %add3A_209 = arith.constant 0 : i32
      %add3A_210 = arith.addi %add3A_209, %mul3A_208 : i32
      %mul3A_211 = arith.constant 16 : i32
      %mul3A_212 = arith.muli %add3A_210, %mul3A_211 : i32
      %get3A_213 = arith.index_cast %mul3A_212 : i32 to index
      %get3A_214 = tpu.vector_load %arg8[%get3A_213] {strides = array<i32>} : memref<6272xi32, #tpu.memory_space<vmem>>, vector<16xi32>,
      %gather3A_215 = tpu.vector_load_idx %arg7[%get3A_214] : memref<50000xf32, #tpu.memory_space<vmem>>[vector<16xi32>], vector<16xf32>,
      %swap3A_216 = arith.index_cast %mul3A_212 : i32 to index
      %swap3A_217 = tpu.vector_load %arg9[%swap3A_216] {strides = array<i32>} : memref<6272xf32, #tpu.memory_space<vmem>>, vector<16xf32>,
      tpu.vector_store %arg9[%swap3A_216], %gather3A_215 {strides = array<i32>} : memref<6272xf32, #tpu.memory_space<vmem>>, vector<16xf32>,
      %scan3A_218 = arith.constant 4 : i32
      %scan3A_219 = arith.addi %scan3A_170, %scan3A_218 : i32
      %mul3A_220 = arith.constant 1 : i32
      %mul3A_221 = arith.muli %scan3A_219, %mul3A_220 : i32
      %add3A_222 = arith.constant 0 : i32
      %add3A_223 = arith.addi %add3A_222, %mul3A_221 : i32
      %mul3A_224 = arith.constant 16 : i32
      %mul3A_225 = arith.muli %add3A_223, %mul3A_224 : i32
      %get3A_226 = arith.index_cast %mul3A_225 : i32 to index
      %get3A_227 = tpu.vector_load %arg8[%get3A_226] {strides = array<i32>} : memref<6272xi32, #tpu.memory_space<vmem>>, vector<16xi32>,
      %gather3A_228 = tpu.vector_load_idx %arg7[%get3A_227] : memref<50000xf32, #tpu.memory_space<vmem>>[vector<16xi32>], vector<16xf32>,
      %swap3A_229 = arith.index_cast %mul3A_225 : i32 to index
      %swap3A_230 = tpu.vector_load %arg9[%swap3A_229] {strides = array<i32>} : memref<6272xf32, #tpu.memory_space<vmem>>, vector<16xf32>,
      tpu.vector_store %arg9[%swap3A_229], %gather3A_228 {strides = array<i32>} : memref<6272xf32, #tpu.memory_space<vmem>>, vector<16xf32>,
      %scan3A_231 = arith.constant 5 : i32
      %scan3A_232 = arith.addi %scan3A_170, %scan3A_231 : i32
      %mul3A_233 = arith.constant 1 : i32
      %mul3A_234 = arith.muli %scan3A_232, %mul3A_233 : i32
      %add3A_235 = arith.constant 0 : i32
      %add3A_236 = arith.addi %add3A_235, %mul3A_234 : i32
      %mul3A_237 = arith.constant 16 : i32
      %mul3A_238 = arith.muli %add3A_236, %mul3A_237 : i32
      %get3A_239 = arith.index_cast %mul3A_238 : i32 to index
      %get3A_240 = tpu.vector_load %arg8[%get3A_239] {strides = array<i32>} : memref<6272xi32, #tpu.memory_space<vmem>>, vector<16xi32>,
      %gather3A_241 = tpu.vector_load_idx %arg7[%get3A_240] : memref<50000xf32, #tpu.memory_space<vmem>>[vector<16xi32>], vector<16xf32>,
      %swap3A_242 = arith.index_cast %mul3A_238 : i32 to index
      %swap3A_243 = tpu.vector_load %arg9[%swap3A_242] {strides = array<i32>} : memref<6272xf32, #tpu.memory_space<vmem>>, vector<16xf32>,
      tpu.vector_store %arg9[%swap3A_242], %gather3A_241 {strides = array<i32>} : memref<6272xf32, #tpu.memory_space<vmem>>, vector<16xf32>,
      %scan3A_244 = arith.constant 6 : i32
      %scan3A_245 = arith.addi %scan3A_170, %scan3A_244 : i32
      %mul3A_246 = arith.constant 1 : i32
      %mul3A_247 = arith.muli %scan3A_245, %mul3A_246 : i32
      %add3A_248 = arith.constant 0 : i32
      %add3A_249 = arith.addi %add3A_248, %mul3A_247 : i32
      %mul3A_250 = arith.constant 16 : i32
      %mul3A_251 = arith.muli %add3A_249, %mul3A_250 : i32
      %get3A_252 = arith.index_cast %mul3A_251 : i32 to index
      %get3A_253 = tpu.vector_load %arg8[%get3A_252] {strides = array<i32>} : memref<6272xi32, #tpu.memory_space<vmem>>, vector<16xi32>,
      %gather3A_254 = tpu.vector_load_idx %arg7[%get3A_253] : memref<50000xf32, #tpu.memory_space<vmem>>[vector<16xi32>], vector<16xf32>,
      %swap3A_255 = arith.index_cast %mul3A_251 : i32 to index
      %swap3A_256 = tpu.vector_load %arg9[%swap3A_255] {strides = array<i32>} : memref<6272xf32, #tpu.memory_space<vmem>>, vector<16xf32>,
      tpu.vector_store %arg9[%swap3A_255], %gather3A_254 {strides = array<i32>} : memref<6272xf32, #tpu.memory_space<vmem>>, vector<16xf32>,
      %scan3A_257 = arith.constant 7 : i32
      %scan3A_258 = arith.addi %scan3A_170, %scan3A_257 : i32
      %mul3A_259 = arith.constant 1 : i32
      %mul3A_260 = arith.muli %scan3A_258, %mul3A_259 : i32
      %add3A_261 = arith.constant 0 : i32
      %add3A_262 = arith.addi %add3A_261, %mul3A_260 : i32
      %mul3A_263 = arith.constant 16 : i32
      %mul3A_264 = arith.muli %add3A_262, %mul3A_263 : i32
      %get3A_265 = arith.index_cast %mul3A_264 : i32 to index
      %get3A_266 = tpu.vector_load %arg8[%get3A_265] {strides = array<i32>} : memref<6272xi32, #tpu.memory_space<vmem>>, vector<16xi32>,
      %gather3A_267 = tpu.vector_load_idx %arg7[%get3A_266] : memref<50000xf32, #tpu.memory_space<vmem>>[vector<16xi32>], vector<16xf32>,
      %swap3A_268 = arith.index_cast %mul3A_264 : i32 to index
      %swap3A_269 = tpu.vector_load %arg9[%swap3A_268] {strides = array<i32>} : memref<6272xf32, #tpu.memory_space<vmem>>, vector<16xf32>,
      tpu.vector_store %arg9[%swap3A_268], %gather3A_267 {strides = array<i32>} : memref<6272xf32, #tpu.memory_space<vmem>>, vector<16xf32>,
    }
    %scan3A_169 = arith.constant 392 : i32
    "tpu.region"() ({
      %run_scoped3A = tpu.sem_alloc : memref<!tpu.dma_semaphore, #tpu.memory_space<semaphore_mem>>
      %dma_start3A = tpu.memref_slice %arg6[%add3A_164] : memref<1605632xf32, #tpu.memory_space<hbm>> -> memref<6272xf32, #tpu.memory_space<hbm>>
      %dma_start3A_170 = tpu.memref_slice %arg6[%add3A_164] : memref<1605632xf32, #tpu.memory_space<hbm>> -> memref<6272xf32, #tpu.memory_space<hbm>>
      tpu.enqueue_dma source(%arg9 : memref<6272xf32, #tpu.memory_space<vmem>>) target(%dma_start3A_170 : memref<6272xf32, #tpu.memory_space<hbm>>) target_semaphore(%run_scoped3A : memref<!tpu.dma_semaphore, #tpu.memory_space<semaphore_mem>>)
      %dma_wait3A = tpu.memref_slice %arg6[%add3A_164] : memref<1605632xf32, #tpu.memory_space<hbm>> -> memref<6272xf32, #tpu.memory_space<hbm>>
      %dma_wait3A_171 = tpu.memref_slice %arg6[%add3A_164] : memref<1605632xf32, #tpu.memory_space<hbm>> -> memref<6272xf32, #tpu.memory_space<hbm>>
      tpu.wait_dma2 semaphore(%run_scoped3A : memref<!tpu.dma_semaphore, #tpu.memory_space<semaphore_mem>>) src(%arg9 : memref<6272xf32, #tpu.memory_space<vmem>>) dst(%dma_wait3A_171 : memref<6272xf32, #tpu.memory_space<hbm>>)
      tpu.yield
    }) : () -> ()
    return
  }
}

module attributes {stable_mosaic.version = 14 : i64} {
  func.func @_tc_body(%arg0: i32, %arg1: memref<32x512xf32, #tpu.memory_space<vmem>>, %arg2: memref<32x512xf32, #tpu.memory_space<vmem>>, %arg3: memref<32x512xf32, #tpu.memory_space<vmem>>, %arg4: memref<32x512xi32, #tpu.memory_space<vmem>>, %arg5: memref<1x512xf32, #tpu.memory_space<vmem>>, %arg6: memref<1x512xf32, #tpu.memory_space<vmem>>, %arg7: memref<1x512xf32, #tpu.memory_space<vmem>>, %arg8: memref<32x512xf32, #tpu.memory_space<vmem>>) attributes {dimension_semantics = [#tpu.dimension_semantics<arbitrary>], iteration_bounds = array<i64: 98>, scalar_prefetch = 0 : i64, scratch_operands = 0 : i64, tpu.core_type = #tpu.core_type<tc>, window_params = [{transform_indices = @transform_0, window_bounds = array<i64: 32, 512>}, {transform_indices = @transform_1, window_bounds = array<i64: 32, 512>}, {transform_indices = @transform_2, window_bounds = array<i64: 32, 512>}, {transform_indices = @transform_3, window_bounds = array<i64: 32, 512>}, {transform_indices = @transform_4, window_bounds = array<i64: 1, 512>}, {transform_indices = @transform_5, window_bounds = array<i64: 1, 512>}, {transform_indices = @transform_6, window_bounds = array<i64: 1, 512>}, {transform_indices = @transform_7, window_bounds = array<i64: 32, 512>}]} {
    %get3A = arith.constant 0 : index
    %get3A_0 = arith.constant 0 : index
    %get3A_1 = vector.load %arg1[%get3A, %get3A_0] : memref<32x512xf32, #tpu.memory_space<vmem>>, vector<32x512xf32>
    %get3A_2 = arith.constant 0 : index
    %get3A_3 = arith.constant 0 : index
    %get3A_4 = vector.load %arg5[%get3A_2, %get3A_3] : memref<1x512xf32, #tpu.memory_space<vmem>>, vector<1x512xf32>
    %sub3A = vector.broadcast %get3A_4 : vector<1x512xf32> to vector<32x512xf32>
    %sub3A_5 = arith.subf %get3A_1, %sub3A : vector<32x512xf32>
    %get3A_6 = arith.constant 0 : index
    %get3A_7 = arith.constant 0 : index
    %get3A_8 = vector.load %arg2[%get3A_6, %get3A_7] : memref<32x512xf32, #tpu.memory_space<vmem>>, vector<32x512xf32>
    %get3A_9 = arith.constant 0 : index
    %get3A_10 = arith.constant 0 : index
    %get3A_11 = vector.load %arg6[%get3A_9, %get3A_10] : memref<1x512xf32, #tpu.memory_space<vmem>>, vector<1x512xf32>
    %sub3A_12 = vector.broadcast %get3A_11 : vector<1x512xf32> to vector<32x512xf32>
    %sub3A_13 = arith.subf %get3A_8, %sub3A_12 : vector<32x512xf32>
    %get3A_14 = arith.constant 0 : index
    %get3A_15 = arith.constant 0 : index
    %get3A_16 = vector.load %arg3[%get3A_14, %get3A_15] : memref<32x512xf32, #tpu.memory_space<vmem>>, vector<32x512xf32>
    %get3A_17 = arith.constant 0 : index
    %get3A_18 = arith.constant 0 : index
    %get3A_19 = vector.load %arg7[%get3A_17, %get3A_18] : memref<1x512xf32, #tpu.memory_space<vmem>>, vector<1x512xf32>
    %sub3A_20 = vector.broadcast %get3A_19 : vector<1x512xf32> to vector<32x512xf32>
    %sub3A_21 = arith.subf %get3A_16, %sub3A_20 : vector<32x512xf32>
    %mul3A = arith.mulf %sub3A_5, %sub3A_5 : vector<32x512xf32>
    %mul3A_22 = arith.mulf %sub3A_13, %sub3A_13 : vector<32x512xf32>
    %add3A = arith.addf %mul3A, %mul3A_22 : vector<32x512xf32>
    %mul3A_23 = arith.mulf %sub3A_21, %sub3A_21 : vector<32x512xf32>
    %add3A_24 = arith.addf %add3A, %mul3A_23 : vector<32x512xf32>
    %add3A_25 = arith.constant 9.99999996E-13 : f32
    %add3A_26 = vector.broadcast %add3A_25 : f32 to vector<32x512xf32>
    %add3A_27 = arith.addf %add3A_24, %add3A_26 : vector<32x512xf32>
    %sqrt3A = math.sqrt %add3A_27 : vector<32x512xf32>
    %mul3A_28 = arith.constant 512 : i32
    %mul3A_29 = arith.muli %arg0, %mul3A_28 : i32
    %iota3A = tpu.iota {dimensions = array<i32: 1>} : vector<32x512xi32>
    %add3A_30 = vector.broadcast %mul3A_29 : i32 to vector<32x512xi32>
    %add3A_31 = arith.addi %add3A_30, %iota3A : vector<32x512xi32>
    %get3A_32 = arith.constant 0 : index
    %get3A_33 = arith.constant 0 : index
    %get3A_34 = vector.load %arg4[%get3A_32, %get3A_33] : memref<32x512xi32, #tpu.memory_space<vmem>>, vector<32x512xi32>
    %lt3A = arith.constant 50000 : i32
    %lt3A_35 = vector.broadcast %lt3A : i32 to vector<32x512xi32>
    %lt3A_36 = arith.cmpi slt, %get3A_34, %lt3A_35 : vector<32x512xi32>
    %ne3A = arith.cmpi ne, %get3A_34, %add3A_31 : vector<32x512xi32>
    %and3A = arith.andi %lt3A_36, %ne3A : vector<32x512xi1>
    %mul3A_37 = arith.constant 0.628318548 : f32
    %mul3A_38 = vector.broadcast %mul3A_37 : f32 to vector<32x512xf32>
    %mul3A_39 = arith.mulf %mul3A_38, %sqrt3A : vector<32x512xf32>
    %cos3A = math.cos %mul3A_39 : vector<32x512xf32>
    %add3A_40 = arith.constant 1.000000e+00 : f32
    %add3A_41 = vector.broadcast %add3A_40 : f32 to vector<32x512xf32>
    %add3A_42 = arith.addf %cos3A, %add3A_41 : vector<32x512xf32>
    %mul3A_43 = arith.constant 5.000000e-01 : f32
    %mul3A_44 = vector.broadcast %mul3A_43 : f32 to vector<32x512xf32>
    %mul3A_45 = arith.mulf %mul3A_44, %add3A_42 : vector<32x512xf32>
    %lt3A_46 = arith.constant 5.000000e+00 : f32
    %lt3A_47 = vector.broadcast %lt3A_46 : f32 to vector<32x512xf32>
    %lt3A_48 = arith.cmpf olt, %sqrt3A, %lt3A_47 : vector<32x512xf32>
    %convert_element_type3A = arith.extui %lt3A_48 : vector<32x512xi1> to vector<32x512xi32>
    %convert_element_type3A_49 = arith.sitofp %convert_element_type3A : vector<32x512xi32> to vector<32x512xf32>
    %mul3A_50 = arith.mulf %mul3A_45, %convert_element_type3A_49 : vector<32x512xf32>
    %convert_element_type3A_51 = arith.extui %and3A : vector<32x512xi1> to vector<32x512xi32>
    %convert_element_type3A_52 = arith.sitofp %convert_element_type3A_51 : vector<32x512xi32> to vector<32x512xf32>
    %mul3A_53 = arith.mulf %mul3A_50, %convert_element_type3A_52 : vector<32x512xf32>
    %iota3A_54 = tpu.iota {dimensions = array<i32: 0>} : vector<16x512xi32>
    %convert_element_type3A_55 = arith.sitofp %iota3A_54 : vector<16x512xi32> to vector<16x512xf32>
    %mul3A_56 = arith.constant 0.333333343 : f32
    %mul3A_57 = vector.broadcast %mul3A_56 : f32 to vector<16x512xf32>
    %mul3A_58 = arith.mulf %convert_element_type3A_55, %mul3A_57 : vector<16x512xf32>
    %add3A_59 = arith.constant 9.99999971E-10 : f32
    %add3A_60 = vector.broadcast %add3A_59 : f32 to vector<32x512xf32>
    %add3A_61 = arith.addf %sqrt3A, %add3A_60 : vector<32x512xf32>
    %div3A = arith.constant 1.000000e+00 : f32
    %div3A_62 = vector.broadcast %div3A : f32 to vector<32x512xf32>
    %div3A_63 = arith.divf %div3A_62, %add3A_61 : vector<32x512xf32>
    %mul3A_64 = arith.mulf %sub3A_5, %div3A_63 : vector<32x512xf32>
    %mul3A_65 = arith.mulf %sub3A_13, %div3A_63 : vector<32x512xf32>
    %mul3A_66 = arith.mulf %sub3A_21, %div3A_63 : vector<32x512xf32>
    %broadcast_in_dim3A = arith.constant 0.000000e+00 : f32
    %broadcast_in_dim3A_67 = vector.broadcast %broadcast_in_dim3A : f32 to vector<16x512xf32>
    %broadcast_in_dim3A_68 = arith.constant 0.000000e+00 : f32
    %broadcast_in_dim3A_69 = vector.broadcast %broadcast_in_dim3A_68 : f32 to vector<16x512xf32>
    %broadcast_in_dim3A_70 = arith.constant 0.000000e+00 : f32
    %broadcast_in_dim3A_71 = vector.broadcast %broadcast_in_dim3A_70 : f32 to vector<16x512xf32>
    %broadcast_in_dim3A_72 = arith.constant 0.000000e+00 : f32
    %broadcast_in_dim3A_73 = vector.broadcast %broadcast_in_dim3A_72 : f32 to vector<16x512xf32>
    %slice3A = vector.extract_strided_slice %sqrt3A {offsets = [0, 0], sizes = [1, 512], strides = [1, 1]} : vector<32x512xf32> to vector<1x512xf32>
    %broadcast_in_dim3A_74 = vector.shape_cast %slice3A : vector<1x512xf32> to vector<1x512xf32>
    %broadcast_in_dim3A_75 = vector.broadcast %broadcast_in_dim3A_74 : vector<1x512xf32> to vector<16x512xf32>
    %sub3A_76 = arith.subf %broadcast_in_dim3A_75, %mul3A_58 : vector<16x512xf32>
    %mul3A_77 = arith.mulf %sub3A_76, %sub3A_76 : vector<16x512xf32>
    %mul3A_78 = arith.constant -14.7731972 : f32
    %mul3A_79 = vector.broadcast %mul3A_78 : f32 to vector<16x512xf32>
    %mul3A_80 = arith.mulf %mul3A_77, %mul3A_79 : vector<16x512xf32>
    %exp23A = math.exp2 %mul3A_80 : vector<16x512xf32>
    %slice3A_81 = vector.extract_strided_slice %mul3A_53 {offsets = [0, 0], sizes = [1, 512], strides = [1, 1]} : vector<32x512xf32> to vector<1x512xf32>
    %broadcast_in_dim3A_82 = vector.shape_cast %slice3A_81 : vector<1x512xf32> to vector<1x512xf32>
    %broadcast_in_dim3A_83 = vector.broadcast %broadcast_in_dim3A_82 : vector<1x512xf32> to vector<16x512xf32>
    %mul3A_84 = arith.mulf %exp23A, %broadcast_in_dim3A_83 : vector<16x512xf32>
    %add3A_85 = arith.addf %broadcast_in_dim3A_67, %mul3A_84 : vector<16x512xf32>
    %slice3A_86 = vector.extract_strided_slice %mul3A_64 {offsets = [0, 0], sizes = [1, 512], strides = [1, 1]} : vector<32x512xf32> to vector<1x512xf32>
    %broadcast_in_dim3A_87 = vector.shape_cast %slice3A_86 : vector<1x512xf32> to vector<1x512xf32>
    %broadcast_in_dim3A_88 = vector.broadcast %broadcast_in_dim3A_87 : vector<1x512xf32> to vector<16x512xf32>
    %mul3A_89 = arith.mulf %mul3A_84, %broadcast_in_dim3A_88 : vector<16x512xf32>
    %add3A_90 = arith.addf %broadcast_in_dim3A_69, %mul3A_89 : vector<16x512xf32>
    %slice3A_91 = vector.extract_strided_slice %mul3A_65 {offsets = [0, 0], sizes = [1, 512], strides = [1, 1]} : vector<32x512xf32> to vector<1x512xf32>
    %broadcast_in_dim3A_92 = vector.shape_cast %slice3A_91 : vector<1x512xf32> to vector<1x512xf32>
    %broadcast_in_dim3A_93 = vector.broadcast %broadcast_in_dim3A_92 : vector<1x512xf32> to vector<16x512xf32>
    %mul3A_94 = arith.mulf %mul3A_84, %broadcast_in_dim3A_93 : vector<16x512xf32>
    %add3A_95 = arith.addf %broadcast_in_dim3A_71, %mul3A_94 : vector<16x512xf32>
    %slice3A_96 = vector.extract_strided_slice %mul3A_66 {offsets = [0, 0], sizes = [1, 512], strides = [1, 1]} : vector<32x512xf32> to vector<1x512xf32>
    %broadcast_in_dim3A_97 = vector.shape_cast %slice3A_96 : vector<1x512xf32> to vector<1x512xf32>
    %broadcast_in_dim3A_98 = vector.broadcast %broadcast_in_dim3A_97 : vector<1x512xf32> to vector<16x512xf32>
    %mul3A_99 = arith.mulf %mul3A_84, %broadcast_in_dim3A_98 : vector<16x512xf32>
    %add3A_100 = arith.addf %broadcast_in_dim3A_73, %mul3A_99 : vector<16x512xf32>
    %slice3A_101 = vector.extract_strided_slice %sqrt3A {offsets = [1, 0], sizes = [1, 512], strides = [1, 1]} : vector<32x512xf32> to vector<1x512xf32>
    %broadcast_in_dim3A_102 = vector.shape_cast %slice3A_101 : vector<1x512xf32> to vector<1x512xf32>
    %broadcast_in_dim3A_103 = vector.broadcast %broadcast_in_dim3A_102 : vector<1x512xf32> to vector<16x512xf32>
    %sub3A_104 = arith.subf %broadcast_in_dim3A_103, %mul3A_58 : vector<16x512xf32>
    %mul3A_105 = arith.mulf %sub3A_104, %sub3A_104 : vector<16x512xf32>
    %mul3A_106 = arith.constant -14.7731972 : f32
    %mul3A_107 = vector.broadcast %mul3A_106 : f32 to vector<16x512xf32>
    %mul3A_108 = arith.mulf %mul3A_105, %mul3A_107 : vector<16x512xf32>
    %exp23A_109 = math.exp2 %mul3A_108 : vector<16x512xf32>
    %slice3A_110 = vector.extract_strided_slice %mul3A_53 {offsets = [1, 0], sizes = [1, 512], strides = [1, 1]} : vector<32x512xf32> to vector<1x512xf32>
    %broadcast_in_dim3A_111 = vector.shape_cast %slice3A_110 : vector<1x512xf32> to vector<1x512xf32>
    %broadcast_in_dim3A_112 = vector.broadcast %broadcast_in_dim3A_111 : vector<1x512xf32> to vector<16x512xf32>
    %mul3A_113 = arith.mulf %exp23A_109, %broadcast_in_dim3A_112 : vector<16x512xf32>
    %add3A_114 = arith.addf %add3A_85, %mul3A_113 : vector<16x512xf32>
    %slice3A_115 = vector.extract_strided_slice %mul3A_64 {offsets = [1, 0], sizes = [1, 512], strides = [1, 1]} : vector<32x512xf32> to vector<1x512xf32>
    %broadcast_in_dim3A_116 = vector.shape_cast %slice3A_115 : vector<1x512xf32> to vector<1x512xf32>
    %broadcast_in_dim3A_117 = vector.broadcast %broadcast_in_dim3A_116 : vector<1x512xf32> to vector<16x512xf32>
    %mul3A_118 = arith.mulf %mul3A_113, %broadcast_in_dim3A_117 : vector<16x512xf32>
    %add3A_119 = arith.addf %add3A_90, %mul3A_118 : vector<16x512xf32>
    %slice3A_120 = vector.extract_strided_slice %mul3A_65 {offsets = [1, 0], sizes = [1, 512], strides = [1, 1]} : vector<32x512xf32> to vector<1x512xf32>
    %broadcast_in_dim3A_121 = vector.shape_cast %slice3A_120 : vector<1x512xf32> to vector<1x512xf32>
    %broadcast_in_dim3A_122 = vector.broadcast %broadcast_in_dim3A_121 : vector<1x512xf32> to vector<16x512xf32>
    %mul3A_123 = arith.mulf %mul3A_113, %broadcast_in_dim3A_122 : vector<16x512xf32>
    %add3A_124 = arith.addf %add3A_95, %mul3A_123 : vector<16x512xf32>
    %slice3A_125 = vector.extract_strided_slice %mul3A_66 {offsets = [1, 0], sizes = [1, 512], strides = [1, 1]} : vector<32x512xf32> to vector<1x512xf32>
    %broadcast_in_dim3A_126 = vector.shape_cast %slice3A_125 : vector<1x512xf32> to vector<1x512xf32>
    %broadcast_in_dim3A_127 = vector.broadcast %broadcast_in_dim3A_126 : vector<1x512xf32> to vector<16x512xf32>
    %mul3A_128 = arith.mulf %mul3A_113, %broadcast_in_dim3A_127 : vector<16x512xf32>
    %add3A_129 = arith.addf %add3A_100, %mul3A_128 : vector<16x512xf32>
    %slice3A_130 = vector.extract_strided_slice %sqrt3A {offsets = [2, 0], sizes = [1, 512], strides = [1, 1]} : vector<32x512xf32> to vector<1x512xf32>
    %broadcast_in_dim3A_131 = vector.shape_cast %slice3A_130 : vector<1x512xf32> to vector<1x512xf32>
    %broadcast_in_dim3A_132 = vector.broadcast %broadcast_in_dim3A_131 : vector<1x512xf32> to vector<16x512xf32>
    %sub3A_133 = arith.subf %broadcast_in_dim3A_132, %mul3A_58 : vector<16x512xf32>
    %mul3A_134 = arith.mulf %sub3A_133, %sub3A_133 : vector<16x512xf32>
    %mul3A_135 = arith.constant -14.7731972 : f32
    %mul3A_136 = vector.broadcast %mul3A_135 : f32 to vector<16x512xf32>
    %mul3A_137 = arith.mulf %mul3A_134, %mul3A_136 : vector<16x512xf32>
    %exp23A_138 = math.exp2 %mul3A_137 : vector<16x512xf32>
    %slice3A_139 = vector.extract_strided_slice %mul3A_53 {offsets = [2, 0], sizes = [1, 512], strides = [1, 1]} : vector<32x512xf32> to vector<1x512xf32>
    %broadcast_in_dim3A_140 = vector.shape_cast %slice3A_139 : vector<1x512xf32> to vector<1x512xf32>
    %broadcast_in_dim3A_141 = vector.broadcast %broadcast_in_dim3A_140 : vector<1x512xf32> to vector<16x512xf32>
    %mul3A_142 = arith.mulf %exp23A_138, %broadcast_in_dim3A_141 : vector<16x512xf32>
    %add3A_143 = arith.addf %add3A_114, %mul3A_142 : vector<16x512xf32>
    %slice3A_144 = vector.extract_strided_slice %mul3A_64 {offsets = [2, 0], sizes = [1, 512], strides = [1, 1]} : vector<32x512xf32> to vector<1x512xf32>
    %broadcast_in_dim3A_145 = vector.shape_cast %slice3A_144 : vector<1x512xf32> to vector<1x512xf32>
    %broadcast_in_dim3A_146 = vector.broadcast %broadcast_in_dim3A_145 : vector<1x512xf32> to vector<16x512xf32>
    %mul3A_147 = arith.mulf %mul3A_142, %broadcast_in_dim3A_146 : vector<16x512xf32>
    %add3A_148 = arith.addf %add3A_119, %mul3A_147 : vector<16x512xf32>
    %slice3A_149 = vector.extract_strided_slice %mul3A_65 {offsets = [2, 0], sizes = [1, 512], strides = [1, 1]} : vector<32x512xf32> to vector<1x512xf32>
    %broadcast_in_dim3A_150 = vector.shape_cast %slice3A_149 : vector<1x512xf32> to vector<1x512xf32>
    %broadcast_in_dim3A_151 = vector.broadcast %broadcast_in_dim3A_150 : vector<1x512xf32> to vector<16x512xf32>
    %mul3A_152 = arith.mulf %mul3A_142, %broadcast_in_dim3A_151 : vector<16x512xf32>
    %add3A_153 = arith.addf %add3A_124, %mul3A_152 : vector<16x512xf32>
    %slice3A_154 = vector.extract_strided_slice %mul3A_66 {offsets = [2, 0], sizes = [1, 512], strides = [1, 1]} : vector<32x512xf32> to vector<1x512xf32>
    %broadcast_in_dim3A_155 = vector.shape_cast %slice3A_154 : vector<1x512xf32> to vector<1x512xf32>
    %broadcast_in_dim3A_156 = vector.broadcast %broadcast_in_dim3A_155 : vector<1x512xf32> to vector<16x512xf32>
    %mul3A_157 = arith.mulf %mul3A_142, %broadcast_in_dim3A_156 : vector<16x512xf32>
    %add3A_158 = arith.addf %add3A_129, %mul3A_157 : vector<16x512xf32>
    %slice3A_159 = vector.extract_strided_slice %sqrt3A {offsets = [3, 0], sizes = [1, 512], strides = [1, 1]} : vector<32x512xf32> to vector<1x512xf32>
    %broadcast_in_dim3A_160 = vector.shape_cast %slice3A_159 : vector<1x512xf32> to vector<1x512xf32>
    %broadcast_in_dim3A_161 = vector.broadcast %broadcast_in_dim3A_160 : vector<1x512xf32> to vector<16x512xf32>
    %sub3A_162 = arith.subf %broadcast_in_dim3A_161, %mul3A_58 : vector<16x512xf32>
    %mul3A_163 = arith.mulf %sub3A_162, %sub3A_162 : vector<16x512xf32>
    %mul3A_164 = arith.constant -14.7731972 : f32
    %mul3A_165 = vector.broadcast %mul3A_164 : f32 to vector<16x512xf32>
    %mul3A_166 = arith.mulf %mul3A_163, %mul3A_165 : vector<16x512xf32>
    %exp23A_167 = math.exp2 %mul3A_166 : vector<16x512xf32>
    %slice3A_168 = vector.extract_strided_slice %mul3A_53 {offsets = [3, 0], sizes = [1, 512], strides = [1, 1]} : vector<32x512xf32> to vector<1x512xf32>
    %broadcast_in_dim3A_169 = vector.shape_cast %slice3A_168 : vector<1x512xf32> to vector<1x512xf32>
    %broadcast_in_dim3A_170 = vector.broadcast %broadcast_in_dim3A_169 : vector<1x512xf32> to vector<16x512xf32>
    %mul3A_171 = arith.mulf %exp23A_167, %broadcast_in_dim3A_170 : vector<16x512xf32>
    %add3A_172 = arith.addf %add3A_143, %mul3A_171 : vector<16x512xf32>
    %slice3A_173 = vector.extract_strided_slice %mul3A_64 {offsets = [3, 0], sizes = [1, 512], strides = [1, 1]} : vector<32x512xf32> to vector<1x512xf32>
    %broadcast_in_dim3A_174 = vector.shape_cast %slice3A_173 : vector<1x512xf32> to vector<1x512xf32>
    %broadcast_in_dim3A_175 = vector.broadcast %broadcast_in_dim3A_174 : vector<1x512xf32> to vector<16x512xf32>
    %mul3A_176 = arith.mulf %mul3A_171, %broadcast_in_dim3A_175 : vector<16x512xf32>
    %add3A_177 = arith.addf %add3A_148, %mul3A_176 : vector<16x512xf32>
    %slice3A_178 = vector.extract_strided_slice %mul3A_65 {offsets = [3, 0], sizes = [1, 512], strides = [1, 1]} : vector<32x512xf32> to vector<1x512xf32>
    %broadcast_in_dim3A_179 = vector.shape_cast %slice3A_178 : vector<1x512xf32> to vector<1x512xf32>
    %broadcast_in_dim3A_180 = vector.broadcast %broadcast_in_dim3A_179 : vector<1x512xf32> to vector<16x512xf32>
    %mul3A_181 = arith.mulf %mul3A_171, %broadcast_in_dim3A_180 : vector<16x512xf32>
    %add3A_182 = arith.addf %add3A_153, %mul3A_181 : vector<16x512xf32>
    %slice3A_183 = vector.extract_strided_slice %mul3A_66 {offsets = [3, 0], sizes = [1, 512], strides = [1, 1]} : vector<32x512xf32> to vector<1x512xf32>
    %broadcast_in_dim3A_184 = vector.shape_cast %slice3A_183 : vector<1x512xf32> to vector<1x512xf32>
    %broadcast_in_dim3A_185 = vector.broadcast %broadcast_in_dim3A_184 : vector<1x512xf32> to vector<16x512xf32>
    %mul3A_186 = arith.mulf %mul3A_171, %broadcast_in_dim3A_185 : vector<16x512xf32>
    %add3A_187 = arith.addf %add3A_158, %mul3A_186 : vector<16x512xf32>
    %slice3A_188 = vector.extract_strided_slice %sqrt3A {offsets = [4, 0], sizes = [1, 512], strides = [1, 1]} : vector<32x512xf32> to vector<1x512xf32>
    %broadcast_in_dim3A_189 = vector.shape_cast %slice3A_188 : vector<1x512xf32> to vector<1x512xf32>
    %broadcast_in_dim3A_190 = vector.broadcast %broadcast_in_dim3A_189 : vector<1x512xf32> to vector<16x512xf32>
    %sub3A_191 = arith.subf %broadcast_in_dim3A_190, %mul3A_58 : vector<16x512xf32>
    %mul3A_192 = arith.mulf %sub3A_191, %sub3A_191 : vector<16x512xf32>
    %mul3A_193 = arith.constant -14.7731972 : f32
    %mul3A_194 = vector.broadcast %mul3A_193 : f32 to vector<16x512xf32>
    %mul3A_195 = arith.mulf %mul3A_192, %mul3A_194 : vector<16x512xf32>
    %exp23A_196 = math.exp2 %mul3A_195 : vector<16x512xf32>
    %slice3A_197 = vector.extract_strided_slice %mul3A_53 {offsets = [4, 0], sizes = [1, 512], strides = [1, 1]} : vector<32x512xf32> to vector<1x512xf32>
    %broadcast_in_dim3A_198 = vector.shape_cast %slice3A_197 : vector<1x512xf32> to vector<1x512xf32>
    %broadcast_in_dim3A_199 = vector.broadcast %broadcast_in_dim3A_198 : vector<1x512xf32> to vector<16x512xf32>
    %mul3A_200 = arith.mulf %exp23A_196, %broadcast_in_dim3A_199 : vector<16x512xf32>
    %add3A_201 = arith.addf %add3A_172, %mul3A_200 : vector<16x512xf32>
    %slice3A_202 = vector.extract_strided_slice %mul3A_64 {offsets = [4, 0], sizes = [1, 512], strides = [1, 1]} : vector<32x512xf32> to vector<1x512xf32>
    %broadcast_in_dim3A_203 = vector.shape_cast %slice3A_202 : vector<1x512xf32> to vector<1x512xf32>
    %broadcast_in_dim3A_204 = vector.broadcast %broadcast_in_dim3A_203 : vector<1x512xf32> to vector<16x512xf32>
    %mul3A_205 = arith.mulf %mul3A_200, %broadcast_in_dim3A_204 : vector<16x512xf32>
    %add3A_206 = arith.addf %add3A_177, %mul3A_205 : vector<16x512xf32>
    %slice3A_207 = vector.extract_strided_slice %mul3A_65 {offsets = [4, 0], sizes = [1, 512], strides = [1, 1]} : vector<32x512xf32> to vector<1x512xf32>
    %broadcast_in_dim3A_208 = vector.shape_cast %slice3A_207 : vector<1x512xf32> to vector<1x512xf32>
    %broadcast_in_dim3A_209 = vector.broadcast %broadcast_in_dim3A_208 : vector<1x512xf32> to vector<16x512xf32>
    %mul3A_210 = arith.mulf %mul3A_200, %broadcast_in_dim3A_209 : vector<16x512xf32>
    %add3A_211 = arith.addf %add3A_182, %mul3A_210 : vector<16x512xf32>
    %slice3A_212 = vector.extract_strided_slice %mul3A_66 {offsets = [4, 0], sizes = [1, 512], strides = [1, 1]} : vector<32x512xf32> to vector<1x512xf32>
    %broadcast_in_dim3A_213 = vector.shape_cast %slice3A_212 : vector<1x512xf32> to vector<1x512xf32>
    %broadcast_in_dim3A_214 = vector.broadcast %broadcast_in_dim3A_213 : vector<1x512xf32> to vector<16x512xf32>
    %mul3A_215 = arith.mulf %mul3A_200, %broadcast_in_dim3A_214 : vector<16x512xf32>
    %add3A_216 = arith.addf %add3A_187, %mul3A_215 : vector<16x512xf32>
    %slice3A_217 = vector.extract_strided_slice %sqrt3A {offsets = [5, 0], sizes = [1, 512], strides = [1, 1]} : vector<32x512xf32> to vector<1x512xf32>
    %broadcast_in_dim3A_218 = vector.shape_cast %slice3A_217 : vector<1x512xf32> to vector<1x512xf32>
    %broadcast_in_dim3A_219 = vector.broadcast %broadcast_in_dim3A_218 : vector<1x512xf32> to vector<16x512xf32>
    %sub3A_220 = arith.subf %broadcast_in_dim3A_219, %mul3A_58 : vector<16x512xf32>
    %mul3A_221 = arith.mulf %sub3A_220, %sub3A_220 : vector<16x512xf32>
    %mul3A_222 = arith.constant -14.7731972 : f32
    %mul3A_223 = vector.broadcast %mul3A_222 : f32 to vector<16x512xf32>
    %mul3A_224 = arith.mulf %mul3A_221, %mul3A_223 : vector<16x512xf32>
    %exp23A_225 = math.exp2 %mul3A_224 : vector<16x512xf32>
    %slice3A_226 = vector.extract_strided_slice %mul3A_53 {offsets = [5, 0], sizes = [1, 512], strides = [1, 1]} : vector<32x512xf32> to vector<1x512xf32>
    %broadcast_in_dim3A_227 = vector.shape_cast %slice3A_226 : vector<1x512xf32> to vector<1x512xf32>
    %broadcast_in_dim3A_228 = vector.broadcast %broadcast_in_dim3A_227 : vector<1x512xf32> to vector<16x512xf32>
    %mul3A_229 = arith.mulf %exp23A_225, %broadcast_in_dim3A_228 : vector<16x512xf32>
    %add3A_230 = arith.addf %add3A_201, %mul3A_229 : vector<16x512xf32>
    %slice3A_231 = vector.extract_strided_slice %mul3A_64 {offsets = [5, 0], sizes = [1, 512], strides = [1, 1]} : vector<32x512xf32> to vector<1x512xf32>
    %broadcast_in_dim3A_232 = vector.shape_cast %slice3A_231 : vector<1x512xf32> to vector<1x512xf32>
    %broadcast_in_dim3A_233 = vector.broadcast %broadcast_in_dim3A_232 : vector<1x512xf32> to vector<16x512xf32>
    %mul3A_234 = arith.mulf %mul3A_229, %broadcast_in_dim3A_233 : vector<16x512xf32>
    %add3A_235 = arith.addf %add3A_206, %mul3A_234 : vector<16x512xf32>
    %slice3A_236 = vector.extract_strided_slice %mul3A_65 {offsets = [5, 0], sizes = [1, 512], strides = [1, 1]} : vector<32x512xf32> to vector<1x512xf32>
    %broadcast_in_dim3A_237 = vector.shape_cast %slice3A_236 : vector<1x512xf32> to vector<1x512xf32>
    %broadcast_in_dim3A_238 = vector.broadcast %broadcast_in_dim3A_237 : vector<1x512xf32> to vector<16x512xf32>
    %mul3A_239 = arith.mulf %mul3A_229, %broadcast_in_dim3A_238 : vector<16x512xf32>
    %add3A_240 = arith.addf %add3A_211, %mul3A_239 : vector<16x512xf32>
    %slice3A_241 = vector.extract_strided_slice %mul3A_66 {offsets = [5, 0], sizes = [1, 512], strides = [1, 1]} : vector<32x512xf32> to vector<1x512xf32>
    %broadcast_in_dim3A_242 = vector.shape_cast %slice3A_241 : vector<1x512xf32> to vector<1x512xf32>
    %broadcast_in_dim3A_243 = vector.broadcast %broadcast_in_dim3A_242 : vector<1x512xf32> to vector<16x512xf32>
    %mul3A_244 = arith.mulf %mul3A_229, %broadcast_in_dim3A_243 : vector<16x512xf32>
    %add3A_245 = arith.addf %add3A_216, %mul3A_244 : vector<16x512xf32>
    %slice3A_246 = vector.extract_strided_slice %sqrt3A {offsets = [6, 0], sizes = [1, 512], strides = [1, 1]} : vector<32x512xf32> to vector<1x512xf32>
    %broadcast_in_dim3A_247 = vector.shape_cast %slice3A_246 : vector<1x512xf32> to vector<1x512xf32>
    %broadcast_in_dim3A_248 = vector.broadcast %broadcast_in_dim3A_247 : vector<1x512xf32> to vector<16x512xf32>
    %sub3A_249 = arith.subf %broadcast_in_dim3A_248, %mul3A_58 : vector<16x512xf32>
    %mul3A_250 = arith.mulf %sub3A_249, %sub3A_249 : vector<16x512xf32>
    %mul3A_251 = arith.constant -14.7731972 : f32
    %mul3A_252 = vector.broadcast %mul3A_251 : f32 to vector<16x512xf32>
    %mul3A_253 = arith.mulf %mul3A_250, %mul3A_252 : vector<16x512xf32>
    %exp23A_254 = math.exp2 %mul3A_253 : vector<16x512xf32>
    %slice3A_255 = vector.extract_strided_slice %mul3A_53 {offsets = [6, 0], sizes = [1, 512], strides = [1, 1]} : vector<32x512xf32> to vector<1x512xf32>
    %broadcast_in_dim3A_256 = vector.shape_cast %slice3A_255 : vector<1x512xf32> to vector<1x512xf32>
    %broadcast_in_dim3A_257 = vector.broadcast %broadcast_in_dim3A_256 : vector<1x512xf32> to vector<16x512xf32>
    %mul3A_258 = arith.mulf %exp23A_254, %broadcast_in_dim3A_257 : vector<16x512xf32>
    %add3A_259 = arith.addf %add3A_230, %mul3A_258 : vector<16x512xf32>
    %slice3A_260 = vector.extract_strided_slice %mul3A_64 {offsets = [6, 0], sizes = [1, 512], strides = [1, 1]} : vector<32x512xf32> to vector<1x512xf32>
    %broadcast_in_dim3A_261 = vector.shape_cast %slice3A_260 : vector<1x512xf32> to vector<1x512xf32>
    %broadcast_in_dim3A_262 = vector.broadcast %broadcast_in_dim3A_261 : vector<1x512xf32> to vector<16x512xf32>
    %mul3A_263 = arith.mulf %mul3A_258, %broadcast_in_dim3A_262 : vector<16x512xf32>
    %add3A_264 = arith.addf %add3A_235, %mul3A_263 : vector<16x512xf32>
    %slice3A_265 = vector.extract_strided_slice %mul3A_65 {offsets = [6, 0], sizes = [1, 512], strides = [1, 1]} : vector<32x512xf32> to vector<1x512xf32>
    %broadcast_in_dim3A_266 = vector.shape_cast %slice3A_265 : vector<1x512xf32> to vector<1x512xf32>
    %broadcast_in_dim3A_267 = vector.broadcast %broadcast_in_dim3A_266 : vector<1x512xf32> to vector<16x512xf32>
    %mul3A_268 = arith.mulf %mul3A_258, %broadcast_in_dim3A_267 : vector<16x512xf32>
    %add3A_269 = arith.addf %add3A_240, %mul3A_268 : vector<16x512xf32>
    %slice3A_270 = vector.extract_strided_slice %mul3A_66 {offsets = [6, 0], sizes = [1, 512], strides = [1, 1]} : vector<32x512xf32> to vector<1x512xf32>
    %broadcast_in_dim3A_271 = vector.shape_cast %slice3A_270 : vector<1x512xf32> to vector<1x512xf32>
    %broadcast_in_dim3A_272 = vector.broadcast %broadcast_in_dim3A_271 : vector<1x512xf32> to vector<16x512xf32>
    %mul3A_273 = arith.mulf %mul3A_258, %broadcast_in_dim3A_272 : vector<16x512xf32>
    %add3A_274 = arith.addf %add3A_245, %mul3A_273 : vector<16x512xf32>
    %slice3A_275 = vector.extract_strided_slice %sqrt3A {offsets = [7, 0], sizes = [1, 512], strides = [1, 1]} : vector<32x512xf32> to vector<1x512xf32>
    %broadcast_in_dim3A_276 = vector.shape_cast %slice3A_275 : vector<1x512xf32> to vector<1x512xf32>
    %broadcast_in_dim3A_277 = vector.broadcast %broadcast_in_dim3A_276 : vector<1x512xf32> to vector<16x512xf32>
    %sub3A_278 = arith.subf %broadcast_in_dim3A_277, %mul3A_58 : vector<16x512xf32>
    %mul3A_279 = arith.mulf %sub3A_278, %sub3A_278 : vector<16x512xf32>
    %mul3A_280 = arith.constant -14.7731972 : f32
    %mul3A_281 = vector.broadcast %mul3A_280 : f32 to vector<16x512xf32>
    %mul3A_282 = arith.mulf %mul3A_279, %mul3A_281 : vector<16x512xf32>
    %exp23A_283 = math.exp2 %mul3A_282 : vector<16x512xf32>
    %slice3A_284 = vector.extract_strided_slice %mul3A_53 {offsets = [7, 0], sizes = [1, 512], strides = [1, 1]} : vector<32x512xf32> to vector<1x512xf32>
    %broadcast_in_dim3A_285 = vector.shape_cast %slice3A_284 : vector<1x512xf32> to vector<1x512xf32>
    %broadcast_in_dim3A_286 = vector.broadcast %broadcast_in_dim3A_285 : vector<1x512xf32> to vector<16x512xf32>
    %mul3A_287 = arith.mulf %exp23A_283, %broadcast_in_dim3A_286 : vector<16x512xf32>
    %add3A_288 = arith.addf %add3A_259, %mul3A_287 : vector<16x512xf32>
    %slice3A_289 = vector.extract_strided_slice %mul3A_64 {offsets = [7, 0], sizes = [1, 512], strides = [1, 1]} : vector<32x512xf32> to vector<1x512xf32>
    %broadcast_in_dim3A_290 = vector.shape_cast %slice3A_289 : vector<1x512xf32> to vector<1x512xf32>
    %broadcast_in_dim3A_291 = vector.broadcast %broadcast_in_dim3A_290 : vector<1x512xf32> to vector<16x512xf32>
    %mul3A_292 = arith.mulf %mul3A_287, %broadcast_in_dim3A_291 : vector<16x512xf32>
    %add3A_293 = arith.addf %add3A_264, %mul3A_292 : vector<16x512xf32>
    %slice3A_294 = vector.extract_strided_slice %mul3A_65 {offsets = [7, 0], sizes = [1, 512], strides = [1, 1]} : vector<32x512xf32> to vector<1x512xf32>
    %broadcast_in_dim3A_295 = vector.shape_cast %slice3A_294 : vector<1x512xf32> to vector<1x512xf32>
    %broadcast_in_dim3A_296 = vector.broadcast %broadcast_in_dim3A_295 : vector<1x512xf32> to vector<16x512xf32>
    %mul3A_297 = arith.mulf %mul3A_287, %broadcast_in_dim3A_296 : vector<16x512xf32>
    %add3A_298 = arith.addf %add3A_269, %mul3A_297 : vector<16x512xf32>
    %slice3A_299 = vector.extract_strided_slice %mul3A_66 {offsets = [7, 0], sizes = [1, 512], strides = [1, 1]} : vector<32x512xf32> to vector<1x512xf32>
    %broadcast_in_dim3A_300 = vector.shape_cast %slice3A_299 : vector<1x512xf32> to vector<1x512xf32>
    %broadcast_in_dim3A_301 = vector.broadcast %broadcast_in_dim3A_300 : vector<1x512xf32> to vector<16x512xf32>
    %mul3A_302 = arith.mulf %mul3A_287, %broadcast_in_dim3A_301 : vector<16x512xf32>
    %add3A_303 = arith.addf %add3A_274, %mul3A_302 : vector<16x512xf32>
    %slice3A_304 = vector.extract_strided_slice %sqrt3A {offsets = [8, 0], sizes = [1, 512], strides = [1, 1]} : vector<32x512xf32> to vector<1x512xf32>
    %broadcast_in_dim3A_305 = vector.shape_cast %slice3A_304 : vector<1x512xf32> to vector<1x512xf32>
    %broadcast_in_dim3A_306 = vector.broadcast %broadcast_in_dim3A_305 : vector<1x512xf32> to vector<16x512xf32>
    %sub3A_307 = arith.subf %broadcast_in_dim3A_306, %mul3A_58 : vector<16x512xf32>
    %mul3A_308 = arith.mulf %sub3A_307, %sub3A_307 : vector<16x512xf32>
    %mul3A_309 = arith.constant -14.7731972 : f32
    %mul3A_310 = vector.broadcast %mul3A_309 : f32 to vector<16x512xf32>
    %mul3A_311 = arith.mulf %mul3A_308, %mul3A_310 : vector<16x512xf32>
    %exp23A_312 = math.exp2 %mul3A_311 : vector<16x512xf32>
    %slice3A_313 = vector.extract_strided_slice %mul3A_53 {offsets = [8, 0], sizes = [1, 512], strides = [1, 1]} : vector<32x512xf32> to vector<1x512xf32>
    %broadcast_in_dim3A_314 = vector.shape_cast %slice3A_313 : vector<1x512xf32> to vector<1x512xf32>
    %broadcast_in_dim3A_315 = vector.broadcast %broadcast_in_dim3A_314 : vector<1x512xf32> to vector<16x512xf32>
    %mul3A_316 = arith.mulf %exp23A_312, %broadcast_in_dim3A_315 : vector<16x512xf32>
    %add3A_317 = arith.addf %add3A_288, %mul3A_316 : vector<16x512xf32>
    %slice3A_318 = vector.extract_strided_slice %mul3A_64 {offsets = [8, 0], sizes = [1, 512], strides = [1, 1]} : vector<32x512xf32> to vector<1x512xf32>
    %broadcast_in_dim3A_319 = vector.shape_cast %slice3A_318 : vector<1x512xf32> to vector<1x512xf32>
    %broadcast_in_dim3A_320 = vector.broadcast %broadcast_in_dim3A_319 : vector<1x512xf32> to vector<16x512xf32>
    %mul3A_321 = arith.mulf %mul3A_316, %broadcast_in_dim3A_320 : vector<16x512xf32>
    %add3A_322 = arith.addf %add3A_293, %mul3A_321 : vector<16x512xf32>
    %slice3A_323 = vector.extract_strided_slice %mul3A_65 {offsets = [8, 0], sizes = [1, 512], strides = [1, 1]} : vector<32x512xf32> to vector<1x512xf32>
    %broadcast_in_dim3A_324 = vector.shape_cast %slice3A_323 : vector<1x512xf32> to vector<1x512xf32>
    %broadcast_in_dim3A_325 = vector.broadcast %broadcast_in_dim3A_324 : vector<1x512xf32> to vector<16x512xf32>
    %mul3A_326 = arith.mulf %mul3A_316, %broadcast_in_dim3A_325 : vector<16x512xf32>
    %add3A_327 = arith.addf %add3A_298, %mul3A_326 : vector<16x512xf32>
    %slice3A_328 = vector.extract_strided_slice %mul3A_66 {offsets = [8, 0], sizes = [1, 512], strides = [1, 1]} : vector<32x512xf32> to vector<1x512xf32>
    %broadcast_in_dim3A_329 = vector.shape_cast %slice3A_328 : vector<1x512xf32> to vector<1x512xf32>
    %broadcast_in_dim3A_330 = vector.broadcast %broadcast_in_dim3A_329 : vector<1x512xf32> to vector<16x512xf32>
    %mul3A_331 = arith.mulf %mul3A_316, %broadcast_in_dim3A_330 : vector<16x512xf32>
    %add3A_332 = arith.addf %add3A_303, %mul3A_331 : vector<16x512xf32>
    %slice3A_333 = vector.extract_strided_slice %sqrt3A {offsets = [9, 0], sizes = [1, 512], strides = [1, 1]} : vector<32x512xf32> to vector<1x512xf32>
    %broadcast_in_dim3A_334 = vector.shape_cast %slice3A_333 : vector<1x512xf32> to vector<1x512xf32>
    %broadcast_in_dim3A_335 = vector.broadcast %broadcast_in_dim3A_334 : vector<1x512xf32> to vector<16x512xf32>
    %sub3A_336 = arith.subf %broadcast_in_dim3A_335, %mul3A_58 : vector<16x512xf32>
    %mul3A_337 = arith.mulf %sub3A_336, %sub3A_336 : vector<16x512xf32>
    %mul3A_338 = arith.constant -14.7731972 : f32
    %mul3A_339 = vector.broadcast %mul3A_338 : f32 to vector<16x512xf32>
    %mul3A_340 = arith.mulf %mul3A_337, %mul3A_339 : vector<16x512xf32>
    %exp23A_341 = math.exp2 %mul3A_340 : vector<16x512xf32>
    %slice3A_342 = vector.extract_strided_slice %mul3A_53 {offsets = [9, 0], sizes = [1, 512], strides = [1, 1]} : vector<32x512xf32> to vector<1x512xf32>
    %broadcast_in_dim3A_343 = vector.shape_cast %slice3A_342 : vector<1x512xf32> to vector<1x512xf32>
    %broadcast_in_dim3A_344 = vector.broadcast %broadcast_in_dim3A_343 : vector<1x512xf32> to vector<16x512xf32>
    %mul3A_345 = arith.mulf %exp23A_341, %broadcast_in_dim3A_344 : vector<16x512xf32>
    %add3A_346 = arith.addf %add3A_317, %mul3A_345 : vector<16x512xf32>
    %slice3A_347 = vector.extract_strided_slice %mul3A_64 {offsets = [9, 0], sizes = [1, 512], strides = [1, 1]} : vector<32x512xf32> to vector<1x512xf32>
    %broadcast_in_dim3A_348 = vector.shape_cast %slice3A_347 : vector<1x512xf32> to vector<1x512xf32>
    %broadcast_in_dim3A_349 = vector.broadcast %broadcast_in_dim3A_348 : vector<1x512xf32> to vector<16x512xf32>
    %mul3A_350 = arith.mulf %mul3A_345, %broadcast_in_dim3A_349 : vector<16x512xf32>
    %add3A_351 = arith.addf %add3A_322, %mul3A_350 : vector<16x512xf32>
    %slice3A_352 = vector.extract_strided_slice %mul3A_65 {offsets = [9, 0], sizes = [1, 512], strides = [1, 1]} : vector<32x512xf32> to vector<1x512xf32>
    %broadcast_in_dim3A_353 = vector.shape_cast %slice3A_352 : vector<1x512xf32> to vector<1x512xf32>
    %broadcast_in_dim3A_354 = vector.broadcast %broadcast_in_dim3A_353 : vector<1x512xf32> to vector<16x512xf32>
    %mul3A_355 = arith.mulf %mul3A_345, %broadcast_in_dim3A_354 : vector<16x512xf32>
    %add3A_356 = arith.addf %add3A_327, %mul3A_355 : vector<16x512xf32>
    %slice3A_357 = vector.extract_strided_slice %mul3A_66 {offsets = [9, 0], sizes = [1, 512], strides = [1, 1]} : vector<32x512xf32> to vector<1x512xf32>
    %broadcast_in_dim3A_358 = vector.shape_cast %slice3A_357 : vector<1x512xf32> to vector<1x512xf32>
    %broadcast_in_dim3A_359 = vector.broadcast %broadcast_in_dim3A_358 : vector<1x512xf32> to vector<16x512xf32>
    %mul3A_360 = arith.mulf %mul3A_345, %broadcast_in_dim3A_359 : vector<16x512xf32>
    %add3A_361 = arith.addf %add3A_332, %mul3A_360 : vector<16x512xf32>
    %slice3A_362 = vector.extract_strided_slice %sqrt3A {offsets = [10, 0], sizes = [1, 512], strides = [1, 1]} : vector<32x512xf32> to vector<1x512xf32>
    %broadcast_in_dim3A_363 = vector.shape_cast %slice3A_362 : vector<1x512xf32> to vector<1x512xf32>
    %broadcast_in_dim3A_364 = vector.broadcast %broadcast_in_dim3A_363 : vector<1x512xf32> to vector<16x512xf32>
    %sub3A_365 = arith.subf %broadcast_in_dim3A_364, %mul3A_58 : vector<16x512xf32>
    %mul3A_366 = arith.mulf %sub3A_365, %sub3A_365 : vector<16x512xf32>
    %mul3A_367 = arith.constant -14.7731972 : f32
    %mul3A_368 = vector.broadcast %mul3A_367 : f32 to vector<16x512xf32>
    %mul3A_369 = arith.mulf %mul3A_366, %mul3A_368 : vector<16x512xf32>
    %exp23A_370 = math.exp2 %mul3A_369 : vector<16x512xf32>
    %slice3A_371 = vector.extract_strided_slice %mul3A_53 {offsets = [10, 0], sizes = [1, 512], strides = [1, 1]} : vector<32x512xf32> to vector<1x512xf32>
    %broadcast_in_dim3A_372 = vector.shape_cast %slice3A_371 : vector<1x512xf32> to vector<1x512xf32>
    %broadcast_in_dim3A_373 = vector.broadcast %broadcast_in_dim3A_372 : vector<1x512xf32> to vector<16x512xf32>
    %mul3A_374 = arith.mulf %exp23A_370, %broadcast_in_dim3A_373 : vector<16x512xf32>
    %add3A_375 = arith.addf %add3A_346, %mul3A_374 : vector<16x512xf32>
    %slice3A_376 = vector.extract_strided_slice %mul3A_64 {offsets = [10, 0], sizes = [1, 512], strides = [1, 1]} : vector<32x512xf32> to vector<1x512xf32>
    %broadcast_in_dim3A_377 = vector.shape_cast %slice3A_376 : vector<1x512xf32> to vector<1x512xf32>
    %broadcast_in_dim3A_378 = vector.broadcast %broadcast_in_dim3A_377 : vector<1x512xf32> to vector<16x512xf32>
    %mul3A_379 = arith.mulf %mul3A_374, %broadcast_in_dim3A_378 : vector<16x512xf32>
    %add3A_380 = arith.addf %add3A_351, %mul3A_379 : vector<16x512xf32>
    %slice3A_381 = vector.extract_strided_slice %mul3A_65 {offsets = [10, 0], sizes = [1, 512], strides = [1, 1]} : vector<32x512xf32> to vector<1x512xf32>
    %broadcast_in_dim3A_382 = vector.shape_cast %slice3A_381 : vector<1x512xf32> to vector<1x512xf32>
    %broadcast_in_dim3A_383 = vector.broadcast %broadcast_in_dim3A_382 : vector<1x512xf32> to vector<16x512xf32>
    %mul3A_384 = arith.mulf %mul3A_374, %broadcast_in_dim3A_383 : vector<16x512xf32>
    %add3A_385 = arith.addf %add3A_356, %mul3A_384 : vector<16x512xf32>
    %slice3A_386 = vector.extract_strided_slice %mul3A_66 {offsets = [10, 0], sizes = [1, 512], strides = [1, 1]} : vector<32x512xf32> to vector<1x512xf32>
    %broadcast_in_dim3A_387 = vector.shape_cast %slice3A_386 : vector<1x512xf32> to vector<1x512xf32>
    %broadcast_in_dim3A_388 = vector.broadcast %broadcast_in_dim3A_387 : vector<1x512xf32> to vector<16x512xf32>
    %mul3A_389 = arith.mulf %mul3A_374, %broadcast_in_dim3A_388 : vector<16x512xf32>
    %add3A_390 = arith.addf %add3A_361, %mul3A_389 : vector<16x512xf32>
    %slice3A_391 = vector.extract_strided_slice %sqrt3A {offsets = [11, 0], sizes = [1, 512], strides = [1, 1]} : vector<32x512xf32> to vector<1x512xf32>
    %broadcast_in_dim3A_392 = vector.shape_cast %slice3A_391 : vector<1x512xf32> to vector<1x512xf32>
    %broadcast_in_dim3A_393 = vector.broadcast %broadcast_in_dim3A_392 : vector<1x512xf32> to vector<16x512xf32>
    %sub3A_394 = arith.subf %broadcast_in_dim3A_393, %mul3A_58 : vector<16x512xf32>
    %mul3A_395 = arith.mulf %sub3A_394, %sub3A_394 : vector<16x512xf32>
    %mul3A_396 = arith.constant -14.7731972 : f32
    %mul3A_397 = vector.broadcast %mul3A_396 : f32 to vector<16x512xf32>
    %mul3A_398 = arith.mulf %mul3A_395, %mul3A_397 : vector<16x512xf32>
    %exp23A_399 = math.exp2 %mul3A_398 : vector<16x512xf32>
    %slice3A_400 = vector.extract_strided_slice %mul3A_53 {offsets = [11, 0], sizes = [1, 512], strides = [1, 1]} : vector<32x512xf32> to vector<1x512xf32>
    %broadcast_in_dim3A_401 = vector.shape_cast %slice3A_400 : vector<1x512xf32> to vector<1x512xf32>
    %broadcast_in_dim3A_402 = vector.broadcast %broadcast_in_dim3A_401 : vector<1x512xf32> to vector<16x512xf32>
    %mul3A_403 = arith.mulf %exp23A_399, %broadcast_in_dim3A_402 : vector<16x512xf32>
    %add3A_404 = arith.addf %add3A_375, %mul3A_403 : vector<16x512xf32>
    %slice3A_405 = vector.extract_strided_slice %mul3A_64 {offsets = [11, 0], sizes = [1, 512], strides = [1, 1]} : vector<32x512xf32> to vector<1x512xf32>
    %broadcast_in_dim3A_406 = vector.shape_cast %slice3A_405 : vector<1x512xf32> to vector<1x512xf32>
    %broadcast_in_dim3A_407 = vector.broadcast %broadcast_in_dim3A_406 : vector<1x512xf32> to vector<16x512xf32>
    %mul3A_408 = arith.mulf %mul3A_403, %broadcast_in_dim3A_407 : vector<16x512xf32>
    %add3A_409 = arith.addf %add3A_380, %mul3A_408 : vector<16x512xf32>
    %slice3A_410 = vector.extract_strided_slice %mul3A_65 {offsets = [11, 0], sizes = [1, 512], strides = [1, 1]} : vector<32x512xf32> to vector<1x512xf32>
    %broadcast_in_dim3A_411 = vector.shape_cast %slice3A_410 : vector<1x512xf32> to vector<1x512xf32>
    %broadcast_in_dim3A_412 = vector.broadcast %broadcast_in_dim3A_411 : vector<1x512xf32> to vector<16x512xf32>
    %mul3A_413 = arith.mulf %mul3A_403, %broadcast_in_dim3A_412 : vector<16x512xf32>
    %add3A_414 = arith.addf %add3A_385, %mul3A_413 : vector<16x512xf32>
    %slice3A_415 = vector.extract_strided_slice %mul3A_66 {offsets = [11, 0], sizes = [1, 512], strides = [1, 1]} : vector<32x512xf32> to vector<1x512xf32>
    %broadcast_in_dim3A_416 = vector.shape_cast %slice3A_415 : vector<1x512xf32> to vector<1x512xf32>
    %broadcast_in_dim3A_417 = vector.broadcast %broadcast_in_dim3A_416 : vector<1x512xf32> to vector<16x512xf32>
    %mul3A_418 = arith.mulf %mul3A_403, %broadcast_in_dim3A_417 : vector<16x512xf32>
    %add3A_419 = arith.addf %add3A_390, %mul3A_418 : vector<16x512xf32>
    %slice3A_420 = vector.extract_strided_slice %sqrt3A {offsets = [12, 0], sizes = [1, 512], strides = [1, 1]} : vector<32x512xf32> to vector<1x512xf32>
    %broadcast_in_dim3A_421 = vector.shape_cast %slice3A_420 : vector<1x512xf32> to vector<1x512xf32>
    %broadcast_in_dim3A_422 = vector.broadcast %broadcast_in_dim3A_421 : vector<1x512xf32> to vector<16x512xf32>
    %sub3A_423 = arith.subf %broadcast_in_dim3A_422, %mul3A_58 : vector<16x512xf32>
    %mul3A_424 = arith.mulf %sub3A_423, %sub3A_423 : vector<16x512xf32>
    %mul3A_425 = arith.constant -14.7731972 : f32
    %mul3A_426 = vector.broadcast %mul3A_425 : f32 to vector<16x512xf32>
    %mul3A_427 = arith.mulf %mul3A_424, %mul3A_426 : vector<16x512xf32>
    %exp23A_428 = math.exp2 %mul3A_427 : vector<16x512xf32>
    %slice3A_429 = vector.extract_strided_slice %mul3A_53 {offsets = [12, 0], sizes = [1, 512], strides = [1, 1]} : vector<32x512xf32> to vector<1x512xf32>
    %broadcast_in_dim3A_430 = vector.shape_cast %slice3A_429 : vector<1x512xf32> to vector<1x512xf32>
    %broadcast_in_dim3A_431 = vector.broadcast %broadcast_in_dim3A_430 : vector<1x512xf32> to vector<16x512xf32>
    %mul3A_432 = arith.mulf %exp23A_428, %broadcast_in_dim3A_431 : vector<16x512xf32>
    %add3A_433 = arith.addf %add3A_404, %mul3A_432 : vector<16x512xf32>
    %slice3A_434 = vector.extract_strided_slice %mul3A_64 {offsets = [12, 0], sizes = [1, 512], strides = [1, 1]} : vector<32x512xf32> to vector<1x512xf32>
    %broadcast_in_dim3A_435 = vector.shape_cast %slice3A_434 : vector<1x512xf32> to vector<1x512xf32>
    %broadcast_in_dim3A_436 = vector.broadcast %broadcast_in_dim3A_435 : vector<1x512xf32> to vector<16x512xf32>
    %mul3A_437 = arith.mulf %mul3A_432, %broadcast_in_dim3A_436 : vector<16x512xf32>
    %add3A_438 = arith.addf %add3A_409, %mul3A_437 : vector<16x512xf32>
    %slice3A_439 = vector.extract_strided_slice %mul3A_65 {offsets = [12, 0], sizes = [1, 512], strides = [1, 1]} : vector<32x512xf32> to vector<1x512xf32>
    %broadcast_in_dim3A_440 = vector.shape_cast %slice3A_439 : vector<1x512xf32> to vector<1x512xf32>
    %broadcast_in_dim3A_441 = vector.broadcast %broadcast_in_dim3A_440 : vector<1x512xf32> to vector<16x512xf32>
    %mul3A_442 = arith.mulf %mul3A_432, %broadcast_in_dim3A_441 : vector<16x512xf32>
    %add3A_443 = arith.addf %add3A_414, %mul3A_442 : vector<16x512xf32>
    %slice3A_444 = vector.extract_strided_slice %mul3A_66 {offsets = [12, 0], sizes = [1, 512], strides = [1, 1]} : vector<32x512xf32> to vector<1x512xf32>
    %broadcast_in_dim3A_445 = vector.shape_cast %slice3A_444 : vector<1x512xf32> to vector<1x512xf32>
    %broadcast_in_dim3A_446 = vector.broadcast %broadcast_in_dim3A_445 : vector<1x512xf32> to vector<16x512xf32>
    %mul3A_447 = arith.mulf %mul3A_432, %broadcast_in_dim3A_446 : vector<16x512xf32>
    %add3A_448 = arith.addf %add3A_419, %mul3A_447 : vector<16x512xf32>
    %slice3A_449 = vector.extract_strided_slice %sqrt3A {offsets = [13, 0], sizes = [1, 512], strides = [1, 1]} : vector<32x512xf32> to vector<1x512xf32>
    %broadcast_in_dim3A_450 = vector.shape_cast %slice3A_449 : vector<1x512xf32> to vector<1x512xf32>
    %broadcast_in_dim3A_451 = vector.broadcast %broadcast_in_dim3A_450 : vector<1x512xf32> to vector<16x512xf32>
    %sub3A_452 = arith.subf %broadcast_in_dim3A_451, %mul3A_58 : vector<16x512xf32>
    %mul3A_453 = arith.mulf %sub3A_452, %sub3A_452 : vector<16x512xf32>
    %mul3A_454 = arith.constant -14.7731972 : f32
    %mul3A_455 = vector.broadcast %mul3A_454 : f32 to vector<16x512xf32>
    %mul3A_456 = arith.mulf %mul3A_453, %mul3A_455 : vector<16x512xf32>
    %exp23A_457 = math.exp2 %mul3A_456 : vector<16x512xf32>
    %slice3A_458 = vector.extract_strided_slice %mul3A_53 {offsets = [13, 0], sizes = [1, 512], strides = [1, 1]} : vector<32x512xf32> to vector<1x512xf32>
    %broadcast_in_dim3A_459 = vector.shape_cast %slice3A_458 : vector<1x512xf32> to vector<1x512xf32>
    %broadcast_in_dim3A_460 = vector.broadcast %broadcast_in_dim3A_459 : vector<1x512xf32> to vector<16x512xf32>
    %mul3A_461 = arith.mulf %exp23A_457, %broadcast_in_dim3A_460 : vector<16x512xf32>
    %add3A_462 = arith.addf %add3A_433, %mul3A_461 : vector<16x512xf32>
    %slice3A_463 = vector.extract_strided_slice %mul3A_64 {offsets = [13, 0], sizes = [1, 512], strides = [1, 1]} : vector<32x512xf32> to vector<1x512xf32>
    %broadcast_in_dim3A_464 = vector.shape_cast %slice3A_463 : vector<1x512xf32> to vector<1x512xf32>
    %broadcast_in_dim3A_465 = vector.broadcast %broadcast_in_dim3A_464 : vector<1x512xf32> to vector<16x512xf32>
    %mul3A_466 = arith.mulf %mul3A_461, %broadcast_in_dim3A_465 : vector<16x512xf32>
    %add3A_467 = arith.addf %add3A_438, %mul3A_466 : vector<16x512xf32>
    %slice3A_468 = vector.extract_strided_slice %mul3A_65 {offsets = [13, 0], sizes = [1, 512], strides = [1, 1]} : vector<32x512xf32> to vector<1x512xf32>
    %broadcast_in_dim3A_469 = vector.shape_cast %slice3A_468 : vector<1x512xf32> to vector<1x512xf32>
    %broadcast_in_dim3A_470 = vector.broadcast %broadcast_in_dim3A_469 : vector<1x512xf32> to vector<16x512xf32>
    %mul3A_471 = arith.mulf %mul3A_461, %broadcast_in_dim3A_470 : vector<16x512xf32>
    %add3A_472 = arith.addf %add3A_443, %mul3A_471 : vector<16x512xf32>
    %slice3A_473 = vector.extract_strided_slice %mul3A_66 {offsets = [13, 0], sizes = [1, 512], strides = [1, 1]} : vector<32x512xf32> to vector<1x512xf32>
    %broadcast_in_dim3A_474 = vector.shape_cast %slice3A_473 : vector<1x512xf32> to vector<1x512xf32>
    %broadcast_in_dim3A_475 = vector.broadcast %broadcast_in_dim3A_474 : vector<1x512xf32> to vector<16x512xf32>
    %mul3A_476 = arith.mulf %mul3A_461, %broadcast_in_dim3A_475 : vector<16x512xf32>
    %add3A_477 = arith.addf %add3A_448, %mul3A_476 : vector<16x512xf32>
    %slice3A_478 = vector.extract_strided_slice %sqrt3A {offsets = [14, 0], sizes = [1, 512], strides = [1, 1]} : vector<32x512xf32> to vector<1x512xf32>
    %broadcast_in_dim3A_479 = vector.shape_cast %slice3A_478 : vector<1x512xf32> to vector<1x512xf32>
    %broadcast_in_dim3A_480 = vector.broadcast %broadcast_in_dim3A_479 : vector<1x512xf32> to vector<16x512xf32>
    %sub3A_481 = arith.subf %broadcast_in_dim3A_480, %mul3A_58 : vector<16x512xf32>
    %mul3A_482 = arith.mulf %sub3A_481, %sub3A_481 : vector<16x512xf32>
    %mul3A_483 = arith.constant -14.7731972 : f32
    %mul3A_484 = vector.broadcast %mul3A_483 : f32 to vector<16x512xf32>
    %mul3A_485 = arith.mulf %mul3A_482, %mul3A_484 : vector<16x512xf32>
    %exp23A_486 = math.exp2 %mul3A_485 : vector<16x512xf32>
    %slice3A_487 = vector.extract_strided_slice %mul3A_53 {offsets = [14, 0], sizes = [1, 512], strides = [1, 1]} : vector<32x512xf32> to vector<1x512xf32>
    %broadcast_in_dim3A_488 = vector.shape_cast %slice3A_487 : vector<1x512xf32> to vector<1x512xf32>
    %broadcast_in_dim3A_489 = vector.broadcast %broadcast_in_dim3A_488 : vector<1x512xf32> to vector<16x512xf32>
    %mul3A_490 = arith.mulf %exp23A_486, %broadcast_in_dim3A_489 : vector<16x512xf32>
    %add3A_491 = arith.addf %add3A_462, %mul3A_490 : vector<16x512xf32>
    %slice3A_492 = vector.extract_strided_slice %mul3A_64 {offsets = [14, 0], sizes = [1, 512], strides = [1, 1]} : vector<32x512xf32> to vector<1x512xf32>
    %broadcast_in_dim3A_493 = vector.shape_cast %slice3A_492 : vector<1x512xf32> to vector<1x512xf32>
    %broadcast_in_dim3A_494 = vector.broadcast %broadcast_in_dim3A_493 : vector<1x512xf32> to vector<16x512xf32>
    %mul3A_495 = arith.mulf %mul3A_490, %broadcast_in_dim3A_494 : vector<16x512xf32>
    %add3A_496 = arith.addf %add3A_467, %mul3A_495 : vector<16x512xf32>
    %slice3A_497 = vector.extract_strided_slice %mul3A_65 {offsets = [14, 0], sizes = [1, 512], strides = [1, 1]} : vector<32x512xf32> to vector<1x512xf32>
    %broadcast_in_dim3A_498 = vector.shape_cast %slice3A_497 : vector<1x512xf32> to vector<1x512xf32>
    %broadcast_in_dim3A_499 = vector.broadcast %broadcast_in_dim3A_498 : vector<1x512xf32> to vector<16x512xf32>
    %mul3A_500 = arith.mulf %mul3A_490, %broadcast_in_dim3A_499 : vector<16x512xf32>
    %add3A_501 = arith.addf %add3A_472, %mul3A_500 : vector<16x512xf32>
    %slice3A_502 = vector.extract_strided_slice %mul3A_66 {offsets = [14, 0], sizes = [1, 512], strides = [1, 1]} : vector<32x512xf32> to vector<1x512xf32>
    %broadcast_in_dim3A_503 = vector.shape_cast %slice3A_502 : vector<1x512xf32> to vector<1x512xf32>
    %broadcast_in_dim3A_504 = vector.broadcast %broadcast_in_dim3A_503 : vector<1x512xf32> to vector<16x512xf32>
    %mul3A_505 = arith.mulf %mul3A_490, %broadcast_in_dim3A_504 : vector<16x512xf32>
    %add3A_506 = arith.addf %add3A_477, %mul3A_505 : vector<16x512xf32>
    %slice3A_507 = vector.extract_strided_slice %sqrt3A {offsets = [15, 0], sizes = [1, 512], strides = [1, 1]} : vector<32x512xf32> to vector<1x512xf32>
    %broadcast_in_dim3A_508 = vector.shape_cast %slice3A_507 : vector<1x512xf32> to vector<1x512xf32>
    %broadcast_in_dim3A_509 = vector.broadcast %broadcast_in_dim3A_508 : vector<1x512xf32> to vector<16x512xf32>
    %sub3A_510 = arith.subf %broadcast_in_dim3A_509, %mul3A_58 : vector<16x512xf32>
    %mul3A_511 = arith.mulf %sub3A_510, %sub3A_510 : vector<16x512xf32>
    %mul3A_512 = arith.constant -14.7731972 : f32
    %mul3A_513 = vector.broadcast %mul3A_512 : f32 to vector<16x512xf32>
    %mul3A_514 = arith.mulf %mul3A_511, %mul3A_513 : vector<16x512xf32>
    %exp23A_515 = math.exp2 %mul3A_514 : vector<16x512xf32>
    %slice3A_516 = vector.extract_strided_slice %mul3A_53 {offsets = [15, 0], sizes = [1, 512], strides = [1, 1]} : vector<32x512xf32> to vector<1x512xf32>
    %broadcast_in_dim3A_517 = vector.shape_cast %slice3A_516 : vector<1x512xf32> to vector<1x512xf32>
    %broadcast_in_dim3A_518 = vector.broadcast %broadcast_in_dim3A_517 : vector<1x512xf32> to vector<16x512xf32>
    %mul3A_519 = arith.mulf %exp23A_515, %broadcast_in_dim3A_518 : vector<16x512xf32>
    %add3A_520 = arith.addf %add3A_491, %mul3A_519 : vector<16x512xf32>
    %slice3A_521 = vector.extract_strided_slice %mul3A_64 {offsets = [15, 0], sizes = [1, 512], strides = [1, 1]} : vector<32x512xf32> to vector<1x512xf32>
    %broadcast_in_dim3A_522 = vector.shape_cast %slice3A_521 : vector<1x512xf32> to vector<1x512xf32>
    %broadcast_in_dim3A_523 = vector.broadcast %broadcast_in_dim3A_522 : vector<1x512xf32> to vector<16x512xf32>
    %mul3A_524 = arith.mulf %mul3A_519, %broadcast_in_dim3A_523 : vector<16x512xf32>
    %add3A_525 = arith.addf %add3A_496, %mul3A_524 : vector<16x512xf32>
    %slice3A_526 = vector.extract_strided_slice %mul3A_65 {offsets = [15, 0], sizes = [1, 512], strides = [1, 1]} : vector<32x512xf32> to vector<1x512xf32>
    %broadcast_in_dim3A_527 = vector.shape_cast %slice3A_526 : vector<1x512xf32> to vector<1x512xf32>
    %broadcast_in_dim3A_528 = vector.broadcast %broadcast_in_dim3A_527 : vector<1x512xf32> to vector<16x512xf32>
    %mul3A_529 = arith.mulf %mul3A_519, %broadcast_in_dim3A_528 : vector<16x512xf32>
    %add3A_530 = arith.addf %add3A_501, %mul3A_529 : vector<16x512xf32>
    %slice3A_531 = vector.extract_strided_slice %mul3A_66 {offsets = [15, 0], sizes = [1, 512], strides = [1, 1]} : vector<32x512xf32> to vector<1x512xf32>
    %broadcast_in_dim3A_532 = vector.shape_cast %slice3A_531 : vector<1x512xf32> to vector<1x512xf32>
    %broadcast_in_dim3A_533 = vector.broadcast %broadcast_in_dim3A_532 : vector<1x512xf32> to vector<16x512xf32>
    %mul3A_534 = arith.mulf %mul3A_519, %broadcast_in_dim3A_533 : vector<16x512xf32>
    %add3A_535 = arith.addf %add3A_506, %mul3A_534 : vector<16x512xf32>
    %slice3A_536 = vector.extract_strided_slice %sqrt3A {offsets = [16, 0], sizes = [1, 512], strides = [1, 1]} : vector<32x512xf32> to vector<1x512xf32>
    %broadcast_in_dim3A_537 = vector.shape_cast %slice3A_536 : vector<1x512xf32> to vector<1x512xf32>
    %broadcast_in_dim3A_538 = vector.broadcast %broadcast_in_dim3A_537 : vector<1x512xf32> to vector<16x512xf32>
    %sub3A_539 = arith.subf %broadcast_in_dim3A_538, %mul3A_58 : vector<16x512xf32>
    %mul3A_540 = arith.mulf %sub3A_539, %sub3A_539 : vector<16x512xf32>
    %mul3A_541 = arith.constant -14.7731972 : f32
    %mul3A_542 = vector.broadcast %mul3A_541 : f32 to vector<16x512xf32>
    %mul3A_543 = arith.mulf %mul3A_540, %mul3A_542 : vector<16x512xf32>
    %exp23A_544 = math.exp2 %mul3A_543 : vector<16x512xf32>
    %slice3A_545 = vector.extract_strided_slice %mul3A_53 {offsets = [16, 0], sizes = [1, 512], strides = [1, 1]} : vector<32x512xf32> to vector<1x512xf32>
    %broadcast_in_dim3A_546 = vector.shape_cast %slice3A_545 : vector<1x512xf32> to vector<1x512xf32>
    %broadcast_in_dim3A_547 = vector.broadcast %broadcast_in_dim3A_546 : vector<1x512xf32> to vector<16x512xf32>
    %mul3A_548 = arith.mulf %exp23A_544, %broadcast_in_dim3A_547 : vector<16x512xf32>
    %add3A_549 = arith.addf %add3A_520, %mul3A_548 : vector<16x512xf32>
    %slice3A_550 = vector.extract_strided_slice %mul3A_64 {offsets = [16, 0], sizes = [1, 512], strides = [1, 1]} : vector<32x512xf32> to vector<1x512xf32>
    %broadcast_in_dim3A_551 = vector.shape_cast %slice3A_550 : vector<1x512xf32> to vector<1x512xf32>
    %broadcast_in_dim3A_552 = vector.broadcast %broadcast_in_dim3A_551 : vector<1x512xf32> to vector<16x512xf32>
    %mul3A_553 = arith.mulf %mul3A_548, %broadcast_in_dim3A_552 : vector<16x512xf32>
    %add3A_554 = arith.addf %add3A_525, %mul3A_553 : vector<16x512xf32>
    %slice3A_555 = vector.extract_strided_slice %mul3A_65 {offsets = [16, 0], sizes = [1, 512], strides = [1, 1]} : vector<32x512xf32> to vector<1x512xf32>
    %broadcast_in_dim3A_556 = vector.shape_cast %slice3A_555 : vector<1x512xf32> to vector<1x512xf32>
    %broadcast_in_dim3A_557 = vector.broadcast %broadcast_in_dim3A_556 : vector<1x512xf32> to vector<16x512xf32>
    %mul3A_558 = arith.mulf %mul3A_548, %broadcast_in_dim3A_557 : vector<16x512xf32>
    %add3A_559 = arith.addf %add3A_530, %mul3A_558 : vector<16x512xf32>
    %slice3A_560 = vector.extract_strided_slice %mul3A_66 {offsets = [16, 0], sizes = [1, 512], strides = [1, 1]} : vector<32x512xf32> to vector<1x512xf32>
    %broadcast_in_dim3A_561 = vector.shape_cast %slice3A_560 : vector<1x512xf32> to vector<1x512xf32>
    %broadcast_in_dim3A_562 = vector.broadcast %broadcast_in_dim3A_561 : vector<1x512xf32> to vector<16x512xf32>
    %mul3A_563 = arith.mulf %mul3A_548, %broadcast_in_dim3A_562 : vector<16x512xf32>
    %add3A_564 = arith.addf %add3A_535, %mul3A_563 : vector<16x512xf32>
    %slice3A_565 = vector.extract_strided_slice %sqrt3A {offsets = [17, 0], sizes = [1, 512], strides = [1, 1]} : vector<32x512xf32> to vector<1x512xf32>
    %broadcast_in_dim3A_566 = vector.shape_cast %slice3A_565 : vector<1x512xf32> to vector<1x512xf32>
    %broadcast_in_dim3A_567 = vector.broadcast %broadcast_in_dim3A_566 : vector<1x512xf32> to vector<16x512xf32>
    %sub3A_568 = arith.subf %broadcast_in_dim3A_567, %mul3A_58 : vector<16x512xf32>
    %mul3A_569 = arith.mulf %sub3A_568, %sub3A_568 : vector<16x512xf32>
    %mul3A_570 = arith.constant -14.7731972 : f32
    %mul3A_571 = vector.broadcast %mul3A_570 : f32 to vector<16x512xf32>
    %mul3A_572 = arith.mulf %mul3A_569, %mul3A_571 : vector<16x512xf32>
    %exp23A_573 = math.exp2 %mul3A_572 : vector<16x512xf32>
    %slice3A_574 = vector.extract_strided_slice %mul3A_53 {offsets = [17, 0], sizes = [1, 512], strides = [1, 1]} : vector<32x512xf32> to vector<1x512xf32>
    %broadcast_in_dim3A_575 = vector.shape_cast %slice3A_574 : vector<1x512xf32> to vector<1x512xf32>
    %broadcast_in_dim3A_576 = vector.broadcast %broadcast_in_dim3A_575 : vector<1x512xf32> to vector<16x512xf32>
    %mul3A_577 = arith.mulf %exp23A_573, %broadcast_in_dim3A_576 : vector<16x512xf32>
    %add3A_578 = arith.addf %add3A_549, %mul3A_577 : vector<16x512xf32>
    %slice3A_579 = vector.extract_strided_slice %mul3A_64 {offsets = [17, 0], sizes = [1, 512], strides = [1, 1]} : vector<32x512xf32> to vector<1x512xf32>
    %broadcast_in_dim3A_580 = vector.shape_cast %slice3A_579 : vector<1x512xf32> to vector<1x512xf32>
    %broadcast_in_dim3A_581 = vector.broadcast %broadcast_in_dim3A_580 : vector<1x512xf32> to vector<16x512xf32>
    %mul3A_582 = arith.mulf %mul3A_577, %broadcast_in_dim3A_581 : vector<16x512xf32>
    %add3A_583 = arith.addf %add3A_554, %mul3A_582 : vector<16x512xf32>
    %slice3A_584 = vector.extract_strided_slice %mul3A_65 {offsets = [17, 0], sizes = [1, 512], strides = [1, 1]} : vector<32x512xf32> to vector<1x512xf32>
    %broadcast_in_dim3A_585 = vector.shape_cast %slice3A_584 : vector<1x512xf32> to vector<1x512xf32>
    %broadcast_in_dim3A_586 = vector.broadcast %broadcast_in_dim3A_585 : vector<1x512xf32> to vector<16x512xf32>
    %mul3A_587 = arith.mulf %mul3A_577, %broadcast_in_dim3A_586 : vector<16x512xf32>
    %add3A_588 = arith.addf %add3A_559, %mul3A_587 : vector<16x512xf32>
    %slice3A_589 = vector.extract_strided_slice %mul3A_66 {offsets = [17, 0], sizes = [1, 512], strides = [1, 1]} : vector<32x512xf32> to vector<1x512xf32>
    %broadcast_in_dim3A_590 = vector.shape_cast %slice3A_589 : vector<1x512xf32> to vector<1x512xf32>
    %broadcast_in_dim3A_591 = vector.broadcast %broadcast_in_dim3A_590 : vector<1x512xf32> to vector<16x512xf32>
    %mul3A_592 = arith.mulf %mul3A_577, %broadcast_in_dim3A_591 : vector<16x512xf32>
    %add3A_593 = arith.addf %add3A_564, %mul3A_592 : vector<16x512xf32>
    %slice3A_594 = vector.extract_strided_slice %sqrt3A {offsets = [18, 0], sizes = [1, 512], strides = [1, 1]} : vector<32x512xf32> to vector<1x512xf32>
    %broadcast_in_dim3A_595 = vector.shape_cast %slice3A_594 : vector<1x512xf32> to vector<1x512xf32>
    %broadcast_in_dim3A_596 = vector.broadcast %broadcast_in_dim3A_595 : vector<1x512xf32> to vector<16x512xf32>
    %sub3A_597 = arith.subf %broadcast_in_dim3A_596, %mul3A_58 : vector<16x512xf32>
    %mul3A_598 = arith.mulf %sub3A_597, %sub3A_597 : vector<16x512xf32>
    %mul3A_599 = arith.constant -14.7731972 : f32
    %mul3A_600 = vector.broadcast %mul3A_599 : f32 to vector<16x512xf32>
    %mul3A_601 = arith.mulf %mul3A_598, %mul3A_600 : vector<16x512xf32>
    %exp23A_602 = math.exp2 %mul3A_601 : vector<16x512xf32>
    %slice3A_603 = vector.extract_strided_slice %mul3A_53 {offsets = [18, 0], sizes = [1, 512], strides = [1, 1]} : vector<32x512xf32> to vector<1x512xf32>
    %broadcast_in_dim3A_604 = vector.shape_cast %slice3A_603 : vector<1x512xf32> to vector<1x512xf32>
    %broadcast_in_dim3A_605 = vector.broadcast %broadcast_in_dim3A_604 : vector<1x512xf32> to vector<16x512xf32>
    %mul3A_606 = arith.mulf %exp23A_602, %broadcast_in_dim3A_605 : vector<16x512xf32>
    %add3A_607 = arith.addf %add3A_578, %mul3A_606 : vector<16x512xf32>
    %slice3A_608 = vector.extract_strided_slice %mul3A_64 {offsets = [18, 0], sizes = [1, 512], strides = [1, 1]} : vector<32x512xf32> to vector<1x512xf32>
    %broadcast_in_dim3A_609 = vector.shape_cast %slice3A_608 : vector<1x512xf32> to vector<1x512xf32>
    %broadcast_in_dim3A_610 = vector.broadcast %broadcast_in_dim3A_609 : vector<1x512xf32> to vector<16x512xf32>
    %mul3A_611 = arith.mulf %mul3A_606, %broadcast_in_dim3A_610 : vector<16x512xf32>
    %add3A_612 = arith.addf %add3A_583, %mul3A_611 : vector<16x512xf32>
    %slice3A_613 = vector.extract_strided_slice %mul3A_65 {offsets = [18, 0], sizes = [1, 512], strides = [1, 1]} : vector<32x512xf32> to vector<1x512xf32>
    %broadcast_in_dim3A_614 = vector.shape_cast %slice3A_613 : vector<1x512xf32> to vector<1x512xf32>
    %broadcast_in_dim3A_615 = vector.broadcast %broadcast_in_dim3A_614 : vector<1x512xf32> to vector<16x512xf32>
    %mul3A_616 = arith.mulf %mul3A_606, %broadcast_in_dim3A_615 : vector<16x512xf32>
    %add3A_617 = arith.addf %add3A_588, %mul3A_616 : vector<16x512xf32>
    %slice3A_618 = vector.extract_strided_slice %mul3A_66 {offsets = [18, 0], sizes = [1, 512], strides = [1, 1]} : vector<32x512xf32> to vector<1x512xf32>
    %broadcast_in_dim3A_619 = vector.shape_cast %slice3A_618 : vector<1x512xf32> to vector<1x512xf32>
    %broadcast_in_dim3A_620 = vector.broadcast %broadcast_in_dim3A_619 : vector<1x512xf32> to vector<16x512xf32>
    %mul3A_621 = arith.mulf %mul3A_606, %broadcast_in_dim3A_620 : vector<16x512xf32>
    %add3A_622 = arith.addf %add3A_593, %mul3A_621 : vector<16x512xf32>
    %slice3A_623 = vector.extract_strided_slice %sqrt3A {offsets = [19, 0], sizes = [1, 512], strides = [1, 1]} : vector<32x512xf32> to vector<1x512xf32>
    %broadcast_in_dim3A_624 = vector.shape_cast %slice3A_623 : vector<1x512xf32> to vector<1x512xf32>
    %broadcast_in_dim3A_625 = vector.broadcast %broadcast_in_dim3A_624 : vector<1x512xf32> to vector<16x512xf32>
    %sub3A_626 = arith.subf %broadcast_in_dim3A_625, %mul3A_58 : vector<16x512xf32>
    %mul3A_627 = arith.mulf %sub3A_626, %sub3A_626 : vector<16x512xf32>
    %mul3A_628 = arith.constant -14.7731972 : f32
    %mul3A_629 = vector.broadcast %mul3A_628 : f32 to vector<16x512xf32>
    %mul3A_630 = arith.mulf %mul3A_627, %mul3A_629 : vector<16x512xf32>
    %exp23A_631 = math.exp2 %mul3A_630 : vector<16x512xf32>
    %slice3A_632 = vector.extract_strided_slice %mul3A_53 {offsets = [19, 0], sizes = [1, 512], strides = [1, 1]} : vector<32x512xf32> to vector<1x512xf32>
    %broadcast_in_dim3A_633 = vector.shape_cast %slice3A_632 : vector<1x512xf32> to vector<1x512xf32>
    %broadcast_in_dim3A_634 = vector.broadcast %broadcast_in_dim3A_633 : vector<1x512xf32> to vector<16x512xf32>
    %mul3A_635 = arith.mulf %exp23A_631, %broadcast_in_dim3A_634 : vector<16x512xf32>
    %add3A_636 = arith.addf %add3A_607, %mul3A_635 : vector<16x512xf32>
    %slice3A_637 = vector.extract_strided_slice %mul3A_64 {offsets = [19, 0], sizes = [1, 512], strides = [1, 1]} : vector<32x512xf32> to vector<1x512xf32>
    %broadcast_in_dim3A_638 = vector.shape_cast %slice3A_637 : vector<1x512xf32> to vector<1x512xf32>
    %broadcast_in_dim3A_639 = vector.broadcast %broadcast_in_dim3A_638 : vector<1x512xf32> to vector<16x512xf32>
    %mul3A_640 = arith.mulf %mul3A_635, %broadcast_in_dim3A_639 : vector<16x512xf32>
    %add3A_641 = arith.addf %add3A_612, %mul3A_640 : vector<16x512xf32>
    %slice3A_642 = vector.extract_strided_slice %mul3A_65 {offsets = [19, 0], sizes = [1, 512], strides = [1, 1]} : vector<32x512xf32> to vector<1x512xf32>
    %broadcast_in_dim3A_643 = vector.shape_cast %slice3A_642 : vector<1x512xf32> to vector<1x512xf32>
    %broadcast_in_dim3A_644 = vector.broadcast %broadcast_in_dim3A_643 : vector<1x512xf32> to vector<16x512xf32>
    %mul3A_645 = arith.mulf %mul3A_635, %broadcast_in_dim3A_644 : vector<16x512xf32>
    %add3A_646 = arith.addf %add3A_617, %mul3A_645 : vector<16x512xf32>
    %slice3A_647 = vector.extract_strided_slice %mul3A_66 {offsets = [19, 0], sizes = [1, 512], strides = [1, 1]} : vector<32x512xf32> to vector<1x512xf32>
    %broadcast_in_dim3A_648 = vector.shape_cast %slice3A_647 : vector<1x512xf32> to vector<1x512xf32>
    %broadcast_in_dim3A_649 = vector.broadcast %broadcast_in_dim3A_648 : vector<1x512xf32> to vector<16x512xf32>
    %mul3A_650 = arith.mulf %mul3A_635, %broadcast_in_dim3A_649 : vector<16x512xf32>
    %add3A_651 = arith.addf %add3A_622, %mul3A_650 : vector<16x512xf32>
    %slice3A_652 = vector.extract_strided_slice %sqrt3A {offsets = [20, 0], sizes = [1, 512], strides = [1, 1]} : vector<32x512xf32> to vector<1x512xf32>
    %broadcast_in_dim3A_653 = vector.shape_cast %slice3A_652 : vector<1x512xf32> to vector<1x512xf32>
    %broadcast_in_dim3A_654 = vector.broadcast %broadcast_in_dim3A_653 : vector<1x512xf32> to vector<16x512xf32>
    %sub3A_655 = arith.subf %broadcast_in_dim3A_654, %mul3A_58 : vector<16x512xf32>
    %mul3A_656 = arith.mulf %sub3A_655, %sub3A_655 : vector<16x512xf32>
    %mul3A_657 = arith.constant -14.7731972 : f32
    %mul3A_658 = vector.broadcast %mul3A_657 : f32 to vector<16x512xf32>
    %mul3A_659 = arith.mulf %mul3A_656, %mul3A_658 : vector<16x512xf32>
    %exp23A_660 = math.exp2 %mul3A_659 : vector<16x512xf32>
    %slice3A_661 = vector.extract_strided_slice %mul3A_53 {offsets = [20, 0], sizes = [1, 512], strides = [1, 1]} : vector<32x512xf32> to vector<1x512xf32>
    %broadcast_in_dim3A_662 = vector.shape_cast %slice3A_661 : vector<1x512xf32> to vector<1x512xf32>
    %broadcast_in_dim3A_663 = vector.broadcast %broadcast_in_dim3A_662 : vector<1x512xf32> to vector<16x512xf32>
    %mul3A_664 = arith.mulf %exp23A_660, %broadcast_in_dim3A_663 : vector<16x512xf32>
    %add3A_665 = arith.addf %add3A_636, %mul3A_664 : vector<16x512xf32>
    %slice3A_666 = vector.extract_strided_slice %mul3A_64 {offsets = [20, 0], sizes = [1, 512], strides = [1, 1]} : vector<32x512xf32> to vector<1x512xf32>
    %broadcast_in_dim3A_667 = vector.shape_cast %slice3A_666 : vector<1x512xf32> to vector<1x512xf32>
    %broadcast_in_dim3A_668 = vector.broadcast %broadcast_in_dim3A_667 : vector<1x512xf32> to vector<16x512xf32>
    %mul3A_669 = arith.mulf %mul3A_664, %broadcast_in_dim3A_668 : vector<16x512xf32>
    %add3A_670 = arith.addf %add3A_641, %mul3A_669 : vector<16x512xf32>
    %slice3A_671 = vector.extract_strided_slice %mul3A_65 {offsets = [20, 0], sizes = [1, 512], strides = [1, 1]} : vector<32x512xf32> to vector<1x512xf32>
    %broadcast_in_dim3A_672 = vector.shape_cast %slice3A_671 : vector<1x512xf32> to vector<1x512xf32>
    %broadcast_in_dim3A_673 = vector.broadcast %broadcast_in_dim3A_672 : vector<1x512xf32> to vector<16x512xf32>
    %mul3A_674 = arith.mulf %mul3A_664, %broadcast_in_dim3A_673 : vector<16x512xf32>
    %add3A_675 = arith.addf %add3A_646, %mul3A_674 : vector<16x512xf32>
    %slice3A_676 = vector.extract_strided_slice %mul3A_66 {offsets = [20, 0], sizes = [1, 512], strides = [1, 1]} : vector<32x512xf32> to vector<1x512xf32>
    %broadcast_in_dim3A_677 = vector.shape_cast %slice3A_676 : vector<1x512xf32> to vector<1x512xf32>
    %broadcast_in_dim3A_678 = vector.broadcast %broadcast_in_dim3A_677 : vector<1x512xf32> to vector<16x512xf32>
    %mul3A_679 = arith.mulf %mul3A_664, %broadcast_in_dim3A_678 : vector<16x512xf32>
    %add3A_680 = arith.addf %add3A_651, %mul3A_679 : vector<16x512xf32>
    %slice3A_681 = vector.extract_strided_slice %sqrt3A {offsets = [21, 0], sizes = [1, 512], strides = [1, 1]} : vector<32x512xf32> to vector<1x512xf32>
    %broadcast_in_dim3A_682 = vector.shape_cast %slice3A_681 : vector<1x512xf32> to vector<1x512xf32>
    %broadcast_in_dim3A_683 = vector.broadcast %broadcast_in_dim3A_682 : vector<1x512xf32> to vector<16x512xf32>
    %sub3A_684 = arith.subf %broadcast_in_dim3A_683, %mul3A_58 : vector<16x512xf32>
    %mul3A_685 = arith.mulf %sub3A_684, %sub3A_684 : vector<16x512xf32>
    %mul3A_686 = arith.constant -14.7731972 : f32
    %mul3A_687 = vector.broadcast %mul3A_686 : f32 to vector<16x512xf32>
    %mul3A_688 = arith.mulf %mul3A_685, %mul3A_687 : vector<16x512xf32>
    %exp23A_689 = math.exp2 %mul3A_688 : vector<16x512xf32>
    %slice3A_690 = vector.extract_strided_slice %mul3A_53 {offsets = [21, 0], sizes = [1, 512], strides = [1, 1]} : vector<32x512xf32> to vector<1x512xf32>
    %broadcast_in_dim3A_691 = vector.shape_cast %slice3A_690 : vector<1x512xf32> to vector<1x512xf32>
    %broadcast_in_dim3A_692 = vector.broadcast %broadcast_in_dim3A_691 : vector<1x512xf32> to vector<16x512xf32>
    %mul3A_693 = arith.mulf %exp23A_689, %broadcast_in_dim3A_692 : vector<16x512xf32>
    %add3A_694 = arith.addf %add3A_665, %mul3A_693 : vector<16x512xf32>
    %slice3A_695 = vector.extract_strided_slice %mul3A_64 {offsets = [21, 0], sizes = [1, 512], strides = [1, 1]} : vector<32x512xf32> to vector<1x512xf32>
    %broadcast_in_dim3A_696 = vector.shape_cast %slice3A_695 : vector<1x512xf32> to vector<1x512xf32>
    %broadcast_in_dim3A_697 = vector.broadcast %broadcast_in_dim3A_696 : vector<1x512xf32> to vector<16x512xf32>
    %mul3A_698 = arith.mulf %mul3A_693, %broadcast_in_dim3A_697 : vector<16x512xf32>
    %add3A_699 = arith.addf %add3A_670, %mul3A_698 : vector<16x512xf32>
    %slice3A_700 = vector.extract_strided_slice %mul3A_65 {offsets = [21, 0], sizes = [1, 512], strides = [1, 1]} : vector<32x512xf32> to vector<1x512xf32>
    %broadcast_in_dim3A_701 = vector.shape_cast %slice3A_700 : vector<1x512xf32> to vector<1x512xf32>
    %broadcast_in_dim3A_702 = vector.broadcast %broadcast_in_dim3A_701 : vector<1x512xf32> to vector<16x512xf32>
    %mul3A_703 = arith.mulf %mul3A_693, %broadcast_in_dim3A_702 : vector<16x512xf32>
    %add3A_704 = arith.addf %add3A_675, %mul3A_703 : vector<16x512xf32>
    %slice3A_705 = vector.extract_strided_slice %mul3A_66 {offsets = [21, 0], sizes = [1, 512], strides = [1, 1]} : vector<32x512xf32> to vector<1x512xf32>
    %broadcast_in_dim3A_706 = vector.shape_cast %slice3A_705 : vector<1x512xf32> to vector<1x512xf32>
    %broadcast_in_dim3A_707 = vector.broadcast %broadcast_in_dim3A_706 : vector<1x512xf32> to vector<16x512xf32>
    %mul3A_708 = arith.mulf %mul3A_693, %broadcast_in_dim3A_707 : vector<16x512xf32>
    %add3A_709 = arith.addf %add3A_680, %mul3A_708 : vector<16x512xf32>
    %slice3A_710 = vector.extract_strided_slice %sqrt3A {offsets = [22, 0], sizes = [1, 512], strides = [1, 1]} : vector<32x512xf32> to vector<1x512xf32>
    %broadcast_in_dim3A_711 = vector.shape_cast %slice3A_710 : vector<1x512xf32> to vector<1x512xf32>
    %broadcast_in_dim3A_712 = vector.broadcast %broadcast_in_dim3A_711 : vector<1x512xf32> to vector<16x512xf32>
    %sub3A_713 = arith.subf %broadcast_in_dim3A_712, %mul3A_58 : vector<16x512xf32>
    %mul3A_714 = arith.mulf %sub3A_713, %sub3A_713 : vector<16x512xf32>
    %mul3A_715 = arith.constant -14.7731972 : f32
    %mul3A_716 = vector.broadcast %mul3A_715 : f32 to vector<16x512xf32>
    %mul3A_717 = arith.mulf %mul3A_714, %mul3A_716 : vector<16x512xf32>
    %exp23A_718 = math.exp2 %mul3A_717 : vector<16x512xf32>
    %slice3A_719 = vector.extract_strided_slice %mul3A_53 {offsets = [22, 0], sizes = [1, 512], strides = [1, 1]} : vector<32x512xf32> to vector<1x512xf32>
    %broadcast_in_dim3A_720 = vector.shape_cast %slice3A_719 : vector<1x512xf32> to vector<1x512xf32>
    %broadcast_in_dim3A_721 = vector.broadcast %broadcast_in_dim3A_720 : vector<1x512xf32> to vector<16x512xf32>
    %mul3A_722 = arith.mulf %exp23A_718, %broadcast_in_dim3A_721 : vector<16x512xf32>
    %add3A_723 = arith.addf %add3A_694, %mul3A_722 : vector<16x512xf32>
    %slice3A_724 = vector.extract_strided_slice %mul3A_64 {offsets = [22, 0], sizes = [1, 512], strides = [1, 1]} : vector<32x512xf32> to vector<1x512xf32>
    %broadcast_in_dim3A_725 = vector.shape_cast %slice3A_724 : vector<1x512xf32> to vector<1x512xf32>
    %broadcast_in_dim3A_726 = vector.broadcast %broadcast_in_dim3A_725 : vector<1x512xf32> to vector<16x512xf32>
    %mul3A_727 = arith.mulf %mul3A_722, %broadcast_in_dim3A_726 : vector<16x512xf32>
    %add3A_728 = arith.addf %add3A_699, %mul3A_727 : vector<16x512xf32>
    %slice3A_729 = vector.extract_strided_slice %mul3A_65 {offsets = [22, 0], sizes = [1, 512], strides = [1, 1]} : vector<32x512xf32> to vector<1x512xf32>
    %broadcast_in_dim3A_730 = vector.shape_cast %slice3A_729 : vector<1x512xf32> to vector<1x512xf32>
    %broadcast_in_dim3A_731 = vector.broadcast %broadcast_in_dim3A_730 : vector<1x512xf32> to vector<16x512xf32>
    %mul3A_732 = arith.mulf %mul3A_722, %broadcast_in_dim3A_731 : vector<16x512xf32>
    %add3A_733 = arith.addf %add3A_704, %mul3A_732 : vector<16x512xf32>
    %slice3A_734 = vector.extract_strided_slice %mul3A_66 {offsets = [22, 0], sizes = [1, 512], strides = [1, 1]} : vector<32x512xf32> to vector<1x512xf32>
    %broadcast_in_dim3A_735 = vector.shape_cast %slice3A_734 : vector<1x512xf32> to vector<1x512xf32>
    %broadcast_in_dim3A_736 = vector.broadcast %broadcast_in_dim3A_735 : vector<1x512xf32> to vector<16x512xf32>
    %mul3A_737 = arith.mulf %mul3A_722, %broadcast_in_dim3A_736 : vector<16x512xf32>
    %add3A_738 = arith.addf %add3A_709, %mul3A_737 : vector<16x512xf32>
    %slice3A_739 = vector.extract_strided_slice %sqrt3A {offsets = [23, 0], sizes = [1, 512], strides = [1, 1]} : vector<32x512xf32> to vector<1x512xf32>
    %broadcast_in_dim3A_740 = vector.shape_cast %slice3A_739 : vector<1x512xf32> to vector<1x512xf32>
    %broadcast_in_dim3A_741 = vector.broadcast %broadcast_in_dim3A_740 : vector<1x512xf32> to vector<16x512xf32>
    %sub3A_742 = arith.subf %broadcast_in_dim3A_741, %mul3A_58 : vector<16x512xf32>
    %mul3A_743 = arith.mulf %sub3A_742, %sub3A_742 : vector<16x512xf32>
    %mul3A_744 = arith.constant -14.7731972 : f32
    %mul3A_745 = vector.broadcast %mul3A_744 : f32 to vector<16x512xf32>
    %mul3A_746 = arith.mulf %mul3A_743, %mul3A_745 : vector<16x512xf32>
    %exp23A_747 = math.exp2 %mul3A_746 : vector<16x512xf32>
    %slice3A_748 = vector.extract_strided_slice %mul3A_53 {offsets = [23, 0], sizes = [1, 512], strides = [1, 1]} : vector<32x512xf32> to vector<1x512xf32>
    %broadcast_in_dim3A_749 = vector.shape_cast %slice3A_748 : vector<1x512xf32> to vector<1x512xf32>
    %broadcast_in_dim3A_750 = vector.broadcast %broadcast_in_dim3A_749 : vector<1x512xf32> to vector<16x512xf32>
    %mul3A_751 = arith.mulf %exp23A_747, %broadcast_in_dim3A_750 : vector<16x512xf32>
    %add3A_752 = arith.addf %add3A_723, %mul3A_751 : vector<16x512xf32>
    %slice3A_753 = vector.extract_strided_slice %mul3A_64 {offsets = [23, 0], sizes = [1, 512], strides = [1, 1]} : vector<32x512xf32> to vector<1x512xf32>
    %broadcast_in_dim3A_754 = vector.shape_cast %slice3A_753 : vector<1x512xf32> to vector<1x512xf32>
    %broadcast_in_dim3A_755 = vector.broadcast %broadcast_in_dim3A_754 : vector<1x512xf32> to vector<16x512xf32>
    %mul3A_756 = arith.mulf %mul3A_751, %broadcast_in_dim3A_755 : vector<16x512xf32>
    %add3A_757 = arith.addf %add3A_728, %mul3A_756 : vector<16x512xf32>
    %slice3A_758 = vector.extract_strided_slice %mul3A_65 {offsets = [23, 0], sizes = [1, 512], strides = [1, 1]} : vector<32x512xf32> to vector<1x512xf32>
    %broadcast_in_dim3A_759 = vector.shape_cast %slice3A_758 : vector<1x512xf32> to vector<1x512xf32>
    %broadcast_in_dim3A_760 = vector.broadcast %broadcast_in_dim3A_759 : vector<1x512xf32> to vector<16x512xf32>
    %mul3A_761 = arith.mulf %mul3A_751, %broadcast_in_dim3A_760 : vector<16x512xf32>
    %add3A_762 = arith.addf %add3A_733, %mul3A_761 : vector<16x512xf32>
    %slice3A_763 = vector.extract_strided_slice %mul3A_66 {offsets = [23, 0], sizes = [1, 512], strides = [1, 1]} : vector<32x512xf32> to vector<1x512xf32>
    %broadcast_in_dim3A_764 = vector.shape_cast %slice3A_763 : vector<1x512xf32> to vector<1x512xf32>
    %broadcast_in_dim3A_765 = vector.broadcast %broadcast_in_dim3A_764 : vector<1x512xf32> to vector<16x512xf32>
    %mul3A_766 = arith.mulf %mul3A_751, %broadcast_in_dim3A_765 : vector<16x512xf32>
    %add3A_767 = arith.addf %add3A_738, %mul3A_766 : vector<16x512xf32>
    %slice3A_768 = vector.extract_strided_slice %sqrt3A {offsets = [24, 0], sizes = [1, 512], strides = [1, 1]} : vector<32x512xf32> to vector<1x512xf32>
    %broadcast_in_dim3A_769 = vector.shape_cast %slice3A_768 : vector<1x512xf32> to vector<1x512xf32>
    %broadcast_in_dim3A_770 = vector.broadcast %broadcast_in_dim3A_769 : vector<1x512xf32> to vector<16x512xf32>
    %sub3A_771 = arith.subf %broadcast_in_dim3A_770, %mul3A_58 : vector<16x512xf32>
    %mul3A_772 = arith.mulf %sub3A_771, %sub3A_771 : vector<16x512xf32>
    %mul3A_773 = arith.constant -14.7731972 : f32
    %mul3A_774 = vector.broadcast %mul3A_773 : f32 to vector<16x512xf32>
    %mul3A_775 = arith.mulf %mul3A_772, %mul3A_774 : vector<16x512xf32>
    %exp23A_776 = math.exp2 %mul3A_775 : vector<16x512xf32>
    %slice3A_777 = vector.extract_strided_slice %mul3A_53 {offsets = [24, 0], sizes = [1, 512], strides = [1, 1]} : vector<32x512xf32> to vector<1x512xf32>
    %broadcast_in_dim3A_778 = vector.shape_cast %slice3A_777 : vector<1x512xf32> to vector<1x512xf32>
    %broadcast_in_dim3A_779 = vector.broadcast %broadcast_in_dim3A_778 : vector<1x512xf32> to vector<16x512xf32>
    %mul3A_780 = arith.mulf %exp23A_776, %broadcast_in_dim3A_779 : vector<16x512xf32>
    %add3A_781 = arith.addf %add3A_752, %mul3A_780 : vector<16x512xf32>
    %slice3A_782 = vector.extract_strided_slice %mul3A_64 {offsets = [24, 0], sizes = [1, 512], strides = [1, 1]} : vector<32x512xf32> to vector<1x512xf32>
    %broadcast_in_dim3A_783 = vector.shape_cast %slice3A_782 : vector<1x512xf32> to vector<1x512xf32>
    %broadcast_in_dim3A_784 = vector.broadcast %broadcast_in_dim3A_783 : vector<1x512xf32> to vector<16x512xf32>
    %mul3A_785 = arith.mulf %mul3A_780, %broadcast_in_dim3A_784 : vector<16x512xf32>
    %add3A_786 = arith.addf %add3A_757, %mul3A_785 : vector<16x512xf32>
    %slice3A_787 = vector.extract_strided_slice %mul3A_65 {offsets = [24, 0], sizes = [1, 512], strides = [1, 1]} : vector<32x512xf32> to vector<1x512xf32>
    %broadcast_in_dim3A_788 = vector.shape_cast %slice3A_787 : vector<1x512xf32> to vector<1x512xf32>
    %broadcast_in_dim3A_789 = vector.broadcast %broadcast_in_dim3A_788 : vector<1x512xf32> to vector<16x512xf32>
    %mul3A_790 = arith.mulf %mul3A_780, %broadcast_in_dim3A_789 : vector<16x512xf32>
    %add3A_791 = arith.addf %add3A_762, %mul3A_790 : vector<16x512xf32>
    %slice3A_792 = vector.extract_strided_slice %mul3A_66 {offsets = [24, 0], sizes = [1, 512], strides = [1, 1]} : vector<32x512xf32> to vector<1x512xf32>
    %broadcast_in_dim3A_793 = vector.shape_cast %slice3A_792 : vector<1x512xf32> to vector<1x512xf32>
    %broadcast_in_dim3A_794 = vector.broadcast %broadcast_in_dim3A_793 : vector<1x512xf32> to vector<16x512xf32>
    %mul3A_795 = arith.mulf %mul3A_780, %broadcast_in_dim3A_794 : vector<16x512xf32>
    %add3A_796 = arith.addf %add3A_767, %mul3A_795 : vector<16x512xf32>
    %slice3A_797 = vector.extract_strided_slice %sqrt3A {offsets = [25, 0], sizes = [1, 512], strides = [1, 1]} : vector<32x512xf32> to vector<1x512xf32>
    %broadcast_in_dim3A_798 = vector.shape_cast %slice3A_797 : vector<1x512xf32> to vector<1x512xf32>
    %broadcast_in_dim3A_799 = vector.broadcast %broadcast_in_dim3A_798 : vector<1x512xf32> to vector<16x512xf32>
    %sub3A_800 = arith.subf %broadcast_in_dim3A_799, %mul3A_58 : vector<16x512xf32>
    %mul3A_801 = arith.mulf %sub3A_800, %sub3A_800 : vector<16x512xf32>
    %mul3A_802 = arith.constant -14.7731972 : f32
    %mul3A_803 = vector.broadcast %mul3A_802 : f32 to vector<16x512xf32>
    %mul3A_804 = arith.mulf %mul3A_801, %mul3A_803 : vector<16x512xf32>
    %exp23A_805 = math.exp2 %mul3A_804 : vector<16x512xf32>
    %slice3A_806 = vector.extract_strided_slice %mul3A_53 {offsets = [25, 0], sizes = [1, 512], strides = [1, 1]} : vector<32x512xf32> to vector<1x512xf32>
    %broadcast_in_dim3A_807 = vector.shape_cast %slice3A_806 : vector<1x512xf32> to vector<1x512xf32>
    %broadcast_in_dim3A_808 = vector.broadcast %broadcast_in_dim3A_807 : vector<1x512xf32> to vector<16x512xf32>
    %mul3A_809 = arith.mulf %exp23A_805, %broadcast_in_dim3A_808 : vector<16x512xf32>
    %add3A_810 = arith.addf %add3A_781, %mul3A_809 : vector<16x512xf32>
    %slice3A_811 = vector.extract_strided_slice %mul3A_64 {offsets = [25, 0], sizes = [1, 512], strides = [1, 1]} : vector<32x512xf32> to vector<1x512xf32>
    %broadcast_in_dim3A_812 = vector.shape_cast %slice3A_811 : vector<1x512xf32> to vector<1x512xf32>
    %broadcast_in_dim3A_813 = vector.broadcast %broadcast_in_dim3A_812 : vector<1x512xf32> to vector<16x512xf32>
    %mul3A_814 = arith.mulf %mul3A_809, %broadcast_in_dim3A_813 : vector<16x512xf32>
    %add3A_815 = arith.addf %add3A_786, %mul3A_814 : vector<16x512xf32>
    %slice3A_816 = vector.extract_strided_slice %mul3A_65 {offsets = [25, 0], sizes = [1, 512], strides = [1, 1]} : vector<32x512xf32> to vector<1x512xf32>
    %broadcast_in_dim3A_817 = vector.shape_cast %slice3A_816 : vector<1x512xf32> to vector<1x512xf32>
    %broadcast_in_dim3A_818 = vector.broadcast %broadcast_in_dim3A_817 : vector<1x512xf32> to vector<16x512xf32>
    %mul3A_819 = arith.mulf %mul3A_809, %broadcast_in_dim3A_818 : vector<16x512xf32>
    %add3A_820 = arith.addf %add3A_791, %mul3A_819 : vector<16x512xf32>
    %slice3A_821 = vector.extract_strided_slice %mul3A_66 {offsets = [25, 0], sizes = [1, 512], strides = [1, 1]} : vector<32x512xf32> to vector<1x512xf32>
    %broadcast_in_dim3A_822 = vector.shape_cast %slice3A_821 : vector<1x512xf32> to vector<1x512xf32>
    %broadcast_in_dim3A_823 = vector.broadcast %broadcast_in_dim3A_822 : vector<1x512xf32> to vector<16x512xf32>
    %mul3A_824 = arith.mulf %mul3A_809, %broadcast_in_dim3A_823 : vector<16x512xf32>
    %add3A_825 = arith.addf %add3A_796, %mul3A_824 : vector<16x512xf32>
    %slice3A_826 = vector.extract_strided_slice %sqrt3A {offsets = [26, 0], sizes = [1, 512], strides = [1, 1]} : vector<32x512xf32> to vector<1x512xf32>
    %broadcast_in_dim3A_827 = vector.shape_cast %slice3A_826 : vector<1x512xf32> to vector<1x512xf32>
    %broadcast_in_dim3A_828 = vector.broadcast %broadcast_in_dim3A_827 : vector<1x512xf32> to vector<16x512xf32>
    %sub3A_829 = arith.subf %broadcast_in_dim3A_828, %mul3A_58 : vector<16x512xf32>
    %mul3A_830 = arith.mulf %sub3A_829, %sub3A_829 : vector<16x512xf32>
    %mul3A_831 = arith.constant -14.7731972 : f32
    %mul3A_832 = vector.broadcast %mul3A_831 : f32 to vector<16x512xf32>
    %mul3A_833 = arith.mulf %mul3A_830, %mul3A_832 : vector<16x512xf32>
    %exp23A_834 = math.exp2 %mul3A_833 : vector<16x512xf32>
    %slice3A_835 = vector.extract_strided_slice %mul3A_53 {offsets = [26, 0], sizes = [1, 512], strides = [1, 1]} : vector<32x512xf32> to vector<1x512xf32>
    %broadcast_in_dim3A_836 = vector.shape_cast %slice3A_835 : vector<1x512xf32> to vector<1x512xf32>
    %broadcast_in_dim3A_837 = vector.broadcast %broadcast_in_dim3A_836 : vector<1x512xf32> to vector<16x512xf32>
    %mul3A_838 = arith.mulf %exp23A_834, %broadcast_in_dim3A_837 : vector<16x512xf32>
    %add3A_839 = arith.addf %add3A_810, %mul3A_838 : vector<16x512xf32>
    %slice3A_840 = vector.extract_strided_slice %mul3A_64 {offsets = [26, 0], sizes = [1, 512], strides = [1, 1]} : vector<32x512xf32> to vector<1x512xf32>
    %broadcast_in_dim3A_841 = vector.shape_cast %slice3A_840 : vector<1x512xf32> to vector<1x512xf32>
    %broadcast_in_dim3A_842 = vector.broadcast %broadcast_in_dim3A_841 : vector<1x512xf32> to vector<16x512xf32>
    %mul3A_843 = arith.mulf %mul3A_838, %broadcast_in_dim3A_842 : vector<16x512xf32>
    %add3A_844 = arith.addf %add3A_815, %mul3A_843 : vector<16x512xf32>
    %slice3A_845 = vector.extract_strided_slice %mul3A_65 {offsets = [26, 0], sizes = [1, 512], strides = [1, 1]} : vector<32x512xf32> to vector<1x512xf32>
    %broadcast_in_dim3A_846 = vector.shape_cast %slice3A_845 : vector<1x512xf32> to vector<1x512xf32>
    %broadcast_in_dim3A_847 = vector.broadcast %broadcast_in_dim3A_846 : vector<1x512xf32> to vector<16x512xf32>
    %mul3A_848 = arith.mulf %mul3A_838, %broadcast_in_dim3A_847 : vector<16x512xf32>
    %add3A_849 = arith.addf %add3A_820, %mul3A_848 : vector<16x512xf32>
    %slice3A_850 = vector.extract_strided_slice %mul3A_66 {offsets = [26, 0], sizes = [1, 512], strides = [1, 1]} : vector<32x512xf32> to vector<1x512xf32>
    %broadcast_in_dim3A_851 = vector.shape_cast %slice3A_850 : vector<1x512xf32> to vector<1x512xf32>
    %broadcast_in_dim3A_852 = vector.broadcast %broadcast_in_dim3A_851 : vector<1x512xf32> to vector<16x512xf32>
    %mul3A_853 = arith.mulf %mul3A_838, %broadcast_in_dim3A_852 : vector<16x512xf32>
    %add3A_854 = arith.addf %add3A_825, %mul3A_853 : vector<16x512xf32>
    %slice3A_855 = vector.extract_strided_slice %sqrt3A {offsets = [27, 0], sizes = [1, 512], strides = [1, 1]} : vector<32x512xf32> to vector<1x512xf32>
    %broadcast_in_dim3A_856 = vector.shape_cast %slice3A_855 : vector<1x512xf32> to vector<1x512xf32>
    %broadcast_in_dim3A_857 = vector.broadcast %broadcast_in_dim3A_856 : vector<1x512xf32> to vector<16x512xf32>
    %sub3A_858 = arith.subf %broadcast_in_dim3A_857, %mul3A_58 : vector<16x512xf32>
    %mul3A_859 = arith.mulf %sub3A_858, %sub3A_858 : vector<16x512xf32>
    %mul3A_860 = arith.constant -14.7731972 : f32
    %mul3A_861 = vector.broadcast %mul3A_860 : f32 to vector<16x512xf32>
    %mul3A_862 = arith.mulf %mul3A_859, %mul3A_861 : vector<16x512xf32>
    %exp23A_863 = math.exp2 %mul3A_862 : vector<16x512xf32>
    %slice3A_864 = vector.extract_strided_slice %mul3A_53 {offsets = [27, 0], sizes = [1, 512], strides = [1, 1]} : vector<32x512xf32> to vector<1x512xf32>
    %broadcast_in_dim3A_865 = vector.shape_cast %slice3A_864 : vector<1x512xf32> to vector<1x512xf32>
    %broadcast_in_dim3A_866 = vector.broadcast %broadcast_in_dim3A_865 : vector<1x512xf32> to vector<16x512xf32>
    %mul3A_867 = arith.mulf %exp23A_863, %broadcast_in_dim3A_866 : vector<16x512xf32>
    %add3A_868 = arith.addf %add3A_839, %mul3A_867 : vector<16x512xf32>
    %slice3A_869 = vector.extract_strided_slice %mul3A_64 {offsets = [27, 0], sizes = [1, 512], strides = [1, 1]} : vector<32x512xf32> to vector<1x512xf32>
    %broadcast_in_dim3A_870 = vector.shape_cast %slice3A_869 : vector<1x512xf32> to vector<1x512xf32>
    %broadcast_in_dim3A_871 = vector.broadcast %broadcast_in_dim3A_870 : vector<1x512xf32> to vector<16x512xf32>
    %mul3A_872 = arith.mulf %mul3A_867, %broadcast_in_dim3A_871 : vector<16x512xf32>
    %add3A_873 = arith.addf %add3A_844, %mul3A_872 : vector<16x512xf32>
    %slice3A_874 = vector.extract_strided_slice %mul3A_65 {offsets = [27, 0], sizes = [1, 512], strides = [1, 1]} : vector<32x512xf32> to vector<1x512xf32>
    %broadcast_in_dim3A_875 = vector.shape_cast %slice3A_874 : vector<1x512xf32> to vector<1x512xf32>
    %broadcast_in_dim3A_876 = vector.broadcast %broadcast_in_dim3A_875 : vector<1x512xf32> to vector<16x512xf32>
    %mul3A_877 = arith.mulf %mul3A_867, %broadcast_in_dim3A_876 : vector<16x512xf32>
    %add3A_878 = arith.addf %add3A_849, %mul3A_877 : vector<16x512xf32>
    %slice3A_879 = vector.extract_strided_slice %mul3A_66 {offsets = [27, 0], sizes = [1, 512], strides = [1, 1]} : vector<32x512xf32> to vector<1x512xf32>
    %broadcast_in_dim3A_880 = vector.shape_cast %slice3A_879 : vector<1x512xf32> to vector<1x512xf32>
    %broadcast_in_dim3A_881 = vector.broadcast %broadcast_in_dim3A_880 : vector<1x512xf32> to vector<16x512xf32>
    %mul3A_882 = arith.mulf %mul3A_867, %broadcast_in_dim3A_881 : vector<16x512xf32>
    %add3A_883 = arith.addf %add3A_854, %mul3A_882 : vector<16x512xf32>
    %slice3A_884 = vector.extract_strided_slice %sqrt3A {offsets = [28, 0], sizes = [1, 512], strides = [1, 1]} : vector<32x512xf32> to vector<1x512xf32>
    %broadcast_in_dim3A_885 = vector.shape_cast %slice3A_884 : vector<1x512xf32> to vector<1x512xf32>
    %broadcast_in_dim3A_886 = vector.broadcast %broadcast_in_dim3A_885 : vector<1x512xf32> to vector<16x512xf32>
    %sub3A_887 = arith.subf %broadcast_in_dim3A_886, %mul3A_58 : vector<16x512xf32>
    %mul3A_888 = arith.mulf %sub3A_887, %sub3A_887 : vector<16x512xf32>
    %mul3A_889 = arith.constant -14.7731972 : f32
    %mul3A_890 = vector.broadcast %mul3A_889 : f32 to vector<16x512xf32>
    %mul3A_891 = arith.mulf %mul3A_888, %mul3A_890 : vector<16x512xf32>
    %exp23A_892 = math.exp2 %mul3A_891 : vector<16x512xf32>
    %slice3A_893 = vector.extract_strided_slice %mul3A_53 {offsets = [28, 0], sizes = [1, 512], strides = [1, 1]} : vector<32x512xf32> to vector<1x512xf32>
    %broadcast_in_dim3A_894 = vector.shape_cast %slice3A_893 : vector<1x512xf32> to vector<1x512xf32>
    %broadcast_in_dim3A_895 = vector.broadcast %broadcast_in_dim3A_894 : vector<1x512xf32> to vector<16x512xf32>
    %mul3A_896 = arith.mulf %exp23A_892, %broadcast_in_dim3A_895 : vector<16x512xf32>
    %add3A_897 = arith.addf %add3A_868, %mul3A_896 : vector<16x512xf32>
    %slice3A_898 = vector.extract_strided_slice %mul3A_64 {offsets = [28, 0], sizes = [1, 512], strides = [1, 1]} : vector<32x512xf32> to vector<1x512xf32>
    %broadcast_in_dim3A_899 = vector.shape_cast %slice3A_898 : vector<1x512xf32> to vector<1x512xf32>
    %broadcast_in_dim3A_900 = vector.broadcast %broadcast_in_dim3A_899 : vector<1x512xf32> to vector<16x512xf32>
    %mul3A_901 = arith.mulf %mul3A_896, %broadcast_in_dim3A_900 : vector<16x512xf32>
    %add3A_902 = arith.addf %add3A_873, %mul3A_901 : vector<16x512xf32>
    %slice3A_903 = vector.extract_strided_slice %mul3A_65 {offsets = [28, 0], sizes = [1, 512], strides = [1, 1]} : vector<32x512xf32> to vector<1x512xf32>
    %broadcast_in_dim3A_904 = vector.shape_cast %slice3A_903 : vector<1x512xf32> to vector<1x512xf32>
    %broadcast_in_dim3A_905 = vector.broadcast %broadcast_in_dim3A_904 : vector<1x512xf32> to vector<16x512xf32>
    %mul3A_906 = arith.mulf %mul3A_896, %broadcast_in_dim3A_905 : vector<16x512xf32>
    %add3A_907 = arith.addf %add3A_878, %mul3A_906 : vector<16x512xf32>
    %slice3A_908 = vector.extract_strided_slice %mul3A_66 {offsets = [28, 0], sizes = [1, 512], strides = [1, 1]} : vector<32x512xf32> to vector<1x512xf32>
    %broadcast_in_dim3A_909 = vector.shape_cast %slice3A_908 : vector<1x512xf32> to vector<1x512xf32>
    %broadcast_in_dim3A_910 = vector.broadcast %broadcast_in_dim3A_909 : vector<1x512xf32> to vector<16x512xf32>
    %mul3A_911 = arith.mulf %mul3A_896, %broadcast_in_dim3A_910 : vector<16x512xf32>
    %add3A_912 = arith.addf %add3A_883, %mul3A_911 : vector<16x512xf32>
    %slice3A_913 = vector.extract_strided_slice %sqrt3A {offsets = [29, 0], sizes = [1, 512], strides = [1, 1]} : vector<32x512xf32> to vector<1x512xf32>
    %broadcast_in_dim3A_914 = vector.shape_cast %slice3A_913 : vector<1x512xf32> to vector<1x512xf32>
    %broadcast_in_dim3A_915 = vector.broadcast %broadcast_in_dim3A_914 : vector<1x512xf32> to vector<16x512xf32>
    %sub3A_916 = arith.subf %broadcast_in_dim3A_915, %mul3A_58 : vector<16x512xf32>
    %mul3A_917 = arith.mulf %sub3A_916, %sub3A_916 : vector<16x512xf32>
    %mul3A_918 = arith.constant -14.7731972 : f32
    %mul3A_919 = vector.broadcast %mul3A_918 : f32 to vector<16x512xf32>
    %mul3A_920 = arith.mulf %mul3A_917, %mul3A_919 : vector<16x512xf32>
    %exp23A_921 = math.exp2 %mul3A_920 : vector<16x512xf32>
    %slice3A_922 = vector.extract_strided_slice %mul3A_53 {offsets = [29, 0], sizes = [1, 512], strides = [1, 1]} : vector<32x512xf32> to vector<1x512xf32>
    %broadcast_in_dim3A_923 = vector.shape_cast %slice3A_922 : vector<1x512xf32> to vector<1x512xf32>
    %broadcast_in_dim3A_924 = vector.broadcast %broadcast_in_dim3A_923 : vector<1x512xf32> to vector<16x512xf32>
    %mul3A_925 = arith.mulf %exp23A_921, %broadcast_in_dim3A_924 : vector<16x512xf32>
    %add3A_926 = arith.addf %add3A_897, %mul3A_925 : vector<16x512xf32>
    %slice3A_927 = vector.extract_strided_slice %mul3A_64 {offsets = [29, 0], sizes = [1, 512], strides = [1, 1]} : vector<32x512xf32> to vector<1x512xf32>
    %broadcast_in_dim3A_928 = vector.shape_cast %slice3A_927 : vector<1x512xf32> to vector<1x512xf32>
    %broadcast_in_dim3A_929 = vector.broadcast %broadcast_in_dim3A_928 : vector<1x512xf32> to vector<16x512xf32>
    %mul3A_930 = arith.mulf %mul3A_925, %broadcast_in_dim3A_929 : vector<16x512xf32>
    %add3A_931 = arith.addf %add3A_902, %mul3A_930 : vector<16x512xf32>
    %slice3A_932 = vector.extract_strided_slice %mul3A_65 {offsets = [29, 0], sizes = [1, 512], strides = [1, 1]} : vector<32x512xf32> to vector<1x512xf32>
    %broadcast_in_dim3A_933 = vector.shape_cast %slice3A_932 : vector<1x512xf32> to vector<1x512xf32>
    %broadcast_in_dim3A_934 = vector.broadcast %broadcast_in_dim3A_933 : vector<1x512xf32> to vector<16x512xf32>
    %mul3A_935 = arith.mulf %mul3A_925, %broadcast_in_dim3A_934 : vector<16x512xf32>
    %add3A_936 = arith.addf %add3A_907, %mul3A_935 : vector<16x512xf32>
    %slice3A_937 = vector.extract_strided_slice %mul3A_66 {offsets = [29, 0], sizes = [1, 512], strides = [1, 1]} : vector<32x512xf32> to vector<1x512xf32>
    %broadcast_in_dim3A_938 = vector.shape_cast %slice3A_937 : vector<1x512xf32> to vector<1x512xf32>
    %broadcast_in_dim3A_939 = vector.broadcast %broadcast_in_dim3A_938 : vector<1x512xf32> to vector<16x512xf32>
    %mul3A_940 = arith.mulf %mul3A_925, %broadcast_in_dim3A_939 : vector<16x512xf32>
    %add3A_941 = arith.addf %add3A_912, %mul3A_940 : vector<16x512xf32>
    %slice3A_942 = vector.extract_strided_slice %sqrt3A {offsets = [30, 0], sizes = [1, 512], strides = [1, 1]} : vector<32x512xf32> to vector<1x512xf32>
    %broadcast_in_dim3A_943 = vector.shape_cast %slice3A_942 : vector<1x512xf32> to vector<1x512xf32>
    %broadcast_in_dim3A_944 = vector.broadcast %broadcast_in_dim3A_943 : vector<1x512xf32> to vector<16x512xf32>
    %sub3A_945 = arith.subf %broadcast_in_dim3A_944, %mul3A_58 : vector<16x512xf32>
    %mul3A_946 = arith.mulf %sub3A_945, %sub3A_945 : vector<16x512xf32>
    %mul3A_947 = arith.constant -14.7731972 : f32
    %mul3A_948 = vector.broadcast %mul3A_947 : f32 to vector<16x512xf32>
    %mul3A_949 = arith.mulf %mul3A_946, %mul3A_948 : vector<16x512xf32>
    %exp23A_950 = math.exp2 %mul3A_949 : vector<16x512xf32>
    %slice3A_951 = vector.extract_strided_slice %mul3A_53 {offsets = [30, 0], sizes = [1, 512], strides = [1, 1]} : vector<32x512xf32> to vector<1x512xf32>
    %broadcast_in_dim3A_952 = vector.shape_cast %slice3A_951 : vector<1x512xf32> to vector<1x512xf32>
    %broadcast_in_dim3A_953 = vector.broadcast %broadcast_in_dim3A_952 : vector<1x512xf32> to vector<16x512xf32>
    %mul3A_954 = arith.mulf %exp23A_950, %broadcast_in_dim3A_953 : vector<16x512xf32>
    %add3A_955 = arith.addf %add3A_926, %mul3A_954 : vector<16x512xf32>
    %slice3A_956 = vector.extract_strided_slice %mul3A_64 {offsets = [30, 0], sizes = [1, 512], strides = [1, 1]} : vector<32x512xf32> to vector<1x512xf32>
    %broadcast_in_dim3A_957 = vector.shape_cast %slice3A_956 : vector<1x512xf32> to vector<1x512xf32>
    %broadcast_in_dim3A_958 = vector.broadcast %broadcast_in_dim3A_957 : vector<1x512xf32> to vector<16x512xf32>
    %mul3A_959 = arith.mulf %mul3A_954, %broadcast_in_dim3A_958 : vector<16x512xf32>
    %add3A_960 = arith.addf %add3A_931, %mul3A_959 : vector<16x512xf32>
    %slice3A_961 = vector.extract_strided_slice %mul3A_65 {offsets = [30, 0], sizes = [1, 512], strides = [1, 1]} : vector<32x512xf32> to vector<1x512xf32>
    %broadcast_in_dim3A_962 = vector.shape_cast %slice3A_961 : vector<1x512xf32> to vector<1x512xf32>
    %broadcast_in_dim3A_963 = vector.broadcast %broadcast_in_dim3A_962 : vector<1x512xf32> to vector<16x512xf32>
    %mul3A_964 = arith.mulf %mul3A_954, %broadcast_in_dim3A_963 : vector<16x512xf32>
    %add3A_965 = arith.addf %add3A_936, %mul3A_964 : vector<16x512xf32>
    %slice3A_966 = vector.extract_strided_slice %mul3A_66 {offsets = [30, 0], sizes = [1, 512], strides = [1, 1]} : vector<32x512xf32> to vector<1x512xf32>
    %broadcast_in_dim3A_967 = vector.shape_cast %slice3A_966 : vector<1x512xf32> to vector<1x512xf32>
    %broadcast_in_dim3A_968 = vector.broadcast %broadcast_in_dim3A_967 : vector<1x512xf32> to vector<16x512xf32>
    %mul3A_969 = arith.mulf %mul3A_954, %broadcast_in_dim3A_968 : vector<16x512xf32>
    %add3A_970 = arith.addf %add3A_941, %mul3A_969 : vector<16x512xf32>
    %slice3A_971 = vector.extract_strided_slice %sqrt3A {offsets = [31, 0], sizes = [1, 512], strides = [1, 1]} : vector<32x512xf32> to vector<1x512xf32>
    %broadcast_in_dim3A_972 = vector.shape_cast %slice3A_971 : vector<1x512xf32> to vector<1x512xf32>
    %broadcast_in_dim3A_973 = vector.broadcast %broadcast_in_dim3A_972 : vector<1x512xf32> to vector<16x512xf32>
    %sub3A_974 = arith.subf %broadcast_in_dim3A_973, %mul3A_58 : vector<16x512xf32>
    %mul3A_975 = arith.mulf %sub3A_974, %sub3A_974 : vector<16x512xf32>
    %mul3A_976 = arith.constant -14.7731972 : f32
    %mul3A_977 = vector.broadcast %mul3A_976 : f32 to vector<16x512xf32>
    %mul3A_978 = arith.mulf %mul3A_975, %mul3A_977 : vector<16x512xf32>
    %exp23A_979 = math.exp2 %mul3A_978 : vector<16x512xf32>
    %slice3A_980 = vector.extract_strided_slice %mul3A_53 {offsets = [31, 0], sizes = [1, 512], strides = [1, 1]} : vector<32x512xf32> to vector<1x512xf32>
    %broadcast_in_dim3A_981 = vector.shape_cast %slice3A_980 : vector<1x512xf32> to vector<1x512xf32>
    %broadcast_in_dim3A_982 = vector.broadcast %broadcast_in_dim3A_981 : vector<1x512xf32> to vector<16x512xf32>
    %mul3A_983 = arith.mulf %exp23A_979, %broadcast_in_dim3A_982 : vector<16x512xf32>
    %add3A_984 = arith.addf %add3A_955, %mul3A_983 : vector<16x512xf32>
    %slice3A_985 = vector.extract_strided_slice %mul3A_64 {offsets = [31, 0], sizes = [1, 512], strides = [1, 1]} : vector<32x512xf32> to vector<1x512xf32>
    %broadcast_in_dim3A_986 = vector.shape_cast %slice3A_985 : vector<1x512xf32> to vector<1x512xf32>
    %broadcast_in_dim3A_987 = vector.broadcast %broadcast_in_dim3A_986 : vector<1x512xf32> to vector<16x512xf32>
    %mul3A_988 = arith.mulf %mul3A_983, %broadcast_in_dim3A_987 : vector<16x512xf32>
    %add3A_989 = arith.addf %add3A_960, %mul3A_988 : vector<16x512xf32>
    %slice3A_990 = vector.extract_strided_slice %mul3A_65 {offsets = [31, 0], sizes = [1, 512], strides = [1, 1]} : vector<32x512xf32> to vector<1x512xf32>
    %broadcast_in_dim3A_991 = vector.shape_cast %slice3A_990 : vector<1x512xf32> to vector<1x512xf32>
    %broadcast_in_dim3A_992 = vector.broadcast %broadcast_in_dim3A_991 : vector<1x512xf32> to vector<16x512xf32>
    %mul3A_993 = arith.mulf %mul3A_983, %broadcast_in_dim3A_992 : vector<16x512xf32>
    %add3A_994 = arith.addf %add3A_965, %mul3A_993 : vector<16x512xf32>
    %slice3A_995 = vector.extract_strided_slice %mul3A_66 {offsets = [31, 0], sizes = [1, 512], strides = [1, 1]} : vector<32x512xf32> to vector<1x512xf32>
    %broadcast_in_dim3A_996 = vector.shape_cast %slice3A_995 : vector<1x512xf32> to vector<1x512xf32>
    %broadcast_in_dim3A_997 = vector.broadcast %broadcast_in_dim3A_996 : vector<1x512xf32> to vector<16x512xf32>
    %mul3A_998 = arith.mulf %mul3A_983, %broadcast_in_dim3A_997 : vector<16x512xf32>
    %add3A_999 = arith.addf %add3A_970, %mul3A_998 : vector<16x512xf32>
    %mul3A_1000 = arith.mulf %add3A_989, %add3A_989 : vector<16x512xf32>
    %mul3A_1001 = arith.mulf %add3A_994, %add3A_994 : vector<16x512xf32>
    %add3A_1002 = arith.addf %mul3A_1000, %mul3A_1001 : vector<16x512xf32>
    %mul3A_1003 = arith.mulf %add3A_999, %add3A_999 : vector<16x512xf32>
    %add3A_1004 = arith.addf %add3A_1002, %mul3A_1003 : vector<16x512xf32>
    %concatenate3A = tpu.concatenate %add3A_984, %add3A_1004 in 0 : vector<16x512xf32>, vector<16x512xf32> -> vector<32x512xf32>
    %swap3A = arith.constant 0 : index
    %swap3A_1005 = arith.constant 0 : index
    %swap3A_1006 = vector.load %arg8[%swap3A, %swap3A_1005] : memref<32x512xf32, #tpu.memory_space<vmem>>, vector<32x512xf32>
    tpu.vector_store %arg8[%swap3A, %swap3A_1005], %concatenate3A {strides = array<i32>} : memref<32x512xf32, #tpu.memory_space<vmem>>, vector<32x512xf32>,
    return
  }
  func.func @transform_0(%arg0: i32) -> (i32, i32) {
    %c0_i32 = arith.constant 0 : i32
    %c0_i32_0 = arith.constant 0 : i32
    return %c0_i32, %arg0 : i32, i32
  }
  func.func @transform_1(%arg0: i32) -> (i32, i32) {
    %c0_i32 = arith.constant 0 : i32
    %c0_i32_0 = arith.constant 0 : i32
    return %c0_i32, %arg0 : i32, i32
  }
  func.func @transform_2(%arg0: i32) -> (i32, i32) {
    %c0_i32 = arith.constant 0 : i32
    %c0_i32_0 = arith.constant 0 : i32
    return %c0_i32, %arg0 : i32, i32
  }
  func.func @transform_3(%arg0: i32) -> (i32, i32) {
    %c0_i32 = arith.constant 0 : i32
    %c0_i32_0 = arith.constant 0 : i32
    return %c0_i32, %arg0 : i32, i32
  }
  func.func @transform_4(%arg0: i32) -> (i32, i32) {
    %c0_i32 = arith.constant 0 : i32
    %c0_i32_0 = arith.constant 0 : i32
    return %c0_i32, %arg0 : i32, i32
  }
  func.func @transform_5(%arg0: i32) -> (i32, i32) {
    %c0_i32 = arith.constant 0 : i32
    %c0_i32_0 = arith.constant 0 : i32
    return %c0_i32, %arg0 : i32, i32
  }
  func.func @transform_6(%arg0: i32) -> (i32, i32) {
    %c0_i32 = arith.constant 0 : i32
    %c0_i32_0 = arith.constant 0 : i32
    return %c0_i32, %arg0 : i32, i32
  }
  func.func @transform_7(%arg0: i32) -> (i32, i32) {
    %c0_i32 = arith.constant 0 : i32
    %c0_i32_0 = arith.constant 0 : i32
    return %c0_i32, %arg0 : i32, i32
  }
}

module attributes {stable_mosaic.version = 14 : i64} {
  func.func @_mlp_body(%arg0: i32, %arg1: memref<32x3584xf32, #tpu.memory_space<vmem>>, %arg2: memref<1x3584xi32, #tpu.memory_space<vmem>>, %arg3: memref<64x32xf32, #tpu.memory_space<vmem>>, %arg4: memref<64x1xf32, #tpu.memory_space<vmem>>, %arg5: memref<1x64xf32, #tpu.memory_space<vmem>>, %arg6: memref<1xf32, #tpu.memory_space<smem>>, %arg7: memref<10xf32, #tpu.memory_space<smem>>, %arg8: memref<10xf32, #tpu.memory_space<smem>>, %arg9: memref<1x1xf32, #tpu.memory_space<smem>>, %arg10: memref<1x3584xf32, #tpu.memory_space<vmem>>) attributes {dimension_semantics = [#tpu.dimension_semantics<arbitrary>], iteration_bounds = array<i64: 14>, scalar_prefetch = 0 : i64, scratch_operands = 1 : i64, tpu.core_type = #tpu.core_type<tc>, window_params = [{transform_indices = @transform_0, window_bounds = array<i64: 32, 3584>}, {transform_indices = @transform_1, window_bounds = array<i64: 1, 3584>}, {pipeline_mode = #tpu.pipeline_mode<synchronous>, transform_indices = @transform_2, window_bounds = array<i64: 64, 32>}, {pipeline_mode = #tpu.pipeline_mode<synchronous>, transform_indices = @transform_3, window_bounds = array<i64: 64, 1>}, {pipeline_mode = #tpu.pipeline_mode<synchronous>, transform_indices = @transform_4, window_bounds = array<i64: 1, 64>}, {transform_indices = @transform_5, window_bounds = array<i64: 1>}, {transform_indices = @transform_6, window_bounds = array<i64: 10>}, {transform_indices = @transform_7, window_bounds = array<i64: 10>}, {transform_indices = @transform_8, window_bounds = array<i64: 1, 1>}]} {
    %get3A = arith.constant 0 : index
    %get3A_0 = arith.constant 0 : index
    %get3A_1 = vector.load %arg3[%get3A, %get3A_0] : memref<64x32xf32, #tpu.memory_space<vmem>>, vector<64x32xf32>
    %get3A_2 = arith.constant 0 : index
    %get3A_3 = arith.constant 0 : index
    %get3A_4 = vector.load %arg1[%get3A_2, %get3A_3] : memref<32x3584xf32, #tpu.memory_space<vmem>>, vector<32x3584xf32>
    %dot_general3A = arith.constant dense<0.000000e+00> : vector<64x3584xf32>
    %dot_general3A_5 = tpu.matmul %get3A_1, %get3A_4, %dot_general3A {dimension_numbers = #tpu.dot_dimension_numbers<[1], [0], [0], [1], [0, 0, 1, 1], [], []>, transpose_lhs_hint = false} : vector<64x32xf32>, vector<32x3584xf32>, vector<64x3584xf32> -> vector<64x3584xf32>
    %get3A_6 = arith.constant 0 : index
    %get3A_7 = arith.constant 0 : index
    %get3A_8 = vector.load %arg4[%get3A_6, %get3A_7] : memref<64x1xf32, #tpu.memory_space<vmem>>, vector<64x1xf32>
    %add3A = vector.broadcast %get3A_8 : vector<64x1xf32> to vector<64x3584xf32>
    %add3A_9 = arith.addf %dot_general3A_5, %add3A : vector<64x3584xf32>
    %neg3A = arith.constant 0.000000e+00 : f32
    %neg3A_10 = vector.broadcast %neg3A : f32 to vector<64x3584xf32>
    %neg3A_11 = arith.subf %neg3A_10, %add3A_9 : vector<64x3584xf32>
    %exp3A = math.exp %neg3A_11 : vector<64x3584xf32>
    %add3A_12 = arith.constant 1.000000e+00 : f32
    %add3A_13 = vector.broadcast %add3A_12 : f32 to vector<64x3584xf32>
    %add3A_14 = arith.addf %add3A_13, %exp3A : vector<64x3584xf32>
    %div3A = arith.constant 1.000000e+00 : f32
    %div3A_15 = vector.broadcast %div3A : f32 to vector<64x3584xf32>
    %div3A_16 = arith.divf %div3A_15, %add3A_14 : vector<64x3584xf32>
    %mul3A = arith.mulf %add3A_9, %div3A_16 : vector<64x3584xf32>
    %get3A_17 = arith.constant 0 : index
    %get3A_18 = arith.constant 0 : index
    %get3A_19 = vector.load %arg5[%get3A_17, %get3A_18] : memref<1x64xf32, #tpu.memory_space<vmem>>, vector<1x64xf32>
    %dot_general3A_20 = arith.constant dense<0.000000e+00> : vector<1x3584xf32>
    %dot_general3A_21 = tpu.matmul %get3A_19, %mul3A, %dot_general3A_20 {dimension_numbers = #tpu.dot_dimension_numbers<[1], [0], [0], [1], [0, 0, 1, 1], [], []>, transpose_lhs_hint = false} : vector<1x64xf32>, vector<64x3584xf32>, vector<1x3584xf32> -> vector<1x3584xf32>
    %get3A_22 = arith.constant 0 : index
    %get3A_23 = memref.load %arg6[%get3A_22] : memref<1xf32, #tpu.memory_space<smem>>
    %add3A_24 = vector.broadcast %get3A_23 : f32 to vector<1x3584xf32>
    %add3A_25 = arith.addf %dot_general3A_21, %add3A_24 : vector<1x3584xf32>
    %get3A_26 = arith.constant 0 : index
    %get3A_27 = arith.constant 0 : index
    %get3A_28 = vector.load %arg2[%get3A_26, %get3A_27] : memref<1x3584xi32, #tpu.memory_space<vmem>>, vector<1x3584xi32>
    %broadcast_in_dim3A = arith.constant 0.000000e+00 : f32
    %broadcast_in_dim3A_29 = vector.broadcast %broadcast_in_dim3A : f32 to vector<1x3584xf32>
    %broadcast_in_dim3A_30 = arith.constant 0.000000e+00 : f32
    %broadcast_in_dim3A_31 = vector.broadcast %broadcast_in_dim3A_30 : f32 to vector<1x3584xf32>
    %eq3A = arith.constant 0 : i32
    %eq3A_32 = vector.broadcast %eq3A : i32 to vector<1x3584xi32>
    %eq3A_33 = arith.cmpi eq, %get3A_28, %eq3A_32 : vector<1x3584xi32>
    %get3A_34 = arith.constant 0 : index
    %get3A_35 = memref.load %arg7[%get3A_34] : memref<10xf32, #tpu.memory_space<smem>>
    %broadcast_in_dim3A_36 = vector.broadcast %get3A_35 : f32 to vector<1x3584xf32>
    %select_n3A = arith.select %eq3A_33, %broadcast_in_dim3A_36, %broadcast_in_dim3A_29 : vector<1x3584xi1>, vector<1x3584xf32>
    %eq3A_37 = arith.constant 0 : i32
    %eq3A_38 = vector.broadcast %eq3A_37 : i32 to vector<1x3584xi32>
    %eq3A_39 = arith.cmpi eq, %get3A_28, %eq3A_38 : vector<1x3584xi32>
    %get3A_40 = arith.constant 0 : index
    %get3A_41 = memref.load %arg8[%get3A_40] : memref<10xf32, #tpu.memory_space<smem>>
    %broadcast_in_dim3A_42 = vector.broadcast %get3A_41 : f32 to vector<1x3584xf32>
    %select_n3A_43 = arith.select %eq3A_39, %broadcast_in_dim3A_42, %broadcast_in_dim3A_31 : vector<1x3584xi1>, vector<1x3584xf32>
    %eq3A_44 = arith.constant 1 : i32
    %eq3A_45 = vector.broadcast %eq3A_44 : i32 to vector<1x3584xi32>
    %eq3A_46 = arith.cmpi eq, %get3A_28, %eq3A_45 : vector<1x3584xi32>
    %get3A_47 = arith.constant 1 : index
    %get3A_48 = memref.load %arg7[%get3A_47] : memref<10xf32, #tpu.memory_space<smem>>
    %broadcast_in_dim3A_49 = vector.broadcast %get3A_48 : f32 to vector<1x3584xf32>
    %select_n3A_50 = arith.select %eq3A_46, %broadcast_in_dim3A_49, %select_n3A : vector<1x3584xi1>, vector<1x3584xf32>
    %eq3A_51 = arith.constant 1 : i32
    %eq3A_52 = vector.broadcast %eq3A_51 : i32 to vector<1x3584xi32>
    %eq3A_53 = arith.cmpi eq, %get3A_28, %eq3A_52 : vector<1x3584xi32>
    %get3A_54 = arith.constant 1 : index
    %get3A_55 = memref.load %arg8[%get3A_54] : memref<10xf32, #tpu.memory_space<smem>>
    %broadcast_in_dim3A_56 = vector.broadcast %get3A_55 : f32 to vector<1x3584xf32>
    %select_n3A_57 = arith.select %eq3A_53, %broadcast_in_dim3A_56, %select_n3A_43 : vector<1x3584xi1>, vector<1x3584xf32>
    %eq3A_58 = arith.constant 2 : i32
    %eq3A_59 = vector.broadcast %eq3A_58 : i32 to vector<1x3584xi32>
    %eq3A_60 = arith.cmpi eq, %get3A_28, %eq3A_59 : vector<1x3584xi32>
    %get3A_61 = arith.constant 2 : index
    %get3A_62 = memref.load %arg7[%get3A_61] : memref<10xf32, #tpu.memory_space<smem>>
    %broadcast_in_dim3A_63 = vector.broadcast %get3A_62 : f32 to vector<1x3584xf32>
    %select_n3A_64 = arith.select %eq3A_60, %broadcast_in_dim3A_63, %select_n3A_50 : vector<1x3584xi1>, vector<1x3584xf32>
    %eq3A_65 = arith.constant 2 : i32
    %eq3A_66 = vector.broadcast %eq3A_65 : i32 to vector<1x3584xi32>
    %eq3A_67 = arith.cmpi eq, %get3A_28, %eq3A_66 : vector<1x3584xi32>
    %get3A_68 = arith.constant 2 : index
    %get3A_69 = memref.load %arg8[%get3A_68] : memref<10xf32, #tpu.memory_space<smem>>
    %broadcast_in_dim3A_70 = vector.broadcast %get3A_69 : f32 to vector<1x3584xf32>
    %select_n3A_71 = arith.select %eq3A_67, %broadcast_in_dim3A_70, %select_n3A_57 : vector<1x3584xi1>, vector<1x3584xf32>
    %eq3A_72 = arith.constant 3 : i32
    %eq3A_73 = vector.broadcast %eq3A_72 : i32 to vector<1x3584xi32>
    %eq3A_74 = arith.cmpi eq, %get3A_28, %eq3A_73 : vector<1x3584xi32>
    %get3A_75 = arith.constant 3 : index
    %get3A_76 = memref.load %arg7[%get3A_75] : memref<10xf32, #tpu.memory_space<smem>>
    %broadcast_in_dim3A_77 = vector.broadcast %get3A_76 : f32 to vector<1x3584xf32>
    %select_n3A_78 = arith.select %eq3A_74, %broadcast_in_dim3A_77, %select_n3A_64 : vector<1x3584xi1>, vector<1x3584xf32>
    %eq3A_79 = arith.constant 3 : i32
    %eq3A_80 = vector.broadcast %eq3A_79 : i32 to vector<1x3584xi32>
    %eq3A_81 = arith.cmpi eq, %get3A_28, %eq3A_80 : vector<1x3584xi32>
    %get3A_82 = arith.constant 3 : index
    %get3A_83 = memref.load %arg8[%get3A_82] : memref<10xf32, #tpu.memory_space<smem>>
    %broadcast_in_dim3A_84 = vector.broadcast %get3A_83 : f32 to vector<1x3584xf32>
    %select_n3A_85 = arith.select %eq3A_81, %broadcast_in_dim3A_84, %select_n3A_71 : vector<1x3584xi1>, vector<1x3584xf32>
    %eq3A_86 = arith.constant 4 : i32
    %eq3A_87 = vector.broadcast %eq3A_86 : i32 to vector<1x3584xi32>
    %eq3A_88 = arith.cmpi eq, %get3A_28, %eq3A_87 : vector<1x3584xi32>
    %get3A_89 = arith.constant 4 : index
    %get3A_90 = memref.load %arg7[%get3A_89] : memref<10xf32, #tpu.memory_space<smem>>
    %broadcast_in_dim3A_91 = vector.broadcast %get3A_90 : f32 to vector<1x3584xf32>
    %select_n3A_92 = arith.select %eq3A_88, %broadcast_in_dim3A_91, %select_n3A_78 : vector<1x3584xi1>, vector<1x3584xf32>
    %eq3A_93 = arith.constant 4 : i32
    %eq3A_94 = vector.broadcast %eq3A_93 : i32 to vector<1x3584xi32>
    %eq3A_95 = arith.cmpi eq, %get3A_28, %eq3A_94 : vector<1x3584xi32>
    %get3A_96 = arith.constant 4 : index
    %get3A_97 = memref.load %arg8[%get3A_96] : memref<10xf32, #tpu.memory_space<smem>>
    %broadcast_in_dim3A_98 = vector.broadcast %get3A_97 : f32 to vector<1x3584xf32>
    %select_n3A_99 = arith.select %eq3A_95, %broadcast_in_dim3A_98, %select_n3A_85 : vector<1x3584xi1>, vector<1x3584xf32>
    %eq3A_100 = arith.constant 5 : i32
    %eq3A_101 = vector.broadcast %eq3A_100 : i32 to vector<1x3584xi32>
    %eq3A_102 = arith.cmpi eq, %get3A_28, %eq3A_101 : vector<1x3584xi32>
    %get3A_103 = arith.constant 5 : index
    %get3A_104 = memref.load %arg7[%get3A_103] : memref<10xf32, #tpu.memory_space<smem>>
    %broadcast_in_dim3A_105 = vector.broadcast %get3A_104 : f32 to vector<1x3584xf32>
    %select_n3A_106 = arith.select %eq3A_102, %broadcast_in_dim3A_105, %select_n3A_92 : vector<1x3584xi1>, vector<1x3584xf32>
    %eq3A_107 = arith.constant 5 : i32
    %eq3A_108 = vector.broadcast %eq3A_107 : i32 to vector<1x3584xi32>
    %eq3A_109 = arith.cmpi eq, %get3A_28, %eq3A_108 : vector<1x3584xi32>
    %get3A_110 = arith.constant 5 : index
    %get3A_111 = memref.load %arg8[%get3A_110] : memref<10xf32, #tpu.memory_space<smem>>
    %broadcast_in_dim3A_112 = vector.broadcast %get3A_111 : f32 to vector<1x3584xf32>
    %select_n3A_113 = arith.select %eq3A_109, %broadcast_in_dim3A_112, %select_n3A_99 : vector<1x3584xi1>, vector<1x3584xf32>
    %eq3A_114 = arith.constant 6 : i32
    %eq3A_115 = vector.broadcast %eq3A_114 : i32 to vector<1x3584xi32>
    %eq3A_116 = arith.cmpi eq, %get3A_28, %eq3A_115 : vector<1x3584xi32>
    %get3A_117 = arith.constant 6 : index
    %get3A_118 = memref.load %arg7[%get3A_117] : memref<10xf32, #tpu.memory_space<smem>>
    %broadcast_in_dim3A_119 = vector.broadcast %get3A_118 : f32 to vector<1x3584xf32>
    %select_n3A_120 = arith.select %eq3A_116, %broadcast_in_dim3A_119, %select_n3A_106 : vector<1x3584xi1>, vector<1x3584xf32>
    %eq3A_121 = arith.constant 6 : i32
    %eq3A_122 = vector.broadcast %eq3A_121 : i32 to vector<1x3584xi32>
    %eq3A_123 = arith.cmpi eq, %get3A_28, %eq3A_122 : vector<1x3584xi32>
    %get3A_124 = arith.constant 6 : index
    %get3A_125 = memref.load %arg8[%get3A_124] : memref<10xf32, #tpu.memory_space<smem>>
    %broadcast_in_dim3A_126 = vector.broadcast %get3A_125 : f32 to vector<1x3584xf32>
    %select_n3A_127 = arith.select %eq3A_123, %broadcast_in_dim3A_126, %select_n3A_113 : vector<1x3584xi1>, vector<1x3584xf32>
    %eq3A_128 = arith.constant 7 : i32
    %eq3A_129 = vector.broadcast %eq3A_128 : i32 to vector<1x3584xi32>
    %eq3A_130 = arith.cmpi eq, %get3A_28, %eq3A_129 : vector<1x3584xi32>
    %get3A_131 = arith.constant 7 : index
    %get3A_132 = memref.load %arg7[%get3A_131] : memref<10xf32, #tpu.memory_space<smem>>
    %broadcast_in_dim3A_133 = vector.broadcast %get3A_132 : f32 to vector<1x3584xf32>
    %select_n3A_134 = arith.select %eq3A_130, %broadcast_in_dim3A_133, %select_n3A_120 : vector<1x3584xi1>, vector<1x3584xf32>
    %eq3A_135 = arith.constant 7 : i32
    %eq3A_136 = vector.broadcast %eq3A_135 : i32 to vector<1x3584xi32>
    %eq3A_137 = arith.cmpi eq, %get3A_28, %eq3A_136 : vector<1x3584xi32>
    %get3A_138 = arith.constant 7 : index
    %get3A_139 = memref.load %arg8[%get3A_138] : memref<10xf32, #tpu.memory_space<smem>>
    %broadcast_in_dim3A_140 = vector.broadcast %get3A_139 : f32 to vector<1x3584xf32>
    %select_n3A_141 = arith.select %eq3A_137, %broadcast_in_dim3A_140, %select_n3A_127 : vector<1x3584xi1>, vector<1x3584xf32>
    %eq3A_142 = arith.constant 8 : i32
    %eq3A_143 = vector.broadcast %eq3A_142 : i32 to vector<1x3584xi32>
    %eq3A_144 = arith.cmpi eq, %get3A_28, %eq3A_143 : vector<1x3584xi32>
    %get3A_145 = arith.constant 8 : index
    %get3A_146 = memref.load %arg7[%get3A_145] : memref<10xf32, #tpu.memory_space<smem>>
    %broadcast_in_dim3A_147 = vector.broadcast %get3A_146 : f32 to vector<1x3584xf32>
    %select_n3A_148 = arith.select %eq3A_144, %broadcast_in_dim3A_147, %select_n3A_134 : vector<1x3584xi1>, vector<1x3584xf32>
    %eq3A_149 = arith.constant 8 : i32
    %eq3A_150 = vector.broadcast %eq3A_149 : i32 to vector<1x3584xi32>
    %eq3A_151 = arith.cmpi eq, %get3A_28, %eq3A_150 : vector<1x3584xi32>
    %get3A_152 = arith.constant 8 : index
    %get3A_153 = memref.load %arg8[%get3A_152] : memref<10xf32, #tpu.memory_space<smem>>
    %broadcast_in_dim3A_154 = vector.broadcast %get3A_153 : f32 to vector<1x3584xf32>
    %select_n3A_155 = arith.select %eq3A_151, %broadcast_in_dim3A_154, %select_n3A_141 : vector<1x3584xi1>, vector<1x3584xf32>
    %eq3A_156 = arith.constant 9 : i32
    %eq3A_157 = vector.broadcast %eq3A_156 : i32 to vector<1x3584xi32>
    %eq3A_158 = arith.cmpi eq, %get3A_28, %eq3A_157 : vector<1x3584xi32>
    %get3A_159 = arith.constant 9 : index
    %get3A_160 = memref.load %arg7[%get3A_159] : memref<10xf32, #tpu.memory_space<smem>>
    %broadcast_in_dim3A_161 = vector.broadcast %get3A_160 : f32 to vector<1x3584xf32>
    %select_n3A_162 = arith.select %eq3A_158, %broadcast_in_dim3A_161, %select_n3A_148 : vector<1x3584xi1>, vector<1x3584xf32>
    %eq3A_163 = arith.constant 9 : i32
    %eq3A_164 = vector.broadcast %eq3A_163 : i32 to vector<1x3584xi32>
    %eq3A_165 = arith.cmpi eq, %get3A_28, %eq3A_164 : vector<1x3584xi32>
    %get3A_166 = arith.constant 9 : index
    %get3A_167 = memref.load %arg8[%get3A_166] : memref<10xf32, #tpu.memory_space<smem>>
    %broadcast_in_dim3A_168 = vector.broadcast %get3A_167 : f32 to vector<1x3584xf32>
    %select_n3A_169 = arith.select %eq3A_165, %broadcast_in_dim3A_168, %select_n3A_155 : vector<1x3584xi1>, vector<1x3584xf32>
    %mul3A_170 = arith.mulf %add3A_25, %select_n3A_162 : vector<1x3584xf32>
    %add3A_171 = arith.addf %mul3A_170, %select_n3A_169 : vector<1x3584xf32>
    %gt3A = arith.constant 0 : i32
    %gt3A_172 = vector.broadcast %gt3A : i32 to vector<1x3584xi32>
    %gt3A_173 = arith.cmpi sgt, %get3A_28, %gt3A_172 : vector<1x3584xi32>
    %jit3A = arith.constant 0.000000e+00 : f32
    %broadcast_in_dim3A_174 = vector.broadcast %jit3A : f32 to vector<1x3584xf32>
    %select_n3A_175 = arith.select %gt3A_173, %add3A_171, %broadcast_in_dim3A_174 : vector<1x3584xi1>, vector<1x3584xf32>
    %eq3A_176 = arith.constant 0 : i32
    %eq3A_177 = arith.cmpi eq, %arg0, %eq3A_176 : i32
    %convert_element_type3A = arith.extui %eq3A_177 : i1 to i32
    %cond3A = arith.constant 0 : i32
    %cond3A_178 = arith.cmpi ne, %convert_element_type3A, %cond3A : i32
    scf.if %cond3A_178 {
      %swap3A = arith.constant 0 : index
      %swap3A_189 = arith.constant 0 : index
      %swap3A_190 = vector.load %arg10[%swap3A, %swap3A_189] : memref<1x3584xf32, #tpu.memory_space<vmem>>, vector<1x3584xf32>
      tpu.vector_store %arg10[%swap3A, %swap3A_189], %select_n3A_175 {strides = array<i32>} : memref<1x3584xf32, #tpu.memory_space<vmem>>, vector<1x3584xf32>,
    } else {
    }
    %gt3A_179 = arith.constant 0 : i32
    %gt3A_180 = arith.cmpi sgt, %arg0, %gt3A_179 : i32
    %convert_element_type3A_181 = arith.extui %gt3A_180 : i1 to i32
    %cond3A_182 = arith.constant 0 : i32
    %cond3A_183 = arith.cmpi ne, %convert_element_type3A_181, %cond3A_182 : i32
    scf.if %cond3A_183 {
      %get3A_189 = arith.constant 0 : index
      %get3A_190 = arith.constant 0 : index
      %get3A_191 = vector.load %arg10[%get3A_189, %get3A_190] : memref<1x3584xf32, #tpu.memory_space<vmem>>, vector<1x3584xf32>
      %add3A_192 = arith.addf %get3A_191, %select_n3A_175 : vector<1x3584xf32>
      %swap3A = arith.constant 0 : index
      %swap3A_193 = arith.constant 0 : index
      %swap3A_194 = vector.load %arg10[%swap3A, %swap3A_193] : memref<1x3584xf32, #tpu.memory_space<vmem>>, vector<1x3584xf32>
      tpu.vector_store %arg10[%swap3A, %swap3A_193], %add3A_192 {strides = array<i32>} : memref<1x3584xf32, #tpu.memory_space<vmem>>, vector<1x3584xf32>,
    } else {
    }
    %eq3A_184 = arith.constant 13 : i32
    %eq3A_185 = arith.cmpi eq, %arg0, %eq3A_184 : i32
    %convert_element_type3A_186 = arith.extui %eq3A_185 : i1 to i32
    %cond3A_187 = arith.constant 0 : i32
    %cond3A_188 = arith.cmpi ne, %convert_element_type3A_186, %cond3A_187 : i32
    scf.if %cond3A_188 {
      %get3A_189 = arith.constant 0 : index
      %get3A_190 = arith.constant 0 : index
      %get3A_191 = vector.load %arg10[%get3A_189, %get3A_190] : memref<1x3584xf32, #tpu.memory_space<vmem>>, vector<1x3584xf32>
      %reduce_sum3A = vector.shape_cast %get3A_191 : vector<1x3584xf32> to vector<1x1x3584xf32>
      %reduce_sum3A_192 = arith.constant dense<0.000000e+00> : vector<1xf32>
      %reduce_sum3A_193 = vector.multi_reduction <add>, %reduce_sum3A, %reduce_sum3A_192 [1, 2] : vector<1x1x3584xf32> to vector<1xf32>
      %reduce_sum3A_194 = vector.shape_cast %reduce_sum3A_193 : vector<1xf32> to vector<1x1x1xf32>
      %reduce_sum3A_195 = vector.extract %reduce_sum3A_194[0, 0, 0] : f32 from vector<1x1x1xf32>
      %swap3A = arith.constant 0 : index
      %swap3A_196 = arith.constant 0 : index
      %swap3A_197 = memref.load %arg9[%swap3A, %swap3A_196] : memref<1x1xf32, #tpu.memory_space<smem>>
      memref.store %reduce_sum3A_195, %arg9[%swap3A, %swap3A_196] : memref<1x1xf32, #tpu.memory_space<smem>>
    } else {
    }
    return
  }
  func.func @transform_0(%arg0: i32) -> (i32, i32) {
    %c0_i32 = arith.constant 0 : i32
    %c0_i32_0 = arith.constant 0 : i32
    return %c0_i32, %arg0 : i32, i32
  }
  func.func @transform_1(%arg0: i32) -> (i32, i32) {
    %c0_i32 = arith.constant 0 : i32
    %c0_i32_0 = arith.constant 0 : i32
    return %c0_i32, %arg0 : i32, i32
  }
  func.func @transform_2(%arg0: i32) -> (i32, i32) {
    %c0_i32 = arith.constant 0 : i32
    %c0_i32_0 = arith.constant 0 : i32
    %c0_i32_1 = arith.constant 0 : i32
    return %c0_i32, %c0_i32_0 : i32, i32
  }
  func.func @transform_3(%arg0: i32) -> (i32, i32) {
    %c0_i32 = arith.constant 0 : i32
    %c0_i32_0 = arith.constant 0 : i32
    %c0_i32_1 = arith.constant 0 : i32
    return %c0_i32, %c0_i32_0 : i32, i32
  }
  func.func @transform_4(%arg0: i32) -> (i32, i32) {
    %c0_i32 = arith.constant 0 : i32
    %c0_i32_0 = arith.constant 0 : i32
    %c0_i32_1 = arith.constant 0 : i32
    return %c0_i32, %c0_i32_0 : i32, i32
  }
  func.func @transform_5(%arg0: i32) -> i32 {
    %c0_i32 = arith.constant 0 : i32
    %c0_i32_0 = arith.constant 0 : i32
    return %c0_i32 : i32
  }
  func.func @transform_6(%arg0: i32) -> i32 {
    %c0_i32 = arith.constant 0 : i32
    %c0_i32_0 = arith.constant 0 : i32
    return %c0_i32 : i32
  }
  func.func @transform_7(%arg0: i32) -> i32 {
    %c0_i32 = arith.constant 0 : i32
    %c0_i32_0 = arith.constant 0 : i32
    return %c0_i32 : i32
  }
  func.func @transform_8(%arg0: i32) -> (i32, i32) {
    %c0_i32 = arith.constant 0 : i32
    %c0_i32_0 = arith.constant 0 : i32
    %c0_i32_1 = arith.constant 0 : i32
    return %c0_i32, %c0_i32_0 : i32, i32
  }
}

</mosaic_0001>

<sc_bundles>
// kernel: kernel.5.cloned.1.call-start
scs
__scs_entry_jumppad:
0x0: {  	(pc) =	sbr.rel $0x88, $3  }
0x1: {  	(tag) =	ssettag $0x0;
	lr =	simm.s32 $0x1  }
0x2: {  	[smem:$0x3F98] =	sst lr;
	_ =	strace $0xD0000000  }
0x3: {  	_ = 	snop  }
0x4: {  	_ = 	snop  }
0x5: {  	_ = 	snop  }
0x6: {  	_ = 	snop  }
0x7: {  	_ = 	snop  }
__scs_overlays_trampoline_lowered:
0x8: {  	[smem:$0x3FA7] =	sst s0  }
0x9: {  	[smem:$0x3FA8] =	sst s1  }
0xa: {  	[smem:$0x3FA9] =	sst s2  }
0xb: {  	[smem:$0x3FAA] =	sst s3  }
0xc: {  	[smem:$0x3FAB] =	sst s4  }
0xd: {  	[smem:$0x3FAC] =	sst s5  }
0xe: {  	[smem:$0x3FAD] =	sst s6  }
0xf: {  	[smem:$0x3FAE] =	sst s7  }
0x10: {  	[smem:$0x3FAF] =	sst s8  }
0x11: {  	[smem:$0x3FB0] =	sst s9;
	s0 =	simm.s32 @!p0 $0x0  }
0x12: {  	s1 =	sld [smem:$0x3F96];
	s0 =	simm.s32 @p0 $0x1  }
0x13: {  	[smem:$0x3FB1] =	sst s0;
	s0 =	simm.s32 @!p1 $0x0  }
0x14: {  	s2 =	sld [smem:$0x3F95];
	s0 =	simm.s32 @p1 $0x1  }
0x15: {  	[smem:$0x3FB2] =	sst s0;
	s0 =	simm.s32 @!p2 $0x0  }
0x16: {  	s3 =	sld [smem:$0x3FDB];
	s0 =	simm.s32 @p2 $0x1  }
0x17: {  	s4 =	simm.s32 $0x1BF5;
	[smem:$0x3FB4] =	sst s0  }
0x18: {  	s0 =	sld [smem:$0x3F97];
	_ =	swait.ge [sflag:s4], $0x0  }
0x19: {  	s7 =	sld [smem:$0x3F98]  }
0x1a: {  	s8 =	sadd.s32 $0xFFFFE003, lr  }
0x1b: {  	s9 =	sadd.s32 $0xFFFFFEF7, lr;
	s5 =	simm.s32 $0xFFFFFFFF;
	p2 =	slt.u32 s8, $0xFFFFF086  }
0x1c: {  	p1 =	slt.u32 s9, $0xF7A;
	s5 =	simm.s32 @!p2 $0x0  }
0x1d: {  	s5 =	simm.s32 @p1 $0x1;
	p0 =	seq.s32 s7, s2  }
0x1e: {  	s7 =	smul.u32 @!p0 $0xF7A, s2;
	p2 =	seq.s32 @!p0 s5, $0x0  }
0x1f: {  	s9 =	smul.u32 $0xF7A, s1;
	s8 =	simm.s32 @!p0 $0x1BF5;
	p2 =	por !p2, p0  }
0x20: {  	[sflag:s8] =	ssyncset.s32 @!p0 $0xFFFFF086;
	s6 =	sadd.s32 @!p0 s3, s7;
	s7 =	simm.s32 @!p0 $0x108  }
0x21: {  	s3 =	sadd.s32 s3, s9;
	s6 =	sadd.s32 @!p0 $0x88, s6;
	s7 =	simm.s32 @p2 $0x1082  }
0x22: {  	[simem:s7], [sflag:s8] =	dma.local @!p0 [hbm:s6], $0xF7A  }
0x23: {  	s9 =	sor.u32 $0xD0000000, s2;
	s6 =	simm.s32 $0x108;
	_ =	swait.ge @!p0 [sflag:s8], $0x0  }
0x24: {  	s3 =	sadd.s32 $0x88, s3;
	s6 =	simm.s32 @!p1 $0x1082;
	[sflag:s4] =	ssyncset.s32 $0xFFFFF086  }
0x25: {  	[simem:s6], [sflag:s4] =	dma.local [hbm:s3], $0xF7A  }
0x26: {  	[smem:$0x3F98] =	sst s1;
	(tag) =	ssettag s2;
	_ =	strace s9  }
0x27: {  	s1 =	sld [smem:$0x3FA8]  }
0x28: {  	s2 =	sld [smem:$0x3FA9]  }
0x29: {  	s4 =	sld [smem:$0x3FAB]  }
0x2a: {  	p0 =	seq.s32 s5, $0x0;
	s5 =	sld [smem:$0x3FAC]  }
0x2b: {  	s6 =	sld [smem:$0x3FAD]  }
0x2c: {  	s7 =	sld [smem:$0x3FAE]  }
0x2d: {  	s3 =	simm.s32 $0x108;
	s8 =	sld [smem:$0x3FAF]  }
0x2e: {  	s3 =	simm.s32 @!p0 $0x1082;
	s9 =	sld [smem:$0x3FB0]  }
0x2f: {  	lr =	sadd.s32 s0, s3;
	s0 =	sld [smem:$0x3FA7]  }
0x30: {  	s3 =	sld [smem:$0x3FAA]  }
0x31: {  	[smem:$0x3FB3] =	sst s10  }
0x32: {  	s10 =	sld [smem:$0x3FB1];
	_ =	sdelay $0x3  }
0x33: {  	p0 =	seq.s32 s10, $0x1;
	s10 =	sld [smem:$0x3FB3];
	_ =	sdelay $0x3  }
0x34: {  	[smem:$0x3FB3] =	sst s10  }
0x35: {  	s10 =	sld [smem:$0x3FB2];
	_ =	sdelay $0x3  }
0x36: {  	p1 =	seq.s32 s10, $0x1;
	s10 =	sld [smem:$0x3FB3];
	_ =	sdelay $0x3  }
0x37: {  	[smem:$0x3FB3] =	sst s10  }
0x38: {  	s10 =	sld [smem:$0x3FB4]  }
0x39: {  	_ = 	snop;
	(pc) =	sbr.ind lr, $3  }
0x3a: {  	_ = 	snop  }
0x3b: {  	_ = 	snop  }
0x3c: {  	p2 =	seq.s32 s10, $0x1;
	s10 =	sld [smem:$0x3FB3]  }
0x3d: {  	_ =	shalt  }
0x3e: {  	_ =	shalt  }
0x3f: {  	_ =	shalt  }
0x40: {  	_ =	shalt  }
0x41: {  	_ =	shalt  }
0x42: {  	_ =	shalt  }
0x43: {  	_ =	shalt  }
0x44: {  	_ =	shalt  }
0x45: {  	_ =	shalt  }
0x46: {  	_ =	shalt  }
0x47: {  	_ =	shalt  }
0x48: {  	_ =	shalt  }
0x49: {  	_ =	shalt  }
0x4a: {  	_ =	shalt  }
0x4b: {  	_ =	shalt  }
0x4c: {  	_ =	shalt  }
0x4d: {  	_ =	shalt  }
0x4e: {  	_ =	shalt  }
0x4f: {  	_ =	shalt  }
0x50: {  	_ =	shalt  }
0x51: {  	_ =	shalt  }
0x52: {  	_ =	shalt  }
0x53: {  	_ =	shalt  }
0x54: {  	_ =	shalt  }
0x55: {  	_ =	shalt  }
0x56: {  	_ =	shalt  }
0x57: {  	_ =	shalt  }
0x58: {  	_ =	shalt  }
0x59: {  	_ =	shalt  }
0x5a: {  	_ =	shalt  }
0x5b: {  	_ =	shalt  }
0x5c: {  	_ =	shalt  }
0x5d: {  	_ =	shalt  }
0x5e: {  	_ =	shalt  }
0x5f: {  	_ =	shalt  }
0x60: {  	_ =	shalt  }
0x61: {  	_ =	shalt  }
0x62: {  	_ =	shalt  }
0x63: {  	_ =	shalt  }
0x64: {  	_ =	shalt  }
0x65: {  	_ =	shalt  }
0x66: {  	_ =	shalt  }
0x67: {  	_ =	shalt  }
0x68: {  	_ =	shalt  }
0x69: {  	_ =	shalt  }
0x6a: {  	_ =	shalt  }
0x6b: {  	_ =	shalt  }
0x6c: {  	_ =	shalt  }
0x6d: {  	_ =	shalt  }
0x6e: {  	_ =	shalt  }
0x6f: {  	_ =	shalt  }
0x70: {  	_ =	shalt  }
0x71: {  	_ =	shalt  }
0x72: {  	_ =	shalt  }
0x73: {  	_ =	shalt  }
0x74: {  	_ =	shalt  }
0x75: {  	_ =	shalt  }
0x76: {  	_ =	shalt  }
0x77: {  	_ =	shalt  }
0x78: {  	_ =	shalt  }
0x79: {  	_ =	shalt  }
0x7a: {  	_ =	shalt  }
0x7b: {  	_ =	shalt  }
0x7c: {  	_ =	shalt  }
0x7d: {  	_ =	shalt  }
0x7e: {  	_ =	shalt  }
0x7f: {  	_ =	shalt  }
0x80: {  	_ =	shalt  }
0x81: {  	_ =	shalt  }
0x82: {  	_ =	shalt  }
0x83: {  	_ =	shalt  }
0x84: {  	_ =	shalt  }
0x85: {  	_ =	shalt  }
0x86: {  	_ =	shalt  }
0x87: {  	_ =	shalt  }
.Lfunc_end0:
.L_simem_size_0:
called_computation_lowered:
.L_overlay_start_0:
0x88: {  	s2 =	sld [smem:$0x3FD9]  }
0x89: {  	s3 =	sld [smem:$0x3FFE];
	_ =	sdelay $0x1  }
0x8a: {  	s1 =	srdreg.scid  }
0x8b: {  	s0 =	sand.u32 $0x1, s1  }
0x8c: {  	s16 =	sshll.u32 s0, $0xA;
	s2 =	sadd.s32 s3, s2  }
0x8d: {  	s2 =	sadd.s32 s2, s16  }
0x8e: {  	[smem:$0x3FBF] =	sst s2  }
0x8f: {  	_ = 	snop  }
0x90: {  	(tm) =	ssettm $0x1  }
0x91: {  	s17 =	sld [smem:$0x3FFB];
	_ =	sdelay $0x3  }
0x92: {  	_ =	strace s17  }
0x93: {  	s2 =	sld [smem:$0x3FFC];
	_ =	sdelay $0x3  }
0x94: {  	_ =	strace s2  }
0x95: {  	s2 =	sld [smem:$0x3FFD];
	_ =	sdelay $0x3  }
0x96: {  	_ =	strace s2  }
0x97: {  	_ =	strace $0x8FFFFFFF  }
0x98: {  	s18 =	sld [smem:$0x3FDB];
	_ =	sdelay $0x1  }
0x99: {  	s19 =	simm.s32 $_scs_section_size  }
0x9a: {  	s4 =	simm.s32 $_size__tile_overlayer_lowered;
	s5 =	simm.s32 $_tile_overlayer_lowered  }
0x9b: {  	s22 =	simm.s32 $0x1BFF;
	s21 =	sshll.u32 s5, $0x1;
	s2 =	sadd.s32 s19, s18  }
0x9c: {  	s6 =	simm.s32 $0x0;
	s20 =	sshll.u32 s4, $0x1;
	s4 =	sadd.s32 s21, s2  }
0x9d: {  	[timem:s6], [sflag:s22] =	dma.local [hbm:s4], s20  }
0x9e: {  	_ =	swait.ge [sflag:s22], s20  }
0x9f: {  	s3 =	ssub.s32 $0x0, s20;
	[sflag:s22] =	ssyncset.done $0x0  }
0xa0: {  	[sflag:s22] =	ssyncadd.s32 s3;
	_ =	sdelay $0x1  }
0xa1: {  	s23 =	simm.s32 $0x1B8B  }
0xa2: {  	_ =	swait.ge [sflag:s23], $0x1  }
0xa3: {  	[sflag:s23] =	ssyncset.done $0x0  }
0xa4: {  	s25 =	simm.s32 $0x1B8E;
	s24 =	sld [smem:$0x3FFE];
	[sflag:s23] =	ssyncadd.s32 $0xFFFFFFFF  }
0xa5: {  	s26 =	simm.s32 $execute0_lowered;
	[smem:$0x3FD2] =	sst s25  }
0xa6: {  	s4 =	sshll.u32 s26, $0x1;
	_ =	strace $0x80000046;
	[dreg:$0x1] =	wrdreg $0xFFFFFFFF  }
0xa7: {  	s28 =	simm.s32 $_size_execute0_lowered;
	s2 =	sadd.s32 s2, s4;
	[dreg:$0x0] =	wrdreg $0x0  }
0xa8: {  	s4 =	sshll.u32 s28, $0x1;
	[dreg:$0x2] =	wrdreg s2  }
0xa9: {  	[dreg:$0x3] =	wrdreg s4  }
0xaa: {  	[dreg:$0x4] =	wrdreg $0xC0  }
0xab: {  	_ =	task [dreg:s6], $0x5FFFF  }
0xac: {  	[dreg:$0x1] =	wrdreg $0xFFFFFFFF  }
0xad: {  	[dreg:$0x0] =	wrdreg $0x60  }
0xae: {  	[dreg:$0x2] =	wrdreg s24  }
0xaf: {  	[dreg:$0x3] =	wrdreg $0x9  }
0xb0: {  	_ =	task.clear_ibuf [dreg:s6], $0x4FFFF;
	_ =	strace $0x90000046  }
0xb1: {  	s29 =	simm.s32 $0x9;
	_ =	strace $0x80000048  }
0xb2: {  	_ =	swait.ge [sflag:s29], $0x1  }
0xb3: {  	[sflag:s29] =	ssyncadd.s32 $0xFFFFFFFF  }
0xb4: {  	_ =	strace $0x90000048  }
0xb5: {  	_ =	sfence  }
0xb6: {  	s30 =	sld [smem:$0x0];
	_ =	sdelay $0x2  }
0xb7: {  	s31 =	sshll.u32 s1, $0xD;
	s1 =	sshrl.u32 s1, $0x2  }
0xb8: {  	s3 =	sand.u32 $0x4000, s31;
	s1 =	sadd.s32 s1, s30  }
0xb9: {  	s0 =	sor.u32 s3, s0;
	s1 =	sshll.u32 s1, $0x11  }
0xba: {  	s0 =	sor.u32 s1, s0  }
0xbb: {  	s0 =	sadd.s32 $0x8F2B, s0  }
0xbc: {  	[sflag:s0] =	ssyncadd.remote.s32 $0x1  }
0xbd: {  	_ =	sfence.sel $0xFFFF  }
0xbe: {  	[dreg:$0x0] =	wrdreg $0xFFFFFFFF;
	(pc) =	sbr.abs _section_cstart, $3  }
0xbf: {  	[dreg:$0x1] =	wrdreg $0xFFFFFFFF  }
0xc0: {  	_ =	task.clear_ibuf [dreg:s6], $0x2FFFF;
	_ =	strace $0x9FFFFFFF  }
0xc1: {  	(tm) =	ssettm $0x7FFFFFFF  }
tec
execute0_lowered:
.L_overlay_start_1:
0x0: {  	(tag) =	ssettag $0x1  }
0x1: {  	s0 =	srdreg.scid;
	s1 =	stileid.u32  }
0x2: {  	s0 =	sand.u32 $0x1, s0;
	s1 =	sshll.u32 s1, $0x1  }
0x3: {  	s11 =	rddreg [dreg:$0x0];
	s2 =	sor.u32 s0, s1  }
0x4: {  	s3 =	sadd.s32 $0x33400, s11;
	s0 =	ssub.s32 $0x2, s0;
	s2 =	smul.u32 $0xC400, s2  }
0x5: {  	s5 =	sadd.s32 $0xCAE00, s11;
	s22 =	sadd.s32 $0x68E00, s11;
	s4 =	sshrl.u32 s0, $0x1  }
0x6: {  	s1 =	simm.s32 $0x0;
	s15 =	ssub.s32 s0, s4;
	s0 =	sshrl.u32 s2, $0x3  }
0x7: {  	[smem:$0x7FF] =	sst s1;
	s15 =	smax.u32 s15, $0x1;
	s2 =	sadd.s32 s3, s0  }
0x8: {  	s24 =	sadd.s32 s5, s0;
	s7 =	sadd.s32 $0x310, s0;
	s9 =	sadd.s32 $0x620, s0  }
0x9: {  	s16 =	sadd.s32 $0x930, s0;
	s17 =	sadd.s32 $0xC40, s0;
	s18 =	sadd.s32 $0xF50, s0  }
0xa: {  	s19 =	sadd.s32 $0x1260, s0;
	s23 =	sadd.s32 s22, s0;
	[dreg:$0x2] =	wrdreg s24  }
0xb: {  	s20 =	sadd.s32 $0x1570, s0;
	s6 =	sadd.s32 s5, s7;
	[dreg:$0xa] =	wrdreg s23  }
0xc: {  	s4 =	sadd.s32 s3, s7;
	s8 =	sadd.s32 s5, s9;
	[dreg:$0x3] =	wrdreg s6  }
0xd: {  	s10 =	sadd.s32 s5, s16;
	s12 =	sadd.s32 s5, s17;
	[dreg:$0x4] =	wrdreg s8  }
0xe: {  	s13 =	sadd.s32 s3, s19;
	s14 =	sadd.s32 s3, s20;
	[dreg:$0x5] =	wrdreg s10  }
0xf: {  	s25 =	sadd.s32 s5, s18;
	s26 =	sadd.s32 s5, s19;
	[dreg:$0x6] =	wrdreg s12  }
0x10: {  	s21 =	sadd.s32 s5, s20;
	s24 =	sadd.s32 s22, s7;
	[dreg:$0x7] =	wrdreg s25  }
0x11: {  	s23 =	sadd.s32 s22, s18;
	s6 =	sadd.s32 s3, s9;
	[dreg:$0x8] =	wrdreg s26  }
0x12: {  	s8 =	sadd.s32 s3, s16;
	s10 =	sadd.s32 s3, s17;
	[dreg:$0x9] =	wrdreg s21  }
0x13: {  	[dreg:$0xb] =	wrdreg s24;
	s25 =	sadd.s32 s22, s9;
	s26 =	sadd.s32 s22, s16  }
0x14: {  	s21 =	sadd.s32 s22, s17;
	s24 =	sadd.s32 s22, s19;
	[dreg:$0xc] =	wrdreg s25  }
0x15: {  	[dreg:$0xd] =	wrdreg s26;
	s25 =	sadd.s32 s22, s20;
	s22 =	sadd.s32 $0x99E00, s11  }
0x16: {  	s12 =	sadd.s32 s3, s18;
	[dreg:$0xe] =	wrdreg s21;
	s26 =	sadd.s32 s22, s0  }
0x17: {  	s28 =	sadd.s32 s22, s7;
	s30 =	sadd.s32 s22, s9;
	s31 =	sadd.s32 s22, s16  }
0x18: {  	s29 =	sadd.s32 s22, s17;
	s0 =	sadd.s32 s22, s18;
	s3 =	sadd.s32 s22, s19  }
0x19: {  	s5 =	sadd.s32 s22, s20;
	_ =	strace $0x80000047;
	s7 =	sadd.s32 $0x64400, s11  }
0x1a: {  	s9 =	sadd.s32 $0x65C6A, s11;
	s11 =	sadd.s32 $0x674D4, s11;
	s16 =	simm.s32 $0x1  }
0x1b: {  	s17 =	simm.s32 $0xC380;
	s18 =	simm.s32 $0xDC00;
	s19 =	simm.s32 $0x0  }
.LBB2_1:
0x1c: {  	[tilespmem:s1], [sflag:$0x1] =	stream.linear.gather [hbm4b:s7+s1], $0xC350, $0x38;
	[tilespmem:$0xF480] =	vst v63  }
0x1d: {  	_ =	swait.ge [sflag:s16], $0xC350  }
0x1e: {  	[sflag:s16] =	ssyncset.done $0x0  }
0x1f: {  	[sflag:s16] =	ssyncadd.s32 $0xFFFF3CB0  }
0x20: {  	[tilespmem:s17], [sflag:$0x1] =	stream.linear.gather [hbm4b:s2+s1], $0x1880, $0x38;
	[tilespmem:$0xF480] =	vst v63  }
0x21: {  	_ =	swait.ge [sflag:s16], $0x1880  }
0x22: {  	s20 =	simm.s32 $0xFFFFFFF8;
	[sflag:s16] =	ssyncset.done $0x0  }
0x23: {  	s21 =	simm.s32 $0xC3C0;
	s22 =	simm.s32 $0xDC40;
	[sflag:s16] =	ssyncadd.s32 $0xFFFFE780  }
.LBB2_2:
0x24: {  	v0 =	vld [tilespmem:s21+$0xFFFFFFC0];
	_ =	sdelay $0x7  }
0x25: {  	v0 =	vld.idx.msk [tilespmem:v0+s1+$0x0], $0xffff;
	_ =	sdelay $0x4  }
0x26: {  	[tilespmem:s22+$0xFFFFFFC0] =	vst v0  }
0x27: {  	v0 =	vld [tilespmem:s21+$0xFFFFFFD0];
	_ =	sdelay $0x7  }
0x28: {  	v0 =	vld.idx.msk [tilespmem:v0+s1+$0x0], $0xffff;
	_ =	sdelay $0x4  }
0x29: {  	[tilespmem:s22+$0xFFFFFFD0] =	vst v0  }
0x2a: {  	v0 =	vld [tilespmem:s21+$0xFFFFFFE0];
	_ =	sdelay $0x7  }
0x2b: {  	v0 =	vld.idx.msk [tilespmem:v0+s1+$0x0], $0xffff;
	_ =	sdelay $0x4  }
0x2c: {  	[tilespmem:s22+$0xFFFFFFE0] =	vst v0  }
0x2d: {  	v0 =	vld [tilespmem:s21+$0xFFFFFFF0];
	_ =	sdelay $0x7  }
0x2e: {  	v0 =	vld.idx.msk [tilespmem:v0+s1+$0x0], $0xffff;
	_ =	sdelay $0x4  }
0x2f: {  	[tilespmem:s22+$0xFFFFFFF0] =	vst v0  }
0x30: {  	v0 =	vld [tilespmem:s21+$0x0];
	_ =	sdelay $0x7  }
0x31: {  	v0 =	vld.idx.msk [tilespmem:v0+s1+$0x0], $0xffff;
	_ =	sdelay $0x4  }
0x32: {  	[tilespmem:s22+$0x0] =	vst v0  }
0x33: {  	v0 =	vld [tilespmem:s21+$0x10];
	_ =	sdelay $0x7  }
0x34: {  	v0 =	vld.idx.msk [tilespmem:v0+s1+$0x0], $0xffff;
	_ =	sdelay $0x4  }
0x35: {  	[tilespmem:s22+$0x10] =	vst v0  }
0x36: {  	v0 =	vld [tilespmem:s21+$0x20];
	_ =	sdelay $0x7  }
0x37: {  	v0 =	vld.idx.msk [tilespmem:v0+s1+$0x0], $0xffff;
	_ =	sdelay $0x4  }
0x38: {  	[tilespmem:s22+$0x20] =	vst v0  }
0x39: {  	v0 =	vld [tilespmem:s21+$0x30];
	_ =	sdelay $0x6  }
0x3a: {  	s20 =	sadd.s32 $0x8, s20  }
0x3b: {  	p0 =	slt.u32 s20, $0x180;
	v0 =	vld.idx.msk [tilespmem:v0+s1+$0x0], $0xffff  }
.Ltmp0:
0x3c: {  	_ = 	snop;
	(pc) =	sbr.rel @p0 .LBB2_2-.Ltmp0, $2  }
0x3d: {  	_ =	sdelay $0x2  }
0x3e: {  	s21 =	sadd.s32 $0x80, s21;
	[tilespmem:s22+$0x30] =	vst v0;
	s22 =	sadd.s32 $0x80, s22  }
0x3f: {  	s20 =	rddreg [dreg:$0x2]  }
0x40: {  	[hbm4b:s20+s1] =	stream.linear.scatter [tilespmem:s18], [sflag:$0x1], $0x1880, $0x38;
	[tilespmem:$0xF480] =	vst v63  }
0x41: {  	_ =	swait.ge [sflag:s16], $0x1880  }
0x42: {  	[sflag:s16] =	ssyncset.done $0x0  }
0x43: {  	[sflag:s16] =	ssyncadd.s32 $0xFFFFE780  }
0x44: {  	[tilespmem:s17], [sflag:$0x1] =	stream.linear.gather [hbm4b:s4+s1], $0x1880, $0x38;
	[tilespmem:$0xF480] =	vst v63  }
0x45: {  	_ =	swait.ge [sflag:s16], $0x1880  }
0x46: {  	s21 =	simm.s32 $0xC3C0;
	[sflag:s16] =	ssyncset.done $0x0  }
0x47: {  	s22 =	simm.s32 $0xDC40;
	s20 =	simm.s32 $0xFFFFFFF8;
	[sflag:s16] =	ssyncadd.s32 $0xFFFFE780  }
.LBB2_4:
0x48: {  	v0 =	vld [tilespmem:s21+$0xFFFFFFC0];
	_ =	sdelay $0x7  }
0x49: {  	v0 =	vld.idx.msk [tilespmem:v0+s1+$0x0], $0xffff;
	_ =	sdelay $0x4  }
0x4a: {  	[tilespmem:s22+$0xFFFFFFC0] =	vst v0  }
0x4b: {  	v0 =	vld [tilespmem:s21+$0xFFFFFFD0];
	_ =	sdelay $0x7  }
0x4c: {  	v0 =	vld.idx.msk [tilespmem:v0+s1+$0x0], $0xffff;
	_ =	sdelay $0x4  }
0x4d: {  	[tilespmem:s22+$0xFFFFFFD0] =	vst v0  }
0x4e: {  	v0 =	vld [tilespmem:s21+$0xFFFFFFE0];
	_ =	sdelay $0x7  }
0x4f: {  	v0 =	vld.idx.msk [tilespmem:v0+s1+$0x0], $0xffff;
	_ =	sdelay $0x4  }
0x50: {  	[tilespmem:s22+$0xFFFFFFE0] =	vst v0  }
0x51: {  	v0 =	vld [tilespmem:s21+$0xFFFFFFF0];
	_ =	sdelay $0x7  }
0x52: {  	v0 =	vld.idx.msk [tilespmem:v0+s1+$0x0], $0xffff;
	_ =	sdelay $0x4  }
0x53: {  	[tilespmem:s22+$0xFFFFFFF0] =	vst v0  }
0x54: {  	v0 =	vld [tilespmem:s21+$0x0];
	_ =	sdelay $0x7  }
0x55: {  	v0 =	vld.idx.msk [tilespmem:v0+s1+$0x0], $0xffff;
	_ =	sdelay $0x4  }
0x56: {  	[tilespmem:s22+$0x0] =	vst v0  }
0x57: {  	v0 =	vld [tilespmem:s21+$0x10];
	_ =	sdelay $0x7  }
0x58: {  	v0 =	vld.idx.msk [tilespmem:v0+s1+$0x0], $0xffff;
	_ =	sdelay $0x4  }
0x59: {  	[tilespmem:s22+$0x10] =	vst v0  }
0x5a: {  	v0 =	vld [tilespmem:s21+$0x20];
	_ =	sdelay $0x7  }
0x5b: {  	v0 =	vld.idx.msk [tilespmem:v0+s1+$0x0], $0xffff;
	_ =	sdelay $0x4  }
0x5c: {  	[tilespmem:s22+$0x20] =	vst v0  }
0x5d: {  	v0 =	vld [tilespmem:s21+$0x30];
	_ =	sdelay $0x6  }
0x5e: {  	s20 =	sadd.s32 $0x8, s20  }
0x5f: {  	p0 =	slt.u32 s20, $0x180;
	v0 =	vld.idx.msk [tilespmem:v0+s1+$0x0], $0xffff  }
.Ltmp1:
0x60: {  	_ = 	snop;
	(pc) =	sbr.rel @p0 .LBB2_4-.Ltmp1, $2  }
0x61: {  	_ =	sdelay $0x2  }
0x62: {  	s21 =	sadd.s32 $0x80, s21;
	[tilespmem:s22+$0x30] =	vst v0;
	s22 =	sadd.s32 $0x80, s22  }
0x63: {  	s20 =	rddreg [dreg:$0x3]  }
0x64: {  	[hbm4b:s20+s1] =	stream.linear.scatter [tilespmem:s18], [sflag:$0x1], $0x1880, $0x38;
	[tilespmem:$0xF480] =	vst v63  }
0x65: {  	_ =	swait.ge [sflag:s16], $0x1880  }
0x66: {  	[sflag:s16] =	ssyncset.done $0x0  }
0x67: {  	[sflag:s16] =	ssyncadd.s32 $0xFFFFE780  }
0x68: {  	[tilespmem:s17], [sflag:$0x1] =	stream.linear.gather [hbm4b:s6+s1], $0x1880, $0x38;
	[tilespmem:$0xF480] =	vst v63  }
0x69: {  	_ =	swait.ge [sflag:s16], $0x1880  }
0x6a: {  	s21 =	simm.s32 $0xC3C0;
	[sflag:s16] =	ssyncset.done $0x0  }
0x6b: {  	s22 =	simm.s32 $0xDC40;
	s20 =	simm.s32 $0xFFFFFFF8;
	[sflag:s16] =	ssyncadd.s32 $0xFFFFE780  }
.LBB2_6:
0x6c: {  	v0 =	vld [tilespmem:s21+$0xFFFFFFC0];
	_ =	sdelay $0x7  }
0x6d: {  	v0 =	vld.idx.msk [tilespmem:v0+s1+$0x0], $0xffff;
	_ =	sdelay $0x4  }
0x6e: {  	[tilespmem:s22+$0xFFFFFFC0] =	vst v0  }
0x6f: {  	v0 =	vld [tilespmem:s21+$0xFFFFFFD0];
	_ =	sdelay $0x7  }
0x70: {  	v0 =	vld.idx.msk [tilespmem:v0+s1+$0x0], $0xffff;
	_ =	sdelay $0x4  }
0x71: {  	[tilespmem:s22+$0xFFFFFFD0] =	vst v0  }
0x72: {  	v0 =	vld [tilespmem:s21+$0xFFFFFFE0];
	_ =	sdelay $0x7  }
0x73: {  	v0 =	vld.idx.msk [tilespmem:v0+s1+$0x0], $0xffff;
	_ =	sdelay $0x4  }
0x74: {  	[tilespmem:s22+$0xFFFFFFE0] =	vst v0  }
0x75: {  	v0 =	vld [tilespmem:s21+$0xFFFFFFF0];
	_ =	sdelay $0x7  }
0x76: {  	v0 =	vld.idx.msk [tilespmem:v0+s1+$0x0], $0xffff;
	_ =	sdelay $0x4  }
0x77: {  	[tilespmem:s22+$0xFFFFFFF0] =	vst v0  }
0x78: {  	v0 =	vld [tilespmem:s21+$0x0];
	_ =	sdelay $0x7  }
0x79: {  	v0 =	vld.idx.msk [tilespmem:v0+s1+$0x0], $0xffff;
	_ =	sdelay $0x4  }
0x7a: {  	[tilespmem:s22+$0x0] =	vst v0  }
0x7b: {  	v0 =	vld [tilespmem:s21+$0x10];
	_ =	sdelay $0x7  }
0x7c: {  	v0 =	vld.idx.msk [tilespmem:v0+s1+$0x0], $0xffff;
	_ =	sdelay $0x4  }
0x7d: {  	[tilespmem:s22+$0x10] =	vst v0  }
0x7e: {  	v0 =	vld [tilespmem:s21+$0x20];
	_ =	sdelay $0x7  }
0x7f: {  	v0 =	vld.idx.msk [tilespmem:v0+s1+$0x0], $0xffff;
	_ =	sdelay $0x4  }
0x80: {  	[tilespmem:s22+$0x20] =	vst v0  }
0x81: {  	v0 =	vld [tilespmem:s21+$0x30];
	_ =	sdelay $0x6  }
0x82: {  	s20 =	sadd.s32 $0x8, s20  }
0x83: {  	p0 =	slt.u32 s20, $0x180;
	v0 =	vld.idx.msk [tilespmem:v0+s1+$0x0], $0xffff  }
.Ltmp2:
0x84: {  	_ = 	snop;
	(pc) =	sbr.rel @p0 .LBB2_6-.Ltmp2, $2  }
0x85: {  	_ =	sdelay $0x2  }
0x86: {  	s21 =	sadd.s32 $0x80, s21;
	[tilespmem:s22+$0x30] =	vst v0;
	s22 =	sadd.s32 $0x80, s22  }
0x87: {  	s20 =	rddreg [dreg:$0x4]  }
0x88: {  	[hbm4b:s20+s1] =	stream.linear.scatter [tilespmem:s18], [sflag:$0x1], $0x1880, $0x38;
	[tilespmem:$0xF480] =	vst v63  }
0x89: {  	_ =	swait.ge [sflag:s16], $0x1880  }
0x8a: {  	[sflag:s16] =	ssyncset.done $0x0  }
0x8b: {  	[sflag:s16] =	ssyncadd.s32 $0xFFFFE780  }
0x8c: {  	[tilespmem:s17], [sflag:$0x1] =	stream.linear.gather [hbm4b:s8+s1], $0x1880, $0x38;
	[tilespmem:$0xF480] =	vst v63  }
0x8d: {  	_ =	swait.ge [sflag:s16], $0x1880  }
0x8e: {  	s21 =	simm.s32 $0xC3C0;
	[sflag:s16] =	ssyncset.done $0x0  }
0x8f: {  	s22 =	simm.s32 $0xDC40;
	s20 =	simm.s32 $0xFFFFFFF8;
	[sflag:s16] =	ssyncadd.s32 $0xFFFFE780  }
.LBB2_8:
0x90: {  	v0 =	vld [tilespmem:s21+$0xFFFFFFC0];
	_ =	sdelay $0x7  }
0x91: {  	v0 =	vld.idx.msk [tilespmem:v0+s1+$0x0], $0xffff;
	_ =	sdelay $0x4  }
0x92: {  	[tilespmem:s22+$0xFFFFFFC0] =	vst v0  }
0x93: {  	v0 =	vld [tilespmem:s21+$0xFFFFFFD0];
	_ =	sdelay $0x7  }
0x94: {  	v0 =	vld.idx.msk [tilespmem:v0+s1+$0x0], $0xffff;
	_ =	sdelay $0x4  }
0x95: {  	[tilespmem:s22+$0xFFFFFFD0] =	vst v0  }
0x96: {  	v0 =	vld [tilespmem:s21+$0xFFFFFFE0];
	_ =	sdelay $0x7  }
0x97: {  	v0 =	vld.idx.msk [tilespmem:v0+s1+$0x0], $0xffff;
	_ =	sdelay $0x4  }
0x98: {  	[tilespmem:s22+$0xFFFFFFE0] =	vst v0  }
0x99: {  	v0 =	vld [tilespmem:s21+$0xFFFFFFF0];
	_ =	sdelay $0x7  }
0x9a: {  	v0 =	vld.idx.msk [tilespmem:v0+s1+$0x0], $0xffff;
	_ =	sdelay $0x4  }
0x9b: {  	[tilespmem:s22+$0xFFFFFFF0] =	vst v0  }
0x9c: {  	v0 =	vld [tilespmem:s21+$0x0];
	_ =	sdelay $0x7  }
0x9d: {  	v0 =	vld.idx.msk [tilespmem:v0+s1+$0x0], $0xffff;
	_ =	sdelay $0x4  }
0x9e: {  	[tilespmem:s22+$0x0] =	vst v0  }
0x9f: {  	v0 =	vld [tilespmem:s21+$0x10];
	_ =	sdelay $0x7  }
0xa0: {  	v0 =	vld.idx.msk [tilespmem:v0+s1+$0x0], $0xffff;
	_ =	sdelay $0x4  }
0xa1: {  	[tilespmem:s22+$0x10] =	vst v0  }
0xa2: {  	v0 =	vld [tilespmem:s21+$0x20];
	_ =	sdelay $0x7  }
0xa3: {  	v0 =	vld.idx.msk [tilespmem:v0+s1+$0x0], $0xffff;
	_ =	sdelay $0x4  }
0xa4: {  	[tilespmem:s22+$0x20] =	vst v0  }
0xa5: {  	v0 =	vld [tilespmem:s21+$0x30];
	_ =	sdelay $0x6  }
0xa6: {  	s20 =	sadd.s32 $0x8, s20  }
0xa7: {  	p0 =	slt.u32 s20, $0x180;
	v0 =	vld.idx.msk [tilespmem:v0+s1+$0x0], $0xffff  }
.Ltmp3:
0xa8: {  	_ = 	snop;
	(pc) =	sbr.rel @p0 .LBB2_8-.Ltmp3, $2  }
0xa9: {  	_ =	sdelay $0x2  }
0xaa: {  	s21 =	sadd.s32 $0x80, s21;
	[tilespmem:s22+$0x30] =	vst v0;
	s22 =	sadd.s32 $0x80, s22  }
0xab: {  	s20 =	rddreg [dreg:$0x5]  }
0xac: {  	[hbm4b:s20+s1] =	stream.linear.scatter [tilespmem:s18], [sflag:$0x1], $0x1880, $0x38;
	[tilespmem:$0xF480] =	vst v63  }
0xad: {  	_ =	swait.ge [sflag:s16], $0x1880  }
0xae: {  	[sflag:s16] =	ssyncset.done $0x0  }
0xaf: {  	[sflag:s16] =	ssyncadd.s32 $0xFFFFE780  }
0xb0: {  	[tilespmem:s17], [sflag:$0x1] =	stream.linear.gather [hbm4b:s10+s1], $0x1880, $0x38;
	[tilespmem:$0xF480] =	vst v63  }
0xb1: {  	_ =	swait.ge [sflag:s16], $0x1880  }
0xb2: {  	s21 =	simm.s32 $0xC3C0;
	[sflag:s16] =	ssyncset.done $0x0  }
0xb3: {  	s22 =	simm.s32 $0xDC40;
	s20 =	simm.s32 $0xFFFFFFF8;
	[sflag:s16] =	ssyncadd.s32 $0xFFFFE780  }
.LBB2_10:
0xb4: {  	v0 =	vld [tilespmem:s21+$0xFFFFFFC0];
	_ =	sdelay $0x7  }
0xb5: {  	v0 =	vld.idx.msk [tilespmem:v0+s1+$0x0], $0xffff;
	_ =	sdelay $0x4  }
0xb6: {  	[tilespmem:s22+$0xFFFFFFC0] =	vst v0  }
0xb7: {  	v0 =	vld [tilespmem:s21+$0xFFFFFFD0];
	_ =	sdelay $0x7  }
0xb8: {  	v0 =	vld.idx.msk [tilespmem:v0+s1+$0x0], $0xffff;
	_ =	sdelay $0x4  }
0xb9: {  	[tilespmem:s22+$0xFFFFFFD0] =	vst v0  }
0xba: {  	v0 =	vld [tilespmem:s21+$0xFFFFFFE0];
	_ =	sdelay $0x7  }
0xbb: {  	v0 =	vld.idx.msk [tilespmem:v0+s1+$0x0], $0xffff;
	_ =	sdelay $0x4  }
0xbc: {  	[tilespmem:s22+$0xFFFFFFE0] =	vst v0  }
0xbd: {  	v0 =	vld [tilespmem:s21+$0xFFFFFFF0];
	_ =	sdelay $0x7  }
0xbe: {  	v0 =	vld.idx.msk [tilespmem:v0+s1+$0x0], $0xffff;
	_ =	sdelay $0x4  }
0xbf: {  	[tilespmem:s22+$0xFFFFFFF0] =	vst v0  }
0xc0: {  	v0 =	vld [tilespmem:s21+$0x0];
	_ =	sdelay $0x7  }
0xc1: {  	v0 =	vld.idx.msk [tilespmem:v0+s1+$0x0], $0xffff;
	_ =	sdelay $0x4  }
0xc2: {  	[tilespmem:s22+$0x0] =	vst v0  }
0xc3: {  	v0 =	vld [tilespmem:s21+$0x10];
	_ =	sdelay $0x7  }
0xc4: {  	v0 =	vld.idx.msk [tilespmem:v0+s1+$0x0], $0xffff;
	_ =	sdelay $0x4  }
0xc5: {  	[tilespmem:s22+$0x10] =	vst v0  }
0xc6: {  	v0 =	vld [tilespmem:s21+$0x20];
	_ =	sdelay $0x7  }
0xc7: {  	v0 =	vld.idx.msk [tilespmem:v0+s1+$0x0], $0xffff;
	_ =	sdelay $0x4  }
0xc8: {  	[tilespmem:s22+$0x20] =	vst v0  }
0xc9: {  	v0 =	vld [tilespmem:s21+$0x30];
	_ =	sdelay $0x6  }
0xca: {  	s20 =	sadd.s32 $0x8, s20  }
0xcb: {  	p0 =	slt.u32 s20, $0x180;
	v0 =	vld.idx.msk [tilespmem:v0+s1+$0x0], $0xffff  }
.Ltmp4:
0xcc: {  	_ = 	snop;
	(pc) =	sbr.rel @p0 .LBB2_10-.Ltmp4, $2  }
0xcd: {  	_ =	sdelay $0x2  }
0xce: {  	s21 =	sadd.s32 $0x80, s21;
	[tilespmem:s22+$0x30] =	vst v0;
	s22 =	sadd.s32 $0x80, s22  }
0xcf: {  	s20 =	rddreg [dreg:$0x6]  }
0xd0: {  	[hbm4b:s20+s1] =	stream.linear.scatter [tilespmem:s18], [sflag:$0x1], $0x1880, $0x38;
	[tilespmem:$0xF480] =	vst v63  }
0xd1: {  	_ =	swait.ge [sflag:s16], $0x1880  }
0xd2: {  	[sflag:s16] =	ssyncset.done $0x0  }
0xd3: {  	[sflag:s16] =	ssyncadd.s32 $0xFFFFE780  }
0xd4: {  	[tilespmem:s17], [sflag:$0x1] =	stream.linear.gather [hbm4b:s12+s1], $0x1880, $0x38;
	[tilespmem:$0xF480] =	vst v63  }
0xd5: {  	_ =	swait.ge [sflag:s16], $0x1880  }
0xd6: {  	s21 =	simm.s32 $0xC3C0;
	[sflag:s16] =	ssyncset.done $0x0  }
0xd7: {  	s22 =	simm.s32 $0xDC40;
	s20 =	simm.s32 $0xFFFFFFF8;
	[sflag:s16] =	ssyncadd.s32 $0xFFFFE780  }
.LBB2_12:
0xd8: {  	v0 =	vld [tilespmem:s21+$0xFFFFFFC0];
	_ =	sdelay $0x7  }
0xd9: {  	v0 =	vld.idx.msk [tilespmem:v0+s1+$0x0], $0xffff;
	_ =	sdelay $0x4  }
0xda: {  	[tilespmem:s22+$0xFFFFFFC0] =	vst v0  }
0xdb: {  	v0 =	vld [tilespmem:s21+$0xFFFFFFD0];
	_ =	sdelay $0x7  }
0xdc: {  	v0 =	vld.idx.msk [tilespmem:v0+s1+$0x0], $0xffff;
	_ =	sdelay $0x4  }
0xdd: {  	[tilespmem:s22+$0xFFFFFFD0] =	vst v0  }
0xde: {  	v0 =	vld [tilespmem:s21+$0xFFFFFFE0];
	_ =	sdelay $0x7  }
0xdf: {  	v0 =	vld.idx.msk [tilespmem:v0+s1+$0x0], $0xffff;
	_ =	sdelay $0x4  }
0xe0: {  	[tilespmem:s22+$0xFFFFFFE0] =	vst v0  }
0xe1: {  	v0 =	vld [tilespmem:s21+$0xFFFFFFF0];
	_ =	sdelay $0x7  }
0xe2: {  	v0 =	vld.idx.msk [tilespmem:v0+s1+$0x0], $0xffff;
	_ =	sdelay $0x4  }
0xe3: {  	[tilespmem:s22+$0xFFFFFFF0] =	vst v0  }
0xe4: {  	v0 =	vld [tilespmem:s21+$0x0];
	_ =	sdelay $0x7  }
0xe5: {  	v0 =	vld.idx.msk [tilespmem:v0+s1+$0x0], $0xffff;
	_ =	sdelay $0x4  }
0xe6: {  	[tilespmem:s22+$0x0] =	vst v0  }
0xe7: {  	v0 =	vld [tilespmem:s21+$0x10];
	_ =	sdelay $0x7  }
0xe8: {  	v0 =	vld.idx.msk [tilespmem:v0+s1+$0x0], $0xffff;
	_ =	sdelay $0x4  }
0xe9: {  	[tilespmem:s22+$0x10] =	vst v0  }
0xea: {  	v0 =	vld [tilespmem:s21+$0x20];
	_ =	sdelay $0x7  }
0xeb: {  	v0 =	vld.idx.msk [tilespmem:v0+s1+$0x0], $0xffff;
	_ =	sdelay $0x4  }
0xec: {  	[tilespmem:s22+$0x20] =	vst v0  }
0xed: {  	v0 =	vld [tilespmem:s21+$0x30];
	_ =	sdelay $0x6  }
0xee: {  	s20 =	sadd.s32 $0x8, s20  }
0xef: {  	p0 =	slt.u32 s20, $0x180;
	v0 =	vld.idx.msk [tilespmem:v0+s1+$0x0], $0xffff  }
.Ltmp5:
0xf0: {  	_ = 	snop;
	(pc) =	sbr.rel @p0 .LBB2_12-.Ltmp5, $2  }
0xf1: {  	_ =	sdelay $0x2  }
0xf2: {  	s21 =	sadd.s32 $0x80, s21;
	[tilespmem:s22+$0x30] =	vst v0;
	s22 =	sadd.s32 $0x80, s22  }
0xf3: {  	s20 =	rddreg [dreg:$0x7]  }
0xf4: {  	[hbm4b:s20+s1] =	stream.linear.scatter [tilespmem:s18], [sflag:$0x1], $0x1880, $0x38;
	[tilespmem:$0xF480] =	vst v63  }
0xf5: {  	_ =	swait.ge [sflag:s16], $0x1880  }
0xf6: {  	[sflag:s16] =	ssyncset.done $0x0  }
0xf7: {  	[sflag:s16] =	ssyncadd.s32 $0xFFFFE780  }
0xf8: {  	[tilespmem:s17], [sflag:$0x1] =	stream.linear.gather [hbm4b:s13+s1], $0x1880, $0x38;
	[tilespmem:$0xF480] =	vst v63  }
0xf9: {  	_ =	swait.ge [sflag:s16], $0x1880  }
0xfa: {  	s21 =	simm.s32 $0xC3C0;
	[sflag:s16] =	ssyncset.done $0x0  }
0xfb: {  	s22 =	simm.s32 $0xDC40;
	s20 =	simm.s32 $0xFFFFFFF8;
	[sflag:s16] =	ssyncadd.s32 $0xFFFFE780  }
.LBB2_14:
0xfc: {  	v0 =	vld [tilespmem:s21+$0xFFFFFFC0];
	_ =	sdelay $0x7  }
0xfd: {  	v0 =	vld.idx.msk [tilespmem:v0+s1+$0x0], $0xffff;
	_ =	sdelay $0x4  }
0xfe: {  	[tilespmem:s22+$0xFFFFFFC0] =	vst v0  }
0xff: {  	v0 =	vld [tilespmem:s21+$0xFFFFFFD0];
	_ =	sdelay $0x7  }
0x100: {  	v0 =	vld.idx.msk [tilespmem:v0+s1+$0x0], $0xffff;
	_ =	sdelay $0x4  }
0x101: {  	[tilespmem:s22+$0xFFFFFFD0] =	vst v0  }
0x102: {  	v0 =	vld [tilespmem:s21+$0xFFFFFFE0];
	_ =	sdelay $0x7  }
0x103: {  	v0 =	vld.idx.msk [tilespmem:v0+s1+$0x0], $0xffff;
	_ =	sdelay $0x4  }
0x104: {  	[tilespmem:s22+$0xFFFFFFE0] =	vst v0  }
0x105: {  	v0 =	vld [tilespmem:s21+$0xFFFFFFF0];
	_ =	sdelay $0x7  }
0x106: {  	v0 =	vld.idx.msk [tilespmem:v0+s1+$0x0], $0xffff;
	_ =	sdelay $0x4  }
0x107: {  	[tilespmem:s22+$0xFFFFFFF0] =	vst v0  }
0x108: {  	v0 =	vld [tilespmem:s21+$0x0];
	_ =	sdelay $0x7  }
0x109: {  	v0 =	vld.idx.msk [tilespmem:v0+s1+$0x0], $0xffff;
	_ =	sdelay $0x4  }
0x10a: {  	[tilespmem:s22+$0x0] =	vst v0  }
0x10b: {  	v0 =	vld [tilespmem:s21+$0x10];
	_ =	sdelay $0x7  }
0x10c: {  	v0 =	vld.idx.msk [tilespmem:v0+s1+$0x0], $0xffff;
	_ =	sdelay $0x4  }
0x10d: {  	[tilespmem:s22+$0x10] =	vst v0  }
0x10e: {  	v0 =	vld [tilespmem:s21+$0x20];
	_ =	sdelay $0x7  }
0x10f: {  	v0 =	vld.idx.msk [tilespmem:v0+s1+$0x0], $0xffff;
	_ =	sdelay $0x4  }
0x110: {  	[tilespmem:s22+$0x20] =	vst v0  }
0x111: {  	v0 =	vld [tilespmem:s21+$0x30];
	_ =	sdelay $0x6  }
0x112: {  	s20 =	sadd.s32 $0x8, s20  }
0x113: {  	p0 =	slt.u32 s20, $0x180;
	v0 =	vld.idx.msk [tilespmem:v0+s1+$0x0], $0xffff  }
.Ltmp6:
0x114: {  	_ = 	snop;
	(pc) =	sbr.rel @p0 .LBB2_14-.Ltmp6, $2  }
0x115: {  	_ =	sdelay $0x2  }
0x116: {  	s21 =	sadd.s32 $0x80, s21;
	[tilespmem:s22+$0x30] =	vst v0;
	s22 =	sadd.s32 $0x80, s22  }
0x117: {  	s20 =	rddreg [dreg:$0x8]  }
0x118: {  	[hbm4b:s20+s1] =	stream.linear.scatter [tilespmem:s18], [sflag:$0x1], $0x1880, $0x38;
	[tilespmem:$0xF480] =	vst v63  }
0x119: {  	_ =	swait.ge [sflag:s16], $0x1880  }
0x11a: {  	[sflag:s16] =	ssyncset.done $0x0  }
0x11b: {  	[sflag:s16] =	ssyncadd.s32 $0xFFFFE780  }
0x11c: {  	[tilespmem:s17], [sflag:$0x1] =	stream.linear.gather [hbm4b:s14+s1], $0x1880, $0x38;
	[tilespmem:$0xF480] =	vst v63  }
0x11d: {  	_ =	swait.ge [sflag:s16], $0x1880  }
0x11e: {  	s21 =	simm.s32 $0xC3C0;
	[sflag:s16] =	ssyncset.done $0x0  }
0x11f: {  	s22 =	simm.s32 $0xDC40;
	s20 =	simm.s32 $0xFFFFFFF8;
	[sflag:s16] =	ssyncadd.s32 $0xFFFFE780  }
.LBB2_16:
0x120: {  	v0 =	vld [tilespmem:s21+$0xFFFFFFC0];
	_ =	sdelay $0x7  }
0x121: {  	v0 =	vld.idx.msk [tilespmem:v0+s1+$0x0], $0xffff;
	_ =	sdelay $0x4  }
0x122: {  	[tilespmem:s22+$0xFFFFFFC0] =	vst v0  }
0x123: {  	v0 =	vld [tilespmem:s21+$0xFFFFFFD0];
	_ =	sdelay $0x7  }
0x124: {  	v0 =	vld.idx.msk [tilespmem:v0+s1+$0x0], $0xffff;
	_ =	sdelay $0x4  }
0x125: {  	[tilespmem:s22+$0xFFFFFFD0] =	vst v0  }
0x126: {  	v0 =	vld [tilespmem:s21+$0xFFFFFFE0];
	_ =	sdelay $0x7  }
0x127: {  	v0 =	vld.idx.msk [tilespmem:v0+s1+$0x0], $0xffff;
	_ =	sdelay $0x4  }
0x128: {  	[tilespmem:s22+$0xFFFFFFE0] =	vst v0  }
0x129: {  	v0 =	vld [tilespmem:s21+$0xFFFFFFF0];
	_ =	sdelay $0x7  }
0x12a: {  	v0 =	vld.idx.msk [tilespmem:v0+s1+$0x0], $0xffff;
	_ =	sdelay $0x4  }
0x12b: {  	[tilespmem:s22+$0xFFFFFFF0] =	vst v0  }
0x12c: {  	v0 =	vld [tilespmem:s21+$0x0];
	_ =	sdelay $0x7  }
0x12d: {  	v0 =	vld.idx.msk [tilespmem:v0+s1+$0x0], $0xffff;
	_ =	sdelay $0x4  }
0x12e: {  	[tilespmem:s22+$0x0] =	vst v0  }
0x12f: {  	v0 =	vld [tilespmem:s21+$0x10];
	_ =	sdelay $0x7  }
0x130: {  	v0 =	vld.idx.msk [tilespmem:v0+s1+$0x0], $0xffff;
	_ =	sdelay $0x4  }
0x131: {  	[tilespmem:s22+$0x10] =	vst v0  }
0x132: {  	v0 =	vld [tilespmem:s21+$0x20];
	_ =	sdelay $0x7  }
0x133: {  	v0 =	vld.idx.msk [tilespmem:v0+s1+$0x0], $0xffff;
	_ =	sdelay $0x4  }
0x134: {  	[tilespmem:s22+$0x20] =	vst v0  }
0x135: {  	v0 =	vld [tilespmem:s21+$0x30];
	_ =	sdelay $0x6  }
0x136: {  	s20 =	sadd.s32 $0x8, s20  }
0x137: {  	p0 =	slt.u32 s20, $0x180;
	v0 =	vld.idx.msk [tilespmem:v0+s1+$0x0], $0xffff  }
.Ltmp7:
0x138: {  	_ = 	snop;
	(pc) =	sbr.rel @p0 .LBB2_16-.Ltmp7, $2  }
0x139: {  	_ =	sdelay $0x2  }
0x13a: {  	s21 =	sadd.s32 $0x80, s21;
	[tilespmem:s22+$0x30] =	vst v0;
	s22 =	sadd.s32 $0x80, s22  }
0x13b: {  	s20 =	rddreg [dreg:$0x9]  }
0x13c: {  	[hbm4b:s20+s1] =	stream.linear.scatter [tilespmem:s18], [sflag:$0x1], $0x1880, $0x38;
	[tilespmem:$0xF480] =	vst v63  }
0x13d: {  	_ =	swait.ge [sflag:s16], $0x1880  }
0x13e: {  	[sflag:s16] =	ssyncset.done $0x0  }
0x13f: {  	[sflag:s16] =	ssyncadd.s32 $0xFFFFE780  }
0x140: {  	[tilespmem:s1], [sflag:$0x1] =	stream.linear.gather [hbm4b:s9+s1], $0xC350, $0x38;
	[tilespmem:$0xF480] =	vst v63  }
0x141: {  	_ =	swait.ge [sflag:s16], $0xC350  }
0x142: {  	[sflag:s16] =	ssyncset.done $0x0  }
0x143: {  	[sflag:s16] =	ssyncadd.s32 $0xFFFF3CB0  }
0x144: {  	[tilespmem:s17], [sflag:$0x1] =	stream.linear.gather [hbm4b:s2+s1], $0x1880, $0x38;
	[tilespmem:$0xF480] =	vst v63  }
0x145: {  	_ =	swait.ge [sflag:s16], $0x1880  }
0x146: {  	s21 =	simm.s32 $0xC3C0;
	[sflag:s16] =	ssyncset.done $0x0  }
0x147: {  	s22 =	simm.s32 $0xDC40;
	s20 =	simm.s32 $0xFFFFFFF8;
	[sflag:s16] =	ssyncadd.s32 $0xFFFFE780  }
.LBB2_18:
0x148: {  	v0 =	vld [tilespmem:s21+$0xFFFFFFC0];
	_ =	sdelay $0x7  }
0x149: {  	v0 =	vld.idx.msk [tilespmem:v0+s1+$0x0], $0xffff;
	_ =	sdelay $0x4  }
0x14a: {  	[tilespmem:s22+$0xFFFFFFC0] =	vst v0  }
0x14b: {  	v0 =	vld [tilespmem:s21+$0xFFFFFFD0];
	_ =	sdelay $0x7  }
0x14c: {  	v0 =	vld.idx.msk [tilespmem:v0+s1+$0x0], $0xffff;
	_ =	sdelay $0x4  }
0x14d: {  	[tilespmem:s22+$0xFFFFFFD0] =	vst v0  }
0x14e: {  	v0 =	vld [tilespmem:s21+$0xFFFFFFE0];
	_ =	sdelay $0x7  }
0x14f: {  	v0 =	vld.idx.msk [tilespmem:v0+s1+$0x0], $0xffff;
	_ =	sdelay $0x4  }
0x150: {  	[tilespmem:s22+$0xFFFFFFE0] =	vst v0  }
0x151: {  	v0 =	vld [tilespmem:s21+$0xFFFFFFF0];
	_ =	sdelay $0x7  }
0x152: {  	v0 =	vld.idx.msk [tilespmem:v0+s1+$0x0], $0xffff;
	_ =	sdelay $0x4  }
0x153: {  	[tilespmem:s22+$0xFFFFFFF0] =	vst v0  }
0x154: {  	v0 =	vld [tilespmem:s21+$0x0];
	_ =	sdelay $0x7  }
0x155: {  	v0 =	vld.idx.msk [tilespmem:v0+s1+$0x0], $0xffff;
	_ =	sdelay $0x4  }
0x156: {  	[tilespmem:s22+$0x0] =	vst v0  }
0x157: {  	v0 =	vld [tilespmem:s21+$0x10];
	_ =	sdelay $0x7  }
0x158: {  	v0 =	vld.idx.msk [tilespmem:v0+s1+$0x0], $0xffff;
	_ =	sdelay $0x4  }
0x159: {  	[tilespmem:s22+$0x10] =	vst v0  }
0x15a: {  	v0 =	vld [tilespmem:s21+$0x20];
	_ =	sdelay $0x7  }
0x15b: {  	v0 =	vld.idx.msk [tilespmem:v0+s1+$0x0], $0xffff;
	_ =	sdelay $0x4  }
0x15c: {  	[tilespmem:s22+$0x20] =	vst v0  }
0x15d: {  	v0 =	vld [tilespmem:s21+$0x30];
	_ =	sdelay $0x6  }
0x15e: {  	s20 =	sadd.s32 $0x8, s20  }
0x15f: {  	p0 =	slt.u32 s20, $0x180;
	v0 =	vld.idx.msk [tilespmem:v0+s1+$0x0], $0xffff  }
.Ltmp8:
0x160: {  	_ = 	snop;
	(pc) =	sbr.rel @p0 .LBB2_18-.Ltmp8, $2  }
0x161: {  	_ =	sdelay $0x2  }
0x162: {  	s21 =	sadd.s32 $0x80, s21;
	[tilespmem:s22+$0x30] =	vst v0;
	s22 =	sadd.s32 $0x80, s22  }
0x163: {  	s20 =	rddreg [dreg:$0xa]  }
0x164: {  	[hbm4b:s20+s1] =	stream.linear.scatter [tilespmem:s18], [sflag:$0x1], $0x1880, $0x38;
	[tilespmem:$0xF480] =	vst v63  }
0x165: {  	_ =	swait.ge [sflag:s16], $0x1880  }
0x166: {  	[sflag:s16] =	ssyncset.done $0x0  }
0x167: {  	[sflag:s16] =	ssyncadd.s32 $0xFFFFE780  }
0x168: {  	[tilespmem:s17], [sflag:$0x1] =	stream.linear.gather [hbm4b:s4+s1], $0x1880, $0x38;
	[tilespmem:$0xF480] =	vst v63  }
0x169: {  	_ =	swait.ge [sflag:s16], $0x1880  }
0x16a: {  	s21 =	simm.s32 $0xC3C0;
	[sflag:s16] =	ssyncset.done $0x0  }
0x16b: {  	s22 =	simm.s32 $0xDC40;
	s20 =	simm.s32 $0xFFFFFFF8;
	[sflag:s16] =	ssyncadd.s32 $0xFFFFE780  }
.LBB2_20:
0x16c: {  	v0 =	vld [tilespmem:s21+$0xFFFFFFC0];
	_ =	sdelay $0x7  }
0x16d: {  	v0 =	vld.idx.msk [tilespmem:v0+s1+$0x0], $0xffff;
	_ =	sdelay $0x4  }
0x16e: {  	[tilespmem:s22+$0xFFFFFFC0] =	vst v0  }
0x16f: {  	v0 =	vld [tilespmem:s21+$0xFFFFFFD0];
	_ =	sdelay $0x7  }
0x170: {  	v0 =	vld.idx.msk [tilespmem:v0+s1+$0x0], $0xffff;
	_ =	sdelay $0x4  }
0x171: {  	[tilespmem:s22+$0xFFFFFFD0] =	vst v0  }
0x172: {  	v0 =	vld [tilespmem:s21+$0xFFFFFFE0];
	_ =	sdelay $0x7  }
0x173: {  	v0 =	vld.idx.msk [tilespmem:v0+s1+$0x0], $0xffff;
	_ =	sdelay $0x4  }
0x174: {  	[tilespmem:s22+$0xFFFFFFE0] =	vst v0  }
0x175: {  	v0 =	vld [tilespmem:s21+$0xFFFFFFF0];
	_ =	sdelay $0x7  }
0x176: {  	v0 =	vld.idx.msk [tilespmem:v0+s1+$0x0], $0xffff;
	_ =	sdelay $0x4  }
0x177: {  	[tilespmem:s22+$0xFFFFFFF0] =	vst v0  }
0x178: {  	v0 =	vld [tilespmem:s21+$0x0];
	_ =	sdelay $0x7  }
0x179: {  	v0 =	vld.idx.msk [tilespmem:v0+s1+$0x0], $0xffff;
	_ =	sdelay $0x4  }
0x17a: {  	[tilespmem:s22+$0x0] =	vst v0  }
0x17b: {  	v0 =	vld [tilespmem:s21+$0x10];
	_ =	sdelay $0x7  }
0x17c: {  	v0 =	vld.idx.msk [tilespmem:v0+s1+$0x0], $0xffff;
	_ =	sdelay $0x4  }
0x17d: {  	[tilespmem:s22+$0x10] =	vst v0  }
0x17e: {  	v0 =	vld [tilespmem:s21+$0x20];
	_ =	sdelay $0x7  }
0x17f: {  	v0 =	vld.idx.msk [tilespmem:v0+s1+$0x0], $0xffff;
	_ =	sdelay $0x4  }
0x180: {  	[tilespmem:s22+$0x20] =	vst v0  }
0x181: {  	v0 =	vld [tilespmem:s21+$0x30];
	_ =	sdelay $0x6  }
0x182: {  	s20 =	sadd.s32 $0x8, s20  }
0x183: {  	p0 =	slt.u32 s20, $0x180;
	v0 =	vld.idx.msk [tilespmem:v0+s1+$0x0], $0xffff  }
.Ltmp9:
0x184: {  	_ = 	snop;
	(pc) =	sbr.rel @p0 .LBB2_20-.Ltmp9, $2  }
0x185: {  	_ =	sdelay $0x2  }
0x186: {  	s21 =	sadd.s32 $0x80, s21;
	[tilespmem:s22+$0x30] =	vst v0;
	s22 =	sadd.s32 $0x80, s22  }
0x187: {  	s20 =	rddreg [dreg:$0xb]  }
0x188: {  	[hbm4b:s20+s1] =	stream.linear.scatter [tilespmem:s18], [sflag:$0x1], $0x1880, $0x38;
	[tilespmem:$0xF480] =	vst v63  }
0x189: {  	_ =	swait.ge [sflag:s16], $0x1880  }
0x18a: {  	[sflag:s16] =	ssyncset.done $0x0  }
0x18b: {  	[sflag:s16] =	ssyncadd.s32 $0xFFFFE780  }
0x18c: {  	[tilespmem:s17], [sflag:$0x1] =	stream.linear.gather [hbm4b:s6+s1], $0x1880, $0x38;
	[tilespmem:$0xF480] =	vst v63  }
0x18d: {  	_ =	swait.ge [sflag:s16], $0x1880  }
0x18e: {  	s21 =	simm.s32 $0xC3C0;
	[sflag:s16] =	ssyncset.done $0x0  }
0x18f: {  	s22 =	simm.s32 $0xDC40;
	s20 =	simm.s32 $0xFFFFFFF8;
	[sflag:s16] =	ssyncadd.s32 $0xFFFFE780  }
.LBB2_22:
0x190: {  	v0 =	vld [tilespmem:s21+$0xFFFFFFC0];
	_ =	sdelay $0x7  }
0x191: {  	v0 =	vld.idx.msk [tilespmem:v0+s1+$0x0], $0xffff;
	_ =	sdelay $0x4  }
0x192: {  	[tilespmem:s22+$0xFFFFFFC0] =	vst v0  }
0x193: {  	v0 =	vld [tilespmem:s21+$0xFFFFFFD0];
	_ =	sdelay $0x7  }
0x194: {  	v0 =	vld.idx.msk [tilespmem:v0+s1+$0x0], $0xffff;
	_ =	sdelay $0x4  }
0x195: {  	[tilespmem:s22+$0xFFFFFFD0] =	vst v0  }
0x196: {  	v0 =	vld [tilespmem:s21+$0xFFFFFFE0];
	_ =	sdelay $0x7  }
0x197: {  	v0 =	vld.idx.msk [tilespmem:v0+s1+$0x0], $0xffff;
	_ =	sdelay $0x4  }
0x198: {  	[tilespmem:s22+$0xFFFFFFE0] =	vst v0  }
0x199: {  	v0 =	vld [tilespmem:s21+$0xFFFFFFF0];
	_ =	sdelay $0x7  }
0x19a: {  	v0 =	vld.idx.msk [tilespmem:v0+s1+$0x0], $0xffff;
	_ =	sdelay $0x4  }
0x19b: {  	[tilespmem:s22+$0xFFFFFFF0] =	vst v0  }
0x19c: {  	v0 =	vld [tilespmem:s21+$0x0];
	_ =	sdelay $0x7  }
0x19d: {  	v0 =	vld.idx.msk [tilespmem:v0+s1+$0x0], $0xffff;
	_ =	sdelay $0x4  }
0x19e: {  	[tilespmem:s22+$0x0] =	vst v0  }
0x19f: {  	v0 =	vld [tilespmem:s21+$0x10];
	_ =	sdelay $0x7  }
0x1a0: {  	v0 =	vld.idx.msk [tilespmem:v0+s1+$0x0], $0xffff;
	_ =	sdelay $0x4  }
0x1a1: {  	[tilespmem:s22+$0x10] =	vst v0  }
0x1a2: {  	v0 =	vld [tilespmem:s21+$0x20];
	_ =	sdelay $0x7  }
0x1a3: {  	v0 =	vld.idx.msk [tilespmem:v0+s1+$0x0], $0xffff;
	_ =	sdelay $0x4  }
0x1a4: {  	[tilespmem:s22+$0x20] =	vst v0  }
0x1a5: {  	v0 =	vld [tilespmem:s21+$0x30];
	_ =	sdelay $0x6  }
0x1a6: {  	s20 =	sadd.s32 $0x8, s20  }
0x1a7: {  	p0 =	slt.u32 s20, $0x180;
	v0 =	vld.idx.msk [tilespmem:v0+s1+$0x0], $0xffff  }
.Ltmp10:
0x1a8: {  	_ = 	snop;
	(pc) =	sbr.rel @p0 .LBB2_22-.Ltmp10, $2  }
0x1a9: {  	_ =	sdelay $0x2  }
0x1aa: {  	s21 =	sadd.s32 $0x80, s21;
	[tilespmem:s22+$0x30] =	vst v0;
	s22 =	sadd.s32 $0x80, s22  }
0x1ab: {  	s20 =	rddreg [dreg:$0xc]  }
0x1ac: {  	[hbm4b:s20+s1] =	stream.linear.scatter [tilespmem:s18], [sflag:$0x1], $0x1880, $0x38;
	[tilespmem:$0xF480] =	vst v63  }
0x1ad: {  	_ =	swait.ge [sflag:s16], $0x1880  }
0x1ae: {  	[sflag:s16] =	ssyncset.done $0x0  }
0x1af: {  	[sflag:s16] =	ssyncadd.s32 $0xFFFFE780  }
0x1b0: {  	[tilespmem:s17], [sflag:$0x1] =	stream.linear.gather [hbm4b:s8+s1], $0x1880, $0x38;
	[tilespmem:$0xF480] =	vst v63  }
0x1b1: {  	_ =	swait.ge [sflag:s16], $0x1880  }
0x1b2: {  	s21 =	simm.s32 $0xC3C0;
	[sflag:s16] =	ssyncset.done $0x0  }
0x1b3: {  	s22 =	simm.s32 $0xDC40;
	s20 =	simm.s32 $0xFFFFFFF8;
	[sflag:s16] =	ssyncadd.s32 $0xFFFFE780  }
.LBB2_24:
0x1b4: {  	v0 =	vld [tilespmem:s21+$0xFFFFFFC0];
	_ =	sdelay $0x7  }
0x1b5: {  	v0 =	vld.idx.msk [tilespmem:v0+s1+$0x0], $0xffff;
	_ =	sdelay $0x4  }
0x1b6: {  	[tilespmem:s22+$0xFFFFFFC0] =	vst v0  }
0x1b7: {  	v0 =	vld [tilespmem:s21+$0xFFFFFFD0];
	_ =	sdelay $0x7  }
0x1b8: {  	v0 =	vld.idx.msk [tilespmem:v0+s1+$0x0], $0xffff;
	_ =	sdelay $0x4  }
0x1b9: {  	[tilespmem:s22+$0xFFFFFFD0] =	vst v0  }
0x1ba: {  	v0 =	vld [tilespmem:s21+$0xFFFFFFE0];
	_ =	sdelay $0x7  }
0x1bb: {  	v0 =	vld.idx.msk [tilespmem:v0+s1+$0x0], $0xffff;
	_ =	sdelay $0x4  }
0x1bc: {  	[tilespmem:s22+$0xFFFFFFE0] =	vst v0  }
0x1bd: {  	v0 =	vld [tilespmem:s21+$0xFFFFFFF0];
	_ =	sdelay $0x7  }
0x1be: {  	v0 =	vld.idx.msk [tilespmem:v0+s1+$0x0], $0xffff;
	_ =	sdelay $0x4  }
0x1bf: {  	[tilespmem:s22+$0xFFFFFFF0] =	vst v0  }
0x1c0: {  	v0 =	vld [tilespmem:s21+$0x0];
	_ =	sdelay $0x7  }
0x1c1: {  	v0 =	vld.idx.msk [tilespmem:v0+s1+$0x0], $0xffff;
	_ =	sdelay $0x4  }
0x1c2: {  	[tilespmem:s22+$0x0] =	vst v0  }
0x1c3: {  	v0 =	vld [tilespmem:s21+$0x10];
	_ =	sdelay $0x7  }
0x1c4: {  	v0 =	vld.idx.msk [tilespmem:v0+s1+$0x0], $0xffff;
	_ =	sdelay $0x4  }
0x1c5: {  	[tilespmem:s22+$0x10] =	vst v0  }
0x1c6: {  	v0 =	vld [tilespmem:s21+$0x20];
	_ =	sdelay $0x7  }
0x1c7: {  	v0 =	vld.idx.msk [tilespmem:v0+s1+$0x0], $0xffff;
	_ =	sdelay $0x4  }
0x1c8: {  	[tilespmem:s22+$0x20] =	vst v0  }
0x1c9: {  	v0 =	vld [tilespmem:s21+$0x30];
	_ =	sdelay $0x6  }
0x1ca: {  	s20 =	sadd.s32 $0x8, s20  }
0x1cb: {  	p0 =	slt.u32 s20, $0x180;
	v0 =	vld.idx.msk [tilespmem:v0+s1+$0x0], $0xffff  }
.Ltmp11:
0x1cc: {  	_ = 	snop;
	(pc) =	sbr.rel @p0 .LBB2_24-.Ltmp11, $2  }
0x1cd: {  	_ =	sdelay $0x2  }
0x1ce: {  	s21 =	sadd.s32 $0x80, s21;
	[tilespmem:s22+$0x30] =	vst v0;
	s22 =	sadd.s32 $0x80, s22  }
0x1cf: {  	s20 =	rddreg [dreg:$0xd]  }
0x1d0: {  	[hbm4b:s20+s1] =	stream.linear.scatter [tilespmem:s18], [sflag:$0x1], $0x1880, $0x38;
	[tilespmem:$0xF480] =	vst v63  }
0x1d1: {  	_ =	swait.ge [sflag:s16], $0x1880  }
0x1d2: {  	[sflag:s16] =	ssyncset.done $0x0  }
0x1d3: {  	[sflag:s16] =	ssyncadd.s32 $0xFFFFE780  }
0x1d4: {  	[tilespmem:s17], [sflag:$0x1] =	stream.linear.gather [hbm4b:s10+s1], $0x1880, $0x38;
	[tilespmem:$0xF480] =	vst v63  }
0x1d5: {  	_ =	swait.ge [sflag:s16], $0x1880  }
0x1d6: {  	s21 =	simm.s32 $0xC3C0;
	[sflag:s16] =	ssyncset.done $0x0  }
0x1d7: {  	s22 =	simm.s32 $0xDC40;
	s20 =	simm.s32 $0xFFFFFFF8;
	[sflag:s16] =	ssyncadd.s32 $0xFFFFE780  }
.LBB2_26:
0x1d8: {  	v0 =	vld [tilespmem:s21+$0xFFFFFFC0];
	_ =	sdelay $0x7  }
0x1d9: {  	v0 =	vld.idx.msk [tilespmem:v0+s1+$0x0], $0xffff;
	_ =	sdelay $0x4  }
0x1da: {  	[tilespmem:s22+$0xFFFFFFC0] =	vst v0  }
0x1db: {  	v0 =	vld [tilespmem:s21+$0xFFFFFFD0];
	_ =	sdelay $0x7  }
0x1dc: {  	v0 =	vld.idx.msk [tilespmem:v0+s1+$0x0], $0xffff;
	_ =	sdelay $0x4  }
0x1dd: {  	[tilespmem:s22+$0xFFFFFFD0] =	vst v0  }
0x1de: {  	v0 =	vld [tilespmem:s21+$0xFFFFFFE0];
	_ =	sdelay $0x7  }
0x1df: {  	v0 =	vld.idx.msk [tilespmem:v0+s1+$0x0], $0xffff;
	_ =	sdelay $0x4  }
0x1e0: {  	[tilespmem:s22+$0xFFFFFFE0] =	vst v0  }
0x1e1: {  	v0 =	vld [tilespmem:s21+$0xFFFFFFF0];
	_ =	sdelay $0x7  }
0x1e2: {  	v0 =	vld.idx.msk [tilespmem:v0+s1+$0x0], $0xffff;
	_ =	sdelay $0x4  }
0x1e3: {  	[tilespmem:s22+$0xFFFFFFF0] =	vst v0  }
0x1e4: {  	v0 =	vld [tilespmem:s21+$0x0];
	_ =	sdelay $0x7  }
0x1e5: {  	v0 =	vld.idx.msk [tilespmem:v0+s1+$0x0], $0xffff;
	_ =	sdelay $0x4  }
0x1e6: {  	[tilespmem:s22+$0x0] =	vst v0  }
0x1e7: {  	v0 =	vld [tilespmem:s21+$0x10];
	_ =	sdelay $0x7  }
0x1e8: {  	v0 =	vld.idx.msk [tilespmem:v0+s1+$0x0], $0xffff;
	_ =	sdelay $0x4  }
0x1e9: {  	[tilespmem:s22+$0x10] =	vst v0  }
0x1ea: {  	v0 =	vld [tilespmem:s21+$0x20];
	_ =	sdelay $0x7  }
0x1eb: {  	v0 =	vld.idx.msk [tilespmem:v0+s1+$0x0], $0xffff;
	_ =	sdelay $0x4  }
0x1ec: {  	[tilespmem:s22+$0x20] =	vst v0  }
0x1ed: {  	v0 =	vld [tilespmem:s21+$0x30];
	_ =	sdelay $0x6  }
0x1ee: {  	s20 =	sadd.s32 $0x8, s20  }
0x1ef: {  	p0 =	slt.u32 s20, $0x180;
	v0 =	vld.idx.msk [tilespmem:v0+s1+$0x0], $0xffff  }
.Ltmp12:
0x1f0: {  	_ = 	snop;
	(pc) =	sbr.rel @p0 .LBB2_26-.Ltmp12, $2  }
0x1f1: {  	_ =	sdelay $0x2  }
0x1f2: {  	s21 =	sadd.s32 $0x80, s21;
	[tilespmem:s22+$0x30] =	vst v0;
	s22 =	sadd.s32 $0x80, s22  }
0x1f3: {  	s20 =	rddreg [dreg:$0xe]  }
0x1f4: {  	[hbm4b:s20+s1] =	stream.linear.scatter [tilespmem:s18], [sflag:$0x1], $0x1880, $0x38;
	[tilespmem:$0xF480] =	vst v63  }
0x1f5: {  	_ =	swait.ge [sflag:s16], $0x1880  }
0x1f6: {  	[sflag:s16] =	ssyncset.done $0x0  }
0x1f7: {  	[sflag:s16] =	ssyncadd.s32 $0xFFFFE780  }
0x1f8: {  	[tilespmem:s17], [sflag:$0x1] =	stream.linear.gather [hbm4b:s12+s1], $0x1880, $0x38;
	[tilespmem:$0xF480] =	vst v63  }
0x1f9: {  	_ =	swait.ge [sflag:s16], $0x1880  }
0x1fa: {  	s21 =	simm.s32 $0xC3C0;
	[sflag:s16] =	ssyncset.done $0x0  }
0x1fb: {  	s22 =	simm.s32 $0xDC40;
	s20 =	simm.s32 $0xFFFFFFF8;
	[sflag:s16] =	ssyncadd.s32 $0xFFFFE780  }
.LBB2_28:
0x1fc: {  	v0 =	vld [tilespmem:s21+$0xFFFFFFC0];
	_ =	sdelay $0x7  }
0x1fd: {  	v0 =	vld.idx.msk [tilespmem:v0+s1+$0x0], $0xffff;
	_ =	sdelay $0x4  }
0x1fe: {  	[tilespmem:s22+$0xFFFFFFC0] =	vst v0  }
0x1ff: {  	v0 =	vld [tilespmem:s21+$0xFFFFFFD0];
	_ =	sdelay $0x7  }
0x200: {  	v0 =	vld.idx.msk [tilespmem:v0+s1+$0x0], $0xffff;
	_ =	sdelay $0x4  }
0x201: {  	[tilespmem:s22+$0xFFFFFFD0] =	vst v0  }
0x202: {  	v0 =	vld [tilespmem:s21+$0xFFFFFFE0];
	_ =	sdelay $0x7  }
0x203: {  	v0 =	vld.idx.msk [tilespmem:v0+s1+$0x0], $0xffff;
	_ =	sdelay $0x4  }
0x204: {  	[tilespmem:s22+$0xFFFFFFE0] =	vst v0  }
0x205: {  	v0 =	vld [tilespmem:s21+$0xFFFFFFF0];
	_ =	sdelay $0x7  }
0x206: {  	v0 =	vld.idx.msk [tilespmem:v0+s1+$0x0], $0xffff;
	_ =	sdelay $0x4  }
0x207: {  	[tilespmem:s22+$0xFFFFFFF0] =	vst v0  }
0x208: {  	v0 =	vld [tilespmem:s21+$0x0];
	_ =	sdelay $0x7  }
0x209: {  	v0 =	vld.idx.msk [tilespmem:v0+s1+$0x0], $0xffff;
	_ =	sdelay $0x4  }
0x20a: {  	[tilespmem:s22+$0x0] =	vst v0  }
0x20b: {  	v0 =	vld [tilespmem:s21+$0x10];
	_ =	sdelay $0x7  }
0x20c: {  	v0 =	vld.idx.msk [tilespmem:v0+s1+$0x0], $0xffff;
	_ =	sdelay $0x4  }
0x20d: {  	[tilespmem:s22+$0x10] =	vst v0  }
0x20e: {  	v0 =	vld [tilespmem:s21+$0x20];
	_ =	sdelay $0x7  }
0x20f: {  	v0 =	vld.idx.msk [tilespmem:v0+s1+$0x0], $0xffff;
	_ =	sdelay $0x4  }
0x210: {  	[tilespmem:s22+$0x20] =	vst v0  }
0x211: {  	v0 =	vld [tilespmem:s21+$0x30];
	_ =	sdelay $0x6  }
0x212: {  	s20 =	sadd.s32 $0x8, s20  }
0x213: {  	p0 =	slt.u32 s20, $0x180;
	v0 =	vld.idx.msk [tilespmem:v0+s1+$0x0], $0xffff  }
.Ltmp13:
0x214: {  	_ = 	snop;
	(pc) =	sbr.rel @p0 .LBB2_28-.Ltmp13, $2  }
0x215: {  	_ =	sdelay $0x2  }
0x216: {  	s21 =	sadd.s32 $0x80, s21;
	[tilespmem:s22+$0x30] =	vst v0;
	s22 =	sadd.s32 $0x80, s22  }
0x217: {  	[hbm4b:s23+s1] =	stream.linear.scatter [tilespmem:s18], [sflag:$0x1], $0x1880, $0x38;
	[tilespmem:$0xF480] =	vst v63  }
0x218: {  	_ =	swait.ge [sflag:s16], $0x1880  }
0x219: {  	[sflag:s16] =	ssyncset.done $0x0  }
0x21a: {  	[sflag:s16] =	ssyncadd.s32 $0xFFFFE780  }
0x21b: {  	[tilespmem:s17], [sflag:$0x1] =	stream.linear.gather [hbm4b:s13+s1], $0x1880, $0x38;
	[tilespmem:$0xF480] =	vst v63  }
0x21c: {  	_ =	swait.ge [sflag:s16], $0x1880  }
0x21d: {  	s20 =	simm.s32 $0xFFFFFFF8;
	[sflag:s16] =	ssyncset.done $0x0  }
0x21e: {  	s21 =	simm.s32 $0xC3C0;
	s22 =	simm.s32 $0xDC40;
	[sflag:s16] =	ssyncadd.s32 $0xFFFFE780  }
.LBB2_30:
0x21f: {  	v0 =	vld [tilespmem:s21+$0xFFFFFFC0];
	_ =	sdelay $0x7  }
0x220: {  	v0 =	vld.idx.msk [tilespmem:v0+s1+$0x0], $0xffff;
	_ =	sdelay $0x4  }
0x221: {  	[tilespmem:s22+$0xFFFFFFC0] =	vst v0  }
0x222: {  	v0 =	vld [tilespmem:s21+$0xFFFFFFD0];
	_ =	sdelay $0x7  }
0x223: {  	v0 =	vld.idx.msk [tilespmem:v0+s1+$0x0], $0xffff;
	_ =	sdelay $0x4  }
0x224: {  	[tilespmem:s22+$0xFFFFFFD0] =	vst v0  }
0x225: {  	v0 =	vld [tilespmem:s21+$0xFFFFFFE0];
	_ =	sdelay $0x7  }
0x226: {  	v0 =	vld.idx.msk [tilespmem:v0+s1+$0x0], $0xffff;
	_ =	sdelay $0x4  }
0x227: {  	[tilespmem:s22+$0xFFFFFFE0] =	vst v0  }
0x228: {  	v0 =	vld [tilespmem:s21+$0xFFFFFFF0];
	_ =	sdelay $0x7  }
0x229: {  	v0 =	vld.idx.msk [tilespmem:v0+s1+$0x0], $0xffff;
	_ =	sdelay $0x4  }
0x22a: {  	[tilespmem:s22+$0xFFFFFFF0] =	vst v0  }
0x22b: {  	v0 =	vld [tilespmem:s21+$0x0];
	_ =	sdelay $0x7  }
0x22c: {  	v0 =	vld.idx.msk [tilespmem:v0+s1+$0x0], $0xffff;
	_ =	sdelay $0x4  }
0x22d: {  	[tilespmem:s22+$0x0] =	vst v0  }
0x22e: {  	v0 =	vld [tilespmem:s21+$0x10];
	_ =	sdelay $0x7  }
0x22f: {  	v0 =	vld.idx.msk [tilespmem:v0+s1+$0x0], $0xffff;
	_ =	sdelay $0x4  }
0x230: {  	[tilespmem:s22+$0x10] =	vst v0  }
0x231: {  	v0 =	vld [tilespmem:s21+$0x20];
	_ =	sdelay $0x7  }
0x232: {  	v0 =	vld.idx.msk [tilespmem:v0+s1+$0x0], $0xffff;
	_ =	sdelay $0x4  }
0x233: {  	[tilespmem:s22+$0x20] =	vst v0  }
0x234: {  	v0 =	vld [tilespmem:s21+$0x30];
	_ =	sdelay $0x6  }
0x235: {  	s20 =	sadd.s32 $0x8, s20  }
0x236: {  	p0 =	slt.u32 s20, $0x180;
	v0 =	vld.idx.msk [tilespmem:v0+s1+$0x0], $0xffff  }
.Ltmp14:
0x237: {  	_ = 	snop;
	(pc) =	sbr.rel @p0 .LBB2_30-.Ltmp14, $2  }
0x238: {  	_ =	sdelay $0x2  }
0x239: {  	s21 =	sadd.s32 $0x80, s21;
	[tilespmem:s22+$0x30] =	vst v0;
	s22 =	sadd.s32 $0x80, s22  }
0x23a: {  	[hbm4b:s24+s1] =	stream.linear.scatter [tilespmem:s18], [sflag:$0x1], $0x1880, $0x38;
	[tilespmem:$0xF480] =	vst v63  }
0x23b: {  	_ =	swait.ge [sflag:s16], $0x1880  }
0x23c: {  	[sflag:s16] =	ssyncset.done $0x0  }
0x23d: {  	[sflag:s16] =	ssyncadd.s32 $0xFFFFE780  }
0x23e: {  	[tilespmem:s17], [sflag:$0x1] =	stream.linear.gather [hbm4b:s14+s1], $0x1880, $0x38;
	[tilespmem:$0xF480] =	vst v63  }
0x23f: {  	_ =	swait.ge [sflag:s16], $0x1880  }
0x240: {  	s20 =	simm.s32 $0xFFFFFFF8;
	[sflag:s16] =	ssyncset.done $0x0  }
0x241: {  	s21 =	simm.s32 $0xC3C0;
	s22 =	simm.s32 $0xDC40;
	[sflag:s16] =	ssyncadd.s32 $0xFFFFE780  }
.LBB2_32:
0x242: {  	v0 =	vld [tilespmem:s21+$0xFFFFFFC0];
	_ =	sdelay $0x7  }
0x243: {  	v0 =	vld.idx.msk [tilespmem:v0+s1+$0x0], $0xffff;
	_ =	sdelay $0x4  }
0x244: {  	[tilespmem:s22+$0xFFFFFFC0] =	vst v0  }
0x245: {  	v0 =	vld [tilespmem:s21+$0xFFFFFFD0];
	_ =	sdelay $0x7  }
0x246: {  	v0 =	vld.idx.msk [tilespmem:v0+s1+$0x0], $0xffff;
	_ =	sdelay $0x4  }
0x247: {  	[tilespmem:s22+$0xFFFFFFD0] =	vst v0  }
0x248: {  	v0 =	vld [tilespmem:s21+$0xFFFFFFE0];
	_ =	sdelay $0x7  }
0x249: {  	v0 =	vld.idx.msk [tilespmem:v0+s1+$0x0], $0xffff;
	_ =	sdelay $0x4  }
0x24a: {  	[tilespmem:s22+$0xFFFFFFE0] =	vst v0  }
0x24b: {  	v0 =	vld [tilespmem:s21+$0xFFFFFFF0];
	_ =	sdelay $0x7  }
0x24c: {  	v0 =	vld.idx.msk [tilespmem:v0+s1+$0x0], $0xffff;
	_ =	sdelay $0x4  }
0x24d: {  	[tilespmem:s22+$0xFFFFFFF0] =	vst v0  }
0x24e: {  	v0 =	vld [tilespmem:s21+$0x0];
	_ =	sdelay $0x7  }
0x24f: {  	v0 =	vld.idx.msk [tilespmem:v0+s1+$0x0], $0xffff;
	_ =	sdelay $0x4  }
0x250: {  	[tilespmem:s22+$0x0] =	vst v0  }
0x251: {  	v0 =	vld [tilespmem:s21+$0x10];
	_ =	sdelay $0x7  }
0x252: {  	v0 =	vld.idx.msk [tilespmem:v0+s1+$0x0], $0xffff;
	_ =	sdelay $0x4  }
0x253: {  	[tilespmem:s22+$0x10] =	vst v0  }
0x254: {  	v0 =	vld [tilespmem:s21+$0x20];
	_ =	sdelay $0x7  }
0x255: {  	v0 =	vld.idx.msk [tilespmem:v0+s1+$0x0], $0xffff;
	_ =	sdelay $0x4  }
0x256: {  	[tilespmem:s22+$0x20] =	vst v0  }
0x257: {  	v0 =	vld [tilespmem:s21+$0x30];
	_ =	sdelay $0x6  }
0x258: {  	s20 =	sadd.s32 $0x8, s20  }
0x259: {  	p0 =	slt.u32 s20, $0x180;
	v0 =	vld.idx.msk [tilespmem:v0+s1+$0x0], $0xffff  }
.Ltmp15:
0x25a: {  	_ = 	snop;
	(pc) =	sbr.rel @p0 .LBB2_32-.Ltmp15, $2  }
0x25b: {  	_ =	sdelay $0x2  }
0x25c: {  	s21 =	sadd.s32 $0x80, s21;
	[tilespmem:s22+$0x30] =	vst v0;
	s22 =	sadd.s32 $0x80, s22  }
0x25d: {  	[hbm4b:s25+s1] =	stream.linear.scatter [tilespmem:s18], [sflag:$0x1], $0x1880, $0x38;
	[tilespmem:$0xF480] =	vst v63  }
0x25e: {  	_ =	swait.ge [sflag:s16], $0x1880  }
0x25f: {  	[sflag:s16] =	ssyncset.done $0x0  }
0x260: {  	[sflag:s16] =	ssyncadd.s32 $0xFFFFE780  }
0x261: {  	[tilespmem:s1], [sflag:$0x1] =	stream.linear.gather [hbm4b:s11+s1], $0xC350, $0x38;
	[tilespmem:$0xF480] =	vst v63  }
0x262: {  	_ =	swait.ge [sflag:s16], $0xC350  }
0x263: {  	[sflag:s16] =	ssyncset.done $0x0  }
0x264: {  	[sflag:s16] =	ssyncadd.s32 $0xFFFF3CB0  }
0x265: {  	[tilespmem:s17], [sflag:$0x1] =	stream.linear.gather [hbm4b:s2+s1], $0x1880, $0x38;
	[tilespmem:$0xF480] =	vst v63  }
0x266: {  	_ =	swait.ge [sflag:s16], $0x1880  }
0x267: {  	s20 =	simm.s32 $0xFFFFFFF8;
	[sflag:s16] =	ssyncset.done $0x0  }
0x268: {  	s21 =	simm.s32 $0xC3C0;
	s22 =	simm.s32 $0xDC40;
	[sflag:s16] =	ssyncadd.s32 $0xFFFFE780  }
.LBB2_34:
0x269: {  	v0 =	vld [tilespmem:s21+$0xFFFFFFC0];
	_ =	sdelay $0x7  }
0x26a: {  	v0 =	vld.idx.msk [tilespmem:v0+s1+$0x0], $0xffff;
	_ =	sdelay $0x4  }
0x26b: {  	[tilespmem:s22+$0xFFFFFFC0] =	vst v0  }
0x26c: {  	v0 =	vld [tilespmem:s21+$0xFFFFFFD0];
	_ =	sdelay $0x7  }
0x26d: {  	v0 =	vld.idx.msk [tilespmem:v0+s1+$0x0], $0xffff;
	_ =	sdelay $0x4  }
0x26e: {  	[tilespmem:s22+$0xFFFFFFD0] =	vst v0  }
0x26f: {  	v0 =	vld [tilespmem:s21+$0xFFFFFFE0];
	_ =	sdelay $0x7  }
0x270: {  	v0 =	vld.idx.msk [tilespmem:v0+s1+$0x0], $0xffff;
	_ =	sdelay $0x4  }
0x271: {  	[tilespmem:s22+$0xFFFFFFE0] =	vst v0  }
0x272: {  	v0 =	vld [tilespmem:s21+$0xFFFFFFF0];
	_ =	sdelay $0x7  }
0x273: {  	v0 =	vld.idx.msk [tilespmem:v0+s1+$0x0], $0xffff;
	_ =	sdelay $0x4  }
0x274: {  	[tilespmem:s22+$0xFFFFFFF0] =	vst v0  }
0x275: {  	v0 =	vld [tilespmem:s21+$0x0];
	_ =	sdelay $0x7  }
0x276: {  	v0 =	vld.idx.msk [tilespmem:v0+s1+$0x0], $0xffff;
	_ =	sdelay $0x4  }
0x277: {  	[tilespmem:s22+$0x0] =	vst v0  }
0x278: {  	v0 =	vld [tilespmem:s21+$0x10];
	_ =	sdelay $0x7  }
0x279: {  	v0 =	vld.idx.msk [tilespmem:v0+s1+$0x0], $0xffff;
	_ =	sdelay $0x4  }
0x27a: {  	[tilespmem:s22+$0x10] =	vst v0  }
0x27b: {  	v0 =	vld [tilespmem:s21+$0x20];
	_ =	sdelay $0x7  }
0x27c: {  	v0 =	vld.idx.msk [tilespmem:v0+s1+$0x0], $0xffff;
	_ =	sdelay $0x4  }
0x27d: {  	[tilespmem:s22+$0x20] =	vst v0  }
0x27e: {  	v0 =	vld [tilespmem:s21+$0x30];
	_ =	sdelay $0x6  }
0x27f: {  	s20 =	sadd.s32 $0x8, s20  }
0x280: {  	p0 =	slt.u32 s20, $0x180;
	v0 =	vld.idx.msk [tilespmem:v0+s1+$0x0], $0xffff  }
.Ltmp16:
0x281: {  	_ = 	snop;
	(pc) =	sbr.rel @p0 .LBB2_34-.Ltmp16, $2  }
0x282: {  	_ =	sdelay $0x2  }
0x283: {  	s21 =	sadd.s32 $0x80, s21;
	[tilespmem:s22+$0x30] =	vst v0;
	s22 =	sadd.s32 $0x80, s22  }
0x284: {  	[hbm4b:s26+s1] =	stream.linear.scatter [tilespmem:s18], [sflag:$0x1], $0x1880, $0x38;
	[tilespmem:$0xF480] =	vst v63  }
0x285: {  	_ =	swait.ge [sflag:s16], $0x1880  }
0x286: {  	[sflag:s16] =	ssyncset.done $0x0  }
0x287: {  	[sflag:s16] =	ssyncadd.s32 $0xFFFFE780  }
0x288: {  	[tilespmem:s17], [sflag:$0x1] =	stream.linear.gather [hbm4b:s4+s1], $0x1880, $0x38;
	[tilespmem:$0xF480] =	vst v63  }
0x289: {  	_ =	swait.ge [sflag:s16], $0x1880  }
0x28a: {  	s20 =	simm.s32 $0xFFFFFFF8;
	[sflag:s16] =	ssyncset.done $0x0  }
0x28b: {  	s21 =	simm.s32 $0xC3C0;
	s22 =	simm.s32 $0xDC40;
	[sflag:s16] =	ssyncadd.s32 $0xFFFFE780  }
.LBB2_36:
0x28c: {  	v0 =	vld [tilespmem:s21+$0xFFFFFFC0];
	_ =	sdelay $0x7  }
0x28d: {  	v0 =	vld.idx.msk [tilespmem:v0+s1+$0x0], $0xffff;
	_ =	sdelay $0x4  }
0x28e: {  	[tilespmem:s22+$0xFFFFFFC0] =	vst v0  }
0x28f: {  	v0 =	vld [tilespmem:s21+$0xFFFFFFD0];
	_ =	sdelay $0x7  }
0x290: {  	v0 =	vld.idx.msk [tilespmem:v0+s1+$0x0], $0xffff;
	_ =	sdelay $0x4  }
0x291: {  	[tilespmem:s22+$0xFFFFFFD0] =	vst v0  }
0x292: {  	v0 =	vld [tilespmem:s21+$0xFFFFFFE0];
	_ =	sdelay $0x7  }
0x293: {  	v0 =	vld.idx.msk [tilespmem:v0+s1+$0x0], $0xffff;
	_ =	sdelay $0x4  }
0x294: {  	[tilespmem:s22+$0xFFFFFFE0] =	vst v0  }
0x295: {  	v0 =	vld [tilespmem:s21+$0xFFFFFFF0];
	_ =	sdelay $0x7  }
0x296: {  	v0 =	vld.idx.msk [tilespmem:v0+s1+$0x0], $0xffff;
	_ =	sdelay $0x4  }
0x297: {  	[tilespmem:s22+$0xFFFFFFF0] =	vst v0  }
0x298: {  	v0 =	vld [tilespmem:s21+$0x0];
	_ =	sdelay $0x7  }
0x299: {  	v0 =	vld.idx.msk [tilespmem:v0+s1+$0x0], $0xffff;
	_ =	sdelay $0x4  }
0x29a: {  	[tilespmem:s22+$0x0] =	vst v0  }
0x29b: {  	v0 =	vld [tilespmem:s21+$0x10];
	_ =	sdelay $0x7  }
0x29c: {  	v0 =	vld.idx.msk [tilespmem:v0+s1+$0x0], $0xffff;
	_ =	sdelay $0x4  }
0x29d: {  	[tilespmem:s22+$0x10] =	vst v0  }
0x29e: {  	v0 =	vld [tilespmem:s21+$0x20];
	_ =	sdelay $0x7  }
0x29f: {  	v0 =	vld.idx.msk [tilespmem:v0+s1+$0x0], $0xffff;
	_ =	sdelay $0x4  }
0x2a0: {  	[tilespmem:s22+$0x20] =	vst v0  }
0x2a1: {  	v0 =	vld [tilespmem:s21+$0x30];
	_ =	sdelay $0x6  }
0x2a2: {  	s20 =	sadd.s32 $0x8, s20  }
0x2a3: {  	p0 =	slt.u32 s20, $0x180;
	v0 =	vld.idx.msk [tilespmem:v0+s1+$0x0], $0xffff  }
.Ltmp17:
0x2a4: {  	_ = 	snop;
	(pc) =	sbr.rel @p0 .LBB2_36-.Ltmp17, $2  }
0x2a5: {  	_ =	sdelay $0x2  }
0x2a6: {  	s21 =	sadd.s32 $0x80, s21;
	[tilespmem:s22+$0x30] =	vst v0;
	s22 =	sadd.s32 $0x80, s22  }
0x2a7: {  	[hbm4b:s28+s1] =	stream.linear.scatter [tilespmem:s18], [sflag:$0x1], $0x1880, $0x38;
	[tilespmem:$0xF480] =	vst v63  }
0x2a8: {  	_ =	swait.ge [sflag:s16], $0x1880  }
0x2a9: {  	[sflag:s16] =	ssyncset.done $0x0  }
0x2aa: {  	[sflag:s16] =	ssyncadd.s32 $0xFFFFE780  }
0x2ab: {  	[tilespmem:s17], [sflag:$0x1] =	stream.linear.gather [hbm4b:s6+s1], $0x1880, $0x38;
	[tilespmem:$0xF480] =	vst v63  }
0x2ac: {  	_ =	swait.ge [sflag:s16], $0x1880  }
0x2ad: {  	s20 =	simm.s32 $0xFFFFFFF8;
	[sflag:s16] =	ssyncset.done $0x0  }
0x2ae: {  	s21 =	simm.s32 $0xC3C0;
	s22 =	simm.s32 $0xDC40;
	[sflag:s16] =	ssyncadd.s32 $0xFFFFE780  }
.LBB2_38:
0x2af: {  	v0 =	vld [tilespmem:s21+$0xFFFFFFC0];
	_ =	sdelay $0x7  }
0x2b0: {  	v0 =	vld.idx.msk [tilespmem:v0+s1+$0x0], $0xffff;
	_ =	sdelay $0x4  }
0x2b1: {  	[tilespmem:s22+$0xFFFFFFC0] =	vst v0  }
0x2b2: {  	v0 =	vld [tilespmem:s21+$0xFFFFFFD0];
	_ =	sdelay $0x7  }
0x2b3: {  	v0 =	vld.idx.msk [tilespmem:v0+s1+$0x0], $0xffff;
	_ =	sdelay $0x4  }
0x2b4: {  	[tilespmem:s22+$0xFFFFFFD0] =	vst v0  }
0x2b5: {  	v0 =	vld [tilespmem:s21+$0xFFFFFFE0];
	_ =	sdelay $0x7  }
0x2b6: {  	v0 =	vld.idx.msk [tilespmem:v0+s1+$0x0], $0xffff;
	_ =	sdelay $0x4  }
0x2b7: {  	[tilespmem:s22+$0xFFFFFFE0] =	vst v0  }
0x2b8: {  	v0 =	vld [tilespmem:s21+$0xFFFFFFF0];
	_ =	sdelay $0x7  }
0x2b9: {  	v0 =	vld.idx.msk [tilespmem:v0+s1+$0x0], $0xffff;
	_ =	sdelay $0x4  }
0x2ba: {  	[tilespmem:s22+$0xFFFFFFF0] =	vst v0  }
0x2bb: {  	v0 =	vld [tilespmem:s21+$0x0];
	_ =	sdelay $0x7  }
0x2bc: {  	v0 =	vld.idx.msk [tilespmem:v0+s1+$0x0], $0xffff;
	_ =	sdelay $0x4  }
0x2bd: {  	[tilespmem:s22+$0x0] =	vst v0  }
0x2be: {  	v0 =	vld [tilespmem:s21+$0x10];
	_ =	sdelay $0x7  }
0x2bf: {  	v0 =	vld.idx.msk [tilespmem:v0+s1+$0x0], $0xffff;
	_ =	sdelay $0x4  }
0x2c0: {  	[tilespmem:s22+$0x10] =	vst v0  }
0x2c1: {  	v0 =	vld [tilespmem:s21+$0x20];
	_ =	sdelay $0x7  }
0x2c2: {  	v0 =	vld.idx.msk [tilespmem:v0+s1+$0x0], $0xffff;
	_ =	sdelay $0x4  }
0x2c3: {  	[tilespmem:s22+$0x20] =	vst v0  }
0x2c4: {  	v0 =	vld [tilespmem:s21+$0x30];
	_ =	sdelay $0x6  }
0x2c5: {  	s20 =	sadd.s32 $0x8, s20  }
0x2c6: {  	p0 =	slt.u32 s20, $0x180;
	v0 =	vld.idx.msk [tilespmem:v0+s1+$0x0], $0xffff  }
.Ltmp18:
0x2c7: {  	_ = 	snop;
	(pc) =	sbr.rel @p0 .LBB2_38-.Ltmp18, $2  }
0x2c8: {  	_ =	sdelay $0x2  }
0x2c9: {  	s21 =	sadd.s32 $0x80, s21;
	[tilespmem:s22+$0x30] =	vst v0;
	s22 =	sadd.s32 $0x80, s22  }
0x2ca: {  	[hbm4b:s30+s1] =	stream.linear.scatter [tilespmem:s18], [sflag:$0x1], $0x1880, $0x38;
	[tilespmem:$0xF480] =	vst v63  }
0x2cb: {  	_ =	swait.ge [sflag:s16], $0x1880  }
0x2cc: {  	[sflag:s16] =	ssyncset.done $0x0  }
0x2cd: {  	[sflag:s16] =	ssyncadd.s32 $0xFFFFE780  }
0x2ce: {  	[tilespmem:s17], [sflag:$0x1] =	stream.linear.gather [hbm4b:s8+s1], $0x1880, $0x38;
	[tilespmem:$0xF480] =	vst v63  }
0x2cf: {  	_ =	swait.ge [sflag:s16], $0x1880  }
0x2d0: {  	s20 =	simm.s32 $0xFFFFFFF8;
	[sflag:s16] =	ssyncset.done $0x0  }
0x2d1: {  	s21 =	simm.s32 $0xC3C0;
	s22 =	simm.s32 $0xDC40;
	[sflag:s16] =	ssyncadd.s32 $0xFFFFE780  }
.LBB2_40:
0x2d2: {  	v0 =	vld [tilespmem:s21+$0xFFFFFFC0];
	_ =	sdelay $0x7  }
0x2d3: {  	v0 =	vld.idx.msk [tilespmem:v0+s1+$0x0], $0xffff;
	_ =	sdelay $0x4  }
0x2d4: {  	[tilespmem:s22+$0xFFFFFFC0] =	vst v0  }
0x2d5: {  	v0 =	vld [tilespmem:s21+$0xFFFFFFD0];
	_ =	sdelay $0x7  }
0x2d6: {  	v0 =	vld.idx.msk [tilespmem:v0+s1+$0x0], $0xffff;
	_ =	sdelay $0x4  }
0x2d7: {  	[tilespmem:s22+$0xFFFFFFD0] =	vst v0  }
0x2d8: {  	v0 =	vld [tilespmem:s21+$0xFFFFFFE0];
	_ =	sdelay $0x7  }
0x2d9: {  	v0 =	vld.idx.msk [tilespmem:v0+s1+$0x0], $0xffff;
	_ =	sdelay $0x4  }
0x2da: {  	[tilespmem:s22+$0xFFFFFFE0] =	vst v0  }
0x2db: {  	v0 =	vld [tilespmem:s21+$0xFFFFFFF0];
	_ =	sdelay $0x7  }
0x2dc: {  	v0 =	vld.idx.msk [tilespmem:v0+s1+$0x0], $0xffff;
	_ =	sdelay $0x4  }
0x2dd: {  	[tilespmem:s22+$0xFFFFFFF0] =	vst v0  }
0x2de: {  	v0 =	vld [tilespmem:s21+$0x0];
	_ =	sdelay $0x7  }
0x2df: {  	v0 =	vld.idx.msk [tilespmem:v0+s1+$0x0], $0xffff;
	_ =	sdelay $0x4  }
0x2e0: {  	[tilespmem:s22+$0x0] =	vst v0  }
0x2e1: {  	v0 =	vld [tilespmem:s21+$0x10];
	_ =	sdelay $0x7  }
0x2e2: {  	v0 =	vld.idx.msk [tilespmem:v0+s1+$0x0], $0xffff;
	_ =	sdelay $0x4  }
0x2e3: {  	[tilespmem:s22+$0x10] =	vst v0  }
0x2e4: {  	v0 =	vld [tilespmem:s21+$0x20];
	_ =	sdelay $0x7  }
0x2e5: {  	v0 =	vld.idx.msk [tilespmem:v0+s1+$0x0], $0xffff;
	_ =	sdelay $0x4  }
0x2e6: {  	[tilespmem:s22+$0x20] =	vst v0  }
0x2e7: {  	v0 =	vld [tilespmem:s21+$0x30];
	_ =	sdelay $0x6  }
0x2e8: {  	s20 =	sadd.s32 $0x8, s20  }
0x2e9: {  	p0 =	slt.u32 s20, $0x180;
	v0 =	vld.idx.msk [tilespmem:v0+s1+$0x0], $0xffff  }
.Ltmp19:
0x2ea: {  	_ = 	snop;
	(pc) =	sbr.rel @p0 .LBB2_40-.Ltmp19, $2  }
0x2eb: {  	_ =	sdelay $0x2  }
0x2ec: {  	s21 =	sadd.s32 $0x80, s21;
	[tilespmem:s22+$0x30] =	vst v0;
	s22 =	sadd.s32 $0x80, s22  }
0x2ed: {  	[hbm4b:s31+s1] =	stream.linear.scatter [tilespmem:s18], [sflag:$0x1], $0x1880, $0x38;
	[tilespmem:$0xF480] =	vst v63  }
0x2ee: {  	_ =	swait.ge [sflag:s16], $0x1880  }
0x2ef: {  	[sflag:s16] =	ssyncset.done $0x0  }
0x2f0: {  	[sflag:s16] =	ssyncadd.s32 $0xFFFFE780  }
0x2f1: {  	[tilespmem:s17], [sflag:$0x1] =	stream.linear.gather [hbm4b:s10+s1], $0x1880, $0x38;
	[tilespmem:$0xF480] =	vst v63  }
0x2f2: {  	_ =	swait.ge [sflag:s16], $0x1880  }
0x2f3: {  	s20 =	simm.s32 $0xFFFFFFF8;
	[sflag:s16] =	ssyncset.done $0x0  }
0x2f4: {  	s21 =	simm.s32 $0xC3C0;
	s22 =	simm.s32 $0xDC40;
	[sflag:s16] =	ssyncadd.s32 $0xFFFFE780  }
.LBB2_42:
0x2f5: {  	v0 =	vld [tilespmem:s21+$0xFFFFFFC0];
	_ =	sdelay $0x7  }
0x2f6: {  	v0 =	vld.idx.msk [tilespmem:v0+s1+$0x0], $0xffff;
	_ =	sdelay $0x4  }
0x2f7: {  	[tilespmem:s22+$0xFFFFFFC0] =	vst v0  }
0x2f8: {  	v0 =	vld [tilespmem:s21+$0xFFFFFFD0];
	_ =	sdelay $0x7  }
0x2f9: {  	v0 =	vld.idx.msk [tilespmem:v0+s1+$0x0], $0xffff;
	_ =	sdelay $0x4  }
0x2fa: {  	[tilespmem:s22+$0xFFFFFFD0] =	vst v0  }
0x2fb: {  	v0 =	vld [tilespmem:s21+$0xFFFFFFE0];
	_ =	sdelay $0x7  }
0x2fc: {  	v0 =	vld.idx.msk [tilespmem:v0+s1+$0x0], $0xffff;
	_ =	sdelay $0x4  }
0x2fd: {  	[tilespmem:s22+$0xFFFFFFE0] =	vst v0  }
0x2fe: {  	v0 =	vld [tilespmem:s21+$0xFFFFFFF0];
	_ =	sdelay $0x7  }
0x2ff: {  	v0 =	vld.idx.msk [tilespmem:v0+s1+$0x0], $0xffff;
	_ =	sdelay $0x4  }
0x300: {  	[tilespmem:s22+$0xFFFFFFF0] =	vst v0  }
0x301: {  	v0 =	vld [tilespmem:s21+$0x0];
	_ =	sdelay $0x7  }
0x302: {  	v0 =	vld.idx.msk [tilespmem:v0+s1+$0x0], $0xffff;
	_ =	sdelay $0x4  }
0x303: {  	[tilespmem:s22+$0x0] =	vst v0  }
0x304: {  	v0 =	vld [tilespmem:s21+$0x10];
	_ =	sdelay $0x7  }
0x305: {  	v0 =	vld.idx.msk [tilespmem:v0+s1+$0x0], $0xffff;
	_ =	sdelay $0x4  }
0x306: {  	[tilespmem:s22+$0x10] =	vst v0  }
0x307: {  	v0 =	vld [tilespmem:s21+$0x20];
	_ =	sdelay $0x7  }
0x308: {  	v0 =	vld.idx.msk [tilespmem:v0+s1+$0x0], $0xffff;
	_ =	sdelay $0x4  }
0x309: {  	[tilespmem:s22+$0x20] =	vst v0  }
0x30a: {  	v0 =	vld [tilespmem:s21+$0x30];
	_ =	sdelay $0x6  }
0x30b: {  	s20 =	sadd.s32 $0x8, s20  }
0x30c: {  	p0 =	slt.u32 s20, $0x180;
	v0 =	vld.idx.msk [tilespmem:v0+s1+$0x0], $0xffff  }
.Ltmp20:
0x30d: {  	_ = 	snop;
	(pc) =	sbr.rel @p0 .LBB2_42-.Ltmp20, $2  }
0x30e: {  	_ =	sdelay $0x2  }
0x30f: {  	s21 =	sadd.s32 $0x80, s21;
	[tilespmem:s22+$0x30] =	vst v0;
	s22 =	sadd.s32 $0x80, s22  }
0x310: {  	[hbm4b:s29+s1] =	stream.linear.scatter [tilespmem:s18], [sflag:$0x1], $0x1880, $0x38;
	[tilespmem:$0xF480] =	vst v63  }
0x311: {  	_ =	swait.ge [sflag:s16], $0x1880  }
0x312: {  	[sflag:s16] =	ssyncset.done $0x0  }
0x313: {  	[sflag:s16] =	ssyncadd.s32 $0xFFFFE780  }
0x314: {  	[tilespmem:s17], [sflag:$0x1] =	stream.linear.gather [hbm4b:s12+s1], $0x1880, $0x38;
	[tilespmem:$0xF480] =	vst v63  }
0x315: {  	_ =	swait.ge [sflag:s16], $0x1880  }
0x316: {  	s20 =	simm.s32 $0xFFFFFFF8;
	[sflag:s16] =	ssyncset.done $0x0  }
0x317: {  	s21 =	simm.s32 $0xC3C0;
	s22 =	simm.s32 $0xDC40;
	[sflag:s16] =	ssyncadd.s32 $0xFFFFE780  }
.LBB2_44:
0x318: {  	v0 =	vld [tilespmem:s21+$0xFFFFFFC0];
	_ =	sdelay $0x7  }
0x319: {  	v0 =	vld.idx.msk [tilespmem:v0+s1+$0x0], $0xffff;
	_ =	sdelay $0x4  }
0x31a: {  	[tilespmem:s22+$0xFFFFFFC0] =	vst v0  }
0x31b: {  	v0 =	vld [tilespmem:s21+$0xFFFFFFD0];
	_ =	sdelay $0x7  }
0x31c: {  	v0 =	vld.idx.msk [tilespmem:v0+s1+$0x0], $0xffff;
	_ =	sdelay $0x4  }
0x31d: {  	[tilespmem:s22+$0xFFFFFFD0] =	vst v0  }
0x31e: {  	v0 =	vld [tilespmem:s21+$0xFFFFFFE0];
	_ =	sdelay $0x7  }
0x31f: {  	v0 =	vld.idx.msk [tilespmem:v0+s1+$0x0], $0xffff;
	_ =	sdelay $0x4  }
0x320: {  	[tilespmem:s22+$0xFFFFFFE0] =	vst v0  }
0x321: {  	v0 =	vld [tilespmem:s21+$0xFFFFFFF0];
	_ =	sdelay $0x7  }
0x322: {  	v0 =	vld.idx.msk [tilespmem:v0+s1+$0x0], $0xffff;
	_ =	sdelay $0x4  }
0x323: {  	[tilespmem:s22+$0xFFFFFFF0] =	vst v0  }
0x324: {  	v0 =	vld [tilespmem:s21+$0x0];
	_ =	sdelay $0x7  }
0x325: {  	v0 =	vld.idx.msk [tilespmem:v0+s1+$0x0], $0xffff;
	_ =	sdelay $0x4  }
0x326: {  	[tilespmem:s22+$0x0] =	vst v0  }
0x327: {  	v0 =	vld [tilespmem:s21+$0x10];
	_ =	sdelay $0x7  }
0x328: {  	v0 =	vld.idx.msk [tilespmem:v0+s1+$0x0], $0xffff;
	_ =	sdelay $0x4  }
0x329: {  	[tilespmem:s22+$0x10] =	vst v0  }
0x32a: {  	v0 =	vld [tilespmem:s21+$0x20];
	_ =	sdelay $0x7  }
0x32b: {  	v0 =	vld.idx.msk [tilespmem:v0+s1+$0x0], $0xffff;
	_ =	sdelay $0x4  }
0x32c: {  	[tilespmem:s22+$0x20] =	vst v0  }
0x32d: {  	v0 =	vld [tilespmem:s21+$0x30];
	_ =	sdelay $0x6  }
0x32e: {  	s20 =	sadd.s32 $0x8, s20  }
0x32f: {  	p0 =	slt.u32 s20, $0x180;
	v0 =	vld.idx.msk [tilespmem:v0+s1+$0x0], $0xffff  }
.Ltmp21:
0x330: {  	_ = 	snop;
	(pc) =	sbr.rel @p0 .LBB2_44-.Ltmp21, $2  }
0x331: {  	_ =	sdelay $0x2  }
0x332: {  	s21 =	sadd.s32 $0x80, s21;
	[tilespmem:s22+$0x30] =	vst v0;
	s22 =	sadd.s32 $0x80, s22  }
0x333: {  	[hbm4b:s0+s1] =	stream.linear.scatter [tilespmem:s18], [sflag:$0x1], $0x1880, $0x38;
	[tilespmem:$0xF480] =	vst v63  }
0x334: {  	_ =	swait.ge [sflag:s16], $0x1880  }
0x335: {  	[sflag:s16] =	ssyncset.done $0x0  }
0x336: {  	[sflag:s16] =	ssyncadd.s32 $0xFFFFE780  }
0x337: {  	[tilespmem:s17], [sflag:$0x1] =	stream.linear.gather [hbm4b:s13+s1], $0x1880, $0x38;
	[tilespmem:$0xF480] =	vst v63  }
0x338: {  	_ =	swait.ge [sflag:s16], $0x1880  }
0x339: {  	s20 =	simm.s32 $0xFFFFFFF8;
	[sflag:s16] =	ssyncset.done $0x0  }
0x33a: {  	s21 =	simm.s32 $0xC3C0;
	s22 =	simm.s32 $0xDC40;
	[sflag:s16] =	ssyncadd.s32 $0xFFFFE780  }
.LBB2_46:
0x33b: {  	v0 =	vld [tilespmem:s21+$0xFFFFFFC0];
	_ =	sdelay $0x7  }
0x33c: {  	v0 =	vld.idx.msk [tilespmem:v0+s1+$0x0], $0xffff;
	_ =	sdelay $0x4  }
0x33d: {  	[tilespmem:s22+$0xFFFFFFC0] =	vst v0  }
0x33e: {  	v0 =	vld [tilespmem:s21+$0xFFFFFFD0];
	_ =	sdelay $0x7  }
0x33f: {  	v0 =	vld.idx.msk [tilespmem:v0+s1+$0x0], $0xffff;
	_ =	sdelay $0x4  }
0x340: {  	[tilespmem:s22+$0xFFFFFFD0] =	vst v0  }
0x341: {  	v0 =	vld [tilespmem:s21+$0xFFFFFFE0];
	_ =	sdelay $0x7  }
0x342: {  	v0 =	vld.idx.msk [tilespmem:v0+s1+$0x0], $0xffff;
	_ =	sdelay $0x4  }
0x343: {  	[tilespmem:s22+$0xFFFFFFE0] =	vst v0  }
0x344: {  	v0 =	vld [tilespmem:s21+$0xFFFFFFF0];
	_ =	sdelay $0x7  }
0x345: {  	v0 =	vld.idx.msk [tilespmem:v0+s1+$0x0], $0xffff;
	_ =	sdelay $0x4  }
0x346: {  	[tilespmem:s22+$0xFFFFFFF0] =	vst v0  }
0x347: {  	v0 =	vld [tilespmem:s21+$0x0];
	_ =	sdelay $0x7  }
0x348: {  	v0 =	vld.idx.msk [tilespmem:v0+s1+$0x0], $0xffff;
	_ =	sdelay $0x4  }
0x349: {  	[tilespmem:s22+$0x0] =	vst v0  }
0x34a: {  	v0 =	vld [tilespmem:s21+$0x10];
	_ =	sdelay $0x7  }
0x34b: {  	v0 =	vld.idx.msk [tilespmem:v0+s1+$0x0], $0xffff;
	_ =	sdelay $0x4  }
0x34c: {  	[tilespmem:s22+$0x10] =	vst v0  }
0x34d: {  	v0 =	vld [tilespmem:s21+$0x20];
	_ =	sdelay $0x7  }
0x34e: {  	v0 =	vld.idx.msk [tilespmem:v0+s1+$0x0], $0xffff;
	_ =	sdelay $0x4  }
0x34f: {  	[tilespmem:s22+$0x20] =	vst v0  }
0x350: {  	v0 =	vld [tilespmem:s21+$0x30];
	_ =	sdelay $0x6  }
0x351: {  	s20 =	sadd.s32 $0x8, s20  }
0x352: {  	p0 =	slt.u32 s20, $0x180;
	v0 =	vld.idx.msk [tilespmem:v0+s1+$0x0], $0xffff  }
.Ltmp22:
0x353: {  	_ = 	snop;
	(pc) =	sbr.rel @p0 .LBB2_46-.Ltmp22, $2  }
0x354: {  	_ =	sdelay $0x2  }
0x355: {  	s21 =	sadd.s32 $0x80, s21;
	[tilespmem:s22+$0x30] =	vst v0;
	s22 =	sadd.s32 $0x80, s22  }
0x356: {  	[hbm4b:s3+s1] =	stream.linear.scatter [tilespmem:s18], [sflag:$0x1], $0x1880, $0x38;
	[tilespmem:$0xF480] =	vst v63  }
0x357: {  	_ =	swait.ge [sflag:s16], $0x1880  }
0x358: {  	[sflag:s16] =	ssyncset.done $0x0  }
0x359: {  	[sflag:s16] =	ssyncadd.s32 $0xFFFFE780  }
0x35a: {  	[tilespmem:s17], [sflag:$0x1] =	stream.linear.gather [hbm4b:s14+s1], $0x1880, $0x38;
	[tilespmem:$0xF480] =	vst v63  }
0x35b: {  	_ =	swait.ge [sflag:s16], $0x1880  }
0x35c: {  	s20 =	simm.s32 $0xFFFFFFF8;
	[sflag:s16] =	ssyncset.done $0x0  }
0x35d: {  	s21 =	simm.s32 $0xC3C0;
	s22 =	simm.s32 $0xDC40;
	[sflag:s16] =	ssyncadd.s32 $0xFFFFE780  }
.LBB2_48:
0x35e: {  	v0 =	vld [tilespmem:s21+$0xFFFFFFC0];
	_ =	sdelay $0x7  }
0x35f: {  	v0 =	vld.idx.msk [tilespmem:v0+s1+$0x0], $0xffff;
	_ =	sdelay $0x4  }
0x360: {  	[tilespmem:s22+$0xFFFFFFC0] =	vst v0  }
0x361: {  	v0 =	vld [tilespmem:s21+$0xFFFFFFD0];
	_ =	sdelay $0x7  }
0x362: {  	v0 =	vld.idx.msk [tilespmem:v0+s1+$0x0], $0xffff;
	_ =	sdelay $0x4  }
0x363: {  	[tilespmem:s22+$0xFFFFFFD0] =	vst v0  }
0x364: {  	v0 =	vld [tilespmem:s21+$0xFFFFFFE0];
	_ =	sdelay $0x7  }
0x365: {  	v0 =	vld.idx.msk [tilespmem:v0+s1+$0x0], $0xffff;
	_ =	sdelay $0x4  }
0x366: {  	[tilespmem:s22+$0xFFFFFFE0] =	vst v0  }
0x367: {  	v0 =	vld [tilespmem:s21+$0xFFFFFFF0];
	_ =	sdelay $0x7  }
0x368: {  	v0 =	vld.idx.msk [tilespmem:v0+s1+$0x0], $0xffff;
	_ =	sdelay $0x4  }
0x369: {  	[tilespmem:s22+$0xFFFFFFF0] =	vst v0  }
0x36a: {  	v0 =	vld [tilespmem:s21+$0x0];
	_ =	sdelay $0x7  }
0x36b: {  	v0 =	vld.idx.msk [tilespmem:v0+s1+$0x0], $0xffff;
	_ =	sdelay $0x4  }
0x36c: {  	[tilespmem:s22+$0x0] =	vst v0  }
0x36d: {  	v0 =	vld [tilespmem:s21+$0x10];
	_ =	sdelay $0x7  }
0x36e: {  	v0 =	vld.idx.msk [tilespmem:v0+s1+$0x0], $0xffff;
	_ =	sdelay $0x4  }
0x36f: {  	[tilespmem:s22+$0x10] =	vst v0  }
0x370: {  	v0 =	vld [tilespmem:s21+$0x20];
	_ =	sdelay $0x7  }
0x371: {  	v0 =	vld.idx.msk [tilespmem:v0+s1+$0x0], $0xffff;
	_ =	sdelay $0x4  }
0x372: {  	[tilespmem:s22+$0x20] =	vst v0  }
0x373: {  	v0 =	vld [tilespmem:s21+$0x30];
	_ =	sdelay $0x6  }
0x374: {  	s20 =	sadd.s32 $0x8, s20  }
0x375: {  	p0 =	slt.u32 s20, $0x180;
	v0 =	vld.idx.msk [tilespmem:v0+s1+$0x0], $0xffff  }
.Ltmp23:
0x376: {  	_ = 	snop;
	(pc) =	sbr.rel @p0 .LBB2_48-.Ltmp23, $2  }
0x377: {  	_ =	sdelay $0x2  }
0x378: {  	s21 =	sadd.s32 $0x80, s21;
	[tilespmem:s22+$0x30] =	vst v0;
	s22 =	sadd.s32 $0x80, s22  }
0x379: {  	s19 =	sadd.s32 $0x1, s19  }
0x37a: {  	p0 =	sne.s32 s19, s15  }
.Ltmp24:
0x37b: {  	_ = 	snop;
	(pc) =	sbr.rel @p0 .LBB2_1-.Ltmp24, $4  }
0x37c: {  	[hbm4b:s5+s1] =	stream.linear.scatter [tilespmem:s18], [sflag:$0x1], $0x1880, $0x38;
	[tilespmem:$0xF480] =	vst v63  }
0x37d: {  	_ =	swait.ge [sflag:s16], $0x1880  }
0x37e: {  	[sflag:s16] =	ssyncset.done $0x0  }
0x37f: {  	[sflag:s16] =	ssyncadd.s32 $0xFFFFE780  }
0x380: {  	_ =	sfence.sel $0x180000  }
0x381: {  	[bflag:$0x0] =	sbarrier.arrive $0xFFFF  }
0x382: {  	_ =	strace $0x90000047  }
0x383: {  	s0 =	stileid.u32;
	[bflag:$0x2] =	sbarrier.arrive $0xFFFF  }
0x384: {  	p0 =	sne.s32 s0, $0x0;
	s0 =	rddreg [dreg:$0x1]  }
0x385: {  	s0 =	sadd.s32 @!p0 $0x100000, s0  }
0x386: {  	[sflag:s0] =	ssyncadd.tile.s32 @!p0 $0x1;
	_ =	shalt  }
.Lfunc_end2:
_tile_overlayer_lowered:
.L_overlay_start_2:
0x387: {  	(tag) =	ssettag $0x2  }
0x388: {  	s0 =	rddreg [dreg:$0x0];
	s2 =	stileid.u32  }
0x389: {  	s1 =	rddreg [dreg:$0x1];
	p0 =	sne.s32 s2, $0x0  }
0x38a: {  	s3 =	rddreg [dreg:$0x2];
	[bflag:$0x3] =	sbarrier.arrive $0xFFFF;
	s2 =	simm.s32 @!p0 $0x1C01  }
0x38b: {  	[timem:s3], [sflag:s2] =	dma.local @!p0 [hbm:s0], s1  }
0x38c: {  	s0 =	simm.s32 @!p0 $0x1  }
0x38d: {  	_ =	swait.ge @!p0 [sflag:s0], s1  }
0x38e: {  	s1 =	ssub.s32 @!p0 $0x0, s1;
	[sflag:s0] =	ssyncset.done @!p0 $0x0  }
0x38f: {  	[sflag:s0] =	ssyncadd.s32 @!p0 s1  }
0x390: {  	[bflag:$0x3] =	sbarrier.arrive $0xFFFF  }
0x391: {  	_ =	shalt  }

</sc_bundles>
